<compile_context>
chip_gen: v7x
topology: tpu7x:2x2x1
jax: 0.10.2.dev20260603
libtpu: 0.0.44.dev20260713+nightly
codegen_flags: <defaults>
</compile_context>

<pallas_src>
import functools

import jax
import jax.numpy as jnp
from jax import lax
from jax.experimental import pallas as pl
from jax.experimental.pallas import tpu as pltpu
from jax.experimental.pallas import tpu_sc as plsc

_NC = 2
_NS = 16
_NW = _NC * _NS
_L = 16

_NSEG = 8
_C = 32
_NBUF = 3


@functools.lru_cache(maxsize=None)
def _make_kernel(T, D):
    assert T % _NW == 0
    rows_per_w = T // _NW
    n_chunks = rows_per_w // _C
    assert rows_per_w % _C == 0

    mesh = plsc.VectorSubcoreMesh(core_axis_name="c", subcore_axis_name="s",
                                  num_cores=_NC, num_subcores=_NS)

    @functools.partial(
        pl.kernel,
        out_type=(
            jax.ShapeDtypeStruct((2 * T, D), jnp.float32),
            jax.ShapeDtypeStruct((_L,), jnp.int32),
        ),
        mesh=mesh,
        compiler_params=pltpu.CompilerParams(needs_layout_passes=False),
        scratch_types=[
            pltpu.VMEM((_L,), jnp.int32),
            pltpu.VMEM((_L,), jnp.int32),
            pltpu.VMEM((_L,), jnp.int32),
            [pltpu.VMEM((_C, D), jnp.float32)] * _NBUF,
            [pltpu.VMEM((_C,), jnp.int32)] * _NBUF,
            [pltpu.SemaphoreType.DMA] * _NBUF,
            [pltpu.SemaphoreType.DMA] * _NBUF,
        ],
    )
    def k(flat1_hbm, cu1_hbm, flat2_hbm, cu2_hbm, out_hbm, cuout_hbm,
          cu1_v, cu2_v, cuout_v, dbufs, ibufs, semL, semS):
        wid = lax.axis_index("s") * _NC + lax.axis_index("c")
        iota = lax.iota(jnp.int32, _L)

        base_w = wid * rows_per_w
        chunks = ([(flat1_hbm, base_w + c * _C, 0) for c in range(n_chunks)]
                  + [(flat2_hbm, base_w + c * _C, 1) for c in range(n_chunks)])
        nch = len(chunks)

        def start_load(c):
            ref, base, _ = chunks[c]
            i = c % _NBUF
            return pltpu.async_copy(ref.at[pl.ds(base, _C)], dbufs[i], semL[i])

        loadd = {0: start_load(0), 1: start_load(1)}

        pltpu.sync_copy(cu1_hbm, cu1_v)
        pltpu.sync_copy(cu2_hbm, cu2_v)
        cu1 = cu1_v[...]
        cu2 = cu2_v[...]

        s_cu1 = [jnp.sum(jnp.where(iota == b, cu1, 0)) for b in range(_NSEG + 1)]
        s_cu2 = [jnp.sum(jnp.where(iota == b, cu2, 0)) for b in range(_NSEG + 1)]
        len1 = [s_cu1[b + 1] - s_cu1[b] for b in range(_NSEG)]
        len2 = [s_cu2[b + 1] - s_cu2[b] for b in range(_NSEG)]
        cu_out = [jnp.int32(0)]
        for b in range(_NSEG):
            cu_out.append(cu_out[b] + len1[b] + len2[b])
        off1 = [cu_out[b] - s_cu1[b] for b in range(_NSEG + 1)]
        off2 = [cu_out[b] + (len1[b] if b < _NSEG else 0) - s_cu2[b]
                for b in range(_NSEG + 1)]

        cuvec = jnp.zeros((_L,), jnp.int32)
        for b in range(_NSEG + 1):
            cuvec = jnp.where(iota == b, cu_out[b], cuvec)

        @pl.when(wid == 0)
        def _():
            cuout_v[...] = cuvec
            pltpu.sync_copy(cuout_v, cuout_hbm)

        scatd = {}
        waited = set()
        for c in range(nch):
            i = c % _NBUF
            loadd[c].wait()
            _, base, which = chunks[c]
            s_cu, off = (s_cu1, off1) if which == 0 else (s_cu2, off2)
            for j in range(_C // _L):
                t = base + j * _L + iota
                d = t + off[0]
                for b in range(1, _NSEG + 1):
                    d = d + jnp.where(t >= s_cu[b], off[b] - off[b - 1], 0)
                ibufs[i][pl.ds(j * _L, _L)] = d
            scatd[c] = pltpu.async_copy(dbufs[i], out_hbm.at[ibufs[i]], semS[i])
            if c + 2 < nch:
                if c >= 1:
                    scatd[c - 1].wait()
                    waited.add(c - 1)
                loadd[c + 2] = start_load(c + 2)
        for c in range(nch):
            if c not in waited:
                scatd[c].wait()

    return k


def kernel(flat1, cu_seqlens1, flat2, cu_seqlens2):
    T, D = flat1.shape
    k = _make_kernel(T, D)
    pad = jnp.full((_L - cu_seqlens1.shape[0],), T, jnp.int32)
    cu1p = jnp.concatenate([cu_seqlens1.astype(jnp.int32), pad])
    cu2p = jnp.concatenate([cu_seqlens2.astype(jnp.int32), pad])
    out, cu_out_pad = k(flat1, cu1p, flat2, cu2p)
    return out, cu_out_pad[: cu_seqlens1.shape[0]]

# --- scband reference (transcript-rebuilt; emitter-appended) ---
"""Pipeline reference for scband-combine-features-layer-77541339562501 (READ-ONLY COPY).

The authoritative reference and input builder live on the scoring server;
editing this copy changes nothing except your own understanding.
"""

import jax, jax.numpy as jnp
import numpy as np

B = 8
T = 8192
D = 1024

def _make_cu(key, B, T):
    inner = jnp.sort(jax.random.randint(key, (B - 1,), 0, T + 1)).astype(jnp.int32)
    return jnp.concatenate([jnp.zeros((1,), jnp.int32), inner, jnp.full((1,), T, jnp.int32)])

def setup_inputs(seed: int = 0) -> dict:
    key = jax.random.key(seed)
    k1, k2, k3, k4 = jax.random.split(key, 4)
    flat1 = jax.random.normal(k1, (T, D), dtype=jnp.float32)
    flat2 = jax.random.normal(k2, (T, D), dtype=jnp.float32)
    cu_seqlens1 = _make_cu(k3, B, T)
    cu_seqlens2 = _make_cu(k4, B, T)
    return {"flat1": flat1, "cu_seqlens1": cu_seqlens1, "flat2": flat2, "cu_seqlens2": cu_seqlens2}

def reference(flat1, cu_seqlens1, flat2, cu_seqlens2):
    # Faithful jax translation of tf.ragged.stack([r1, r2], axis=1).merge_dims(1, 2):
    # for each batch row b, output row = concat(r1[b], r2[b]) along the ragged dim.
    T1 = flat1.shape[0]
    T2 = flat2.shape[0]
    len1 = cu_seqlens1[1:] - cu_seqlens1[:-1]
    len2 = cu_seqlens2[1:] - cu_seqlens2[:-1]
    cu_out = jnp.concatenate([jnp.zeros((1,), cu_seqlens1.dtype), jnp.cumsum(len1 + len2).astype(cu_seqlens1.dtype)])
    # token -> batch id via searchsorted on row splits (handles empty rows)
    t1 = jnp.arange(T1)
    b1 = jnp.searchsorted(cu_seqlens1, t1, side='right') - 1
    p1 = t1 - cu_seqlens1[b1]
    dest1 = cu_out[b1] + p1
    t2 = jnp.arange(T2)
    b2 = jnp.searchsorted(cu_seqlens2, t2, side='right') - 1
    p2 = t2 - cu_seqlens2[b2]
    dest2 = cu_out[b2] + len1[b2] + p2
    out = jnp.zeros((T1 + T2, flat1.shape[1]), flat1.dtype)
    out = out.at[dest1].set(flat1)
    out = out.at[dest2].set(flat2)
    return out, cu_out

if __name__ == "__main__":
    import jax
    _d = setup_inputs()
    print(jax.jit(kernel)(*tuple(_d.values())))

</pallas_src>

<mosaic_0001>
#map = affine_map<(d0, d1) -> (0, 0)>
#map1 = affine_map<(d0, d1) -> (0)>
module attributes {stable_mosaic.version = 14 : i64} {
  func.func @k(%arg0: i32, %arg1: i32, %arg2: memref<8192x1024xf32, #tpu.memory_space<hbm>>, %arg3: memref<16xi32, #tpu.memory_space<hbm>>, %arg4: memref<8192x1024xf32, #tpu.memory_space<hbm>>, %arg5: memref<16xi32, #tpu.memory_space<hbm>>, %arg6: memref<16384x1024xf32, #tpu.memory_space<hbm>>, %arg7: memref<16xi32, #tpu.memory_space<hbm>>, %arg8: memref<16xi32, #tpu.memory_space<vmem>>, %arg9: memref<16xi32, #tpu.memory_space<vmem>>, %arg10: memref<16xi32, #tpu.memory_space<vmem>>, %arg11: memref<32x1024xf32, #tpu.memory_space<vmem>>, %arg12: memref<32x1024xf32, #tpu.memory_space<vmem>>, %arg13: memref<32x1024xf32, #tpu.memory_space<vmem>>, %arg14: memref<32xi32, #tpu.memory_space<vmem>>, %arg15: memref<32xi32, #tpu.memory_space<vmem>>, %arg16: memref<32xi32, #tpu.memory_space<vmem>>, %arg17: memref<!tpu.dma_semaphore, #tpu.memory_space<semaphore_mem>>, %arg18: memref<!tpu.dma_semaphore, #tpu.memory_space<semaphore_mem>>, %arg19: memref<!tpu.dma_semaphore, #tpu.memory_space<semaphore_mem>>, %arg20: memref<!tpu.dma_semaphore, #tpu.memory_space<semaphore_mem>>, %arg21: memref<!tpu.dma_semaphore, #tpu.memory_space<semaphore_mem>>, %arg22: memref<!tpu.dma_semaphore, #tpu.memory_space<semaphore_mem>>) attributes {dimension_semantics = [#tpu.dimension_semantics<core_parallel>, #tpu.dimension_semantics<subcore_parallel>], iteration_bounds = array<i64: 2, 16>, scalar_prefetch = 0 : i64, scratch_operands = 15 : i64, tpu.core_type = #tpu.core_type<sc_vector_subcore>, window_params = [{transform_indices = #map}, {transform_indices = #map1}, {transform_indices = #map}, {transform_indices = #map1}, {transform_indices = #map}, {transform_indices = #map1}]} {
    %mul3A = arith.constant 2 : i32
    %mul3A_0 = arith.muli %arg1, %mul3A : i32
    %add3A = arith.addi %mul3A_0, %arg0 : i32
    %iota3A = tpu.iota {dimensions = array<i32: 0>} : vector<16xi32>
    %mul3A_1 = arith.constant 256 : i32
    %mul3A_2 = arith.muli %add3A, %mul3A_1 : i32
    %add3A_3 = arith.constant 0 : i32
    %add3A_4 = arith.addi %mul3A_2, %add3A_3 : i32
    %add3A_5 = arith.constant 32 : i32
    %add3A_6 = arith.addi %mul3A_2, %add3A_5 : i32
    %add3A_7 = arith.constant 64 : i32
    %add3A_8 = arith.addi %mul3A_2, %add3A_7 : i32
    %add3A_9 = arith.constant 96 : i32
    %add3A_10 = arith.addi %mul3A_2, %add3A_9 : i32
    %add3A_11 = arith.constant 128 : i32
    %add3A_12 = arith.addi %mul3A_2, %add3A_11 : i32
    %add3A_13 = arith.constant 160 : i32
    %add3A_14 = arith.addi %mul3A_2, %add3A_13 : i32
    %add3A_15 = arith.constant 192 : i32
    %add3A_16 = arith.addi %mul3A_2, %add3A_15 : i32
    %add3A_17 = arith.constant 224 : i32
    %add3A_18 = arith.addi %mul3A_2, %add3A_17 : i32
    %add3A_19 = arith.constant 0 : i32
    %add3A_20 = arith.addi %mul3A_2, %add3A_19 : i32
    %add3A_21 = arith.constant 32 : i32
    %add3A_22 = arith.addi %mul3A_2, %add3A_21 : i32
    %add3A_23 = arith.constant 64 : i32
    %add3A_24 = arith.addi %mul3A_2, %add3A_23 : i32
    %add3A_25 = arith.constant 96 : i32
    %add3A_26 = arith.addi %mul3A_2, %add3A_25 : i32
    %add3A_27 = arith.constant 128 : i32
    %add3A_28 = arith.addi %mul3A_2, %add3A_27 : i32
    %add3A_29 = arith.constant 160 : i32
    %add3A_30 = arith.addi %mul3A_2, %add3A_29 : i32
    %add3A_31 = arith.constant 192 : i32
    %add3A_32 = arith.addi %mul3A_2, %add3A_31 : i32
    %add3A_33 = arith.constant 224 : i32
    %add3A_34 = arith.addi %mul3A_2, %add3A_33 : i32
    %dma_start3A = arith.constant 0 : i32
    %dma_start3A_35 = tpu.memref_slice %arg2[%add3A_4, %dma_start3A] : memref<8192x1024xf32, #tpu.memory_space<hbm>> -> memref<32x1024xf32, #tpu.memory_space<hbm>>
    %dma_start3A_36 = arith.constant 0 : i32
    %dma_start3A_37 = tpu.memref_slice %arg2[%add3A_4, %dma_start3A_36] : memref<8192x1024xf32, #tpu.memory_space<hbm>> -> memref<32x1024xf32, #tpu.memory_space<hbm>>
    tpu.enqueue_dma source(%dma_start3A_37 : memref<32x1024xf32, #tpu.memory_space<hbm>>) target(%arg11 : memref<32x1024xf32, #tpu.memory_space<vmem>>) target_semaphore(%arg17 : memref<!tpu.dma_semaphore, #tpu.memory_space<semaphore_mem>>)
    %dma_start3A_38 = arith.constant 0 : i32
    %dma_start3A_39 = tpu.memref_slice %arg2[%add3A_6, %dma_start3A_38] : memref<8192x1024xf32, #tpu.memory_space<hbm>> -> memref<32x1024xf32, #tpu.memory_space<hbm>>
    %dma_start3A_40 = arith.constant 0 : i32
    %dma_start3A_41 = tpu.memref_slice %arg2[%add3A_6, %dma_start3A_40] : memref<8192x1024xf32, #tpu.memory_space<hbm>> -> memref<32x1024xf32, #tpu.memory_space<hbm>>
    tpu.enqueue_dma source(%dma_start3A_41 : memref<32x1024xf32, #tpu.memory_space<hbm>>) target(%arg12 : memref<32x1024xf32, #tpu.memory_space<vmem>>) target_semaphore(%arg18 : memref<!tpu.dma_semaphore, #tpu.memory_space<semaphore_mem>>)
    "tpu.region"() ({
      %run_scoped3A = tpu.sem_alloc : memref<!tpu.dma_semaphore, #tpu.memory_space<semaphore_mem>>
      tpu.enqueue_dma source(%arg3 : memref<16xi32, #tpu.memory_space<hbm>>) target(%arg8 : memref<16xi32, #tpu.memory_space<vmem>>) target_semaphore(%run_scoped3A : memref<!tpu.dma_semaphore, #tpu.memory_space<semaphore_mem>>)
      tpu.wait_dma2 semaphore(%run_scoped3A : memref<!tpu.dma_semaphore, #tpu.memory_space<semaphore_mem>>) src(%arg3 : memref<16xi32, #tpu.memory_space<hbm>>) dst(%arg8 : memref<16xi32, #tpu.memory_space<vmem>>)
      tpu.yield
    }) : () -> ()
    "tpu.region"() ({
      %run_scoped3A = tpu.sem_alloc : memref<!tpu.dma_semaphore, #tpu.memory_space<semaphore_mem>>
      tpu.enqueue_dma source(%arg5 : memref<16xi32, #tpu.memory_space<hbm>>) target(%arg9 : memref<16xi32, #tpu.memory_space<vmem>>) target_semaphore(%run_scoped3A : memref<!tpu.dma_semaphore, #tpu.memory_space<semaphore_mem>>)
      tpu.wait_dma2 semaphore(%run_scoped3A : memref<!tpu.dma_semaphore, #tpu.memory_space<semaphore_mem>>) src(%arg5 : memref<16xi32, #tpu.memory_space<hbm>>) dst(%arg9 : memref<16xi32, #tpu.memory_space<vmem>>)
      tpu.yield
    }) : () -> ()
    %get3A = arith.constant 0 : index
    %get3A_42 = tpu.vector_load %arg8[%get3A] {strides = array<i32>} : memref<16xi32, #tpu.memory_space<vmem>>, vector<16xi32>,
    %get3A_43 = arith.constant 0 : index
    %get3A_44 = tpu.vector_load %arg9[%get3A_43] {strides = array<i32>} : memref<16xi32, #tpu.memory_space<vmem>>, vector<16xi32>,
    %eq3A = arith.constant 0 : i32
    %eq3A_45 = vector.broadcast %eq3A : i32 to vector<16xi32>
    %eq3A_46 = arith.cmpi eq, %iota3A, %eq3A_45 : vector<16xi32>
    %jit3A = arith.constant 0 : i32
    %broadcast_in_dim3A = vector.broadcast %jit3A : i32 to vector<16xi32>
    %select_n3A = arith.select %eq3A_46, %get3A_42, %broadcast_in_dim3A : vector<16xi1>, vector<16xi32>
    %reduce_sum3A = arith.constant true
    %reduce_sum3A_47 = vector.broadcast %reduce_sum3A : i1 to vector<16xi1>
    %reduce_sum3A_48 = tpu.scan <sum>, %select_n3A masked %reduce_sum3A_47 : vector<16xi32>, vector<16xi1> -> vector<16xi32>
    %reduce_sum3A_49 = vector.extract %reduce_sum3A_48[15] : i32 from vector<16xi32>
    %eq3A_50 = arith.constant 1 : i32
    %eq3A_51 = vector.broadcast %eq3A_50 : i32 to vector<16xi32>
    %eq3A_52 = arith.cmpi eq, %iota3A, %eq3A_51 : vector<16xi32>
    %jit3A_53 = arith.constant 0 : i32
    %broadcast_in_dim3A_54 = vector.broadcast %jit3A_53 : i32 to vector<16xi32>
    %select_n3A_55 = arith.select %eq3A_52, %get3A_42, %broadcast_in_dim3A_54 : vector<16xi1>, vector<16xi32>
    %reduce_sum3A_56 = arith.constant true
    %reduce_sum3A_57 = vector.broadcast %reduce_sum3A_56 : i1 to vector<16xi1>
    %reduce_sum3A_58 = tpu.scan <sum>, %select_n3A_55 masked %reduce_sum3A_57 : vector<16xi32>, vector<16xi1> -> vector<16xi32>
    %reduce_sum3A_59 = vector.extract %reduce_sum3A_58[15] : i32 from vector<16xi32>
    %eq3A_60 = arith.constant 2 : i32
    %eq3A_61 = vector.broadcast %eq3A_60 : i32 to vector<16xi32>
    %eq3A_62 = arith.cmpi eq, %iota3A, %eq3A_61 : vector<16xi32>
    %jit3A_63 = arith.constant 0 : i32
    %broadcast_in_dim3A_64 = vector.broadcast %jit3A_63 : i32 to vector<16xi32>
    %select_n3A_65 = arith.select %eq3A_62, %get3A_42, %broadcast_in_dim3A_64 : vector<16xi1>, vector<16xi32>
    %reduce_sum3A_66 = arith.constant true
    %reduce_sum3A_67 = vector.broadcast %reduce_sum3A_66 : i1 to vector<16xi1>
    %reduce_sum3A_68 = tpu.scan <sum>, %select_n3A_65 masked %reduce_sum3A_67 : vector<16xi32>, vector<16xi1> -> vector<16xi32>
    %reduce_sum3A_69 = vector.extract %reduce_sum3A_68[15] : i32 from vector<16xi32>
    %eq3A_70 = arith.constant 3 : i32
    %eq3A_71 = vector.broadcast %eq3A_70 : i32 to vector<16xi32>
    %eq3A_72 = arith.cmpi eq, %iota3A, %eq3A_71 : vector<16xi32>
    %jit3A_73 = arith.constant 0 : i32
    %broadcast_in_dim3A_74 = vector.broadcast %jit3A_73 : i32 to vector<16xi32>
    %select_n3A_75 = arith.select %eq3A_72, %get3A_42, %broadcast_in_dim3A_74 : vector<16xi1>, vector<16xi32>
    %reduce_sum3A_76 = arith.constant true
    %reduce_sum3A_77 = vector.broadcast %reduce_sum3A_76 : i1 to vector<16xi1>
    %reduce_sum3A_78 = tpu.scan <sum>, %select_n3A_75 masked %reduce_sum3A_77 : vector<16xi32>, vector<16xi1> -> vector<16xi32>
    %reduce_sum3A_79 = vector.extract %reduce_sum3A_78[15] : i32 from vector<16xi32>
    %eq3A_80 = arith.constant 4 : i32
    %eq3A_81 = vector.broadcast %eq3A_80 : i32 to vector<16xi32>
    %eq3A_82 = arith.cmpi eq, %iota3A, %eq3A_81 : vector<16xi32>
    %jit3A_83 = arith.constant 0 : i32
    %broadcast_in_dim3A_84 = vector.broadcast %jit3A_83 : i32 to vector<16xi32>
    %select_n3A_85 = arith.select %eq3A_82, %get3A_42, %broadcast_in_dim3A_84 : vector<16xi1>, vector<16xi32>
    %reduce_sum3A_86 = arith.constant true
    %reduce_sum3A_87 = vector.broadcast %reduce_sum3A_86 : i1 to vector<16xi1>
    %reduce_sum3A_88 = tpu.scan <sum>, %select_n3A_85 masked %reduce_sum3A_87 : vector<16xi32>, vector<16xi1> -> vector<16xi32>
    %reduce_sum3A_89 = vector.extract %reduce_sum3A_88[15] : i32 from vector<16xi32>
    %eq3A_90 = arith.constant 5 : i32
    %eq3A_91 = vector.broadcast %eq3A_90 : i32 to vector<16xi32>
    %eq3A_92 = arith.cmpi eq, %iota3A, %eq3A_91 : vector<16xi32>
    %jit3A_93 = arith.constant 0 : i32
    %broadcast_in_dim3A_94 = vector.broadcast %jit3A_93 : i32 to vector<16xi32>
    %select_n3A_95 = arith.select %eq3A_92, %get3A_42, %broadcast_in_dim3A_94 : vector<16xi1>, vector<16xi32>
    %reduce_sum3A_96 = arith.constant true
    %reduce_sum3A_97 = vector.broadcast %reduce_sum3A_96 : i1 to vector<16xi1>
    %reduce_sum3A_98 = tpu.scan <sum>, %select_n3A_95 masked %reduce_sum3A_97 : vector<16xi32>, vector<16xi1> -> vector<16xi32>
    %reduce_sum3A_99 = vector.extract %reduce_sum3A_98[15] : i32 from vector<16xi32>
    %eq3A_100 = arith.constant 6 : i32
    %eq3A_101 = vector.broadcast %eq3A_100 : i32 to vector<16xi32>
    %eq3A_102 = arith.cmpi eq, %iota3A, %eq3A_101 : vector<16xi32>
    %jit3A_103 = arith.constant 0 : i32
    %broadcast_in_dim3A_104 = vector.broadcast %jit3A_103 : i32 to vector<16xi32>
    %select_n3A_105 = arith.select %eq3A_102, %get3A_42, %broadcast_in_dim3A_104 : vector<16xi1>, vector<16xi32>
    %reduce_sum3A_106 = arith.constant true
    %reduce_sum3A_107 = vector.broadcast %reduce_sum3A_106 : i1 to vector<16xi1>
    %reduce_sum3A_108 = tpu.scan <sum>, %select_n3A_105 masked %reduce_sum3A_107 : vector<16xi32>, vector<16xi1> -> vector<16xi32>
    %reduce_sum3A_109 = vector.extract %reduce_sum3A_108[15] : i32 from vector<16xi32>
    %eq3A_110 = arith.constant 7 : i32
    %eq3A_111 = vector.broadcast %eq3A_110 : i32 to vector<16xi32>
    %eq3A_112 = arith.cmpi eq, %iota3A, %eq3A_111 : vector<16xi32>
    %jit3A_113 = arith.constant 0 : i32
    %broadcast_in_dim3A_114 = vector.broadcast %jit3A_113 : i32 to vector<16xi32>
    %select_n3A_115 = arith.select %eq3A_112, %get3A_42, %broadcast_in_dim3A_114 : vector<16xi1>, vector<16xi32>
    %reduce_sum3A_116 = arith.constant true
    %reduce_sum3A_117 = vector.broadcast %reduce_sum3A_116 : i1 to vector<16xi1>
    %reduce_sum3A_118 = tpu.scan <sum>, %select_n3A_115 masked %reduce_sum3A_117 : vector<16xi32>, vector<16xi1> -> vector<16xi32>
    %reduce_sum3A_119 = vector.extract %reduce_sum3A_118[15] : i32 from vector<16xi32>
    %eq3A_120 = arith.constant 8 : i32
    %eq3A_121 = vector.broadcast %eq3A_120 : i32 to vector<16xi32>
    %eq3A_122 = arith.cmpi eq, %iota3A, %eq3A_121 : vector<16xi32>
    %jit3A_123 = arith.constant 0 : i32
    %broadcast_in_dim3A_124 = vector.broadcast %jit3A_123 : i32 to vector<16xi32>
    %select_n3A_125 = arith.select %eq3A_122, %get3A_42, %broadcast_in_dim3A_124 : vector<16xi1>, vector<16xi32>
    %reduce_sum3A_126 = arith.constant true
    %reduce_sum3A_127 = vector.broadcast %reduce_sum3A_126 : i1 to vector<16xi1>
    %reduce_sum3A_128 = tpu.scan <sum>, %select_n3A_125 masked %reduce_sum3A_127 : vector<16xi32>, vector<16xi1> -> vector<16xi32>
    %reduce_sum3A_129 = vector.extract %reduce_sum3A_128[15] : i32 from vector<16xi32>
    %eq3A_130 = arith.constant 0 : i32
    %eq3A_131 = vector.broadcast %eq3A_130 : i32 to vector<16xi32>
    %eq3A_132 = arith.cmpi eq, %iota3A, %eq3A_131 : vector<16xi32>
    %jit3A_133 = arith.constant 0 : i32
    %broadcast_in_dim3A_134 = vector.broadcast %jit3A_133 : i32 to vector<16xi32>
    %select_n3A_135 = arith.select %eq3A_132, %get3A_44, %broadcast_in_dim3A_134 : vector<16xi1>, vector<16xi32>
    %reduce_sum3A_136 = arith.constant true
    %reduce_sum3A_137 = vector.broadcast %reduce_sum3A_136 : i1 to vector<16xi1>
    %reduce_sum3A_138 = tpu.scan <sum>, %select_n3A_135 masked %reduce_sum3A_137 : vector<16xi32>, vector<16xi1> -> vector<16xi32>
    %reduce_sum3A_139 = vector.extract %reduce_sum3A_138[15] : i32 from vector<16xi32>
    %eq3A_140 = arith.constant 1 : i32
    %eq3A_141 = vector.broadcast %eq3A_140 : i32 to vector<16xi32>
    %eq3A_142 = arith.cmpi eq, %iota3A, %eq3A_141 : vector<16xi32>
    %jit3A_143 = arith.constant 0 : i32
    %broadcast_in_dim3A_144 = vector.broadcast %jit3A_143 : i32 to vector<16xi32>
    %select_n3A_145 = arith.select %eq3A_142, %get3A_44, %broadcast_in_dim3A_144 : vector<16xi1>, vector<16xi32>
    %reduce_sum3A_146 = arith.constant true
    %reduce_sum3A_147 = vector.broadcast %reduce_sum3A_146 : i1 to vector<16xi1>
    %reduce_sum3A_148 = tpu.scan <sum>, %select_n3A_145 masked %reduce_sum3A_147 : vector<16xi32>, vector<16xi1> -> vector<16xi32>
    %reduce_sum3A_149 = vector.extract %reduce_sum3A_148[15] : i32 from vector<16xi32>
    %eq3A_150 = arith.constant 2 : i32
    %eq3A_151 = vector.broadcast %eq3A_150 : i32 to vector<16xi32>
    %eq3A_152 = arith.cmpi eq, %iota3A, %eq3A_151 : vector<16xi32>
    %jit3A_153 = arith.constant 0 : i32
    %broadcast_in_dim3A_154 = vector.broadcast %jit3A_153 : i32 to vector<16xi32>
    %select_n3A_155 = arith.select %eq3A_152, %get3A_44, %broadcast_in_dim3A_154 : vector<16xi1>, vector<16xi32>
    %reduce_sum3A_156 = arith.constant true
    %reduce_sum3A_157 = vector.broadcast %reduce_sum3A_156 : i1 to vector<16xi1>
    %reduce_sum3A_158 = tpu.scan <sum>, %select_n3A_155 masked %reduce_sum3A_157 : vector<16xi32>, vector<16xi1> -> vector<16xi32>
    %reduce_sum3A_159 = vector.extract %reduce_sum3A_158[15] : i32 from vector<16xi32>
    %eq3A_160 = arith.constant 3 : i32
    %eq3A_161 = vector.broadcast %eq3A_160 : i32 to vector<16xi32>
    %eq3A_162 = arith.cmpi eq, %iota3A, %eq3A_161 : vector<16xi32>
    %jit3A_163 = arith.constant 0 : i32
    %broadcast_in_dim3A_164 = vector.broadcast %jit3A_163 : i32 to vector<16xi32>
    %select_n3A_165 = arith.select %eq3A_162, %get3A_44, %broadcast_in_dim3A_164 : vector<16xi1>, vector<16xi32>
    %reduce_sum3A_166 = arith.constant true
    %reduce_sum3A_167 = vector.broadcast %reduce_sum3A_166 : i1 to vector<16xi1>
    %reduce_sum3A_168 = tpu.scan <sum>, %select_n3A_165 masked %reduce_sum3A_167 : vector<16xi32>, vector<16xi1> -> vector<16xi32>
    %reduce_sum3A_169 = vector.extract %reduce_sum3A_168[15] : i32 from vector<16xi32>
    %eq3A_170 = arith.constant 4 : i32
    %eq3A_171 = vector.broadcast %eq3A_170 : i32 to vector<16xi32>
    %eq3A_172 = arith.cmpi eq, %iota3A, %eq3A_171 : vector<16xi32>
    %jit3A_173 = arith.constant 0 : i32
    %broadcast_in_dim3A_174 = vector.broadcast %jit3A_173 : i32 to vector<16xi32>
    %select_n3A_175 = arith.select %eq3A_172, %get3A_44, %broadcast_in_dim3A_174 : vector<16xi1>, vector<16xi32>
    %reduce_sum3A_176 = arith.constant true
    %reduce_sum3A_177 = vector.broadcast %reduce_sum3A_176 : i1 to vector<16xi1>
    %reduce_sum3A_178 = tpu.scan <sum>, %select_n3A_175 masked %reduce_sum3A_177 : vector<16xi32>, vector<16xi1> -> vector<16xi32>
    %reduce_sum3A_179 = vector.extract %reduce_sum3A_178[15] : i32 from vector<16xi32>
    %eq3A_180 = arith.constant 5 : i32
    %eq3A_181 = vector.broadcast %eq3A_180 : i32 to vector<16xi32>
    %eq3A_182 = arith.cmpi eq, %iota3A, %eq3A_181 : vector<16xi32>
    %jit3A_183 = arith.constant 0 : i32
    %broadcast_in_dim3A_184 = vector.broadcast %jit3A_183 : i32 to vector<16xi32>
    %select_n3A_185 = arith.select %eq3A_182, %get3A_44, %broadcast_in_dim3A_184 : vector<16xi1>, vector<16xi32>
    %reduce_sum3A_186 = arith.constant true
    %reduce_sum3A_187 = vector.broadcast %reduce_sum3A_186 : i1 to vector<16xi1>
    %reduce_sum3A_188 = tpu.scan <sum>, %select_n3A_185 masked %reduce_sum3A_187 : vector<16xi32>, vector<16xi1> -> vector<16xi32>
    %reduce_sum3A_189 = vector.extract %reduce_sum3A_188[15] : i32 from vector<16xi32>
    %eq3A_190 = arith.constant 6 : i32
    %eq3A_191 = vector.broadcast %eq3A_190 : i32 to vector<16xi32>
    %eq3A_192 = arith.cmpi eq, %iota3A, %eq3A_191 : vector<16xi32>
    %jit3A_193 = arith.constant 0 : i32
    %broadcast_in_dim3A_194 = vector.broadcast %jit3A_193 : i32 to vector<16xi32>
    %select_n3A_195 = arith.select %eq3A_192, %get3A_44, %broadcast_in_dim3A_194 : vector<16xi1>, vector<16xi32>
    %reduce_sum3A_196 = arith.constant true
    %reduce_sum3A_197 = vector.broadcast %reduce_sum3A_196 : i1 to vector<16xi1>
    %reduce_sum3A_198 = tpu.scan <sum>, %select_n3A_195 masked %reduce_sum3A_197 : vector<16xi32>, vector<16xi1> -> vector<16xi32>
    %reduce_sum3A_199 = vector.extract %reduce_sum3A_198[15] : i32 from vector<16xi32>
    %eq3A_200 = arith.constant 7 : i32
    %eq3A_201 = vector.broadcast %eq3A_200 : i32 to vector<16xi32>
    %eq3A_202 = arith.cmpi eq, %iota3A, %eq3A_201 : vector<16xi32>
    %jit3A_203 = arith.constant 0 : i32
    %broadcast_in_dim3A_204 = vector.broadcast %jit3A_203 : i32 to vector<16xi32>
    %select_n3A_205 = arith.select %eq3A_202, %get3A_44, %broadcast_in_dim3A_204 : vector<16xi1>, vector<16xi32>
    %reduce_sum3A_206 = arith.constant true
    %reduce_sum3A_207 = vector.broadcast %reduce_sum3A_206 : i1 to vector<16xi1>
    %reduce_sum3A_208 = tpu.scan <sum>, %select_n3A_205 masked %reduce_sum3A_207 : vector<16xi32>, vector<16xi1> -> vector<16xi32>
    %reduce_sum3A_209 = vector.extract %reduce_sum3A_208[15] : i32 from vector<16xi32>
    %eq3A_210 = arith.constant 8 : i32
    %eq3A_211 = vector.broadcast %eq3A_210 : i32 to vector<16xi32>
    %eq3A_212 = arith.cmpi eq, %iota3A, %eq3A_211 : vector<16xi32>
    %jit3A_213 = arith.constant 0 : i32
    %broadcast_in_dim3A_214 = vector.broadcast %jit3A_213 : i32 to vector<16xi32>
    %select_n3A_215 = arith.select %eq3A_212, %get3A_44, %broadcast_in_dim3A_214 : vector<16xi1>, vector<16xi32>
    %reduce_sum3A_216 = arith.constant true
    %reduce_sum3A_217 = vector.broadcast %reduce_sum3A_216 : i1 to vector<16xi1>
    %reduce_sum3A_218 = tpu.scan <sum>, %select_n3A_215 masked %reduce_sum3A_217 : vector<16xi32>, vector<16xi1> -> vector<16xi32>
    %reduce_sum3A_219 = vector.extract %reduce_sum3A_218[15] : i32 from vector<16xi32>
    %sub3A = arith.subi %reduce_sum3A_59, %reduce_sum3A_49 : i32
    %sub3A_220 = arith.subi %reduce_sum3A_69, %reduce_sum3A_59 : i32
    %sub3A_221 = arith.subi %reduce_sum3A_79, %reduce_sum3A_69 : i32
    %sub3A_222 = arith.subi %reduce_sum3A_89, %reduce_sum3A_79 : i32
    %sub3A_223 = arith.subi %reduce_sum3A_99, %reduce_sum3A_89 : i32
    %sub3A_224 = arith.subi %reduce_sum3A_109, %reduce_sum3A_99 : i32
    %sub3A_225 = arith.subi %reduce_sum3A_119, %reduce_sum3A_109 : i32
    %sub3A_226 = arith.subi %reduce_sum3A_129, %reduce_sum3A_119 : i32
    %sub3A_227 = arith.subi %reduce_sum3A_149, %reduce_sum3A_139 : i32
    %sub3A_228 = arith.subi %reduce_sum3A_159, %reduce_sum3A_149 : i32
    %sub3A_229 = arith.subi %reduce_sum3A_169, %reduce_sum3A_159 : i32
    %sub3A_230 = arith.subi %reduce_sum3A_179, %reduce_sum3A_169 : i32
    %sub3A_231 = arith.subi %reduce_sum3A_189, %reduce_sum3A_179 : i32
    %sub3A_232 = arith.subi %reduce_sum3A_199, %reduce_sum3A_189 : i32
    %sub3A_233 = arith.subi %reduce_sum3A_209, %reduce_sum3A_199 : i32
    %sub3A_234 = arith.subi %reduce_sum3A_219, %reduce_sum3A_209 : i32
    %add3A_235 = arith.constant 0 : i32
    %add3A_236 = arith.addi %add3A_235, %sub3A : i32
    %add3A_237 = arith.addi %add3A_236, %sub3A_227 : i32
    %add3A_238 = arith.addi %add3A_237, %sub3A_220 : i32
    %add3A_239 = arith.addi %add3A_238, %sub3A_228 : i32
    %add3A_240 = arith.addi %add3A_239, %sub3A_221 : i32
    %add3A_241 = arith.addi %add3A_240, %sub3A_229 : i32
    %add3A_242 = arith.addi %add3A_241, %sub3A_222 : i32
    %add3A_243 = arith.addi %add3A_242, %sub3A_230 : i32
    %add3A_244 = arith.addi %add3A_243, %sub3A_223 : i32
    %add3A_245 = arith.addi %add3A_244, %sub3A_231 : i32
    %add3A_246 = arith.addi %add3A_245, %sub3A_224 : i32
    %add3A_247 = arith.addi %add3A_246, %sub3A_232 : i32
    %add3A_248 = arith.addi %add3A_247, %sub3A_225 : i32
    %add3A_249 = arith.addi %add3A_248, %sub3A_233 : i32
    %add3A_250 = arith.addi %add3A_249, %sub3A_226 : i32
    %add3A_251 = arith.addi %add3A_250, %sub3A_234 : i32
    %sub3A_252 = arith.constant 0 : i32
    %sub3A_253 = arith.subi %sub3A_252, %reduce_sum3A_49 : i32
    %sub3A_254 = arith.subi %add3A_237, %reduce_sum3A_59 : i32
    %sub3A_255 = arith.subi %add3A_239, %reduce_sum3A_69 : i32
    %sub3A_256 = arith.subi %add3A_241, %reduce_sum3A_79 : i32
    %sub3A_257 = arith.subi %add3A_243, %reduce_sum3A_89 : i32
    %sub3A_258 = arith.subi %add3A_245, %reduce_sum3A_99 : i32
    %sub3A_259 = arith.subi %add3A_247, %reduce_sum3A_109 : i32
    %sub3A_260 = arith.subi %add3A_249, %reduce_sum3A_119 : i32
    %sub3A_261 = arith.subi %add3A_251, %reduce_sum3A_129 : i32
    %add3A_262 = arith.constant 0 : i32
    %add3A_263 = arith.addi %add3A_262, %sub3A : i32
    %sub3A_264 = arith.subi %add3A_263, %reduce_sum3A_139 : i32
    %add3A_265 = arith.addi %add3A_237, %sub3A_220 : i32
    %sub3A_266 = arith.subi %add3A_265, %reduce_sum3A_149 : i32
    %add3A_267 = arith.addi %add3A_239, %sub3A_221 : i32
    %sub3A_268 = arith.subi %add3A_267, %reduce_sum3A_159 : i32
    %add3A_269 = arith.addi %add3A_241, %sub3A_222 : i32
    %sub3A_270 = arith.subi %add3A_269, %reduce_sum3A_169 : i32
    %add3A_271 = arith.addi %add3A_243, %sub3A_223 : i32
    %sub3A_272 = arith.subi %add3A_271, %reduce_sum3A_179 : i32
    %add3A_273 = arith.addi %add3A_245, %sub3A_224 : i32
    %sub3A_274 = arith.subi %add3A_273, %reduce_sum3A_189 : i32
    %add3A_275 = arith.addi %add3A_247, %sub3A_225 : i32
    %sub3A_276 = arith.subi %add3A_275, %reduce_sum3A_199 : i32
    %add3A_277 = arith.addi %add3A_249, %sub3A_226 : i32
    %sub3A_278 = arith.subi %add3A_277, %reduce_sum3A_209 : i32
    %add3A_279 = arith.constant 0 : i32
    %add3A_280 = arith.addi %add3A_251, %add3A_279 : i32
    %sub3A_281 = arith.subi %add3A_280, %reduce_sum3A_219 : i32
    %broadcast_in_dim3A_282 = arith.constant 0 : i32
    %broadcast_in_dim3A_283 = vector.broadcast %broadcast_in_dim3A_282 : i32 to vector<16xi32>
    %eq3A_284 = arith.constant 0 : i32
    %eq3A_285 = vector.broadcast %eq3A_284 : i32 to vector<16xi32>
    %eq3A_286 = arith.cmpi eq, %iota3A, %eq3A_285 : vector<16xi32>
    %jit3A_287 = arith.constant 0 : i32
    %broadcast_in_dim3A_288 = vector.broadcast %jit3A_287 : i32 to vector<16xi32>
    %select_n3A_289 = arith.select %eq3A_286, %broadcast_in_dim3A_288, %broadcast_in_dim3A_283 : vector<16xi1>, vector<16xi32>
    %eq3A_290 = arith.constant 1 : i32
    %eq3A_291 = vector.broadcast %eq3A_290 : i32 to vector<16xi32>
    %eq3A_292 = arith.cmpi eq, %iota3A, %eq3A_291 : vector<16xi32>
    %broadcast_in_dim3A_293 = vector.broadcast %add3A_237 : i32 to vector<16xi32>
    %select_n3A_294 = arith.select %eq3A_292, %broadcast_in_dim3A_293, %select_n3A_289 : vector<16xi1>, vector<16xi32>
    %eq3A_295 = arith.constant 2 : i32
    %eq3A_296 = vector.broadcast %eq3A_295 : i32 to vector<16xi32>
    %eq3A_297 = arith.cmpi eq, %iota3A, %eq3A_296 : vector<16xi32>
    %broadcast_in_dim3A_298 = vector.broadcast %add3A_239 : i32 to vector<16xi32>
    %select_n3A_299 = arith.select %eq3A_297, %broadcast_in_dim3A_298, %select_n3A_294 : vector<16xi1>, vector<16xi32>
    %eq3A_300 = arith.constant 3 : i32
    %eq3A_301 = vector.broadcast %eq3A_300 : i32 to vector<16xi32>
    %eq3A_302 = arith.cmpi eq, %iota3A, %eq3A_301 : vector<16xi32>
    %broadcast_in_dim3A_303 = vector.broadcast %add3A_241 : i32 to vector<16xi32>
    %select_n3A_304 = arith.select %eq3A_302, %broadcast_in_dim3A_303, %select_n3A_299 : vector<16xi1>, vector<16xi32>
    %eq3A_305 = arith.constant 4 : i32
    %eq3A_306 = vector.broadcast %eq3A_305 : i32 to vector<16xi32>
    %eq3A_307 = arith.cmpi eq, %iota3A, %eq3A_306 : vector<16xi32>
    %broadcast_in_dim3A_308 = vector.broadcast %add3A_243 : i32 to vector<16xi32>
    %select_n3A_309 = arith.select %eq3A_307, %broadcast_in_dim3A_308, %select_n3A_304 : vector<16xi1>, vector<16xi32>
    %eq3A_310 = arith.constant 5 : i32
    %eq3A_311 = vector.broadcast %eq3A_310 : i32 to vector<16xi32>
    %eq3A_312 = arith.cmpi eq, %iota3A, %eq3A_311 : vector<16xi32>
    %broadcast_in_dim3A_313 = vector.broadcast %add3A_245 : i32 to vector<16xi32>
    %select_n3A_314 = arith.select %eq3A_312, %broadcast_in_dim3A_313, %select_n3A_309 : vector<16xi1>, vector<16xi32>
    %eq3A_315 = arith.constant 6 : i32
    %eq3A_316 = vector.broadcast %eq3A_315 : i32 to vector<16xi32>
    %eq3A_317 = arith.cmpi eq, %iota3A, %eq3A_316 : vector<16xi32>
    %broadcast_in_dim3A_318 = vector.broadcast %add3A_247 : i32 to vector<16xi32>
    %select_n3A_319 = arith.select %eq3A_317, %broadcast_in_dim3A_318, %select_n3A_314 : vector<16xi1>, vector<16xi32>
    %eq3A_320 = arith.constant 7 : i32
    %eq3A_321 = vector.broadcast %eq3A_320 : i32 to vector<16xi32>
    %eq3A_322 = arith.cmpi eq, %iota3A, %eq3A_321 : vector<16xi32>
    %broadcast_in_dim3A_323 = vector.broadcast %add3A_249 : i32 to vector<16xi32>
    %select_n3A_324 = arith.select %eq3A_322, %broadcast_in_dim3A_323, %select_n3A_319 : vector<16xi1>, vector<16xi32>
    %eq3A_325 = arith.constant 8 : i32
    %eq3A_326 = vector.broadcast %eq3A_325 : i32 to vector<16xi32>
    %eq3A_327 = arith.cmpi eq, %iota3A, %eq3A_326 : vector<16xi32>
    %broadcast_in_dim3A_328 = vector.broadcast %add3A_251 : i32 to vector<16xi32>
    %select_n3A_329 = arith.select %eq3A_327, %broadcast_in_dim3A_328, %select_n3A_324 : vector<16xi1>, vector<16xi32>
    %eq3A_330 = arith.constant 0 : i32
    %eq3A_331 = arith.cmpi eq, %add3A, %eq3A_330 : i32
    %convert_element_type3A = arith.extui %eq3A_331 : i1 to i32
    %cond3A = arith.constant 0 : i32
    %cond3A_332 = arith.cmpi ne, %convert_element_type3A, %cond3A : i32
    scf.if %cond3A_332 {
      %swap3A_2850 = arith.constant 0 : index
      %swap3A_2851 = tpu.vector_load %arg10[%swap3A_2850] {strides = array<i32>} : memref<16xi32, #tpu.memory_space<vmem>>, vector<16xi32>,
      tpu.vector_store %arg10[%swap3A_2850], %select_n3A_329 {strides = array<i32>} : memref<16xi32, #tpu.memory_space<vmem>>, vector<16xi32>,
      "tpu.region"() ({
        %run_scoped3A = tpu.sem_alloc : memref<!tpu.dma_semaphore, #tpu.memory_space<semaphore_mem>>
        tpu.enqueue_dma source(%arg10 : memref<16xi32, #tpu.memory_space<vmem>>) target(%arg7 : memref<16xi32, #tpu.memory_space<hbm>>) target_semaphore(%run_scoped3A : memref<!tpu.dma_semaphore, #tpu.memory_space<semaphore_mem>>)
        tpu.wait_dma2 semaphore(%run_scoped3A : memref<!tpu.dma_semaphore, #tpu.memory_space<semaphore_mem>>) src(%arg10 : memref<16xi32, #tpu.memory_space<vmem>>) dst(%arg7 : memref<16xi32, #tpu.memory_space<hbm>>)
        tpu.yield
      }) : () -> ()
    } else {
    }
    %dma_wait3A = arith.constant 0 : i32
    %dma_wait3A_333 = tpu.memref_slice %arg2[%add3A_4, %dma_wait3A] : memref<8192x1024xf32, #tpu.memory_space<hbm>> -> memref<32x1024xf32, #tpu.memory_space<hbm>>
    %dma_wait3A_334 = arith.constant 0 : i32
    %dma_wait3A_335 = tpu.memref_slice %arg2[%add3A_4, %dma_wait3A_334] : memref<8192x1024xf32, #tpu.memory_space<hbm>> -> memref<32x1024xf32, #tpu.memory_space<hbm>>
    tpu.wait_dma2 semaphore(%arg17 : memref<!tpu.dma_semaphore, #tpu.memory_space<semaphore_mem>>) src(%dma_wait3A_335 : memref<32x1024xf32, #tpu.memory_space<hbm>>) dst(%arg11 : memref<32x1024xf32, #tpu.memory_space<vmem>>)
    %add3A_336 = arith.constant 0 : i32
    %add3A_337 = arith.addi %add3A_4, %add3A_336 : i32
    %add3A_338 = vector.broadcast %add3A_337 : i32 to vector<16xi32>
    %add3A_339 = arith.addi %add3A_338, %iota3A : vector<16xi32>
    %add3A_340 = vector.broadcast %sub3A_253 : i32 to vector<16xi32>
    %add3A_341 = arith.addi %add3A_339, %add3A_340 : vector<16xi32>
    %ge3A = vector.broadcast %reduce_sum3A_59 : i32 to vector<16xi32>
    %ge3A_342 = arith.cmpi sge, %add3A_339, %ge3A : vector<16xi32>
    %sub3A_343 = arith.subi %sub3A_254, %sub3A_253 : i32
    %jit3A_344 = arith.constant 0 : i32
    %broadcast_in_dim3A_345 = vector.broadcast %sub3A_343 : i32 to vector<16xi32>
    %broadcast_in_dim3A_346 = vector.broadcast %jit3A_344 : i32 to vector<16xi32>
    %select_n3A_347 = arith.select %ge3A_342, %broadcast_in_dim3A_345, %broadcast_in_dim3A_346 : vector<16xi1>, vector<16xi32>
    %add3A_348 = arith.addi %add3A_341, %select_n3A_347 : vector<16xi32>
    %ge3A_349 = vector.broadcast %reduce_sum3A_69 : i32 to vector<16xi32>
    %ge3A_350 = arith.cmpi sge, %add3A_339, %ge3A_349 : vector<16xi32>
    %sub3A_351 = arith.subi %sub3A_255, %sub3A_254 : i32
    %jit3A_352 = arith.constant 0 : i32
    %broadcast_in_dim3A_353 = vector.broadcast %sub3A_351 : i32 to vector<16xi32>
    %broadcast_in_dim3A_354 = vector.broadcast %jit3A_352 : i32 to vector<16xi32>
    %select_n3A_355 = arith.select %ge3A_350, %broadcast_in_dim3A_353, %broadcast_in_dim3A_354 : vector<16xi1>, vector<16xi32>
    %add3A_356 = arith.addi %add3A_348, %select_n3A_355 : vector<16xi32>
    %ge3A_357 = vector.broadcast %reduce_sum3A_79 : i32 to vector<16xi32>
    %ge3A_358 = arith.cmpi sge, %add3A_339, %ge3A_357 : vector<16xi32>
    %sub3A_359 = arith.subi %sub3A_256, %sub3A_255 : i32
    %jit3A_360 = arith.constant 0 : i32
    %broadcast_in_dim3A_361 = vector.broadcast %sub3A_359 : i32 to vector<16xi32>
    %broadcast_in_dim3A_362 = vector.broadcast %jit3A_360 : i32 to vector<16xi32>
    %select_n3A_363 = arith.select %ge3A_358, %broadcast_in_dim3A_361, %broadcast_in_dim3A_362 : vector<16xi1>, vector<16xi32>
    %add3A_364 = arith.addi %add3A_356, %select_n3A_363 : vector<16xi32>
    %ge3A_365 = vector.broadcast %reduce_sum3A_89 : i32 to vector<16xi32>
    %ge3A_366 = arith.cmpi sge, %add3A_339, %ge3A_365 : vector<16xi32>
    %sub3A_367 = arith.subi %sub3A_257, %sub3A_256 : i32
    %jit3A_368 = arith.constant 0 : i32
    %broadcast_in_dim3A_369 = vector.broadcast %sub3A_367 : i32 to vector<16xi32>
    %broadcast_in_dim3A_370 = vector.broadcast %jit3A_368 : i32 to vector<16xi32>
    %select_n3A_371 = arith.select %ge3A_366, %broadcast_in_dim3A_369, %broadcast_in_dim3A_370 : vector<16xi1>, vector<16xi32>
    %add3A_372 = arith.addi %add3A_364, %select_n3A_371 : vector<16xi32>
    %ge3A_373 = vector.broadcast %reduce_sum3A_99 : i32 to vector<16xi32>
    %ge3A_374 = arith.cmpi sge, %add3A_339, %ge3A_373 : vector<16xi32>
    %sub3A_375 = arith.subi %sub3A_258, %sub3A_257 : i32
    %jit3A_376 = arith.constant 0 : i32
    %broadcast_in_dim3A_377 = vector.broadcast %sub3A_375 : i32 to vector<16xi32>
    %broadcast_in_dim3A_378 = vector.broadcast %jit3A_376 : i32 to vector<16xi32>
    %select_n3A_379 = arith.select %ge3A_374, %broadcast_in_dim3A_377, %broadcast_in_dim3A_378 : vector<16xi1>, vector<16xi32>
    %add3A_380 = arith.addi %add3A_372, %select_n3A_379 : vector<16xi32>
    %ge3A_381 = vector.broadcast %reduce_sum3A_109 : i32 to vector<16xi32>
    %ge3A_382 = arith.cmpi sge, %add3A_339, %ge3A_381 : vector<16xi32>
    %sub3A_383 = arith.subi %sub3A_259, %sub3A_258 : i32
    %jit3A_384 = arith.constant 0 : i32
    %broadcast_in_dim3A_385 = vector.broadcast %sub3A_383 : i32 to vector<16xi32>
    %broadcast_in_dim3A_386 = vector.broadcast %jit3A_384 : i32 to vector<16xi32>
    %select_n3A_387 = arith.select %ge3A_382, %broadcast_in_dim3A_385, %broadcast_in_dim3A_386 : vector<16xi1>, vector<16xi32>
    %add3A_388 = arith.addi %add3A_380, %select_n3A_387 : vector<16xi32>
    %ge3A_389 = vector.broadcast %reduce_sum3A_119 : i32 to vector<16xi32>
    %ge3A_390 = arith.cmpi sge, %add3A_339, %ge3A_389 : vector<16xi32>
    %sub3A_391 = arith.subi %sub3A_260, %sub3A_259 : i32
    %jit3A_392 = arith.constant 0 : i32
    %broadcast_in_dim3A_393 = vector.broadcast %sub3A_391 : i32 to vector<16xi32>
    %broadcast_in_dim3A_394 = vector.broadcast %jit3A_392 : i32 to vector<16xi32>
    %select_n3A_395 = arith.select %ge3A_390, %broadcast_in_dim3A_393, %broadcast_in_dim3A_394 : vector<16xi1>, vector<16xi32>
    %add3A_396 = arith.addi %add3A_388, %select_n3A_395 : vector<16xi32>
    %ge3A_397 = vector.broadcast %reduce_sum3A_129 : i32 to vector<16xi32>
    %ge3A_398 = arith.cmpi sge, %add3A_339, %ge3A_397 : vector<16xi32>
    %sub3A_399 = arith.subi %sub3A_261, %sub3A_260 : i32
    %jit3A_400 = arith.constant 0 : i32
    %broadcast_in_dim3A_401 = vector.broadcast %sub3A_399 : i32 to vector<16xi32>
    %broadcast_in_dim3A_402 = vector.broadcast %jit3A_400 : i32 to vector<16xi32>
    %select_n3A_403 = arith.select %ge3A_398, %broadcast_in_dim3A_401, %broadcast_in_dim3A_402 : vector<16xi1>, vector<16xi32>
    %add3A_404 = arith.addi %add3A_396, %select_n3A_403 : vector<16xi32>
    %swap3A = arith.constant 0 : index
    %swap3A_405 = tpu.vector_load %arg14[%swap3A] {strides = array<i32>} : memref<32xi32, #tpu.memory_space<vmem>>, vector<16xi32>,
    tpu.vector_store %arg14[%swap3A], %add3A_404 {strides = array<i32>} : memref<32xi32, #tpu.memory_space<vmem>>, vector<16xi32>,
    %add3A_406 = arith.constant 16 : i32
    %add3A_407 = arith.addi %add3A_4, %add3A_406 : i32
    %add3A_408 = vector.broadcast %add3A_407 : i32 to vector<16xi32>
    %add3A_409 = arith.addi %add3A_408, %iota3A : vector<16xi32>
    %add3A_410 = vector.broadcast %sub3A_253 : i32 to vector<16xi32>
    %add3A_411 = arith.addi %add3A_409, %add3A_410 : vector<16xi32>
    %ge3A_412 = vector.broadcast %reduce_sum3A_59 : i32 to vector<16xi32>
    %ge3A_413 = arith.cmpi sge, %add3A_409, %ge3A_412 : vector<16xi32>
    %sub3A_414 = arith.subi %sub3A_254, %sub3A_253 : i32
    %jit3A_415 = arith.constant 0 : i32
    %broadcast_in_dim3A_416 = vector.broadcast %sub3A_414 : i32 to vector<16xi32>
    %broadcast_in_dim3A_417 = vector.broadcast %jit3A_415 : i32 to vector<16xi32>
    %select_n3A_418 = arith.select %ge3A_413, %broadcast_in_dim3A_416, %broadcast_in_dim3A_417 : vector<16xi1>, vector<16xi32>
    %add3A_419 = arith.addi %add3A_411, %select_n3A_418 : vector<16xi32>
    %ge3A_420 = vector.broadcast %reduce_sum3A_69 : i32 to vector<16xi32>
    %ge3A_421 = arith.cmpi sge, %add3A_409, %ge3A_420 : vector<16xi32>
    %sub3A_422 = arith.subi %sub3A_255, %sub3A_254 : i32
    %jit3A_423 = arith.constant 0 : i32
    %broadcast_in_dim3A_424 = vector.broadcast %sub3A_422 : i32 to vector<16xi32>
    %broadcast_in_dim3A_425 = vector.broadcast %jit3A_423 : i32 to vector<16xi32>
    %select_n3A_426 = arith.select %ge3A_421, %broadcast_in_dim3A_424, %broadcast_in_dim3A_425 : vector<16xi1>, vector<16xi32>
    %add3A_427 = arith.addi %add3A_419, %select_n3A_426 : vector<16xi32>
    %ge3A_428 = vector.broadcast %reduce_sum3A_79 : i32 to vector<16xi32>
    %ge3A_429 = arith.cmpi sge, %add3A_409, %ge3A_428 : vector<16xi32>
    %sub3A_430 = arith.subi %sub3A_256, %sub3A_255 : i32
    %jit3A_431 = arith.constant 0 : i32
    %broadcast_in_dim3A_432 = vector.broadcast %sub3A_430 : i32 to vector<16xi32>
    %broadcast_in_dim3A_433 = vector.broadcast %jit3A_431 : i32 to vector<16xi32>
    %select_n3A_434 = arith.select %ge3A_429, %broadcast_in_dim3A_432, %broadcast_in_dim3A_433 : vector<16xi1>, vector<16xi32>
    %add3A_435 = arith.addi %add3A_427, %select_n3A_434 : vector<16xi32>
    %ge3A_436 = vector.broadcast %reduce_sum3A_89 : i32 to vector<16xi32>
    %ge3A_437 = arith.cmpi sge, %add3A_409, %ge3A_436 : vector<16xi32>
    %sub3A_438 = arith.subi %sub3A_257, %sub3A_256 : i32
    %jit3A_439 = arith.constant 0 : i32
    %broadcast_in_dim3A_440 = vector.broadcast %sub3A_438 : i32 to vector<16xi32>
    %broadcast_in_dim3A_441 = vector.broadcast %jit3A_439 : i32 to vector<16xi32>
    %select_n3A_442 = arith.select %ge3A_437, %broadcast_in_dim3A_440, %broadcast_in_dim3A_441 : vector<16xi1>, vector<16xi32>
    %add3A_443 = arith.addi %add3A_435, %select_n3A_442 : vector<16xi32>
    %ge3A_444 = vector.broadcast %reduce_sum3A_99 : i32 to vector<16xi32>
    %ge3A_445 = arith.cmpi sge, %add3A_409, %ge3A_444 : vector<16xi32>
    %sub3A_446 = arith.subi %sub3A_258, %sub3A_257 : i32
    %jit3A_447 = arith.constant 0 : i32
    %broadcast_in_dim3A_448 = vector.broadcast %sub3A_446 : i32 to vector<16xi32>
    %broadcast_in_dim3A_449 = vector.broadcast %jit3A_447 : i32 to vector<16xi32>
    %select_n3A_450 = arith.select %ge3A_445, %broadcast_in_dim3A_448, %broadcast_in_dim3A_449 : vector<16xi1>, vector<16xi32>
    %add3A_451 = arith.addi %add3A_443, %select_n3A_450 : vector<16xi32>
    %ge3A_452 = vector.broadcast %reduce_sum3A_109 : i32 to vector<16xi32>
    %ge3A_453 = arith.cmpi sge, %add3A_409, %ge3A_452 : vector<16xi32>
    %sub3A_454 = arith.subi %sub3A_259, %sub3A_258 : i32
    %jit3A_455 = arith.constant 0 : i32
    %broadcast_in_dim3A_456 = vector.broadcast %sub3A_454 : i32 to vector<16xi32>
    %broadcast_in_dim3A_457 = vector.broadcast %jit3A_455 : i32 to vector<16xi32>
    %select_n3A_458 = arith.select %ge3A_453, %broadcast_in_dim3A_456, %broadcast_in_dim3A_457 : vector<16xi1>, vector<16xi32>
    %add3A_459 = arith.addi %add3A_451, %select_n3A_458 : vector<16xi32>
    %ge3A_460 = vector.broadcast %reduce_sum3A_119 : i32 to vector<16xi32>
    %ge3A_461 = arith.cmpi sge, %add3A_409, %ge3A_460 : vector<16xi32>
    %sub3A_462 = arith.subi %sub3A_260, %sub3A_259 : i32
    %jit3A_463 = arith.constant 0 : i32
    %broadcast_in_dim3A_464 = vector.broadcast %sub3A_462 : i32 to vector<16xi32>
    %broadcast_in_dim3A_465 = vector.broadcast %jit3A_463 : i32 to vector<16xi32>
    %select_n3A_466 = arith.select %ge3A_461, %broadcast_in_dim3A_464, %broadcast_in_dim3A_465 : vector<16xi1>, vector<16xi32>
    %add3A_467 = arith.addi %add3A_459, %select_n3A_466 : vector<16xi32>
    %ge3A_468 = vector.broadcast %reduce_sum3A_129 : i32 to vector<16xi32>
    %ge3A_469 = arith.cmpi sge, %add3A_409, %ge3A_468 : vector<16xi32>
    %sub3A_470 = arith.subi %sub3A_261, %sub3A_260 : i32
    %jit3A_471 = arith.constant 0 : i32
    %broadcast_in_dim3A_472 = vector.broadcast %sub3A_470 : i32 to vector<16xi32>
    %broadcast_in_dim3A_473 = vector.broadcast %jit3A_471 : i32 to vector<16xi32>
    %select_n3A_474 = arith.select %ge3A_469, %broadcast_in_dim3A_472, %broadcast_in_dim3A_473 : vector<16xi1>, vector<16xi32>
    %add3A_475 = arith.addi %add3A_467, %select_n3A_474 : vector<16xi32>
    %swap3A_476 = arith.constant 16 : index
    %swap3A_477 = tpu.vector_load %arg14[%swap3A_476] {strides = array<i32>} : memref<32xi32, #tpu.memory_space<vmem>>, vector<16xi32>,
    tpu.vector_store %arg14[%swap3A_476], %add3A_475 {strides = array<i32>} : memref<32xi32, #tpu.memory_space<vmem>>, vector<16xi32>,
    %dma_start3A_478 = arith.constant 0 : i32
    %dma_start3A_479 = arith.constant 0 : i32
    %dma_start3A_480 = tpu.memref_slice %arg6[%dma_start3A_478, %dma_start3A_479] : memref<16384x1024xf32, #tpu.memory_space<hbm>> -> memref<16384x1024xf32, #tpu.memory_space<hbm>>
    tpu.enqueue_indirect_dma source(%arg11 : memref<32x1024xf32, #tpu.memory_space<vmem>>) target(%dma_start3A_480 : memref<16384x1024xf32, #tpu.memory_space<hbm>>) offsets(%arg14 : memref<32xi32, #tpu.memory_space<vmem>>) semaphore(%arg20 : memref<!tpu.dma_semaphore, #tpu.memory_space<semaphore_mem>>)
    %dma_start3A_481 = arith.constant 0 : i32
    %dma_start3A_482 = tpu.memref_slice %arg2[%add3A_8, %dma_start3A_481] : memref<8192x1024xf32, #tpu.memory_space<hbm>> -> memref<32x1024xf32, #tpu.memory_space<hbm>>
    %dma_start3A_483 = arith.constant 0 : i32
    %dma_start3A_484 = tpu.memref_slice %arg2[%add3A_8, %dma_start3A_483] : memref<8192x1024xf32, #tpu.memory_space<hbm>> -> memref<32x1024xf32, #tpu.memory_space<hbm>>
    tpu.enqueue_dma source(%dma_start3A_484 : memref<32x1024xf32, #tpu.memory_space<hbm>>) target(%arg13 : memref<32x1024xf32, #tpu.memory_space<vmem>>) target_semaphore(%arg19 : memref<!tpu.dma_semaphore, #tpu.memory_space<semaphore_mem>>)
    %dma_wait3A_485 = arith.constant 0 : i32
    %dma_wait3A_486 = tpu.memref_slice %arg2[%add3A_6, %dma_wait3A_485] : memref<8192x1024xf32, #tpu.memory_space<hbm>> -> memref<32x1024xf32, #tpu.memory_space<hbm>>
    %dma_wait3A_487 = arith.constant 0 : i32
    %dma_wait3A_488 = tpu.memref_slice %arg2[%add3A_6, %dma_wait3A_487] : memref<8192x1024xf32, #tpu.memory_space<hbm>> -> memref<32x1024xf32, #tpu.memory_space<hbm>>
    tpu.wait_dma2 semaphore(%arg18 : memref<!tpu.dma_semaphore, #tpu.memory_space<semaphore_mem>>) src(%dma_wait3A_488 : memref<32x1024xf32, #tpu.memory_space<hbm>>) dst(%arg12 : memref<32x1024xf32, #tpu.memory_space<vmem>>)
    %add3A_489 = arith.constant 0 : i32
    %add3A_490 = arith.addi %add3A_6, %add3A_489 : i32
    %add3A_491 = vector.broadcast %add3A_490 : i32 to vector<16xi32>
    %add3A_492 = arith.addi %add3A_491, %iota3A : vector<16xi32>
    %add3A_493 = vector.broadcast %sub3A_253 : i32 to vector<16xi32>
    %add3A_494 = arith.addi %add3A_492, %add3A_493 : vector<16xi32>
    %ge3A_495 = vector.broadcast %reduce_sum3A_59 : i32 to vector<16xi32>
    %ge3A_496 = arith.cmpi sge, %add3A_492, %ge3A_495 : vector<16xi32>
    %sub3A_497 = arith.subi %sub3A_254, %sub3A_253 : i32
    %jit3A_498 = arith.constant 0 : i32
    %broadcast_in_dim3A_499 = vector.broadcast %sub3A_497 : i32 to vector<16xi32>
    %broadcast_in_dim3A_500 = vector.broadcast %jit3A_498 : i32 to vector<16xi32>
    %select_n3A_501 = arith.select %ge3A_496, %broadcast_in_dim3A_499, %broadcast_in_dim3A_500 : vector<16xi1>, vector<16xi32>
    %add3A_502 = arith.addi %add3A_494, %select_n3A_501 : vector<16xi32>
    %ge3A_503 = vector.broadcast %reduce_sum3A_69 : i32 to vector<16xi32>
    %ge3A_504 = arith.cmpi sge, %add3A_492, %ge3A_503 : vector<16xi32>
    %sub3A_505 = arith.subi %sub3A_255, %sub3A_254 : i32
    %jit3A_506 = arith.constant 0 : i32
    %broadcast_in_dim3A_507 = vector.broadcast %sub3A_505 : i32 to vector<16xi32>
    %broadcast_in_dim3A_508 = vector.broadcast %jit3A_506 : i32 to vector<16xi32>
    %select_n3A_509 = arith.select %ge3A_504, %broadcast_in_dim3A_507, %broadcast_in_dim3A_508 : vector<16xi1>, vector<16xi32>
    %add3A_510 = arith.addi %add3A_502, %select_n3A_509 : vector<16xi32>
    %ge3A_511 = vector.broadcast %reduce_sum3A_79 : i32 to vector<16xi32>
    %ge3A_512 = arith.cmpi sge, %add3A_492, %ge3A_511 : vector<16xi32>
    %sub3A_513 = arith.subi %sub3A_256, %sub3A_255 : i32
    %jit3A_514 = arith.constant 0 : i32
    %broadcast_in_dim3A_515 = vector.broadcast %sub3A_513 : i32 to vector<16xi32>
    %broadcast_in_dim3A_516 = vector.broadcast %jit3A_514 : i32 to vector<16xi32>
    %select_n3A_517 = arith.select %ge3A_512, %broadcast_in_dim3A_515, %broadcast_in_dim3A_516 : vector<16xi1>, vector<16xi32>
    %add3A_518 = arith.addi %add3A_510, %select_n3A_517 : vector<16xi32>
    %ge3A_519 = vector.broadcast %reduce_sum3A_89 : i32 to vector<16xi32>
    %ge3A_520 = arith.cmpi sge, %add3A_492, %ge3A_519 : vector<16xi32>
    %sub3A_521 = arith.subi %sub3A_257, %sub3A_256 : i32
    %jit3A_522 = arith.constant 0 : i32
    %broadcast_in_dim3A_523 = vector.broadcast %sub3A_521 : i32 to vector<16xi32>
    %broadcast_in_dim3A_524 = vector.broadcast %jit3A_522 : i32 to vector<16xi32>
    %select_n3A_525 = arith.select %ge3A_520, %broadcast_in_dim3A_523, %broadcast_in_dim3A_524 : vector<16xi1>, vector<16xi32>
    %add3A_526 = arith.addi %add3A_518, %select_n3A_525 : vector<16xi32>
    %ge3A_527 = vector.broadcast %reduce_sum3A_99 : i32 to vector<16xi32>
    %ge3A_528 = arith.cmpi sge, %add3A_492, %ge3A_527 : vector<16xi32>
    %sub3A_529 = arith.subi %sub3A_258, %sub3A_257 : i32
    %jit3A_530 = arith.constant 0 : i32
    %broadcast_in_dim3A_531 = vector.broadcast %sub3A_529 : i32 to vector<16xi32>
    %broadcast_in_dim3A_532 = vector.broadcast %jit3A_530 : i32 to vector<16xi32>
    %select_n3A_533 = arith.select %ge3A_528, %broadcast_in_dim3A_531, %broadcast_in_dim3A_532 : vector<16xi1>, vector<16xi32>
    %add3A_534 = arith.addi %add3A_526, %select_n3A_533 : vector<16xi32>
    %ge3A_535 = vector.broadcast %reduce_sum3A_109 : i32 to vector<16xi32>
    %ge3A_536 = arith.cmpi sge, %add3A_492, %ge3A_535 : vector<16xi32>
    %sub3A_537 = arith.subi %sub3A_259, %sub3A_258 : i32
    %jit3A_538 = arith.constant 0 : i32
    %broadcast_in_dim3A_539 = vector.broadcast %sub3A_537 : i32 to vector<16xi32>
    %broadcast_in_dim3A_540 = vector.broadcast %jit3A_538 : i32 to vector<16xi32>
    %select_n3A_541 = arith.select %ge3A_536, %broadcast_in_dim3A_539, %broadcast_in_dim3A_540 : vector<16xi1>, vector<16xi32>
    %add3A_542 = arith.addi %add3A_534, %select_n3A_541 : vector<16xi32>
    %ge3A_543 = vector.broadcast %reduce_sum3A_119 : i32 to vector<16xi32>
    %ge3A_544 = arith.cmpi sge, %add3A_492, %ge3A_543 : vector<16xi32>
    %sub3A_545 = arith.subi %sub3A_260, %sub3A_259 : i32
    %jit3A_546 = arith.constant 0 : i32
    %broadcast_in_dim3A_547 = vector.broadcast %sub3A_545 : i32 to vector<16xi32>
    %broadcast_in_dim3A_548 = vector.broadcast %jit3A_546 : i32 to vector<16xi32>
    %select_n3A_549 = arith.select %ge3A_544, %broadcast_in_dim3A_547, %broadcast_in_dim3A_548 : vector<16xi1>, vector<16xi32>
    %add3A_550 = arith.addi %add3A_542, %select_n3A_549 : vector<16xi32>
    %ge3A_551 = vector.broadcast %reduce_sum3A_129 : i32 to vector<16xi32>
    %ge3A_552 = arith.cmpi sge, %add3A_492, %ge3A_551 : vector<16xi32>
    %sub3A_553 = arith.subi %sub3A_261, %sub3A_260 : i32
    %jit3A_554 = arith.constant 0 : i32
    %broadcast_in_dim3A_555 = vector.broadcast %sub3A_553 : i32 to vector<16xi32>
    %broadcast_in_dim3A_556 = vector.broadcast %jit3A_554 : i32 to vector<16xi32>
    %select_n3A_557 = arith.select %ge3A_552, %broadcast_in_dim3A_555, %broadcast_in_dim3A_556 : vector<16xi1>, vector<16xi32>
    %add3A_558 = arith.addi %add3A_550, %select_n3A_557 : vector<16xi32>
    %swap3A_559 = arith.constant 0 : index
    %swap3A_560 = tpu.vector_load %arg15[%swap3A_559] {strides = array<i32>} : memref<32xi32, #tpu.memory_space<vmem>>, vector<16xi32>,
    tpu.vector_store %arg15[%swap3A_559], %add3A_558 {strides = array<i32>} : memref<32xi32, #tpu.memory_space<vmem>>, vector<16xi32>,
    %add3A_561 = arith.constant 16 : i32
    %add3A_562 = arith.addi %add3A_6, %add3A_561 : i32
    %add3A_563 = vector.broadcast %add3A_562 : i32 to vector<16xi32>
    %add3A_564 = arith.addi %add3A_563, %iota3A : vector<16xi32>
    %add3A_565 = vector.broadcast %sub3A_253 : i32 to vector<16xi32>
    %add3A_566 = arith.addi %add3A_564, %add3A_565 : vector<16xi32>
    %ge3A_567 = vector.broadcast %reduce_sum3A_59 : i32 to vector<16xi32>
    %ge3A_568 = arith.cmpi sge, %add3A_564, %ge3A_567 : vector<16xi32>
    %sub3A_569 = arith.subi %sub3A_254, %sub3A_253 : i32
    %jit3A_570 = arith.constant 0 : i32
    %broadcast_in_dim3A_571 = vector.broadcast %sub3A_569 : i32 to vector<16xi32>
    %broadcast_in_dim3A_572 = vector.broadcast %jit3A_570 : i32 to vector<16xi32>
    %select_n3A_573 = arith.select %ge3A_568, %broadcast_in_dim3A_571, %broadcast_in_dim3A_572 : vector<16xi1>, vector<16xi32>
    %add3A_574 = arith.addi %add3A_566, %select_n3A_573 : vector<16xi32>
    %ge3A_575 = vector.broadcast %reduce_sum3A_69 : i32 to vector<16xi32>
    %ge3A_576 = arith.cmpi sge, %add3A_564, %ge3A_575 : vector<16xi32>
    %sub3A_577 = arith.subi %sub3A_255, %sub3A_254 : i32
    %jit3A_578 = arith.constant 0 : i32
    %broadcast_in_dim3A_579 = vector.broadcast %sub3A_577 : i32 to vector<16xi32>
    %broadcast_in_dim3A_580 = vector.broadcast %jit3A_578 : i32 to vector<16xi32>
    %select_n3A_581 = arith.select %ge3A_576, %broadcast_in_dim3A_579, %broadcast_in_dim3A_580 : vector<16xi1>, vector<16xi32>
    %add3A_582 = arith.addi %add3A_574, %select_n3A_581 : vector<16xi32>
    %ge3A_583 = vector.broadcast %reduce_sum3A_79 : i32 to vector<16xi32>
    %ge3A_584 = arith.cmpi sge, %add3A_564, %ge3A_583 : vector<16xi32>
    %sub3A_585 = arith.subi %sub3A_256, %sub3A_255 : i32
    %jit3A_586 = arith.constant 0 : i32
    %broadcast_in_dim3A_587 = vector.broadcast %sub3A_585 : i32 to vector<16xi32>
    %broadcast_in_dim3A_588 = vector.broadcast %jit3A_586 : i32 to vector<16xi32>
    %select_n3A_589 = arith.select %ge3A_584, %broadcast_in_dim3A_587, %broadcast_in_dim3A_588 : vector<16xi1>, vector<16xi32>
    %add3A_590 = arith.addi %add3A_582, %select_n3A_589 : vector<16xi32>
    %ge3A_591 = vector.broadcast %reduce_sum3A_89 : i32 to vector<16xi32>
    %ge3A_592 = arith.cmpi sge, %add3A_564, %ge3A_591 : vector<16xi32>
    %sub3A_593 = arith.subi %sub3A_257, %sub3A_256 : i32
    %jit3A_594 = arith.constant 0 : i32
    %broadcast_in_dim3A_595 = vector.broadcast %sub3A_593 : i32 to vector<16xi32>
    %broadcast_in_dim3A_596 = vector.broadcast %jit3A_594 : i32 to vector<16xi32>
    %select_n3A_597 = arith.select %ge3A_592, %broadcast_in_dim3A_595, %broadcast_in_dim3A_596 : vector<16xi1>, vector<16xi32>
    %add3A_598 = arith.addi %add3A_590, %select_n3A_597 : vector<16xi32>
    %ge3A_599 = vector.broadcast %reduce_sum3A_99 : i32 to vector<16xi32>
    %ge3A_600 = arith.cmpi sge, %add3A_564, %ge3A_599 : vector<16xi32>
    %sub3A_601 = arith.subi %sub3A_258, %sub3A_257 : i32
    %jit3A_602 = arith.constant 0 : i32
    %broadcast_in_dim3A_603 = vector.broadcast %sub3A_601 : i32 to vector<16xi32>
    %broadcast_in_dim3A_604 = vector.broadcast %jit3A_602 : i32 to vector<16xi32>
    %select_n3A_605 = arith.select %ge3A_600, %broadcast_in_dim3A_603, %broadcast_in_dim3A_604 : vector<16xi1>, vector<16xi32>
    %add3A_606 = arith.addi %add3A_598, %select_n3A_605 : vector<16xi32>
    %ge3A_607 = vector.broadcast %reduce_sum3A_109 : i32 to vector<16xi32>
    %ge3A_608 = arith.cmpi sge, %add3A_564, %ge3A_607 : vector<16xi32>
    %sub3A_609 = arith.subi %sub3A_259, %sub3A_258 : i32
    %jit3A_610 = arith.constant 0 : i32
    %broadcast_in_dim3A_611 = vector.broadcast %sub3A_609 : i32 to vector<16xi32>
    %broadcast_in_dim3A_612 = vector.broadcast %jit3A_610 : i32 to vector<16xi32>
    %select_n3A_613 = arith.select %ge3A_608, %broadcast_in_dim3A_611, %broadcast_in_dim3A_612 : vector<16xi1>, vector<16xi32>
    %add3A_614 = arith.addi %add3A_606, %select_n3A_613 : vector<16xi32>
    %ge3A_615 = vector.broadcast %reduce_sum3A_119 : i32 to vector<16xi32>
    %ge3A_616 = arith.cmpi sge, %add3A_564, %ge3A_615 : vector<16xi32>
    %sub3A_617 = arith.subi %sub3A_260, %sub3A_259 : i32
    %jit3A_618 = arith.constant 0 : i32
    %broadcast_in_dim3A_619 = vector.broadcast %sub3A_617 : i32 to vector<16xi32>
    %broadcast_in_dim3A_620 = vector.broadcast %jit3A_618 : i32 to vector<16xi32>
    %select_n3A_621 = arith.select %ge3A_616, %broadcast_in_dim3A_619, %broadcast_in_dim3A_620 : vector<16xi1>, vector<16xi32>
    %add3A_622 = arith.addi %add3A_614, %select_n3A_621 : vector<16xi32>
    %ge3A_623 = vector.broadcast %reduce_sum3A_129 : i32 to vector<16xi32>
    %ge3A_624 = arith.cmpi sge, %add3A_564, %ge3A_623 : vector<16xi32>
    %sub3A_625 = arith.subi %sub3A_261, %sub3A_260 : i32
    %jit3A_626 = arith.constant 0 : i32
    %broadcast_in_dim3A_627 = vector.broadcast %sub3A_625 : i32 to vector<16xi32>
    %broadcast_in_dim3A_628 = vector.broadcast %jit3A_626 : i32 to vector<16xi32>
    %select_n3A_629 = arith.select %ge3A_624, %broadcast_in_dim3A_627, %broadcast_in_dim3A_628 : vector<16xi1>, vector<16xi32>
    %add3A_630 = arith.addi %add3A_622, %select_n3A_629 : vector<16xi32>
    %swap3A_631 = arith.constant 16 : index
    %swap3A_632 = tpu.vector_load %arg15[%swap3A_631] {strides = array<i32>} : memref<32xi32, #tpu.memory_space<vmem>>, vector<16xi32>,
    tpu.vector_store %arg15[%swap3A_631], %add3A_630 {strides = array<i32>} : memref<32xi32, #tpu.memory_space<vmem>>, vector<16xi32>,
    %dma_start3A_633 = arith.constant 0 : i32
    %dma_start3A_634 = arith.constant 0 : i32
    %dma_start3A_635 = tpu.memref_slice %arg6[%dma_start3A_633, %dma_start3A_634] : memref<16384x1024xf32, #tpu.memory_space<hbm>> -> memref<16384x1024xf32, #tpu.memory_space<hbm>>
    tpu.enqueue_indirect_dma source(%arg12 : memref<32x1024xf32, #tpu.memory_space<vmem>>) target(%dma_start3A_635 : memref<16384x1024xf32, #tpu.memory_space<hbm>>) offsets(%arg15 : memref<32xi32, #tpu.memory_space<vmem>>) semaphore(%arg21 : memref<!tpu.dma_semaphore, #tpu.memory_space<semaphore_mem>>)
    %dma_wait3A_636 = arith.constant 0 : i32
    %dma_wait3A_637 = arith.constant 0 : i32
    %dma_wait3A_638 = tpu.memref_slice %arg6[%dma_wait3A_636, %dma_wait3A_637] : memref<16384x1024xf32, #tpu.memory_space<hbm>> -> memref<16384x1024xf32, #tpu.memory_space<hbm>>
    tpu.wait_indirect_dma semaphore(%arg20 : memref<!tpu.dma_semaphore, #tpu.memory_space<semaphore_mem>>) src(%arg11 : memref<32x1024xf32, #tpu.memory_space<vmem>>) dst(%dma_wait3A_638 : memref<16384x1024xf32, #tpu.memory_space<hbm>>)
    %dma_start3A_639 = arith.constant 0 : i32
    %dma_start3A_640 = tpu.memref_slice %arg2[%add3A_10, %dma_start3A_639] : memref<8192x1024xf32, #tpu.memory_space<hbm>> -> memref<32x1024xf32, #tpu.memory_space<hbm>>
    %dma_start3A_641 = arith.constant 0 : i32
    %dma_start3A_642 = tpu.memref_slice %arg2[%add3A_10, %dma_start3A_641] : memref<8192x1024xf32, #tpu.memory_space<hbm>> -> memref<32x1024xf32, #tpu.memory_space<hbm>>
    tpu.enqueue_dma source(%dma_start3A_642 : memref<32x1024xf32, #tpu.memory_space<hbm>>) target(%arg11 : memref<32x1024xf32, #tpu.memory_space<vmem>>) target_semaphore(%arg17 : memref<!tpu.dma_semaphore, #tpu.memory_space<semaphore_mem>>)
    %dma_wait3A_643 = arith.constant 0 : i32
    %dma_wait3A_644 = tpu.memref_slice %arg2[%add3A_8, %dma_wait3A_643] : memref<8192x1024xf32, #tpu.memory_space<hbm>> -> memref<32x1024xf32, #tpu.memory_space<hbm>>
    %dma_wait3A_645 = arith.constant 0 : i32
    %dma_wait3A_646 = tpu.memref_slice %arg2[%add3A_8, %dma_wait3A_645] : memref<8192x1024xf32, #tpu.memory_space<hbm>> -> memref<32x1024xf32, #tpu.memory_space<hbm>>
    tpu.wait_dma2 semaphore(%arg19 : memref<!tpu.dma_semaphore, #tpu.memory_space<semaphore_mem>>) src(%dma_wait3A_646 : memref<32x1024xf32, #tpu.memory_space<hbm>>) dst(%arg13 : memref<32x1024xf32, #tpu.memory_space<vmem>>)
    %add3A_647 = arith.constant 0 : i32
    %add3A_648 = arith.addi %add3A_8, %add3A_647 : i32
    %add3A_649 = vector.broadcast %add3A_648 : i32 to vector<16xi32>
    %add3A_650 = arith.addi %add3A_649, %iota3A : vector<16xi32>
    %add3A_651 = vector.broadcast %sub3A_253 : i32 to vector<16xi32>
    %add3A_652 = arith.addi %add3A_650, %add3A_651 : vector<16xi32>
    %ge3A_653 = vector.broadcast %reduce_sum3A_59 : i32 to vector<16xi32>
    %ge3A_654 = arith.cmpi sge, %add3A_650, %ge3A_653 : vector<16xi32>
    %sub3A_655 = arith.subi %sub3A_254, %sub3A_253 : i32
    %jit3A_656 = arith.constant 0 : i32
    %broadcast_in_dim3A_657 = vector.broadcast %sub3A_655 : i32 to vector<16xi32>
    %broadcast_in_dim3A_658 = vector.broadcast %jit3A_656 : i32 to vector<16xi32>
    %select_n3A_659 = arith.select %ge3A_654, %broadcast_in_dim3A_657, %broadcast_in_dim3A_658 : vector<16xi1>, vector<16xi32>
    %add3A_660 = arith.addi %add3A_652, %select_n3A_659 : vector<16xi32>
    %ge3A_661 = vector.broadcast %reduce_sum3A_69 : i32 to vector<16xi32>
    %ge3A_662 = arith.cmpi sge, %add3A_650, %ge3A_661 : vector<16xi32>
    %sub3A_663 = arith.subi %sub3A_255, %sub3A_254 : i32
    %jit3A_664 = arith.constant 0 : i32
    %broadcast_in_dim3A_665 = vector.broadcast %sub3A_663 : i32 to vector<16xi32>
    %broadcast_in_dim3A_666 = vector.broadcast %jit3A_664 : i32 to vector<16xi32>
    %select_n3A_667 = arith.select %ge3A_662, %broadcast_in_dim3A_665, %broadcast_in_dim3A_666 : vector<16xi1>, vector<16xi32>
    %add3A_668 = arith.addi %add3A_660, %select_n3A_667 : vector<16xi32>
    %ge3A_669 = vector.broadcast %reduce_sum3A_79 : i32 to vector<16xi32>
    %ge3A_670 = arith.cmpi sge, %add3A_650, %ge3A_669 : vector<16xi32>
    %sub3A_671 = arith.subi %sub3A_256, %sub3A_255 : i32
    %jit3A_672 = arith.constant 0 : i32
    %broadcast_in_dim3A_673 = vector.broadcast %sub3A_671 : i32 to vector<16xi32>
    %broadcast_in_dim3A_674 = vector.broadcast %jit3A_672 : i32 to vector<16xi32>
    %select_n3A_675 = arith.select %ge3A_670, %broadcast_in_dim3A_673, %broadcast_in_dim3A_674 : vector<16xi1>, vector<16xi32>
    %add3A_676 = arith.addi %add3A_668, %select_n3A_675 : vector<16xi32>
    %ge3A_677 = vector.broadcast %reduce_sum3A_89 : i32 to vector<16xi32>
    %ge3A_678 = arith.cmpi sge, %add3A_650, %ge3A_677 : vector<16xi32>
    %sub3A_679 = arith.subi %sub3A_257, %sub3A_256 : i32
    %jit3A_680 = arith.constant 0 : i32
    %broadcast_in_dim3A_681 = vector.broadcast %sub3A_679 : i32 to vector<16xi32>
    %broadcast_in_dim3A_682 = vector.broadcast %jit3A_680 : i32 to vector<16xi32>
    %select_n3A_683 = arith.select %ge3A_678, %broadcast_in_dim3A_681, %broadcast_in_dim3A_682 : vector<16xi1>, vector<16xi32>
    %add3A_684 = arith.addi %add3A_676, %select_n3A_683 : vector<16xi32>
    %ge3A_685 = vector.broadcast %reduce_sum3A_99 : i32 to vector<16xi32>
    %ge3A_686 = arith.cmpi sge, %add3A_650, %ge3A_685 : vector<16xi32>
    %sub3A_687 = arith.subi %sub3A_258, %sub3A_257 : i32
    %jit3A_688 = arith.constant 0 : i32
    %broadcast_in_dim3A_689 = vector.broadcast %sub3A_687 : i32 to vector<16xi32>
    %broadcast_in_dim3A_690 = vector.broadcast %jit3A_688 : i32 to vector<16xi32>
    %select_n3A_691 = arith.select %ge3A_686, %broadcast_in_dim3A_689, %broadcast_in_dim3A_690 : vector<16xi1>, vector<16xi32>
    %add3A_692 = arith.addi %add3A_684, %select_n3A_691 : vector<16xi32>
    %ge3A_693 = vector.broadcast %reduce_sum3A_109 : i32 to vector<16xi32>
    %ge3A_694 = arith.cmpi sge, %add3A_650, %ge3A_693 : vector<16xi32>
    %sub3A_695 = arith.subi %sub3A_259, %sub3A_258 : i32
    %jit3A_696 = arith.constant 0 : i32
    %broadcast_in_dim3A_697 = vector.broadcast %sub3A_695 : i32 to vector<16xi32>
    %broadcast_in_dim3A_698 = vector.broadcast %jit3A_696 : i32 to vector<16xi32>
    %select_n3A_699 = arith.select %ge3A_694, %broadcast_in_dim3A_697, %broadcast_in_dim3A_698 : vector<16xi1>, vector<16xi32>
    %add3A_700 = arith.addi %add3A_692, %select_n3A_699 : vector<16xi32>
    %ge3A_701 = vector.broadcast %reduce_sum3A_119 : i32 to vector<16xi32>
    %ge3A_702 = arith.cmpi sge, %add3A_650, %ge3A_701 : vector<16xi32>
    %sub3A_703 = arith.subi %sub3A_260, %sub3A_259 : i32
    %jit3A_704 = arith.constant 0 : i32
    %broadcast_in_dim3A_705 = vector.broadcast %sub3A_703 : i32 to vector<16xi32>
    %broadcast_in_dim3A_706 = vector.broadcast %jit3A_704 : i32 to vector<16xi32>
    %select_n3A_707 = arith.select %ge3A_702, %broadcast_in_dim3A_705, %broadcast_in_dim3A_706 : vector<16xi1>, vector<16xi32>
    %add3A_708 = arith.addi %add3A_700, %select_n3A_707 : vector<16xi32>
    %ge3A_709 = vector.broadcast %reduce_sum3A_129 : i32 to vector<16xi32>
    %ge3A_710 = arith.cmpi sge, %add3A_650, %ge3A_709 : vector<16xi32>
    %sub3A_711 = arith.subi %sub3A_261, %sub3A_260 : i32
    %jit3A_712 = arith.constant 0 : i32
    %broadcast_in_dim3A_713 = vector.broadcast %sub3A_711 : i32 to vector<16xi32>
    %broadcast_in_dim3A_714 = vector.broadcast %jit3A_712 : i32 to vector<16xi32>
    %select_n3A_715 = arith.select %ge3A_710, %broadcast_in_dim3A_713, %broadcast_in_dim3A_714 : vector<16xi1>, vector<16xi32>
    %add3A_716 = arith.addi %add3A_708, %select_n3A_715 : vector<16xi32>
    %swap3A_717 = arith.constant 0 : index
    %swap3A_718 = tpu.vector_load %arg16[%swap3A_717] {strides = array<i32>} : memref<32xi32, #tpu.memory_space<vmem>>, vector<16xi32>,
    tpu.vector_store %arg16[%swap3A_717], %add3A_716 {strides = array<i32>} : memref<32xi32, #tpu.memory_space<vmem>>, vector<16xi32>,
    %add3A_719 = arith.constant 16 : i32
    %add3A_720 = arith.addi %add3A_8, %add3A_719 : i32
    %add3A_721 = vector.broadcast %add3A_720 : i32 to vector<16xi32>
    %add3A_722 = arith.addi %add3A_721, %iota3A : vector<16xi32>
    %add3A_723 = vector.broadcast %sub3A_253 : i32 to vector<16xi32>
    %add3A_724 = arith.addi %add3A_722, %add3A_723 : vector<16xi32>
    %ge3A_725 = vector.broadcast %reduce_sum3A_59 : i32 to vector<16xi32>
    %ge3A_726 = arith.cmpi sge, %add3A_722, %ge3A_725 : vector<16xi32>
    %sub3A_727 = arith.subi %sub3A_254, %sub3A_253 : i32
    %jit3A_728 = arith.constant 0 : i32
    %broadcast_in_dim3A_729 = vector.broadcast %sub3A_727 : i32 to vector<16xi32>
    %broadcast_in_dim3A_730 = vector.broadcast %jit3A_728 : i32 to vector<16xi32>
    %select_n3A_731 = arith.select %ge3A_726, %broadcast_in_dim3A_729, %broadcast_in_dim3A_730 : vector<16xi1>, vector<16xi32>
    %add3A_732 = arith.addi %add3A_724, %select_n3A_731 : vector<16xi32>
    %ge3A_733 = vector.broadcast %reduce_sum3A_69 : i32 to vector<16xi32>
    %ge3A_734 = arith.cmpi sge, %add3A_722, %ge3A_733 : vector<16xi32>
    %sub3A_735 = arith.subi %sub3A_255, %sub3A_254 : i32
    %jit3A_736 = arith.constant 0 : i32
    %broadcast_in_dim3A_737 = vector.broadcast %sub3A_735 : i32 to vector<16xi32>
    %broadcast_in_dim3A_738 = vector.broadcast %jit3A_736 : i32 to vector<16xi32>
    %select_n3A_739 = arith.select %ge3A_734, %broadcast_in_dim3A_737, %broadcast_in_dim3A_738 : vector<16xi1>, vector<16xi32>
    %add3A_740 = arith.addi %add3A_732, %select_n3A_739 : vector<16xi32>
    %ge3A_741 = vector.broadcast %reduce_sum3A_79 : i32 to vector<16xi32>
    %ge3A_742 = arith.cmpi sge, %add3A_722, %ge3A_741 : vector<16xi32>
    %sub3A_743 = arith.subi %sub3A_256, %sub3A_255 : i32
    %jit3A_744 = arith.constant 0 : i32
    %broadcast_in_dim3A_745 = vector.broadcast %sub3A_743 : i32 to vector<16xi32>
    %broadcast_in_dim3A_746 = vector.broadcast %jit3A_744 : i32 to vector<16xi32>
    %select_n3A_747 = arith.select %ge3A_742, %broadcast_in_dim3A_745, %broadcast_in_dim3A_746 : vector<16xi1>, vector<16xi32>
    %add3A_748 = arith.addi %add3A_740, %select_n3A_747 : vector<16xi32>
    %ge3A_749 = vector.broadcast %reduce_sum3A_89 : i32 to vector<16xi32>
    %ge3A_750 = arith.cmpi sge, %add3A_722, %ge3A_749 : vector<16xi32>
    %sub3A_751 = arith.subi %sub3A_257, %sub3A_256 : i32
    %jit3A_752 = arith.constant 0 : i32
    %broadcast_in_dim3A_753 = vector.broadcast %sub3A_751 : i32 to vector<16xi32>
    %broadcast_in_dim3A_754 = vector.broadcast %jit3A_752 : i32 to vector<16xi32>
    %select_n3A_755 = arith.select %ge3A_750, %broadcast_in_dim3A_753, %broadcast_in_dim3A_754 : vector<16xi1>, vector<16xi32>
    %add3A_756 = arith.addi %add3A_748, %select_n3A_755 : vector<16xi32>
    %ge3A_757 = vector.broadcast %reduce_sum3A_99 : i32 to vector<16xi32>
    %ge3A_758 = arith.cmpi sge, %add3A_722, %ge3A_757 : vector<16xi32>
    %sub3A_759 = arith.subi %sub3A_258, %sub3A_257 : i32
    %jit3A_760 = arith.constant 0 : i32
    %broadcast_in_dim3A_761 = vector.broadcast %sub3A_759 : i32 to vector<16xi32>
    %broadcast_in_dim3A_762 = vector.broadcast %jit3A_760 : i32 to vector<16xi32>
    %select_n3A_763 = arith.select %ge3A_758, %broadcast_in_dim3A_761, %broadcast_in_dim3A_762 : vector<16xi1>, vector<16xi32>
    %add3A_764 = arith.addi %add3A_756, %select_n3A_763 : vector<16xi32>
    %ge3A_765 = vector.broadcast %reduce_sum3A_109 : i32 to vector<16xi32>
    %ge3A_766 = arith.cmpi sge, %add3A_722, %ge3A_765 : vector<16xi32>
    %sub3A_767 = arith.subi %sub3A_259, %sub3A_258 : i32
    %jit3A_768 = arith.constant 0 : i32
    %broadcast_in_dim3A_769 = vector.broadcast %sub3A_767 : i32 to vector<16xi32>
    %broadcast_in_dim3A_770 = vector.broadcast %jit3A_768 : i32 to vector<16xi32>
    %select_n3A_771 = arith.select %ge3A_766, %broadcast_in_dim3A_769, %broadcast_in_dim3A_770 : vector<16xi1>, vector<16xi32>
    %add3A_772 = arith.addi %add3A_764, %select_n3A_771 : vector<16xi32>
    %ge3A_773 = vector.broadcast %reduce_sum3A_119 : i32 to vector<16xi32>
    %ge3A_774 = arith.cmpi sge, %add3A_722, %ge3A_773 : vector<16xi32>
    %sub3A_775 = arith.subi %sub3A_260, %sub3A_259 : i32
    %jit3A_776 = arith.constant 0 : i32
    %broadcast_in_dim3A_777 = vector.broadcast %sub3A_775 : i32 to vector<16xi32>
    %broadcast_in_dim3A_778 = vector.broadcast %jit3A_776 : i32 to vector<16xi32>
    %select_n3A_779 = arith.select %ge3A_774, %broadcast_in_dim3A_777, %broadcast_in_dim3A_778 : vector<16xi1>, vector<16xi32>
    %add3A_780 = arith.addi %add3A_772, %select_n3A_779 : vector<16xi32>
    %ge3A_781 = vector.broadcast %reduce_sum3A_129 : i32 to vector<16xi32>
    %ge3A_782 = arith.cmpi sge, %add3A_722, %ge3A_781 : vector<16xi32>
    %sub3A_783 = arith.subi %sub3A_261, %sub3A_260 : i32
    %jit3A_784 = arith.constant 0 : i32
    %broadcast_in_dim3A_785 = vector.broadcast %sub3A_783 : i32 to vector<16xi32>
    %broadcast_in_dim3A_786 = vector.broadcast %jit3A_784 : i32 to vector<16xi32>
    %select_n3A_787 = arith.select %ge3A_782, %broadcast_in_dim3A_785, %broadcast_in_dim3A_786 : vector<16xi1>, vector<16xi32>
    %add3A_788 = arith.addi %add3A_780, %select_n3A_787 : vector<16xi32>
    %swap3A_789 = arith.constant 16 : index
    %swap3A_790 = tpu.vector_load %arg16[%swap3A_789] {strides = array<i32>} : memref<32xi32, #tpu.memory_space<vmem>>, vector<16xi32>,
    tpu.vector_store %arg16[%swap3A_789], %add3A_788 {strides = array<i32>} : memref<32xi32, #tpu.memory_space<vmem>>, vector<16xi32>,
    %dma_start3A_791 = arith.constant 0 : i32
    %dma_start3A_792 = arith.constant 0 : i32
    %dma_start3A_793 = tpu.memref_slice %arg6[%dma_start3A_791, %dma_start3A_792] : memref<16384x1024xf32, #tpu.memory_space<hbm>> -> memref<16384x1024xf32, #tpu.memory_space<hbm>>
    tpu.enqueue_indirect_dma source(%arg13 : memref<32x1024xf32, #tpu.memory_space<vmem>>) target(%dma_start3A_793 : memref<16384x1024xf32, #tpu.memory_space<hbm>>) offsets(%arg16 : memref<32xi32, #tpu.memory_space<vmem>>) semaphore(%arg22 : memref<!tpu.dma_semaphore, #tpu.memory_space<semaphore_mem>>)
    %dma_wait3A_794 = arith.constant 0 : i32
    %dma_wait3A_795 = arith.constant 0 : i32
    %dma_wait3A_796 = tpu.memref_slice %arg6[%dma_wait3A_794, %dma_wait3A_795] : memref<16384x1024xf32, #tpu.memory_space<hbm>> -> memref<16384x1024xf32, #tpu.memory_space<hbm>>
    tpu.wait_indirect_dma semaphore(%arg21 : memref<!tpu.dma_semaphore, #tpu.memory_space<semaphore_mem>>) src(%arg12 : memref<32x1024xf32, #tpu.memory_space<vmem>>) dst(%dma_wait3A_796 : memref<16384x1024xf32, #tpu.memory_space<hbm>>)
    %dma_start3A_797 = arith.constant 0 : i32
    %dma_start3A_798 = tpu.memref_slice %arg2[%add3A_12, %dma_start3A_797] : memref<8192x1024xf32, #tpu.memory_space<hbm>> -> memref<32x1024xf32, #tpu.memory_space<hbm>>
    %dma_start3A_799 = arith.constant 0 : i32
    %dma_start3A_800 = tpu.memref_slice %arg2[%add3A_12, %dma_start3A_799] : memref<8192x1024xf32, #tpu.memory_space<hbm>> -> memref<32x1024xf32, #tpu.memory_space<hbm>>
    tpu.enqueue_dma source(%dma_start3A_800 : memref<32x1024xf32, #tpu.memory_space<hbm>>) target(%arg12 : memref<32x1024xf32, #tpu.memory_space<vmem>>) target_semaphore(%arg18 : memref<!tpu.dma_semaphore, #tpu.memory_space<semaphore_mem>>)
    %dma_wait3A_801 = arith.constant 0 : i32
    %dma_wait3A_802 = tpu.memref_slice %arg2[%add3A_10, %dma_wait3A_801] : memref<8192x1024xf32, #tpu.memory_space<hbm>> -> memref<32x1024xf32, #tpu.memory_space<hbm>>
    %dma_wait3A_803 = arith.constant 0 : i32
    %dma_wait3A_804 = tpu.memref_slice %arg2[%add3A_10, %dma_wait3A_803] : memref<8192x1024xf32, #tpu.memory_space<hbm>> -> memref<32x1024xf32, #tpu.memory_space<hbm>>
    tpu.wait_dma2 semaphore(%arg17 : memref<!tpu.dma_semaphore, #tpu.memory_space<semaphore_mem>>) src(%dma_wait3A_804 : memref<32x1024xf32, #tpu.memory_space<hbm>>) dst(%arg11 : memref<32x1024xf32, #tpu.memory_space<vmem>>)
    %add3A_805 = arith.constant 0 : i32
    %add3A_806 = arith.addi %add3A_10, %add3A_805 : i32
    %add3A_807 = vector.broadcast %add3A_806 : i32 to vector<16xi32>
    %add3A_808 = arith.addi %add3A_807, %iota3A : vector<16xi32>
    %add3A_809 = vector.broadcast %sub3A_253 : i32 to vector<16xi32>
    %add3A_810 = arith.addi %add3A_808, %add3A_809 : vector<16xi32>
    %ge3A_811 = vector.broadcast %reduce_sum3A_59 : i32 to vector<16xi32>
    %ge3A_812 = arith.cmpi sge, %add3A_808, %ge3A_811 : vector<16xi32>
    %sub3A_813 = arith.subi %sub3A_254, %sub3A_253 : i32
    %jit3A_814 = arith.constant 0 : i32
    %broadcast_in_dim3A_815 = vector.broadcast %sub3A_813 : i32 to vector<16xi32>
    %broadcast_in_dim3A_816 = vector.broadcast %jit3A_814 : i32 to vector<16xi32>
    %select_n3A_817 = arith.select %ge3A_812, %broadcast_in_dim3A_815, %broadcast_in_dim3A_816 : vector<16xi1>, vector<16xi32>
    %add3A_818 = arith.addi %add3A_810, %select_n3A_817 : vector<16xi32>
    %ge3A_819 = vector.broadcast %reduce_sum3A_69 : i32 to vector<16xi32>
    %ge3A_820 = arith.cmpi sge, %add3A_808, %ge3A_819 : vector<16xi32>
    %sub3A_821 = arith.subi %sub3A_255, %sub3A_254 : i32
    %jit3A_822 = arith.constant 0 : i32
    %broadcast_in_dim3A_823 = vector.broadcast %sub3A_821 : i32 to vector<16xi32>
    %broadcast_in_dim3A_824 = vector.broadcast %jit3A_822 : i32 to vector<16xi32>
    %select_n3A_825 = arith.select %ge3A_820, %broadcast_in_dim3A_823, %broadcast_in_dim3A_824 : vector<16xi1>, vector<16xi32>
    %add3A_826 = arith.addi %add3A_818, %select_n3A_825 : vector<16xi32>
    %ge3A_827 = vector.broadcast %reduce_sum3A_79 : i32 to vector<16xi32>
    %ge3A_828 = arith.cmpi sge, %add3A_808, %ge3A_827 : vector<16xi32>
    %sub3A_829 = arith.subi %sub3A_256, %sub3A_255 : i32
    %jit3A_830 = arith.constant 0 : i32
    %broadcast_in_dim3A_831 = vector.broadcast %sub3A_829 : i32 to vector<16xi32>
    %broadcast_in_dim3A_832 = vector.broadcast %jit3A_830 : i32 to vector<16xi32>
    %select_n3A_833 = arith.select %ge3A_828, %broadcast_in_dim3A_831, %broadcast_in_dim3A_832 : vector<16xi1>, vector<16xi32>
    %add3A_834 = arith.addi %add3A_826, %select_n3A_833 : vector<16xi32>
    %ge3A_835 = vector.broadcast %reduce_sum3A_89 : i32 to vector<16xi32>
    %ge3A_836 = arith.cmpi sge, %add3A_808, %ge3A_835 : vector<16xi32>
    %sub3A_837 = arith.subi %sub3A_257, %sub3A_256 : i32
    %jit3A_838 = arith.constant 0 : i32
    %broadcast_in_dim3A_839 = vector.broadcast %sub3A_837 : i32 to vector<16xi32>
    %broadcast_in_dim3A_840 = vector.broadcast %jit3A_838 : i32 to vector<16xi32>
    %select_n3A_841 = arith.select %ge3A_836, %broadcast_in_dim3A_839, %broadcast_in_dim3A_840 : vector<16xi1>, vector<16xi32>
    %add3A_842 = arith.addi %add3A_834, %select_n3A_841 : vector<16xi32>
    %ge3A_843 = vector.broadcast %reduce_sum3A_99 : i32 to vector<16xi32>
    %ge3A_844 = arith.cmpi sge, %add3A_808, %ge3A_843 : vector<16xi32>
    %sub3A_845 = arith.subi %sub3A_258, %sub3A_257 : i32
    %jit3A_846 = arith.constant 0 : i32
    %broadcast_in_dim3A_847 = vector.broadcast %sub3A_845 : i32 to vector<16xi32>
    %broadcast_in_dim3A_848 = vector.broadcast %jit3A_846 : i32 to vector<16xi32>
    %select_n3A_849 = arith.select %ge3A_844, %broadcast_in_dim3A_847, %broadcast_in_dim3A_848 : vector<16xi1>, vector<16xi32>
    %add3A_850 = arith.addi %add3A_842, %select_n3A_849 : vector<16xi32>
    %ge3A_851 = vector.broadcast %reduce_sum3A_109 : i32 to vector<16xi32>
    %ge3A_852 = arith.cmpi sge, %add3A_808, %ge3A_851 : vector<16xi32>
    %sub3A_853 = arith.subi %sub3A_259, %sub3A_258 : i32
    %jit3A_854 = arith.constant 0 : i32
    %broadcast_in_dim3A_855 = vector.broadcast %sub3A_853 : i32 to vector<16xi32>
    %broadcast_in_dim3A_856 = vector.broadcast %jit3A_854 : i32 to vector<16xi32>
    %select_n3A_857 = arith.select %ge3A_852, %broadcast_in_dim3A_855, %broadcast_in_dim3A_856 : vector<16xi1>, vector<16xi32>
    %add3A_858 = arith.addi %add3A_850, %select_n3A_857 : vector<16xi32>
    %ge3A_859 = vector.broadcast %reduce_sum3A_119 : i32 to vector<16xi32>
    %ge3A_860 = arith.cmpi sge, %add3A_808, %ge3A_859 : vector<16xi32>
    %sub3A_861 = arith.subi %sub3A_260, %sub3A_259 : i32
    %jit3A_862 = arith.constant 0 : i32
    %broadcast_in_dim3A_863 = vector.broadcast %sub3A_861 : i32 to vector<16xi32>
    %broadcast_in_dim3A_864 = vector.broadcast %jit3A_862 : i32 to vector<16xi32>
    %select_n3A_865 = arith.select %ge3A_860, %broadcast_in_dim3A_863, %broadcast_in_dim3A_864 : vector<16xi1>, vector<16xi32>
    %add3A_866 = arith.addi %add3A_858, %select_n3A_865 : vector<16xi32>
    %ge3A_867 = vector.broadcast %reduce_sum3A_129 : i32 to vector<16xi32>
    %ge3A_868 = arith.cmpi sge, %add3A_808, %ge3A_867 : vector<16xi32>
    %sub3A_869 = arith.subi %sub3A_261, %sub3A_260 : i32
    %jit3A_870 = arith.constant 0 : i32
    %broadcast_in_dim3A_871 = vector.broadcast %sub3A_869 : i32 to vector<16xi32>
    %broadcast_in_dim3A_872 = vector.broadcast %jit3A_870 : i32 to vector<16xi32>
    %select_n3A_873 = arith.select %ge3A_868, %broadcast_in_dim3A_871, %broadcast_in_dim3A_872 : vector<16xi1>, vector<16xi32>
    %add3A_874 = arith.addi %add3A_866, %select_n3A_873 : vector<16xi32>
    %swap3A_875 = arith.constant 0 : index
    %swap3A_876 = tpu.vector_load %arg14[%swap3A_875] {strides = array<i32>} : memref<32xi32, #tpu.memory_space<vmem>>, vector<16xi32>,
    tpu.vector_store %arg14[%swap3A_875], %add3A_874 {strides = array<i32>} : memref<32xi32, #tpu.memory_space<vmem>>, vector<16xi32>,
    %add3A_877 = arith.constant 16 : i32
    %add3A_878 = arith.addi %add3A_10, %add3A_877 : i32
    %add3A_879 = vector.broadcast %add3A_878 : i32 to vector<16xi32>
    %add3A_880 = arith.addi %add3A_879, %iota3A : vector<16xi32>
    %add3A_881 = vector.broadcast %sub3A_253 : i32 to vector<16xi32>
    %add3A_882 = arith.addi %add3A_880, %add3A_881 : vector<16xi32>
    %ge3A_883 = vector.broadcast %reduce_sum3A_59 : i32 to vector<16xi32>
    %ge3A_884 = arith.cmpi sge, %add3A_880, %ge3A_883 : vector<16xi32>
    %sub3A_885 = arith.subi %sub3A_254, %sub3A_253 : i32
    %jit3A_886 = arith.constant 0 : i32
    %broadcast_in_dim3A_887 = vector.broadcast %sub3A_885 : i32 to vector<16xi32>
    %broadcast_in_dim3A_888 = vector.broadcast %jit3A_886 : i32 to vector<16xi32>
    %select_n3A_889 = arith.select %ge3A_884, %broadcast_in_dim3A_887, %broadcast_in_dim3A_888 : vector<16xi1>, vector<16xi32>
    %add3A_890 = arith.addi %add3A_882, %select_n3A_889 : vector<16xi32>
    %ge3A_891 = vector.broadcast %reduce_sum3A_69 : i32 to vector<16xi32>
    %ge3A_892 = arith.cmpi sge, %add3A_880, %ge3A_891 : vector<16xi32>
    %sub3A_893 = arith.subi %sub3A_255, %sub3A_254 : i32
    %jit3A_894 = arith.constant 0 : i32
    %broadcast_in_dim3A_895 = vector.broadcast %sub3A_893 : i32 to vector<16xi32>
    %broadcast_in_dim3A_896 = vector.broadcast %jit3A_894 : i32 to vector<16xi32>
    %select_n3A_897 = arith.select %ge3A_892, %broadcast_in_dim3A_895, %broadcast_in_dim3A_896 : vector<16xi1>, vector<16xi32>
    %add3A_898 = arith.addi %add3A_890, %select_n3A_897 : vector<16xi32>
    %ge3A_899 = vector.broadcast %reduce_sum3A_79 : i32 to vector<16xi32>
    %ge3A_900 = arith.cmpi sge, %add3A_880, %ge3A_899 : vector<16xi32>
    %sub3A_901 = arith.subi %sub3A_256, %sub3A_255 : i32
    %jit3A_902 = arith.constant 0 : i32
    %broadcast_in_dim3A_903 = vector.broadcast %sub3A_901 : i32 to vector<16xi32>
    %broadcast_in_dim3A_904 = vector.broadcast %jit3A_902 : i32 to vector<16xi32>
    %select_n3A_905 = arith.select %ge3A_900, %broadcast_in_dim3A_903, %broadcast_in_dim3A_904 : vector<16xi1>, vector<16xi32>
    %add3A_906 = arith.addi %add3A_898, %select_n3A_905 : vector<16xi32>
    %ge3A_907 = vector.broadcast %reduce_sum3A_89 : i32 to vector<16xi32>
    %ge3A_908 = arith.cmpi sge, %add3A_880, %ge3A_907 : vector<16xi32>
    %sub3A_909 = arith.subi %sub3A_257, %sub3A_256 : i32
    %jit3A_910 = arith.constant 0 : i32
    %broadcast_in_dim3A_911 = vector.broadcast %sub3A_909 : i32 to vector<16xi32>
    %broadcast_in_dim3A_912 = vector.broadcast %jit3A_910 : i32 to vector<16xi32>
    %select_n3A_913 = arith.select %ge3A_908, %broadcast_in_dim3A_911, %broadcast_in_dim3A_912 : vector<16xi1>, vector<16xi32>
    %add3A_914 = arith.addi %add3A_906, %select_n3A_913 : vector<16xi32>
    %ge3A_915 = vector.broadcast %reduce_sum3A_99 : i32 to vector<16xi32>
    %ge3A_916 = arith.cmpi sge, %add3A_880, %ge3A_915 : vector<16xi32>
    %sub3A_917 = arith.subi %sub3A_258, %sub3A_257 : i32
    %jit3A_918 = arith.constant 0 : i32
    %broadcast_in_dim3A_919 = vector.broadcast %sub3A_917 : i32 to vector<16xi32>
    %broadcast_in_dim3A_920 = vector.broadcast %jit3A_918 : i32 to vector<16xi32>
    %select_n3A_921 = arith.select %ge3A_916, %broadcast_in_dim3A_919, %broadcast_in_dim3A_920 : vector<16xi1>, vector<16xi32>
    %add3A_922 = arith.addi %add3A_914, %select_n3A_921 : vector<16xi32>
    %ge3A_923 = vector.broadcast %reduce_sum3A_109 : i32 to vector<16xi32>
    %ge3A_924 = arith.cmpi sge, %add3A_880, %ge3A_923 : vector<16xi32>
    %sub3A_925 = arith.subi %sub3A_259, %sub3A_258 : i32
    %jit3A_926 = arith.constant 0 : i32
    %broadcast_in_dim3A_927 = vector.broadcast %sub3A_925 : i32 to vector<16xi32>
    %broadcast_in_dim3A_928 = vector.broadcast %jit3A_926 : i32 to vector<16xi32>
    %select_n3A_929 = arith.select %ge3A_924, %broadcast_in_dim3A_927, %broadcast_in_dim3A_928 : vector<16xi1>, vector<16xi32>
    %add3A_930 = arith.addi %add3A_922, %select_n3A_929 : vector<16xi32>
    %ge3A_931 = vector.broadcast %reduce_sum3A_119 : i32 to vector<16xi32>
    %ge3A_932 = arith.cmpi sge, %add3A_880, %ge3A_931 : vector<16xi32>
    %sub3A_933 = arith.subi %sub3A_260, %sub3A_259 : i32
    %jit3A_934 = arith.constant 0 : i32
    %broadcast_in_dim3A_935 = vector.broadcast %sub3A_933 : i32 to vector<16xi32>
    %broadcast_in_dim3A_936 = vector.broadcast %jit3A_934 : i32 to vector<16xi32>
    %select_n3A_937 = arith.select %ge3A_932, %broadcast_in_dim3A_935, %broadcast_in_dim3A_936 : vector<16xi1>, vector<16xi32>
    %add3A_938 = arith.addi %add3A_930, %select_n3A_937 : vector<16xi32>
    %ge3A_939 = vector.broadcast %reduce_sum3A_129 : i32 to vector<16xi32>
    %ge3A_940 = arith.cmpi sge, %add3A_880, %ge3A_939 : vector<16xi32>
    %sub3A_941 = arith.subi %sub3A_261, %sub3A_260 : i32
    %jit3A_942 = arith.constant 0 : i32
    %broadcast_in_dim3A_943 = vector.broadcast %sub3A_941 : i32 to vector<16xi32>
    %broadcast_in_dim3A_944 = vector.broadcast %jit3A_942 : i32 to vector<16xi32>
    %select_n3A_945 = arith.select %ge3A_940, %broadcast_in_dim3A_943, %broadcast_in_dim3A_944 : vector<16xi1>, vector<16xi32>
    %add3A_946 = arith.addi %add3A_938, %select_n3A_945 : vector<16xi32>
    %swap3A_947 = arith.constant 16 : index
    %swap3A_948 = tpu.vector_load %arg14[%swap3A_947] {strides = array<i32>} : memref<32xi32, #tpu.memory_space<vmem>>, vector<16xi32>,
    tpu.vector_store %arg14[%swap3A_947], %add3A_946 {strides = array<i32>} : memref<32xi32, #tpu.memory_space<vmem>>, vector<16xi32>,
    %dma_start3A_949 = arith.constant 0 : i32
    %dma_start3A_950 = arith.constant 0 : i32
    %dma_start3A_951 = tpu.memref_slice %arg6[%dma_start3A_949, %dma_start3A_950] : memref<16384x1024xf32, #tpu.memory_space<hbm>> -> memref<16384x1024xf32, #tpu.memory_space<hbm>>
    tpu.enqueue_indirect_dma source(%arg11 : memref<32x1024xf32, #tpu.memory_space<vmem>>) target(%dma_start3A_951 : memref<16384x1024xf32, #tpu.memory_space<hbm>>) offsets(%arg14 : memref<32xi32, #tpu.memory_space<vmem>>) semaphore(%arg20 : memref<!tpu.dma_semaphore, #tpu.memory_space<semaphore_mem>>)
    %dma_wait3A_952 = arith.constant 0 : i32
    %dma_wait3A_953 = arith.constant 0 : i32
    %dma_wait3A_954 = tpu.memref_slice %arg6[%dma_wait3A_952, %dma_wait3A_953] : memref<16384x1024xf32, #tpu.memory_space<hbm>> -> memref<16384x1024xf32, #tpu.memory_space<hbm>>
    tpu.wait_indirect_dma semaphore(%arg22 : memref<!tpu.dma_semaphore, #tpu.memory_space<semaphore_mem>>) src(%arg13 : memref<32x1024xf32, #tpu.memory_space<vmem>>) dst(%dma_wait3A_954 : memref<16384x1024xf32, #tpu.memory_space<hbm>>)
    %dma_start3A_955 = arith.constant 0 : i32
    %dma_start3A_956 = tpu.memref_slice %arg2[%add3A_14, %dma_start3A_955] : memref<8192x1024xf32, #tpu.memory_space<hbm>> -> memref<32x1024xf32, #tpu.memory_space<hbm>>
    %dma_start3A_957 = arith.constant 0 : i32
    %dma_start3A_958 = tpu.memref_slice %arg2[%add3A_14, %dma_start3A_957] : memref<8192x1024xf32, #tpu.memory_space<hbm>> -> memref<32x1024xf32, #tpu.memory_space<hbm>>
    tpu.enqueue_dma source(%dma_start3A_958 : memref<32x1024xf32, #tpu.memory_space<hbm>>) target(%arg13 : memref<32x1024xf32, #tpu.memory_space<vmem>>) target_semaphore(%arg19 : memref<!tpu.dma_semaphore, #tpu.memory_space<semaphore_mem>>)
    %dma_wait3A_959 = arith.constant 0 : i32
    %dma_wait3A_960 = tpu.memref_slice %arg2[%add3A_12, %dma_wait3A_959] : memref<8192x1024xf32, #tpu.memory_space<hbm>> -> memref<32x1024xf32, #tpu.memory_space<hbm>>
    %dma_wait3A_961 = arith.constant 0 : i32
    %dma_wait3A_962 = tpu.memref_slice %arg2[%add3A_12, %dma_wait3A_961] : memref<8192x1024xf32, #tpu.memory_space<hbm>> -> memref<32x1024xf32, #tpu.memory_space<hbm>>
    tpu.wait_dma2 semaphore(%arg18 : memref<!tpu.dma_semaphore, #tpu.memory_space<semaphore_mem>>) src(%dma_wait3A_962 : memref<32x1024xf32, #tpu.memory_space<hbm>>) dst(%arg12 : memref<32x1024xf32, #tpu.memory_space<vmem>>)
    %add3A_963 = arith.constant 0 : i32
    %add3A_964 = arith.addi %add3A_12, %add3A_963 : i32
    %add3A_965 = vector.broadcast %add3A_964 : i32 to vector<16xi32>
    %add3A_966 = arith.addi %add3A_965, %iota3A : vector<16xi32>
    %add3A_967 = vector.broadcast %sub3A_253 : i32 to vector<16xi32>
    %add3A_968 = arith.addi %add3A_966, %add3A_967 : vector<16xi32>
    %ge3A_969 = vector.broadcast %reduce_sum3A_59 : i32 to vector<16xi32>
    %ge3A_970 = arith.cmpi sge, %add3A_966, %ge3A_969 : vector<16xi32>
    %sub3A_971 = arith.subi %sub3A_254, %sub3A_253 : i32
    %jit3A_972 = arith.constant 0 : i32
    %broadcast_in_dim3A_973 = vector.broadcast %sub3A_971 : i32 to vector<16xi32>
    %broadcast_in_dim3A_974 = vector.broadcast %jit3A_972 : i32 to vector<16xi32>
    %select_n3A_975 = arith.select %ge3A_970, %broadcast_in_dim3A_973, %broadcast_in_dim3A_974 : vector<16xi1>, vector<16xi32>
    %add3A_976 = arith.addi %add3A_968, %select_n3A_975 : vector<16xi32>
    %ge3A_977 = vector.broadcast %reduce_sum3A_69 : i32 to vector<16xi32>
    %ge3A_978 = arith.cmpi sge, %add3A_966, %ge3A_977 : vector<16xi32>
    %sub3A_979 = arith.subi %sub3A_255, %sub3A_254 : i32
    %jit3A_980 = arith.constant 0 : i32
    %broadcast_in_dim3A_981 = vector.broadcast %sub3A_979 : i32 to vector<16xi32>
    %broadcast_in_dim3A_982 = vector.broadcast %jit3A_980 : i32 to vector<16xi32>
    %select_n3A_983 = arith.select %ge3A_978, %broadcast_in_dim3A_981, %broadcast_in_dim3A_982 : vector<16xi1>, vector<16xi32>
    %add3A_984 = arith.addi %add3A_976, %select_n3A_983 : vector<16xi32>
    %ge3A_985 = vector.broadcast %reduce_sum3A_79 : i32 to vector<16xi32>
    %ge3A_986 = arith.cmpi sge, %add3A_966, %ge3A_985 : vector<16xi32>
    %sub3A_987 = arith.subi %sub3A_256, %sub3A_255 : i32
    %jit3A_988 = arith.constant 0 : i32
    %broadcast_in_dim3A_989 = vector.broadcast %sub3A_987 : i32 to vector<16xi32>
    %broadcast_in_dim3A_990 = vector.broadcast %jit3A_988 : i32 to vector<16xi32>
    %select_n3A_991 = arith.select %ge3A_986, %broadcast_in_dim3A_989, %broadcast_in_dim3A_990 : vector<16xi1>, vector<16xi32>
    %add3A_992 = arith.addi %add3A_984, %select_n3A_991 : vector<16xi32>
    %ge3A_993 = vector.broadcast %reduce_sum3A_89 : i32 to vector<16xi32>
    %ge3A_994 = arith.cmpi sge, %add3A_966, %ge3A_993 : vector<16xi32>
    %sub3A_995 = arith.subi %sub3A_257, %sub3A_256 : i32
    %jit3A_996 = arith.constant 0 : i32
    %broadcast_in_dim3A_997 = vector.broadcast %sub3A_995 : i32 to vector<16xi32>
    %broadcast_in_dim3A_998 = vector.broadcast %jit3A_996 : i32 to vector<16xi32>
    %select_n3A_999 = arith.select %ge3A_994, %broadcast_in_dim3A_997, %broadcast_in_dim3A_998 : vector<16xi1>, vector<16xi32>
    %add3A_1000 = arith.addi %add3A_992, %select_n3A_999 : vector<16xi32>
    %ge3A_1001 = vector.broadcast %reduce_sum3A_99 : i32 to vector<16xi32>
    %ge3A_1002 = arith.cmpi sge, %add3A_966, %ge3A_1001 : vector<16xi32>
    %sub3A_1003 = arith.subi %sub3A_258, %sub3A_257 : i32
    %jit3A_1004 = arith.constant 0 : i32
    %broadcast_in_dim3A_1005 = vector.broadcast %sub3A_1003 : i32 to vector<16xi32>
    %broadcast_in_dim3A_1006 = vector.broadcast %jit3A_1004 : i32 to vector<16xi32>
    %select_n3A_1007 = arith.select %ge3A_1002, %broadcast_in_dim3A_1005, %broadcast_in_dim3A_1006 : vector<16xi1>, vector<16xi32>
    %add3A_1008 = arith.addi %add3A_1000, %select_n3A_1007 : vector<16xi32>
    %ge3A_1009 = vector.broadcast %reduce_sum3A_109 : i32 to vector<16xi32>
    %ge3A_1010 = arith.cmpi sge, %add3A_966, %ge3A_1009 : vector<16xi32>
    %sub3A_1011 = arith.subi %sub3A_259, %sub3A_258 : i32
    %jit3A_1012 = arith.constant 0 : i32
    %broadcast_in_dim3A_1013 = vector.broadcast %sub3A_1011 : i32 to vector<16xi32>
    %broadcast_in_dim3A_1014 = vector.broadcast %jit3A_1012 : i32 to vector<16xi32>
    %select_n3A_1015 = arith.select %ge3A_1010, %broadcast_in_dim3A_1013, %broadcast_in_dim3A_1014 : vector<16xi1>, vector<16xi32>
    %add3A_1016 = arith.addi %add3A_1008, %select_n3A_1015 : vector<16xi32>
    %ge3A_1017 = vector.broadcast %reduce_sum3A_119 : i32 to vector<16xi32>
    %ge3A_1018 = arith.cmpi sge, %add3A_966, %ge3A_1017 : vector<16xi32>
    %sub3A_1019 = arith.subi %sub3A_260, %sub3A_259 : i32
    %jit3A_1020 = arith.constant 0 : i32
    %broadcast_in_dim3A_1021 = vector.broadcast %sub3A_1019 : i32 to vector<16xi32>
    %broadcast_in_dim3A_1022 = vector.broadcast %jit3A_1020 : i32 to vector<16xi32>
    %select_n3A_1023 = arith.select %ge3A_1018, %broadcast_in_dim3A_1021, %broadcast_in_dim3A_1022 : vector<16xi1>, vector<16xi32>
    %add3A_1024 = arith.addi %add3A_1016, %select_n3A_1023 : vector<16xi32>
    %ge3A_1025 = vector.broadcast %reduce_sum3A_129 : i32 to vector<16xi32>
    %ge3A_1026 = arith.cmpi sge, %add3A_966, %ge3A_1025 : vector<16xi32>
    %sub3A_1027 = arith.subi %sub3A_261, %sub3A_260 : i32
    %jit3A_1028 = arith.constant 0 : i32
    %broadcast_in_dim3A_1029 = vector.broadcast %sub3A_1027 : i32 to vector<16xi32>
    %broadcast_in_dim3A_1030 = vector.broadcast %jit3A_1028 : i32 to vector<16xi32>
    %select_n3A_1031 = arith.select %ge3A_1026, %broadcast_in_dim3A_1029, %broadcast_in_dim3A_1030 : vector<16xi1>, vector<16xi32>
    %add3A_1032 = arith.addi %add3A_1024, %select_n3A_1031 : vector<16xi32>
    %swap3A_1033 = arith.constant 0 : index
    %swap3A_1034 = tpu.vector_load %arg15[%swap3A_1033] {strides = array<i32>} : memref<32xi32, #tpu.memory_space<vmem>>, vector<16xi32>,
    tpu.vector_store %arg15[%swap3A_1033], %add3A_1032 {strides = array<i32>} : memref<32xi32, #tpu.memory_space<vmem>>, vector<16xi32>,
    %add3A_1035 = arith.constant 16 : i32
    %add3A_1036 = arith.addi %add3A_12, %add3A_1035 : i32
    %add3A_1037 = vector.broadcast %add3A_1036 : i32 to vector<16xi32>
    %add3A_1038 = arith.addi %add3A_1037, %iota3A : vector<16xi32>
    %add3A_1039 = vector.broadcast %sub3A_253 : i32 to vector<16xi32>
    %add3A_1040 = arith.addi %add3A_1038, %add3A_1039 : vector<16xi32>
    %ge3A_1041 = vector.broadcast %reduce_sum3A_59 : i32 to vector<16xi32>
    %ge3A_1042 = arith.cmpi sge, %add3A_1038, %ge3A_1041 : vector<16xi32>
    %sub3A_1043 = arith.subi %sub3A_254, %sub3A_253 : i32
    %jit3A_1044 = arith.constant 0 : i32
    %broadcast_in_dim3A_1045 = vector.broadcast %sub3A_1043 : i32 to vector<16xi32>
    %broadcast_in_dim3A_1046 = vector.broadcast %jit3A_1044 : i32 to vector<16xi32>
    %select_n3A_1047 = arith.select %ge3A_1042, %broadcast_in_dim3A_1045, %broadcast_in_dim3A_1046 : vector<16xi1>, vector<16xi32>
    %add3A_1048 = arith.addi %add3A_1040, %select_n3A_1047 : vector<16xi32>
    %ge3A_1049 = vector.broadcast %reduce_sum3A_69 : i32 to vector<16xi32>
    %ge3A_1050 = arith.cmpi sge, %add3A_1038, %ge3A_1049 : vector<16xi32>
    %sub3A_1051 = arith.subi %sub3A_255, %sub3A_254 : i32
    %jit3A_1052 = arith.constant 0 : i32
    %broadcast_in_dim3A_1053 = vector.broadcast %sub3A_1051 : i32 to vector<16xi32>
    %broadcast_in_dim3A_1054 = vector.broadcast %jit3A_1052 : i32 to vector<16xi32>
    %select_n3A_1055 = arith.select %ge3A_1050, %broadcast_in_dim3A_1053, %broadcast_in_dim3A_1054 : vector<16xi1>, vector<16xi32>
    %add3A_1056 = arith.addi %add3A_1048, %select_n3A_1055 : vector<16xi32>
    %ge3A_1057 = vector.broadcast %reduce_sum3A_79 : i32 to vector<16xi32>
    %ge3A_1058 = arith.cmpi sge, %add3A_1038, %ge3A_1057 : vector<16xi32>
    %sub3A_1059 = arith.subi %sub3A_256, %sub3A_255 : i32
    %jit3A_1060 = arith.constant 0 : i32
    %broadcast_in_dim3A_1061 = vector.broadcast %sub3A_1059 : i32 to vector<16xi32>
    %broadcast_in_dim3A_1062 = vector.broadcast %jit3A_1060 : i32 to vector<16xi32>
    %select_n3A_1063 = arith.select %ge3A_1058, %broadcast_in_dim3A_1061, %broadcast_in_dim3A_1062 : vector<16xi1>, vector<16xi32>
    %add3A_1064 = arith.addi %add3A_1056, %select_n3A_1063 : vector<16xi32>
    %ge3A_1065 = vector.broadcast %reduce_sum3A_89 : i32 to vector<16xi32>
    %ge3A_1066 = arith.cmpi sge, %add3A_1038, %ge3A_1065 : vector<16xi32>
    %sub3A_1067 = arith.subi %sub3A_257, %sub3A_256 : i32
    %jit3A_1068 = arith.constant 0 : i32
    %broadcast_in_dim3A_1069 = vector.broadcast %sub3A_1067 : i32 to vector<16xi32>
    %broadcast_in_dim3A_1070 = vector.broadcast %jit3A_1068 : i32 to vector<16xi32>
    %select_n3A_1071 = arith.select %ge3A_1066, %broadcast_in_dim3A_1069, %broadcast_in_dim3A_1070 : vector<16xi1>, vector<16xi32>
    %add3A_1072 = arith.addi %add3A_1064, %select_n3A_1071 : vector<16xi32>
    %ge3A_1073 = vector.broadcast %reduce_sum3A_99 : i32 to vector<16xi32>
    %ge3A_1074 = arith.cmpi sge, %add3A_1038, %ge3A_1073 : vector<16xi32>
    %sub3A_1075 = arith.subi %sub3A_258, %sub3A_257 : i32
    %jit3A_1076 = arith.constant 0 : i32
    %broadcast_in_dim3A_1077 = vector.broadcast %sub3A_1075 : i32 to vector<16xi32>
    %broadcast_in_dim3A_1078 = vector.broadcast %jit3A_1076 : i32 to vector<16xi32>
    %select_n3A_1079 = arith.select %ge3A_1074, %broadcast_in_dim3A_1077, %broadcast_in_dim3A_1078 : vector<16xi1>, vector<16xi32>
    %add3A_1080 = arith.addi %add3A_1072, %select_n3A_1079 : vector<16xi32>
    %ge3A_1081 = vector.broadcast %reduce_sum3A_109 : i32 to vector<16xi32>
    %ge3A_1082 = arith.cmpi sge, %add3A_1038, %ge3A_1081 : vector<16xi32>
    %sub3A_1083 = arith.subi %sub3A_259, %sub3A_258 : i32
    %jit3A_1084 = arith.constant 0 : i32
    %broadcast_in_dim3A_1085 = vector.broadcast %sub3A_1083 : i32 to vector<16xi32>
    %broadcast_in_dim3A_1086 = vector.broadcast %jit3A_1084 : i32 to vector<16xi32>
    %select_n3A_1087 = arith.select %ge3A_1082, %broadcast_in_dim3A_1085, %broadcast_in_dim3A_1086 : vector<16xi1>, vector<16xi32>
    %add3A_1088 = arith.addi %add3A_1080, %select_n3A_1087 : vector<16xi32>
    %ge3A_1089 = vector.broadcast %reduce_sum3A_119 : i32 to vector<16xi32>
    %ge3A_1090 = arith.cmpi sge, %add3A_1038, %ge3A_1089 : vector<16xi32>
    %sub3A_1091 = arith.subi %sub3A_260, %sub3A_259 : i32
    %jit3A_1092 = arith.constant 0 : i32
    %broadcast_in_dim3A_1093 = vector.broadcast %sub3A_1091 : i32 to vector<16xi32>
    %broadcast_in_dim3A_1094 = vector.broadcast %jit3A_1092 : i32 to vector<16xi32>
    %select_n3A_1095 = arith.select %ge3A_1090, %broadcast_in_dim3A_1093, %broadcast_in_dim3A_1094 : vector<16xi1>, vector<16xi32>
    %add3A_1096 = arith.addi %add3A_1088, %select_n3A_1095 : vector<16xi32>
    %ge3A_1097 = vector.broadcast %reduce_sum3A_129 : i32 to vector<16xi32>
    %ge3A_1098 = arith.cmpi sge, %add3A_1038, %ge3A_1097 : vector<16xi32>
    %sub3A_1099 = arith.subi %sub3A_261, %sub3A_260 : i32
    %jit3A_1100 = arith.constant 0 : i32
    %broadcast_in_dim3A_1101 = vector.broadcast %sub3A_1099 : i32 to vector<16xi32>
    %broadcast_in_dim3A_1102 = vector.broadcast %jit3A_1100 : i32 to vector<16xi32>
    %select_n3A_1103 = arith.select %ge3A_1098, %broadcast_in_dim3A_1101, %broadcast_in_dim3A_1102 : vector<16xi1>, vector<16xi32>
    %add3A_1104 = arith.addi %add3A_1096, %select_n3A_1103 : vector<16xi32>
    %swap3A_1105 = arith.constant 16 : index
    %swap3A_1106 = tpu.vector_load %arg15[%swap3A_1105] {strides = array<i32>} : memref<32xi32, #tpu.memory_space<vmem>>, vector<16xi32>,
    tpu.vector_store %arg15[%swap3A_1105], %add3A_1104 {strides = array<i32>} : memref<32xi32, #tpu.memory_space<vmem>>, vector<16xi32>,
    %dma_start3A_1107 = arith.constant 0 : i32
    %dma_start3A_1108 = arith.constant 0 : i32
    %dma_start3A_1109 = tpu.memref_slice %arg6[%dma_start3A_1107, %dma_start3A_1108] : memref<16384x1024xf32, #tpu.memory_space<hbm>> -> memref<16384x1024xf32, #tpu.memory_space<hbm>>
    tpu.enqueue_indirect_dma source(%arg12 : memref<32x1024xf32, #tpu.memory_space<vmem>>) target(%dma_start3A_1109 : memref<16384x1024xf32, #tpu.memory_space<hbm>>) offsets(%arg15 : memref<32xi32, #tpu.memory_space<vmem>>) semaphore(%arg21 : memref<!tpu.dma_semaphore, #tpu.memory_space<semaphore_mem>>)
    %dma_wait3A_1110 = arith.constant 0 : i32
    %dma_wait3A_1111 = arith.constant 0 : i32
    %dma_wait3A_1112 = tpu.memref_slice %arg6[%dma_wait3A_1110, %dma_wait3A_1111] : memref<16384x1024xf32, #tpu.memory_space<hbm>> -> memref<16384x1024xf32, #tpu.memory_space<hbm>>
    tpu.wait_indirect_dma semaphore(%arg20 : memref<!tpu.dma_semaphore, #tpu.memory_space<semaphore_mem>>) src(%arg11 : memref<32x1024xf32, #tpu.memory_space<vmem>>) dst(%dma_wait3A_1112 : memref<16384x1024xf32, #tpu.memory_space<hbm>>)
    %dma_start3A_1113 = arith.constant 0 : i32
    %dma_start3A_1114 = tpu.memref_slice %arg2[%add3A_16, %dma_start3A_1113] : memref<8192x1024xf32, #tpu.memory_space<hbm>> -> memref<32x1024xf32, #tpu.memory_space<hbm>>
    %dma_start3A_1115 = arith.constant 0 : i32
    %dma_start3A_1116 = tpu.memref_slice %arg2[%add3A_16, %dma_start3A_1115] : memref<8192x1024xf32, #tpu.memory_space<hbm>> -> memref<32x1024xf32, #tpu.memory_space<hbm>>
    tpu.enqueue_dma source(%dma_start3A_1116 : memref<32x1024xf32, #tpu.memory_space<hbm>>) target(%arg11 : memref<32x1024xf32, #tpu.memory_space<vmem>>) target_semaphore(%arg17 : memref<!tpu.dma_semaphore, #tpu.memory_space<semaphore_mem>>)
    %dma_wait3A_1117 = arith.constant 0 : i32
    %dma_wait3A_1118 = tpu.memref_slice %arg2[%add3A_14, %dma_wait3A_1117] : memref<8192x1024xf32, #tpu.memory_space<hbm>> -> memref<32x1024xf32, #tpu.memory_space<hbm>>
    %dma_wait3A_1119 = arith.constant 0 : i32
    %dma_wait3A_1120 = tpu.memref_slice %arg2[%add3A_14, %dma_wait3A_1119] : memref<8192x1024xf32, #tpu.memory_space<hbm>> -> memref<32x1024xf32, #tpu.memory_space<hbm>>
    tpu.wait_dma2 semaphore(%arg19 : memref<!tpu.dma_semaphore, #tpu.memory_space<semaphore_mem>>) src(%dma_wait3A_1120 : memref<32x1024xf32, #tpu.memory_space<hbm>>) dst(%arg13 : memref<32x1024xf32, #tpu.memory_space<vmem>>)
    %add3A_1121 = arith.constant 0 : i32
    %add3A_1122 = arith.addi %add3A_14, %add3A_1121 : i32
    %add3A_1123 = vector.broadcast %add3A_1122 : i32 to vector<16xi32>
    %add3A_1124 = arith.addi %add3A_1123, %iota3A : vector<16xi32>
    %add3A_1125 = vector.broadcast %sub3A_253 : i32 to vector<16xi32>
    %add3A_1126 = arith.addi %add3A_1124, %add3A_1125 : vector<16xi32>
    %ge3A_1127 = vector.broadcast %reduce_sum3A_59 : i32 to vector<16xi32>
    %ge3A_1128 = arith.cmpi sge, %add3A_1124, %ge3A_1127 : vector<16xi32>
    %sub3A_1129 = arith.subi %sub3A_254, %sub3A_253 : i32
    %jit3A_1130 = arith.constant 0 : i32
    %broadcast_in_dim3A_1131 = vector.broadcast %sub3A_1129 : i32 to vector<16xi32>
    %broadcast_in_dim3A_1132 = vector.broadcast %jit3A_1130 : i32 to vector<16xi32>
    %select_n3A_1133 = arith.select %ge3A_1128, %broadcast_in_dim3A_1131, %broadcast_in_dim3A_1132 : vector<16xi1>, vector<16xi32>
    %add3A_1134 = arith.addi %add3A_1126, %select_n3A_1133 : vector<16xi32>
    %ge3A_1135 = vector.broadcast %reduce_sum3A_69 : i32 to vector<16xi32>
    %ge3A_1136 = arith.cmpi sge, %add3A_1124, %ge3A_1135 : vector<16xi32>
    %sub3A_1137 = arith.subi %sub3A_255, %sub3A_254 : i32
    %jit3A_1138 = arith.constant 0 : i32
    %broadcast_in_dim3A_1139 = vector.broadcast %sub3A_1137 : i32 to vector<16xi32>
    %broadcast_in_dim3A_1140 = vector.broadcast %jit3A_1138 : i32 to vector<16xi32>
    %select_n3A_1141 = arith.select %ge3A_1136, %broadcast_in_dim3A_1139, %broadcast_in_dim3A_1140 : vector<16xi1>, vector<16xi32>
    %add3A_1142 = arith.addi %add3A_1134, %select_n3A_1141 : vector<16xi32>
    %ge3A_1143 = vector.broadcast %reduce_sum3A_79 : i32 to vector<16xi32>
    %ge3A_1144 = arith.cmpi sge, %add3A_1124, %ge3A_1143 : vector<16xi32>
    %sub3A_1145 = arith.subi %sub3A_256, %sub3A_255 : i32
    %jit3A_1146 = arith.constant 0 : i32
    %broadcast_in_dim3A_1147 = vector.broadcast %sub3A_1145 : i32 to vector<16xi32>
    %broadcast_in_dim3A_1148 = vector.broadcast %jit3A_1146 : i32 to vector<16xi32>
    %select_n3A_1149 = arith.select %ge3A_1144, %broadcast_in_dim3A_1147, %broadcast_in_dim3A_1148 : vector<16xi1>, vector<16xi32>
    %add3A_1150 = arith.addi %add3A_1142, %select_n3A_1149 : vector<16xi32>
    %ge3A_1151 = vector.broadcast %reduce_sum3A_89 : i32 to vector<16xi32>
    %ge3A_1152 = arith.cmpi sge, %add3A_1124, %ge3A_1151 : vector<16xi32>
    %sub3A_1153 = arith.subi %sub3A_257, %sub3A_256 : i32
    %jit3A_1154 = arith.constant 0 : i32
    %broadcast_in_dim3A_1155 = vector.broadcast %sub3A_1153 : i32 to vector<16xi32>
    %broadcast_in_dim3A_1156 = vector.broadcast %jit3A_1154 : i32 to vector<16xi32>
    %select_n3A_1157 = arith.select %ge3A_1152, %broadcast_in_dim3A_1155, %broadcast_in_dim3A_1156 : vector<16xi1>, vector<16xi32>
    %add3A_1158 = arith.addi %add3A_1150, %select_n3A_1157 : vector<16xi32>
    %ge3A_1159 = vector.broadcast %reduce_sum3A_99 : i32 to vector<16xi32>
    %ge3A_1160 = arith.cmpi sge, %add3A_1124, %ge3A_1159 : vector<16xi32>
    %sub3A_1161 = arith.subi %sub3A_258, %sub3A_257 : i32
    %jit3A_1162 = arith.constant 0 : i32
    %broadcast_in_dim3A_1163 = vector.broadcast %sub3A_1161 : i32 to vector<16xi32>
    %broadcast_in_dim3A_1164 = vector.broadcast %jit3A_1162 : i32 to vector<16xi32>
    %select_n3A_1165 = arith.select %ge3A_1160, %broadcast_in_dim3A_1163, %broadcast_in_dim3A_1164 : vector<16xi1>, vector<16xi32>
    %add3A_1166 = arith.addi %add3A_1158, %select_n3A_1165 : vector<16xi32>
    %ge3A_1167 = vector.broadcast %reduce_sum3A_109 : i32 to vector<16xi32>
    %ge3A_1168 = arith.cmpi sge, %add3A_1124, %ge3A_1167 : vector<16xi32>
    %sub3A_1169 = arith.subi %sub3A_259, %sub3A_258 : i32
    %jit3A_1170 = arith.constant 0 : i32
    %broadcast_in_dim3A_1171 = vector.broadcast %sub3A_1169 : i32 to vector<16xi32>
    %broadcast_in_dim3A_1172 = vector.broadcast %jit3A_1170 : i32 to vector<16xi32>
    %select_n3A_1173 = arith.select %ge3A_1168, %broadcast_in_dim3A_1171, %broadcast_in_dim3A_1172 : vector<16xi1>, vector<16xi32>
    %add3A_1174 = arith.addi %add3A_1166, %select_n3A_1173 : vector<16xi32>
    %ge3A_1175 = vector.broadcast %reduce_sum3A_119 : i32 to vector<16xi32>
    %ge3A_1176 = arith.cmpi sge, %add3A_1124, %ge3A_1175 : vector<16xi32>
    %sub3A_1177 = arith.subi %sub3A_260, %sub3A_259 : i32
    %jit3A_1178 = arith.constant 0 : i32
    %broadcast_in_dim3A_1179 = vector.broadcast %sub3A_1177 : i32 to vector<16xi32>
    %broadcast_in_dim3A_1180 = vector.broadcast %jit3A_1178 : i32 to vector<16xi32>
    %select_n3A_1181 = arith.select %ge3A_1176, %broadcast_in_dim3A_1179, %broadcast_in_dim3A_1180 : vector<16xi1>, vector<16xi32>
    %add3A_1182 = arith.addi %add3A_1174, %select_n3A_1181 : vector<16xi32>
    %ge3A_1183 = vector.broadcast %reduce_sum3A_129 : i32 to vector<16xi32>
    %ge3A_1184 = arith.cmpi sge, %add3A_1124, %ge3A_1183 : vector<16xi32>
    %sub3A_1185 = arith.subi %sub3A_261, %sub3A_260 : i32
    %jit3A_1186 = arith.constant 0 : i32
    %broadcast_in_dim3A_1187 = vector.broadcast %sub3A_1185 : i32 to vector<16xi32>
    %broadcast_in_dim3A_1188 = vector.broadcast %jit3A_1186 : i32 to vector<16xi32>
    %select_n3A_1189 = arith.select %ge3A_1184, %broadcast_in_dim3A_1187, %broadcast_in_dim3A_1188 : vector<16xi1>, vector<16xi32>
    %add3A_1190 = arith.addi %add3A_1182, %select_n3A_1189 : vector<16xi32>
    %swap3A_1191 = arith.constant 0 : index
    %swap3A_1192 = tpu.vector_load %arg16[%swap3A_1191] {strides = array<i32>} : memref<32xi32, #tpu.memory_space<vmem>>, vector<16xi32>,
    tpu.vector_store %arg16[%swap3A_1191], %add3A_1190 {strides = array<i32>} : memref<32xi32, #tpu.memory_space<vmem>>, vector<16xi32>,
    %add3A_1193 = arith.constant 16 : i32
    %add3A_1194 = arith.addi %add3A_14, %add3A_1193 : i32
    %add3A_1195 = vector.broadcast %add3A_1194 : i32 to vector<16xi32>
    %add3A_1196 = arith.addi %add3A_1195, %iota3A : vector<16xi32>
    %add3A_1197 = vector.broadcast %sub3A_253 : i32 to vector<16xi32>
    %add3A_1198 = arith.addi %add3A_1196, %add3A_1197 : vector<16xi32>
    %ge3A_1199 = vector.broadcast %reduce_sum3A_59 : i32 to vector<16xi32>
    %ge3A_1200 = arith.cmpi sge, %add3A_1196, %ge3A_1199 : vector<16xi32>
    %sub3A_1201 = arith.subi %sub3A_254, %sub3A_253 : i32
    %jit3A_1202 = arith.constant 0 : i32
    %broadcast_in_dim3A_1203 = vector.broadcast %sub3A_1201 : i32 to vector<16xi32>
    %broadcast_in_dim3A_1204 = vector.broadcast %jit3A_1202 : i32 to vector<16xi32>
    %select_n3A_1205 = arith.select %ge3A_1200, %broadcast_in_dim3A_1203, %broadcast_in_dim3A_1204 : vector<16xi1>, vector<16xi32>
    %add3A_1206 = arith.addi %add3A_1198, %select_n3A_1205 : vector<16xi32>
    %ge3A_1207 = vector.broadcast %reduce_sum3A_69 : i32 to vector<16xi32>
    %ge3A_1208 = arith.cmpi sge, %add3A_1196, %ge3A_1207 : vector<16xi32>
    %sub3A_1209 = arith.subi %sub3A_255, %sub3A_254 : i32
    %jit3A_1210 = arith.constant 0 : i32
    %broadcast_in_dim3A_1211 = vector.broadcast %sub3A_1209 : i32 to vector<16xi32>
    %broadcast_in_dim3A_1212 = vector.broadcast %jit3A_1210 : i32 to vector<16xi32>
    %select_n3A_1213 = arith.select %ge3A_1208, %broadcast_in_dim3A_1211, %broadcast_in_dim3A_1212 : vector<16xi1>, vector<16xi32>
    %add3A_1214 = arith.addi %add3A_1206, %select_n3A_1213 : vector<16xi32>
    %ge3A_1215 = vector.broadcast %reduce_sum3A_79 : i32 to vector<16xi32>
    %ge3A_1216 = arith.cmpi sge, %add3A_1196, %ge3A_1215 : vector<16xi32>
    %sub3A_1217 = arith.subi %sub3A_256, %sub3A_255 : i32
    %jit3A_1218 = arith.constant 0 : i32
    %broadcast_in_dim3A_1219 = vector.broadcast %sub3A_1217 : i32 to vector<16xi32>
    %broadcast_in_dim3A_1220 = vector.broadcast %jit3A_1218 : i32 to vector<16xi32>
    %select_n3A_1221 = arith.select %ge3A_1216, %broadcast_in_dim3A_1219, %broadcast_in_dim3A_1220 : vector<16xi1>, vector<16xi32>
    %add3A_1222 = arith.addi %add3A_1214, %select_n3A_1221 : vector<16xi32>
    %ge3A_1223 = vector.broadcast %reduce_sum3A_89 : i32 to vector<16xi32>
    %ge3A_1224 = arith.cmpi sge, %add3A_1196, %ge3A_1223 : vector<16xi32>
    %sub3A_1225 = arith.subi %sub3A_257, %sub3A_256 : i32
    %jit3A_1226 = arith.constant 0 : i32
    %broadcast_in_dim3A_1227 = vector.broadcast %sub3A_1225 : i32 to vector<16xi32>
    %broadcast_in_dim3A_1228 = vector.broadcast %jit3A_1226 : i32 to vector<16xi32>
    %select_n3A_1229 = arith.select %ge3A_1224, %broadcast_in_dim3A_1227, %broadcast_in_dim3A_1228 : vector<16xi1>, vector<16xi32>
    %add3A_1230 = arith.addi %add3A_1222, %select_n3A_1229 : vector<16xi32>
    %ge3A_1231 = vector.broadcast %reduce_sum3A_99 : i32 to vector<16xi32>
    %ge3A_1232 = arith.cmpi sge, %add3A_1196, %ge3A_1231 : vector<16xi32>
    %sub3A_1233 = arith.subi %sub3A_258, %sub3A_257 : i32
    %jit3A_1234 = arith.constant 0 : i32
    %broadcast_in_dim3A_1235 = vector.broadcast %sub3A_1233 : i32 to vector<16xi32>
    %broadcast_in_dim3A_1236 = vector.broadcast %jit3A_1234 : i32 to vector<16xi32>
    %select_n3A_1237 = arith.select %ge3A_1232, %broadcast_in_dim3A_1235, %broadcast_in_dim3A_1236 : vector<16xi1>, vector<16xi32>
    %add3A_1238 = arith.addi %add3A_1230, %select_n3A_1237 : vector<16xi32>
    %ge3A_1239 = vector.broadcast %reduce_sum3A_109 : i32 to vector<16xi32>
    %ge3A_1240 = arith.cmpi sge, %add3A_1196, %ge3A_1239 : vector<16xi32>
    %sub3A_1241 = arith.subi %sub3A_259, %sub3A_258 : i32
    %jit3A_1242 = arith.constant 0 : i32
    %broadcast_in_dim3A_1243 = vector.broadcast %sub3A_1241 : i32 to vector<16xi32>
    %broadcast_in_dim3A_1244 = vector.broadcast %jit3A_1242 : i32 to vector<16xi32>
    %select_n3A_1245 = arith.select %ge3A_1240, %broadcast_in_dim3A_1243, %broadcast_in_dim3A_1244 : vector<16xi1>, vector<16xi32>
    %add3A_1246 = arith.addi %add3A_1238, %select_n3A_1245 : vector<16xi32>
    %ge3A_1247 = vector.broadcast %reduce_sum3A_119 : i32 to vector<16xi32>
    %ge3A_1248 = arith.cmpi sge, %add3A_1196, %ge3A_1247 : vector<16xi32>
    %sub3A_1249 = arith.subi %sub3A_260, %sub3A_259 : i32
    %jit3A_1250 = arith.constant 0 : i32
    %broadcast_in_dim3A_1251 = vector.broadcast %sub3A_1249 : i32 to vector<16xi32>
    %broadcast_in_dim3A_1252 = vector.broadcast %jit3A_1250 : i32 to vector<16xi32>
    %select_n3A_1253 = arith.select %ge3A_1248, %broadcast_in_dim3A_1251, %broadcast_in_dim3A_1252 : vector<16xi1>, vector<16xi32>
    %add3A_1254 = arith.addi %add3A_1246, %select_n3A_1253 : vector<16xi32>
    %ge3A_1255 = vector.broadcast %reduce_sum3A_129 : i32 to vector<16xi32>
    %ge3A_1256 = arith.cmpi sge, %add3A_1196, %ge3A_1255 : vector<16xi32>
    %sub3A_1257 = arith.subi %sub3A_261, %sub3A_260 : i32
    %jit3A_1258 = arith.constant 0 : i32
    %broadcast_in_dim3A_1259 = vector.broadcast %sub3A_1257 : i32 to vector<16xi32>
    %broadcast_in_dim3A_1260 = vector.broadcast %jit3A_1258 : i32 to vector<16xi32>
    %select_n3A_1261 = arith.select %ge3A_1256, %broadcast_in_dim3A_1259, %broadcast_in_dim3A_1260 : vector<16xi1>, vector<16xi32>
    %add3A_1262 = arith.addi %add3A_1254, %select_n3A_1261 : vector<16xi32>
    %swap3A_1263 = arith.constant 16 : index
    %swap3A_1264 = tpu.vector_load %arg16[%swap3A_1263] {strides = array<i32>} : memref<32xi32, #tpu.memory_space<vmem>>, vector<16xi32>,
    tpu.vector_store %arg16[%swap3A_1263], %add3A_1262 {strides = array<i32>} : memref<32xi32, #tpu.memory_space<vmem>>, vector<16xi32>,
    %dma_start3A_1265 = arith.constant 0 : i32
    %dma_start3A_1266 = arith.constant 0 : i32
    %dma_start3A_1267 = tpu.memref_slice %arg6[%dma_start3A_1265, %dma_start3A_1266] : memref<16384x1024xf32, #tpu.memory_space<hbm>> -> memref<16384x1024xf32, #tpu.memory_space<hbm>>
    tpu.enqueue_indirect_dma source(%arg13 : memref<32x1024xf32, #tpu.memory_space<vmem>>) target(%dma_start3A_1267 : memref<16384x1024xf32, #tpu.memory_space<hbm>>) offsets(%arg16 : memref<32xi32, #tpu.memory_space<vmem>>) semaphore(%arg22 : memref<!tpu.dma_semaphore, #tpu.memory_space<semaphore_mem>>)
    %dma_wait3A_1268 = arith.constant 0 : i32
    %dma_wait3A_1269 = arith.constant 0 : i32
    %dma_wait3A_1270 = tpu.memref_slice %arg6[%dma_wait3A_1268, %dma_wait3A_1269] : memref<16384x1024xf32, #tpu.memory_space<hbm>> -> memref<16384x1024xf32, #tpu.memory_space<hbm>>
    tpu.wait_indirect_dma semaphore(%arg21 : memref<!tpu.dma_semaphore, #tpu.memory_space<semaphore_mem>>) src(%arg12 : memref<32x1024xf32, #tpu.memory_space<vmem>>) dst(%dma_wait3A_1270 : memref<16384x1024xf32, #tpu.memory_space<hbm>>)
    %dma_start3A_1271 = arith.constant 0 : i32
    %dma_start3A_1272 = tpu.memref_slice %arg2[%add3A_18, %dma_start3A_1271] : memref<8192x1024xf32, #tpu.memory_space<hbm>> -> memref<32x1024xf32, #tpu.memory_space<hbm>>
    %dma_start3A_1273 = arith.constant 0 : i32
    %dma_start3A_1274 = tpu.memref_slice %arg2[%add3A_18, %dma_start3A_1273] : memref<8192x1024xf32, #tpu.memory_space<hbm>> -> memref<32x1024xf32, #tpu.memory_space<hbm>>
    tpu.enqueue_dma source(%dma_start3A_1274 : memref<32x1024xf32, #tpu.memory_space<hbm>>) target(%arg12 : memref<32x1024xf32, #tpu.memory_space<vmem>>) target_semaphore(%arg18 : memref<!tpu.dma_semaphore, #tpu.memory_space<semaphore_mem>>)
    %dma_wait3A_1275 = arith.constant 0 : i32
    %dma_wait3A_1276 = tpu.memref_slice %arg2[%add3A_16, %dma_wait3A_1275] : memref<8192x1024xf32, #tpu.memory_space<hbm>> -> memref<32x1024xf32, #tpu.memory_space<hbm>>
    %dma_wait3A_1277 = arith.constant 0 : i32
    %dma_wait3A_1278 = tpu.memref_slice %arg2[%add3A_16, %dma_wait3A_1277] : memref<8192x1024xf32, #tpu.memory_space<hbm>> -> memref<32x1024xf32, #tpu.memory_space<hbm>>
    tpu.wait_dma2 semaphore(%arg17 : memref<!tpu.dma_semaphore, #tpu.memory_space<semaphore_mem>>) src(%dma_wait3A_1278 : memref<32x1024xf32, #tpu.memory_space<hbm>>) dst(%arg11 : memref<32x1024xf32, #tpu.memory_space<vmem>>)
    %add3A_1279 = arith.constant 0 : i32
    %add3A_1280 = arith.addi %add3A_16, %add3A_1279 : i32
    %add3A_1281 = vector.broadcast %add3A_1280 : i32 to vector<16xi32>
    %add3A_1282 = arith.addi %add3A_1281, %iota3A : vector<16xi32>
    %add3A_1283 = vector.broadcast %sub3A_253 : i32 to vector<16xi32>
    %add3A_1284 = arith.addi %add3A_1282, %add3A_1283 : vector<16xi32>
    %ge3A_1285 = vector.broadcast %reduce_sum3A_59 : i32 to vector<16xi32>
    %ge3A_1286 = arith.cmpi sge, %add3A_1282, %ge3A_1285 : vector<16xi32>
    %sub3A_1287 = arith.subi %sub3A_254, %sub3A_253 : i32
    %jit3A_1288 = arith.constant 0 : i32
    %broadcast_in_dim3A_1289 = vector.broadcast %sub3A_1287 : i32 to vector<16xi32>
    %broadcast_in_dim3A_1290 = vector.broadcast %jit3A_1288 : i32 to vector<16xi32>
    %select_n3A_1291 = arith.select %ge3A_1286, %broadcast_in_dim3A_1289, %broadcast_in_dim3A_1290 : vector<16xi1>, vector<16xi32>
    %add3A_1292 = arith.addi %add3A_1284, %select_n3A_1291 : vector<16xi32>
    %ge3A_1293 = vector.broadcast %reduce_sum3A_69 : i32 to vector<16xi32>
    %ge3A_1294 = arith.cmpi sge, %add3A_1282, %ge3A_1293 : vector<16xi32>
    %sub3A_1295 = arith.subi %sub3A_255, %sub3A_254 : i32
    %jit3A_1296 = arith.constant 0 : i32
    %broadcast_in_dim3A_1297 = vector.broadcast %sub3A_1295 : i32 to vector<16xi32>
    %broadcast_in_dim3A_1298 = vector.broadcast %jit3A_1296 : i32 to vector<16xi32>
    %select_n3A_1299 = arith.select %ge3A_1294, %broadcast_in_dim3A_1297, %broadcast_in_dim3A_1298 : vector<16xi1>, vector<16xi32>
    %add3A_1300 = arith.addi %add3A_1292, %select_n3A_1299 : vector<16xi32>
    %ge3A_1301 = vector.broadcast %reduce_sum3A_79 : i32 to vector<16xi32>
    %ge3A_1302 = arith.cmpi sge, %add3A_1282, %ge3A_1301 : vector<16xi32>
    %sub3A_1303 = arith.subi %sub3A_256, %sub3A_255 : i32
    %jit3A_1304 = arith.constant 0 : i32
    %broadcast_in_dim3A_1305 = vector.broadcast %sub3A_1303 : i32 to vector<16xi32>
    %broadcast_in_dim3A_1306 = vector.broadcast %jit3A_1304 : i32 to vector<16xi32>
    %select_n3A_1307 = arith.select %ge3A_1302, %broadcast_in_dim3A_1305, %broadcast_in_dim3A_1306 : vector<16xi1>, vector<16xi32>
    %add3A_1308 = arith.addi %add3A_1300, %select_n3A_1307 : vector<16xi32>
    %ge3A_1309 = vector.broadcast %reduce_sum3A_89 : i32 to vector<16xi32>
    %ge3A_1310 = arith.cmpi sge, %add3A_1282, %ge3A_1309 : vector<16xi32>
    %sub3A_1311 = arith.subi %sub3A_257, %sub3A_256 : i32
    %jit3A_1312 = arith.constant 0 : i32
    %broadcast_in_dim3A_1313 = vector.broadcast %sub3A_1311 : i32 to vector<16xi32>
    %broadcast_in_dim3A_1314 = vector.broadcast %jit3A_1312 : i32 to vector<16xi32>
    %select_n3A_1315 = arith.select %ge3A_1310, %broadcast_in_dim3A_1313, %broadcast_in_dim3A_1314 : vector<16xi1>, vector<16xi32>
    %add3A_1316 = arith.addi %add3A_1308, %select_n3A_1315 : vector<16xi32>
    %ge3A_1317 = vector.broadcast %reduce_sum3A_99 : i32 to vector<16xi32>
    %ge3A_1318 = arith.cmpi sge, %add3A_1282, %ge3A_1317 : vector<16xi32>
    %sub3A_1319 = arith.subi %sub3A_258, %sub3A_257 : i32
    %jit3A_1320 = arith.constant 0 : i32
    %broadcast_in_dim3A_1321 = vector.broadcast %sub3A_1319 : i32 to vector<16xi32>
    %broadcast_in_dim3A_1322 = vector.broadcast %jit3A_1320 : i32 to vector<16xi32>
    %select_n3A_1323 = arith.select %ge3A_1318, %broadcast_in_dim3A_1321, %broadcast_in_dim3A_1322 : vector<16xi1>, vector<16xi32>
    %add3A_1324 = arith.addi %add3A_1316, %select_n3A_1323 : vector<16xi32>
    %ge3A_1325 = vector.broadcast %reduce_sum3A_109 : i32 to vector<16xi32>
    %ge3A_1326 = arith.cmpi sge, %add3A_1282, %ge3A_1325 : vector<16xi32>
    %sub3A_1327 = arith.subi %sub3A_259, %sub3A_258 : i32
    %jit3A_1328 = arith.constant 0 : i32
    %broadcast_in_dim3A_1329 = vector.broadcast %sub3A_1327 : i32 to vector<16xi32>
    %broadcast_in_dim3A_1330 = vector.broadcast %jit3A_1328 : i32 to vector<16xi32>
    %select_n3A_1331 = arith.select %ge3A_1326, %broadcast_in_dim3A_1329, %broadcast_in_dim3A_1330 : vector<16xi1>, vector<16xi32>
    %add3A_1332 = arith.addi %add3A_1324, %select_n3A_1331 : vector<16xi32>
    %ge3A_1333 = vector.broadcast %reduce_sum3A_119 : i32 to vector<16xi32>
    %ge3A_1334 = arith.cmpi sge, %add3A_1282, %ge3A_1333 : vector<16xi32>
    %sub3A_1335 = arith.subi %sub3A_260, %sub3A_259 : i32
    %jit3A_1336 = arith.constant 0 : i32
    %broadcast_in_dim3A_1337 = vector.broadcast %sub3A_1335 : i32 to vector<16xi32>
    %broadcast_in_dim3A_1338 = vector.broadcast %jit3A_1336 : i32 to vector<16xi32>
    %select_n3A_1339 = arith.select %ge3A_1334, %broadcast_in_dim3A_1337, %broadcast_in_dim3A_1338 : vector<16xi1>, vector<16xi32>
    %add3A_1340 = arith.addi %add3A_1332, %select_n3A_1339 : vector<16xi32>
    %ge3A_1341 = vector.broadcast %reduce_sum3A_129 : i32 to vector<16xi32>
    %ge3A_1342 = arith.cmpi sge, %add3A_1282, %ge3A_1341 : vector<16xi32>
    %sub3A_1343 = arith.subi %sub3A_261, %sub3A_260 : i32
    %jit3A_1344 = arith.constant 0 : i32
    %broadcast_in_dim3A_1345 = vector.broadcast %sub3A_1343 : i32 to vector<16xi32>
    %broadcast_in_dim3A_1346 = vector.broadcast %jit3A_1344 : i32 to vector<16xi32>
    %select_n3A_1347 = arith.select %ge3A_1342, %broadcast_in_dim3A_1345, %broadcast_in_dim3A_1346 : vector<16xi1>, vector<16xi32>
    %add3A_1348 = arith.addi %add3A_1340, %select_n3A_1347 : vector<16xi32>
    %swap3A_1349 = arith.constant 0 : index
    %swap3A_1350 = tpu.vector_load %arg14[%swap3A_1349] {strides = array<i32>} : memref<32xi32, #tpu.memory_space<vmem>>, vector<16xi32>,
    tpu.vector_store %arg14[%swap3A_1349], %add3A_1348 {strides = array<i32>} : memref<32xi32, #tpu.memory_space<vmem>>, vector<16xi32>,
    %add3A_1351 = arith.constant 16 : i32
    %add3A_1352 = arith.addi %add3A_16, %add3A_1351 : i32
    %add3A_1353 = vector.broadcast %add3A_1352 : i32 to vector<16xi32>
    %add3A_1354 = arith.addi %add3A_1353, %iota3A : vector<16xi32>
    %add3A_1355 = vector.broadcast %sub3A_253 : i32 to vector<16xi32>
    %add3A_1356 = arith.addi %add3A_1354, %add3A_1355 : vector<16xi32>
    %ge3A_1357 = vector.broadcast %reduce_sum3A_59 : i32 to vector<16xi32>
    %ge3A_1358 = arith.cmpi sge, %add3A_1354, %ge3A_1357 : vector<16xi32>
    %sub3A_1359 = arith.subi %sub3A_254, %sub3A_253 : i32
    %jit3A_1360 = arith.constant 0 : i32
    %broadcast_in_dim3A_1361 = vector.broadcast %sub3A_1359 : i32 to vector<16xi32>
    %broadcast_in_dim3A_1362 = vector.broadcast %jit3A_1360 : i32 to vector<16xi32>
    %select_n3A_1363 = arith.select %ge3A_1358, %broadcast_in_dim3A_1361, %broadcast_in_dim3A_1362 : vector<16xi1>, vector<16xi32>
    %add3A_1364 = arith.addi %add3A_1356, %select_n3A_1363 : vector<16xi32>
    %ge3A_1365 = vector.broadcast %reduce_sum3A_69 : i32 to vector<16xi32>
    %ge3A_1366 = arith.cmpi sge, %add3A_1354, %ge3A_1365 : vector<16xi32>
    %sub3A_1367 = arith.subi %sub3A_255, %sub3A_254 : i32
    %jit3A_1368 = arith.constant 0 : i32
    %broadcast_in_dim3A_1369 = vector.broadcast %sub3A_1367 : i32 to vector<16xi32>
    %broadcast_in_dim3A_1370 = vector.broadcast %jit3A_1368 : i32 to vector<16xi32>
    %select_n3A_1371 = arith.select %ge3A_1366, %broadcast_in_dim3A_1369, %broadcast_in_dim3A_1370 : vector<16xi1>, vector<16xi32>
    %add3A_1372 = arith.addi %add3A_1364, %select_n3A_1371 : vector<16xi32>
    %ge3A_1373 = vector.broadcast %reduce_sum3A_79 : i32 to vector<16xi32>
    %ge3A_1374 = arith.cmpi sge, %add3A_1354, %ge3A_1373 : vector<16xi32>
    %sub3A_1375 = arith.subi %sub3A_256, %sub3A_255 : i32
    %jit3A_1376 = arith.constant 0 : i32
    %broadcast_in_dim3A_1377 = vector.broadcast %sub3A_1375 : i32 to vector<16xi32>
    %broadcast_in_dim3A_1378 = vector.broadcast %jit3A_1376 : i32 to vector<16xi32>
    %select_n3A_1379 = arith.select %ge3A_1374, %broadcast_in_dim3A_1377, %broadcast_in_dim3A_1378 : vector<16xi1>, vector<16xi32>
    %add3A_1380 = arith.addi %add3A_1372, %select_n3A_1379 : vector<16xi32>
    %ge3A_1381 = vector.broadcast %reduce_sum3A_89 : i32 to vector<16xi32>
    %ge3A_1382 = arith.cmpi sge, %add3A_1354, %ge3A_1381 : vector<16xi32>
    %sub3A_1383 = arith.subi %sub3A_257, %sub3A_256 : i32
    %jit3A_1384 = arith.constant 0 : i32
    %broadcast_in_dim3A_1385 = vector.broadcast %sub3A_1383 : i32 to vector<16xi32>
    %broadcast_in_dim3A_1386 = vector.broadcast %jit3A_1384 : i32 to vector<16xi32>
    %select_n3A_1387 = arith.select %ge3A_1382, %broadcast_in_dim3A_1385, %broadcast_in_dim3A_1386 : vector<16xi1>, vector<16xi32>
    %add3A_1388 = arith.addi %add3A_1380, %select_n3A_1387 : vector<16xi32>
    %ge3A_1389 = vector.broadcast %reduce_sum3A_99 : i32 to vector<16xi32>
    %ge3A_1390 = arith.cmpi sge, %add3A_1354, %ge3A_1389 : vector<16xi32>
    %sub3A_1391 = arith.subi %sub3A_258, %sub3A_257 : i32
    %jit3A_1392 = arith.constant 0 : i32
    %broadcast_in_dim3A_1393 = vector.broadcast %sub3A_1391 : i32 to vector<16xi32>
    %broadcast_in_dim3A_1394 = vector.broadcast %jit3A_1392 : i32 to vector<16xi32>
    %select_n3A_1395 = arith.select %ge3A_1390, %broadcast_in_dim3A_1393, %broadcast_in_dim3A_1394 : vector<16xi1>, vector<16xi32>
    %add3A_1396 = arith.addi %add3A_1388, %select_n3A_1395 : vector<16xi32>
    %ge3A_1397 = vector.broadcast %reduce_sum3A_109 : i32 to vector<16xi32>
    %ge3A_1398 = arith.cmpi sge, %add3A_1354, %ge3A_1397 : vector<16xi32>
    %sub3A_1399 = arith.subi %sub3A_259, %sub3A_258 : i32
    %jit3A_1400 = arith.constant 0 : i32
    %broadcast_in_dim3A_1401 = vector.broadcast %sub3A_1399 : i32 to vector<16xi32>
    %broadcast_in_dim3A_1402 = vector.broadcast %jit3A_1400 : i32 to vector<16xi32>
    %select_n3A_1403 = arith.select %ge3A_1398, %broadcast_in_dim3A_1401, %broadcast_in_dim3A_1402 : vector<16xi1>, vector<16xi32>
    %add3A_1404 = arith.addi %add3A_1396, %select_n3A_1403 : vector<16xi32>
    %ge3A_1405 = vector.broadcast %reduce_sum3A_119 : i32 to vector<16xi32>
    %ge3A_1406 = arith.cmpi sge, %add3A_1354, %ge3A_1405 : vector<16xi32>
    %sub3A_1407 = arith.subi %sub3A_260, %sub3A_259 : i32
    %jit3A_1408 = arith.constant 0 : i32
    %broadcast_in_dim3A_1409 = vector.broadcast %sub3A_1407 : i32 to vector<16xi32>
    %broadcast_in_dim3A_1410 = vector.broadcast %jit3A_1408 : i32 to vector<16xi32>
    %select_n3A_1411 = arith.select %ge3A_1406, %broadcast_in_dim3A_1409, %broadcast_in_dim3A_1410 : vector<16xi1>, vector<16xi32>
    %add3A_1412 = arith.addi %add3A_1404, %select_n3A_1411 : vector<16xi32>
    %ge3A_1413 = vector.broadcast %reduce_sum3A_129 : i32 to vector<16xi32>
    %ge3A_1414 = arith.cmpi sge, %add3A_1354, %ge3A_1413 : vector<16xi32>
    %sub3A_1415 = arith.subi %sub3A_261, %sub3A_260 : i32
    %jit3A_1416 = arith.constant 0 : i32
    %broadcast_in_dim3A_1417 = vector.broadcast %sub3A_1415 : i32 to vector<16xi32>
    %broadcast_in_dim3A_1418 = vector.broadcast %jit3A_1416 : i32 to vector<16xi32>
    %select_n3A_1419 = arith.select %ge3A_1414, %broadcast_in_dim3A_1417, %broadcast_in_dim3A_1418 : vector<16xi1>, vector<16xi32>
    %add3A_1420 = arith.addi %add3A_1412, %select_n3A_1419 : vector<16xi32>
    %swap3A_1421 = arith.constant 16 : index
    %swap3A_1422 = tpu.vector_load %arg14[%swap3A_1421] {strides = array<i32>} : memref<32xi32, #tpu.memory_space<vmem>>, vector<16xi32>,
    tpu.vector_store %arg14[%swap3A_1421], %add3A_1420 {strides = array<i32>} : memref<32xi32, #tpu.memory_space<vmem>>, vector<16xi32>,
    %dma_start3A_1423 = arith.constant 0 : i32
    %dma_start3A_1424 = arith.constant 0 : i32
    %dma_start3A_1425 = tpu.memref_slice %arg6[%dma_start3A_1423, %dma_start3A_1424] : memref<16384x1024xf32, #tpu.memory_space<hbm>> -> memref<16384x1024xf32, #tpu.memory_space<hbm>>
    tpu.enqueue_indirect_dma source(%arg11 : memref<32x1024xf32, #tpu.memory_space<vmem>>) target(%dma_start3A_1425 : memref<16384x1024xf32, #tpu.memory_space<hbm>>) offsets(%arg14 : memref<32xi32, #tpu.memory_space<vmem>>) semaphore(%arg20 : memref<!tpu.dma_semaphore, #tpu.memory_space<semaphore_mem>>)
    %dma_wait3A_1426 = arith.constant 0 : i32
    %dma_wait3A_1427 = arith.constant 0 : i32
    %dma_wait3A_1428 = tpu.memref_slice %arg6[%dma_wait3A_1426, %dma_wait3A_1427] : memref<16384x1024xf32, #tpu.memory_space<hbm>> -> memref<16384x1024xf32, #tpu.memory_space<hbm>>
    tpu.wait_indirect_dma semaphore(%arg22 : memref<!tpu.dma_semaphore, #tpu.memory_space<semaphore_mem>>) src(%arg13 : memref<32x1024xf32, #tpu.memory_space<vmem>>) dst(%dma_wait3A_1428 : memref<16384x1024xf32, #tpu.memory_space<hbm>>)
    %dma_start3A_1429 = arith.constant 0 : i32
    %dma_start3A_1430 = tpu.memref_slice %arg4[%add3A_20, %dma_start3A_1429] : memref<8192x1024xf32, #tpu.memory_space<hbm>> -> memref<32x1024xf32, #tpu.memory_space<hbm>>
    %dma_start3A_1431 = arith.constant 0 : i32
    %dma_start3A_1432 = tpu.memref_slice %arg4[%add3A_20, %dma_start3A_1431] : memref<8192x1024xf32, #tpu.memory_space<hbm>> -> memref<32x1024xf32, #tpu.memory_space<hbm>>
    tpu.enqueue_dma source(%dma_start3A_1432 : memref<32x1024xf32, #tpu.memory_space<hbm>>) target(%arg13 : memref<32x1024xf32, #tpu.memory_space<vmem>>) target_semaphore(%arg19 : memref<!tpu.dma_semaphore, #tpu.memory_space<semaphore_mem>>)
    %dma_wait3A_1433 = arith.constant 0 : i32
    %dma_wait3A_1434 = tpu.memref_slice %arg2[%add3A_18, %dma_wait3A_1433] : memref<8192x1024xf32, #tpu.memory_space<hbm>> -> memref<32x1024xf32, #tpu.memory_space<hbm>>
    %dma_wait3A_1435 = arith.constant 0 : i32
    %dma_wait3A_1436 = tpu.memref_slice %arg2[%add3A_18, %dma_wait3A_1435] : memref<8192x1024xf32, #tpu.memory_space<hbm>> -> memref<32x1024xf32, #tpu.memory_space<hbm>>
    tpu.wait_dma2 semaphore(%arg18 : memref<!tpu.dma_semaphore, #tpu.memory_space<semaphore_mem>>) src(%dma_wait3A_1436 : memref<32x1024xf32, #tpu.memory_space<hbm>>) dst(%arg12 : memref<32x1024xf32, #tpu.memory_space<vmem>>)
    %add3A_1437 = arith.constant 0 : i32
    %add3A_1438 = arith.addi %add3A_18, %add3A_1437 : i32
    %add3A_1439 = vector.broadcast %add3A_1438 : i32 to vector<16xi32>
    %add3A_1440 = arith.addi %add3A_1439, %iota3A : vector<16xi32>
    %add3A_1441 = vector.broadcast %sub3A_253 : i32 to vector<16xi32>
    %add3A_1442 = arith.addi %add3A_1440, %add3A_1441 : vector<16xi32>
    %ge3A_1443 = vector.broadcast %reduce_sum3A_59 : i32 to vector<16xi32>
    %ge3A_1444 = arith.cmpi sge, %add3A_1440, %ge3A_1443 : vector<16xi32>
    %sub3A_1445 = arith.subi %sub3A_254, %sub3A_253 : i32
    %jit3A_1446 = arith.constant 0 : i32
    %broadcast_in_dim3A_1447 = vector.broadcast %sub3A_1445 : i32 to vector<16xi32>
    %broadcast_in_dim3A_1448 = vector.broadcast %jit3A_1446 : i32 to vector<16xi32>
    %select_n3A_1449 = arith.select %ge3A_1444, %broadcast_in_dim3A_1447, %broadcast_in_dim3A_1448 : vector<16xi1>, vector<16xi32>
    %add3A_1450 = arith.addi %add3A_1442, %select_n3A_1449 : vector<16xi32>
    %ge3A_1451 = vector.broadcast %reduce_sum3A_69 : i32 to vector<16xi32>
    %ge3A_1452 = arith.cmpi sge, %add3A_1440, %ge3A_1451 : vector<16xi32>
    %sub3A_1453 = arith.subi %sub3A_255, %sub3A_254 : i32
    %jit3A_1454 = arith.constant 0 : i32
    %broadcast_in_dim3A_1455 = vector.broadcast %sub3A_1453 : i32 to vector<16xi32>
    %broadcast_in_dim3A_1456 = vector.broadcast %jit3A_1454 : i32 to vector<16xi32>
    %select_n3A_1457 = arith.select %ge3A_1452, %broadcast_in_dim3A_1455, %broadcast_in_dim3A_1456 : vector<16xi1>, vector<16xi32>
    %add3A_1458 = arith.addi %add3A_1450, %select_n3A_1457 : vector<16xi32>
    %ge3A_1459 = vector.broadcast %reduce_sum3A_79 : i32 to vector<16xi32>
    %ge3A_1460 = arith.cmpi sge, %add3A_1440, %ge3A_1459 : vector<16xi32>
    %sub3A_1461 = arith.subi %sub3A_256, %sub3A_255 : i32
    %jit3A_1462 = arith.constant 0 : i32
    %broadcast_in_dim3A_1463 = vector.broadcast %sub3A_1461 : i32 to vector<16xi32>
    %broadcast_in_dim3A_1464 = vector.broadcast %jit3A_1462 : i32 to vector<16xi32>
    %select_n3A_1465 = arith.select %ge3A_1460, %broadcast_in_dim3A_1463, %broadcast_in_dim3A_1464 : vector<16xi1>, vector<16xi32>
    %add3A_1466 = arith.addi %add3A_1458, %select_n3A_1465 : vector<16xi32>
    %ge3A_1467 = vector.broadcast %reduce_sum3A_89 : i32 to vector<16xi32>
    %ge3A_1468 = arith.cmpi sge, %add3A_1440, %ge3A_1467 : vector<16xi32>
    %sub3A_1469 = arith.subi %sub3A_257, %sub3A_256 : i32
    %jit3A_1470 = arith.constant 0 : i32
    %broadcast_in_dim3A_1471 = vector.broadcast %sub3A_1469 : i32 to vector<16xi32>
    %broadcast_in_dim3A_1472 = vector.broadcast %jit3A_1470 : i32 to vector<16xi32>
    %select_n3A_1473 = arith.select %ge3A_1468, %broadcast_in_dim3A_1471, %broadcast_in_dim3A_1472 : vector<16xi1>, vector<16xi32>
    %add3A_1474 = arith.addi %add3A_1466, %select_n3A_1473 : vector<16xi32>
    %ge3A_1475 = vector.broadcast %reduce_sum3A_99 : i32 to vector<16xi32>
    %ge3A_1476 = arith.cmpi sge, %add3A_1440, %ge3A_1475 : vector<16xi32>
    %sub3A_1477 = arith.subi %sub3A_258, %sub3A_257 : i32
    %jit3A_1478 = arith.constant 0 : i32
    %broadcast_in_dim3A_1479 = vector.broadcast %sub3A_1477 : i32 to vector<16xi32>
    %broadcast_in_dim3A_1480 = vector.broadcast %jit3A_1478 : i32 to vector<16xi32>
    %select_n3A_1481 = arith.select %ge3A_1476, %broadcast_in_dim3A_1479, %broadcast_in_dim3A_1480 : vector<16xi1>, vector<16xi32>
    %add3A_1482 = arith.addi %add3A_1474, %select_n3A_1481 : vector<16xi32>
    %ge3A_1483 = vector.broadcast %reduce_sum3A_109 : i32 to vector<16xi32>
    %ge3A_1484 = arith.cmpi sge, %add3A_1440, %ge3A_1483 : vector<16xi32>
    %sub3A_1485 = arith.subi %sub3A_259, %sub3A_258 : i32
    %jit3A_1486 = arith.constant 0 : i32
    %broadcast_in_dim3A_1487 = vector.broadcast %sub3A_1485 : i32 to vector<16xi32>
    %broadcast_in_dim3A_1488 = vector.broadcast %jit3A_1486 : i32 to vector<16xi32>
    %select_n3A_1489 = arith.select %ge3A_1484, %broadcast_in_dim3A_1487, %broadcast_in_dim3A_1488 : vector<16xi1>, vector<16xi32>
    %add3A_1490 = arith.addi %add3A_1482, %select_n3A_1489 : vector<16xi32>
    %ge3A_1491 = vector.broadcast %reduce_sum3A_119 : i32 to vector<16xi32>
    %ge3A_1492 = arith.cmpi sge, %add3A_1440, %ge3A_1491 : vector<16xi32>
    %sub3A_1493 = arith.subi %sub3A_260, %sub3A_259 : i32
    %jit3A_1494 = arith.constant 0 : i32
    %broadcast_in_dim3A_1495 = vector.broadcast %sub3A_1493 : i32 to vector<16xi32>
    %broadcast_in_dim3A_1496 = vector.broadcast %jit3A_1494 : i32 to vector<16xi32>
    %select_n3A_1497 = arith.select %ge3A_1492, %broadcast_in_dim3A_1495, %broadcast_in_dim3A_1496 : vector<16xi1>, vector<16xi32>
    %add3A_1498 = arith.addi %add3A_1490, %select_n3A_1497 : vector<16xi32>
    %ge3A_1499 = vector.broadcast %reduce_sum3A_129 : i32 to vector<16xi32>
    %ge3A_1500 = arith.cmpi sge, %add3A_1440, %ge3A_1499 : vector<16xi32>
    %sub3A_1501 = arith.subi %sub3A_261, %sub3A_260 : i32
    %jit3A_1502 = arith.constant 0 : i32
    %broadcast_in_dim3A_1503 = vector.broadcast %sub3A_1501 : i32 to vector<16xi32>
    %broadcast_in_dim3A_1504 = vector.broadcast %jit3A_1502 : i32 to vector<16xi32>
    %select_n3A_1505 = arith.select %ge3A_1500, %broadcast_in_dim3A_1503, %broadcast_in_dim3A_1504 : vector<16xi1>, vector<16xi32>
    %add3A_1506 = arith.addi %add3A_1498, %select_n3A_1505 : vector<16xi32>
    %swap3A_1507 = arith.constant 0 : index
    %swap3A_1508 = tpu.vector_load %arg15[%swap3A_1507] {strides = array<i32>} : memref<32xi32, #tpu.memory_space<vmem>>, vector<16xi32>,
    tpu.vector_store %arg15[%swap3A_1507], %add3A_1506 {strides = array<i32>} : memref<32xi32, #tpu.memory_space<vmem>>, vector<16xi32>,
    %add3A_1509 = arith.constant 16 : i32
    %add3A_1510 = arith.addi %add3A_18, %add3A_1509 : i32
    %add3A_1511 = vector.broadcast %add3A_1510 : i32 to vector<16xi32>
    %add3A_1512 = arith.addi %add3A_1511, %iota3A : vector<16xi32>
    %add3A_1513 = vector.broadcast %sub3A_253 : i32 to vector<16xi32>
    %add3A_1514 = arith.addi %add3A_1512, %add3A_1513 : vector<16xi32>
    %ge3A_1515 = vector.broadcast %reduce_sum3A_59 : i32 to vector<16xi32>
    %ge3A_1516 = arith.cmpi sge, %add3A_1512, %ge3A_1515 : vector<16xi32>
    %sub3A_1517 = arith.subi %sub3A_254, %sub3A_253 : i32
    %jit3A_1518 = arith.constant 0 : i32
    %broadcast_in_dim3A_1519 = vector.broadcast %sub3A_1517 : i32 to vector<16xi32>
    %broadcast_in_dim3A_1520 = vector.broadcast %jit3A_1518 : i32 to vector<16xi32>
    %select_n3A_1521 = arith.select %ge3A_1516, %broadcast_in_dim3A_1519, %broadcast_in_dim3A_1520 : vector<16xi1>, vector<16xi32>
    %add3A_1522 = arith.addi %add3A_1514, %select_n3A_1521 : vector<16xi32>
    %ge3A_1523 = vector.broadcast %reduce_sum3A_69 : i32 to vector<16xi32>
    %ge3A_1524 = arith.cmpi sge, %add3A_1512, %ge3A_1523 : vector<16xi32>
    %sub3A_1525 = arith.subi %sub3A_255, %sub3A_254 : i32
    %jit3A_1526 = arith.constant 0 : i32
    %broadcast_in_dim3A_1527 = vector.broadcast %sub3A_1525 : i32 to vector<16xi32>
    %broadcast_in_dim3A_1528 = vector.broadcast %jit3A_1526 : i32 to vector<16xi32>
    %select_n3A_1529 = arith.select %ge3A_1524, %broadcast_in_dim3A_1527, %broadcast_in_dim3A_1528 : vector<16xi1>, vector<16xi32>
    %add3A_1530 = arith.addi %add3A_1522, %select_n3A_1529 : vector<16xi32>
    %ge3A_1531 = vector.broadcast %reduce_sum3A_79 : i32 to vector<16xi32>
    %ge3A_1532 = arith.cmpi sge, %add3A_1512, %ge3A_1531 : vector<16xi32>
    %sub3A_1533 = arith.subi %sub3A_256, %sub3A_255 : i32
    %jit3A_1534 = arith.constant 0 : i32
    %broadcast_in_dim3A_1535 = vector.broadcast %sub3A_1533 : i32 to vector<16xi32>
    %broadcast_in_dim3A_1536 = vector.broadcast %jit3A_1534 : i32 to vector<16xi32>
    %select_n3A_1537 = arith.select %ge3A_1532, %broadcast_in_dim3A_1535, %broadcast_in_dim3A_1536 : vector<16xi1>, vector<16xi32>
    %add3A_1538 = arith.addi %add3A_1530, %select_n3A_1537 : vector<16xi32>
    %ge3A_1539 = vector.broadcast %reduce_sum3A_89 : i32 to vector<16xi32>
    %ge3A_1540 = arith.cmpi sge, %add3A_1512, %ge3A_1539 : vector<16xi32>
    %sub3A_1541 = arith.subi %sub3A_257, %sub3A_256 : i32
    %jit3A_1542 = arith.constant 0 : i32
    %broadcast_in_dim3A_1543 = vector.broadcast %sub3A_1541 : i32 to vector<16xi32>
    %broadcast_in_dim3A_1544 = vector.broadcast %jit3A_1542 : i32 to vector<16xi32>
    %select_n3A_1545 = arith.select %ge3A_1540, %broadcast_in_dim3A_1543, %broadcast_in_dim3A_1544 : vector<16xi1>, vector<16xi32>
    %add3A_1546 = arith.addi %add3A_1538, %select_n3A_1545 : vector<16xi32>
    %ge3A_1547 = vector.broadcast %reduce_sum3A_99 : i32 to vector<16xi32>
    %ge3A_1548 = arith.cmpi sge, %add3A_1512, %ge3A_1547 : vector<16xi32>
    %sub3A_1549 = arith.subi %sub3A_258, %sub3A_257 : i32
    %jit3A_1550 = arith.constant 0 : i32
    %broadcast_in_dim3A_1551 = vector.broadcast %sub3A_1549 : i32 to vector<16xi32>
    %broadcast_in_dim3A_1552 = vector.broadcast %jit3A_1550 : i32 to vector<16xi32>
    %select_n3A_1553 = arith.select %ge3A_1548, %broadcast_in_dim3A_1551, %broadcast_in_dim3A_1552 : vector<16xi1>, vector<16xi32>
    %add3A_1554 = arith.addi %add3A_1546, %select_n3A_1553 : vector<16xi32>
    %ge3A_1555 = vector.broadcast %reduce_sum3A_109 : i32 to vector<16xi32>
    %ge3A_1556 = arith.cmpi sge, %add3A_1512, %ge3A_1555 : vector<16xi32>
    %sub3A_1557 = arith.subi %sub3A_259, %sub3A_258 : i32
    %jit3A_1558 = arith.constant 0 : i32
    %broadcast_in_dim3A_1559 = vector.broadcast %sub3A_1557 : i32 to vector<16xi32>
    %broadcast_in_dim3A_1560 = vector.broadcast %jit3A_1558 : i32 to vector<16xi32>
    %select_n3A_1561 = arith.select %ge3A_1556, %broadcast_in_dim3A_1559, %broadcast_in_dim3A_1560 : vector<16xi1>, vector<16xi32>
    %add3A_1562 = arith.addi %add3A_1554, %select_n3A_1561 : vector<16xi32>
    %ge3A_1563 = vector.broadcast %reduce_sum3A_119 : i32 to vector<16xi32>
    %ge3A_1564 = arith.cmpi sge, %add3A_1512, %ge3A_1563 : vector<16xi32>
    %sub3A_1565 = arith.subi %sub3A_260, %sub3A_259 : i32
    %jit3A_1566 = arith.constant 0 : i32
    %broadcast_in_dim3A_1567 = vector.broadcast %sub3A_1565 : i32 to vector<16xi32>
    %broadcast_in_dim3A_1568 = vector.broadcast %jit3A_1566 : i32 to vector<16xi32>
    %select_n3A_1569 = arith.select %ge3A_1564, %broadcast_in_dim3A_1567, %broadcast_in_dim3A_1568 : vector<16xi1>, vector<16xi32>
    %add3A_1570 = arith.addi %add3A_1562, %select_n3A_1569 : vector<16xi32>
    %ge3A_1571 = vector.broadcast %reduce_sum3A_129 : i32 to vector<16xi32>
    %ge3A_1572 = arith.cmpi sge, %add3A_1512, %ge3A_1571 : vector<16xi32>
    %sub3A_1573 = arith.subi %sub3A_261, %sub3A_260 : i32
    %jit3A_1574 = arith.constant 0 : i32
    %broadcast_in_dim3A_1575 = vector.broadcast %sub3A_1573 : i32 to vector<16xi32>
    %broadcast_in_dim3A_1576 = vector.broadcast %jit3A_1574 : i32 to vector<16xi32>
    %select_n3A_1577 = arith.select %ge3A_1572, %broadcast_in_dim3A_1575, %broadcast_in_dim3A_1576 : vector<16xi1>, vector<16xi32>
    %add3A_1578 = arith.addi %add3A_1570, %select_n3A_1577 : vector<16xi32>
    %swap3A_1579 = arith.constant 16 : index
    %swap3A_1580 = tpu.vector_load %arg15[%swap3A_1579] {strides = array<i32>} : memref<32xi32, #tpu.memory_space<vmem>>, vector<16xi32>,
    tpu.vector_store %arg15[%swap3A_1579], %add3A_1578 {strides = array<i32>} : memref<32xi32, #tpu.memory_space<vmem>>, vector<16xi32>,
    %dma_start3A_1581 = arith.constant 0 : i32
    %dma_start3A_1582 = arith.constant 0 : i32
    %dma_start3A_1583 = tpu.memref_slice %arg6[%dma_start3A_1581, %dma_start3A_1582] : memref<16384x1024xf32, #tpu.memory_space<hbm>> -> memref<16384x1024xf32, #tpu.memory_space<hbm>>
    tpu.enqueue_indirect_dma source(%arg12 : memref<32x1024xf32, #tpu.memory_space<vmem>>) target(%dma_start3A_1583 : memref<16384x1024xf32, #tpu.memory_space<hbm>>) offsets(%arg15 : memref<32xi32, #tpu.memory_space<vmem>>) semaphore(%arg21 : memref<!tpu.dma_semaphore, #tpu.memory_space<semaphore_mem>>)
    %dma_wait3A_1584 = arith.constant 0 : i32
    %dma_wait3A_1585 = arith.constant 0 : i32
    %dma_wait3A_1586 = tpu.memref_slice %arg6[%dma_wait3A_1584, %dma_wait3A_1585] : memref<16384x1024xf32, #tpu.memory_space<hbm>> -> memref<16384x1024xf32, #tpu.memory_space<hbm>>
    tpu.wait_indirect_dma semaphore(%arg20 : memref<!tpu.dma_semaphore, #tpu.memory_space<semaphore_mem>>) src(%arg11 : memref<32x1024xf32, #tpu.memory_space<vmem>>) dst(%dma_wait3A_1586 : memref<16384x1024xf32, #tpu.memory_space<hbm>>)
    %dma_start3A_1587 = arith.constant 0 : i32
    %dma_start3A_1588 = tpu.memref_slice %arg4[%add3A_22, %dma_start3A_1587] : memref<8192x1024xf32, #tpu.memory_space<hbm>> -> memref<32x1024xf32, #tpu.memory_space<hbm>>
    %dma_start3A_1589 = arith.constant 0 : i32
    %dma_start3A_1590 = tpu.memref_slice %arg4[%add3A_22, %dma_start3A_1589] : memref<8192x1024xf32, #tpu.memory_space<hbm>> -> memref<32x1024xf32, #tpu.memory_space<hbm>>
    tpu.enqueue_dma source(%dma_start3A_1590 : memref<32x1024xf32, #tpu.memory_space<hbm>>) target(%arg11 : memref<32x1024xf32, #tpu.memory_space<vmem>>) target_semaphore(%arg17 : memref<!tpu.dma_semaphore, #tpu.memory_space<semaphore_mem>>)
    %dma_wait3A_1591 = arith.constant 0 : i32
    %dma_wait3A_1592 = tpu.memref_slice %arg4[%add3A_20, %dma_wait3A_1591] : memref<8192x1024xf32, #tpu.memory_space<hbm>> -> memref<32x1024xf32, #tpu.memory_space<hbm>>
    %dma_wait3A_1593 = arith.constant 0 : i32
    %dma_wait3A_1594 = tpu.memref_slice %arg4[%add3A_20, %dma_wait3A_1593] : memref<8192x1024xf32, #tpu.memory_space<hbm>> -> memref<32x1024xf32, #tpu.memory_space<hbm>>
    tpu.wait_dma2 semaphore(%arg19 : memref<!tpu.dma_semaphore, #tpu.memory_space<semaphore_mem>>) src(%dma_wait3A_1594 : memref<32x1024xf32, #tpu.memory_space<hbm>>) dst(%arg13 : memref<32x1024xf32, #tpu.memory_space<vmem>>)
    %add3A_1595 = arith.constant 0 : i32
    %add3A_1596 = arith.addi %add3A_20, %add3A_1595 : i32
    %add3A_1597 = vector.broadcast %add3A_1596 : i32 to vector<16xi32>
    %add3A_1598 = arith.addi %add3A_1597, %iota3A : vector<16xi32>
    %add3A_1599 = vector.broadcast %sub3A_264 : i32 to vector<16xi32>
    %add3A_1600 = arith.addi %add3A_1598, %add3A_1599 : vector<16xi32>
    %ge3A_1601 = vector.broadcast %reduce_sum3A_149 : i32 to vector<16xi32>
    %ge3A_1602 = arith.cmpi sge, %add3A_1598, %ge3A_1601 : vector<16xi32>
    %sub3A_1603 = arith.subi %sub3A_266, %sub3A_264 : i32
    %jit3A_1604 = arith.constant 0 : i32
    %broadcast_in_dim3A_1605 = vector.broadcast %sub3A_1603 : i32 to vector<16xi32>
    %broadcast_in_dim3A_1606 = vector.broadcast %jit3A_1604 : i32 to vector<16xi32>
    %select_n3A_1607 = arith.select %ge3A_1602, %broadcast_in_dim3A_1605, %broadcast_in_dim3A_1606 : vector<16xi1>, vector<16xi32>
    %add3A_1608 = arith.addi %add3A_1600, %select_n3A_1607 : vector<16xi32>
    %ge3A_1609 = vector.broadcast %reduce_sum3A_159 : i32 to vector<16xi32>
    %ge3A_1610 = arith.cmpi sge, %add3A_1598, %ge3A_1609 : vector<16xi32>
    %sub3A_1611 = arith.subi %sub3A_268, %sub3A_266 : i32
    %jit3A_1612 = arith.constant 0 : i32
    %broadcast_in_dim3A_1613 = vector.broadcast %sub3A_1611 : i32 to vector<16xi32>
    %broadcast_in_dim3A_1614 = vector.broadcast %jit3A_1612 : i32 to vector<16xi32>
    %select_n3A_1615 = arith.select %ge3A_1610, %broadcast_in_dim3A_1613, %broadcast_in_dim3A_1614 : vector<16xi1>, vector<16xi32>
    %add3A_1616 = arith.addi %add3A_1608, %select_n3A_1615 : vector<16xi32>
    %ge3A_1617 = vector.broadcast %reduce_sum3A_169 : i32 to vector<16xi32>
    %ge3A_1618 = arith.cmpi sge, %add3A_1598, %ge3A_1617 : vector<16xi32>
    %sub3A_1619 = arith.subi %sub3A_270, %sub3A_268 : i32
    %jit3A_1620 = arith.constant 0 : i32
    %broadcast_in_dim3A_1621 = vector.broadcast %sub3A_1619 : i32 to vector<16xi32>
    %broadcast_in_dim3A_1622 = vector.broadcast %jit3A_1620 : i32 to vector<16xi32>
    %select_n3A_1623 = arith.select %ge3A_1618, %broadcast_in_dim3A_1621, %broadcast_in_dim3A_1622 : vector<16xi1>, vector<16xi32>
    %add3A_1624 = arith.addi %add3A_1616, %select_n3A_1623 : vector<16xi32>
    %ge3A_1625 = vector.broadcast %reduce_sum3A_179 : i32 to vector<16xi32>
    %ge3A_1626 = arith.cmpi sge, %add3A_1598, %ge3A_1625 : vector<16xi32>
    %sub3A_1627 = arith.subi %sub3A_272, %sub3A_270 : i32
    %jit3A_1628 = arith.constant 0 : i32
    %broadcast_in_dim3A_1629 = vector.broadcast %sub3A_1627 : i32 to vector<16xi32>
    %broadcast_in_dim3A_1630 = vector.broadcast %jit3A_1628 : i32 to vector<16xi32>
    %select_n3A_1631 = arith.select %ge3A_1626, %broadcast_in_dim3A_1629, %broadcast_in_dim3A_1630 : vector<16xi1>, vector<16xi32>
    %add3A_1632 = arith.addi %add3A_1624, %select_n3A_1631 : vector<16xi32>
    %ge3A_1633 = vector.broadcast %reduce_sum3A_189 : i32 to vector<16xi32>
    %ge3A_1634 = arith.cmpi sge, %add3A_1598, %ge3A_1633 : vector<16xi32>
    %sub3A_1635 = arith.subi %sub3A_274, %sub3A_272 : i32
    %jit3A_1636 = arith.constant 0 : i32
    %broadcast_in_dim3A_1637 = vector.broadcast %sub3A_1635 : i32 to vector<16xi32>
    %broadcast_in_dim3A_1638 = vector.broadcast %jit3A_1636 : i32 to vector<16xi32>
    %select_n3A_1639 = arith.select %ge3A_1634, %broadcast_in_dim3A_1637, %broadcast_in_dim3A_1638 : vector<16xi1>, vector<16xi32>
    %add3A_1640 = arith.addi %add3A_1632, %select_n3A_1639 : vector<16xi32>
    %ge3A_1641 = vector.broadcast %reduce_sum3A_199 : i32 to vector<16xi32>
    %ge3A_1642 = arith.cmpi sge, %add3A_1598, %ge3A_1641 : vector<16xi32>
    %sub3A_1643 = arith.subi %sub3A_276, %sub3A_274 : i32
    %jit3A_1644 = arith.constant 0 : i32
    %broadcast_in_dim3A_1645 = vector.broadcast %sub3A_1643 : i32 to vector<16xi32>
    %broadcast_in_dim3A_1646 = vector.broadcast %jit3A_1644 : i32 to vector<16xi32>
    %select_n3A_1647 = arith.select %ge3A_1642, %broadcast_in_dim3A_1645, %broadcast_in_dim3A_1646 : vector<16xi1>, vector<16xi32>
    %add3A_1648 = arith.addi %add3A_1640, %select_n3A_1647 : vector<16xi32>
    %ge3A_1649 = vector.broadcast %reduce_sum3A_209 : i32 to vector<16xi32>
    %ge3A_1650 = arith.cmpi sge, %add3A_1598, %ge3A_1649 : vector<16xi32>
    %sub3A_1651 = arith.subi %sub3A_278, %sub3A_276 : i32
    %jit3A_1652 = arith.constant 0 : i32
    %broadcast_in_dim3A_1653 = vector.broadcast %sub3A_1651 : i32 to vector<16xi32>
    %broadcast_in_dim3A_1654 = vector.broadcast %jit3A_1652 : i32 to vector<16xi32>
    %select_n3A_1655 = arith.select %ge3A_1650, %broadcast_in_dim3A_1653, %broadcast_in_dim3A_1654 : vector<16xi1>, vector<16xi32>
    %add3A_1656 = arith.addi %add3A_1648, %select_n3A_1655 : vector<16xi32>
    %ge3A_1657 = vector.broadcast %reduce_sum3A_219 : i32 to vector<16xi32>
    %ge3A_1658 = arith.cmpi sge, %add3A_1598, %ge3A_1657 : vector<16xi32>
    %sub3A_1659 = arith.subi %sub3A_281, %sub3A_278 : i32
    %jit3A_1660 = arith.constant 0 : i32
    %broadcast_in_dim3A_1661 = vector.broadcast %sub3A_1659 : i32 to vector<16xi32>
    %broadcast_in_dim3A_1662 = vector.broadcast %jit3A_1660 : i32 to vector<16xi32>
    %select_n3A_1663 = arith.select %ge3A_1658, %broadcast_in_dim3A_1661, %broadcast_in_dim3A_1662 : vector<16xi1>, vector<16xi32>
    %add3A_1664 = arith.addi %add3A_1656, %select_n3A_1663 : vector<16xi32>
    %swap3A_1665 = arith.constant 0 : index
    %swap3A_1666 = tpu.vector_load %arg16[%swap3A_1665] {strides = array<i32>} : memref<32xi32, #tpu.memory_space<vmem>>, vector<16xi32>,
    tpu.vector_store %arg16[%swap3A_1665], %add3A_1664 {strides = array<i32>} : memref<32xi32, #tpu.memory_space<vmem>>, vector<16xi32>,
    %add3A_1667 = arith.constant 16 : i32
    %add3A_1668 = arith.addi %add3A_20, %add3A_1667 : i32
    %add3A_1669 = vector.broadcast %add3A_1668 : i32 to vector<16xi32>
    %add3A_1670 = arith.addi %add3A_1669, %iota3A : vector<16xi32>
    %add3A_1671 = vector.broadcast %sub3A_264 : i32 to vector<16xi32>
    %add3A_1672 = arith.addi %add3A_1670, %add3A_1671 : vector<16xi32>
    %ge3A_1673 = vector.broadcast %reduce_sum3A_149 : i32 to vector<16xi32>
    %ge3A_1674 = arith.cmpi sge, %add3A_1670, %ge3A_1673 : vector<16xi32>
    %sub3A_1675 = arith.subi %sub3A_266, %sub3A_264 : i32
    %jit3A_1676 = arith.constant 0 : i32
    %broadcast_in_dim3A_1677 = vector.broadcast %sub3A_1675 : i32 to vector<16xi32>
    %broadcast_in_dim3A_1678 = vector.broadcast %jit3A_1676 : i32 to vector<16xi32>
    %select_n3A_1679 = arith.select %ge3A_1674, %broadcast_in_dim3A_1677, %broadcast_in_dim3A_1678 : vector<16xi1>, vector<16xi32>
    %add3A_1680 = arith.addi %add3A_1672, %select_n3A_1679 : vector<16xi32>
    %ge3A_1681 = vector.broadcast %reduce_sum3A_159 : i32 to vector<16xi32>
    %ge3A_1682 = arith.cmpi sge, %add3A_1670, %ge3A_1681 : vector<16xi32>
    %sub3A_1683 = arith.subi %sub3A_268, %sub3A_266 : i32
    %jit3A_1684 = arith.constant 0 : i32
    %broadcast_in_dim3A_1685 = vector.broadcast %sub3A_1683 : i32 to vector<16xi32>
    %broadcast_in_dim3A_1686 = vector.broadcast %jit3A_1684 : i32 to vector<16xi32>
    %select_n3A_1687 = arith.select %ge3A_1682, %broadcast_in_dim3A_1685, %broadcast_in_dim3A_1686 : vector<16xi1>, vector<16xi32>
    %add3A_1688 = arith.addi %add3A_1680, %select_n3A_1687 : vector<16xi32>
    %ge3A_1689 = vector.broadcast %reduce_sum3A_169 : i32 to vector<16xi32>
    %ge3A_1690 = arith.cmpi sge, %add3A_1670, %ge3A_1689 : vector<16xi32>
    %sub3A_1691 = arith.subi %sub3A_270, %sub3A_268 : i32
    %jit3A_1692 = arith.constant 0 : i32
    %broadcast_in_dim3A_1693 = vector.broadcast %sub3A_1691 : i32 to vector<16xi32>
    %broadcast_in_dim3A_1694 = vector.broadcast %jit3A_1692 : i32 to vector<16xi32>
    %select_n3A_1695 = arith.select %ge3A_1690, %broadcast_in_dim3A_1693, %broadcast_in_dim3A_1694 : vector<16xi1>, vector<16xi32>
    %add3A_1696 = arith.addi %add3A_1688, %select_n3A_1695 : vector<16xi32>
    %ge3A_1697 = vector.broadcast %reduce_sum3A_179 : i32 to vector<16xi32>
    %ge3A_1698 = arith.cmpi sge, %add3A_1670, %ge3A_1697 : vector<16xi32>
    %sub3A_1699 = arith.subi %sub3A_272, %sub3A_270 : i32
    %jit3A_1700 = arith.constant 0 : i32
    %broadcast_in_dim3A_1701 = vector.broadcast %sub3A_1699 : i32 to vector<16xi32>
    %broadcast_in_dim3A_1702 = vector.broadcast %jit3A_1700 : i32 to vector<16xi32>
    %select_n3A_1703 = arith.select %ge3A_1698, %broadcast_in_dim3A_1701, %broadcast_in_dim3A_1702 : vector<16xi1>, vector<16xi32>
    %add3A_1704 = arith.addi %add3A_1696, %select_n3A_1703 : vector<16xi32>
    %ge3A_1705 = vector.broadcast %reduce_sum3A_189 : i32 to vector<16xi32>
    %ge3A_1706 = arith.cmpi sge, %add3A_1670, %ge3A_1705 : vector<16xi32>
    %sub3A_1707 = arith.subi %sub3A_274, %sub3A_272 : i32
    %jit3A_1708 = arith.constant 0 : i32
    %broadcast_in_dim3A_1709 = vector.broadcast %sub3A_1707 : i32 to vector<16xi32>
    %broadcast_in_dim3A_1710 = vector.broadcast %jit3A_1708 : i32 to vector<16xi32>
    %select_n3A_1711 = arith.select %ge3A_1706, %broadcast_in_dim3A_1709, %broadcast_in_dim3A_1710 : vector<16xi1>, vector<16xi32>
    %add3A_1712 = arith.addi %add3A_1704, %select_n3A_1711 : vector<16xi32>
    %ge3A_1713 = vector.broadcast %reduce_sum3A_199 : i32 to vector<16xi32>
    %ge3A_1714 = arith.cmpi sge, %add3A_1670, %ge3A_1713 : vector<16xi32>
    %sub3A_1715 = arith.subi %sub3A_276, %sub3A_274 : i32
    %jit3A_1716 = arith.constant 0 : i32
    %broadcast_in_dim3A_1717 = vector.broadcast %sub3A_1715 : i32 to vector<16xi32>
    %broadcast_in_dim3A_1718 = vector.broadcast %jit3A_1716 : i32 to vector<16xi32>
    %select_n3A_1719 = arith.select %ge3A_1714, %broadcast_in_dim3A_1717, %broadcast_in_dim3A_1718 : vector<16xi1>, vector<16xi32>
    %add3A_1720 = arith.addi %add3A_1712, %select_n3A_1719 : vector<16xi32>
    %ge3A_1721 = vector.broadcast %reduce_sum3A_209 : i32 to vector<16xi32>
    %ge3A_1722 = arith.cmpi sge, %add3A_1670, %ge3A_1721 : vector<16xi32>
    %sub3A_1723 = arith.subi %sub3A_278, %sub3A_276 : i32
    %jit3A_1724 = arith.constant 0 : i32
    %broadcast_in_dim3A_1725 = vector.broadcast %sub3A_1723 : i32 to vector<16xi32>
    %broadcast_in_dim3A_1726 = vector.broadcast %jit3A_1724 : i32 to vector<16xi32>
    %select_n3A_1727 = arith.select %ge3A_1722, %broadcast_in_dim3A_1725, %broadcast_in_dim3A_1726 : vector<16xi1>, vector<16xi32>
    %add3A_1728 = arith.addi %add3A_1720, %select_n3A_1727 : vector<16xi32>
    %ge3A_1729 = vector.broadcast %reduce_sum3A_219 : i32 to vector<16xi32>
    %ge3A_1730 = arith.cmpi sge, %add3A_1670, %ge3A_1729 : vector<16xi32>
    %sub3A_1731 = arith.subi %sub3A_281, %sub3A_278 : i32
    %jit3A_1732 = arith.constant 0 : i32
    %broadcast_in_dim3A_1733 = vector.broadcast %sub3A_1731 : i32 to vector<16xi32>
    %broadcast_in_dim3A_1734 = vector.broadcast %jit3A_1732 : i32 to vector<16xi32>
    %select_n3A_1735 = arith.select %ge3A_1730, %broadcast_in_dim3A_1733, %broadcast_in_dim3A_1734 : vector<16xi1>, vector<16xi32>
    %add3A_1736 = arith.addi %add3A_1728, %select_n3A_1735 : vector<16xi32>
    %swap3A_1737 = arith.constant 16 : index
    %swap3A_1738 = tpu.vector_load %arg16[%swap3A_1737] {strides = array<i32>} : memref<32xi32, #tpu.memory_space<vmem>>, vector<16xi32>,
    tpu.vector_store %arg16[%swap3A_1737], %add3A_1736 {strides = array<i32>} : memref<32xi32, #tpu.memory_space<vmem>>, vector<16xi32>,
    %dma_start3A_1739 = arith.constant 0 : i32
    %dma_start3A_1740 = arith.constant 0 : i32
    %dma_start3A_1741 = tpu.memref_slice %arg6[%dma_start3A_1739, %dma_start3A_1740] : memref<16384x1024xf32, #tpu.memory_space<hbm>> -> memref<16384x1024xf32, #tpu.memory_space<hbm>>
    tpu.enqueue_indirect_dma source(%arg13 : memref<32x1024xf32, #tpu.memory_space<vmem>>) target(%dma_start3A_1741 : memref<16384x1024xf32, #tpu.memory_space<hbm>>) offsets(%arg16 : memref<32xi32, #tpu.memory_space<vmem>>) semaphore(%arg22 : memref<!tpu.dma_semaphore, #tpu.memory_space<semaphore_mem>>)
    %dma_wait3A_1742 = arith.constant 0 : i32
    %dma_wait3A_1743 = arith.constant 0 : i32
    %dma_wait3A_1744 = tpu.memref_slice %arg6[%dma_wait3A_1742, %dma_wait3A_1743] : memref<16384x1024xf32, #tpu.memory_space<hbm>> -> memref<16384x1024xf32, #tpu.memory_space<hbm>>
    tpu.wait_indirect_dma semaphore(%arg21 : memref<!tpu.dma_semaphore, #tpu.memory_space<semaphore_mem>>) src(%arg12 : memref<32x1024xf32, #tpu.memory_space<vmem>>) dst(%dma_wait3A_1744 : memref<16384x1024xf32, #tpu.memory_space<hbm>>)
    %dma_start3A_1745 = arith.constant 0 : i32
    %dma_start3A_1746 = tpu.memref_slice %arg4[%add3A_24, %dma_start3A_1745] : memref<8192x1024xf32, #tpu.memory_space<hbm>> -> memref<32x1024xf32, #tpu.memory_space<hbm>>
    %dma_start3A_1747 = arith.constant 0 : i32
    %dma_start3A_1748 = tpu.memref_slice %arg4[%add3A_24, %dma_start3A_1747] : memref<8192x1024xf32, #tpu.memory_space<hbm>> -> memref<32x1024xf32, #tpu.memory_space<hbm>>
    tpu.enqueue_dma source(%dma_start3A_1748 : memref<32x1024xf32, #tpu.memory_space<hbm>>) target(%arg12 : memref<32x1024xf32, #tpu.memory_space<vmem>>) target_semaphore(%arg18 : memref<!tpu.dma_semaphore, #tpu.memory_space<semaphore_mem>>)
    %dma_wait3A_1749 = arith.constant 0 : i32
    %dma_wait3A_1750 = tpu.memref_slice %arg4[%add3A_22, %dma_wait3A_1749] : memref<8192x1024xf32, #tpu.memory_space<hbm>> -> memref<32x1024xf32, #tpu.memory_space<hbm>>
    %dma_wait3A_1751 = arith.constant 0 : i32
    %dma_wait3A_1752 = tpu.memref_slice %arg4[%add3A_22, %dma_wait3A_1751] : memref<8192x1024xf32, #tpu.memory_space<hbm>> -> memref<32x1024xf32, #tpu.memory_space<hbm>>
    tpu.wait_dma2 semaphore(%arg17 : memref<!tpu.dma_semaphore, #tpu.memory_space<semaphore_mem>>) src(%dma_wait3A_1752 : memref<32x1024xf32, #tpu.memory_space<hbm>>) dst(%arg11 : memref<32x1024xf32, #tpu.memory_space<vmem>>)
    %add3A_1753 = arith.constant 0 : i32
    %add3A_1754 = arith.addi %add3A_22, %add3A_1753 : i32
    %add3A_1755 = vector.broadcast %add3A_1754 : i32 to vector<16xi32>
    %add3A_1756 = arith.addi %add3A_1755, %iota3A : vector<16xi32>
    %add3A_1757 = vector.broadcast %sub3A_264 : i32 to vector<16xi32>
    %add3A_1758 = arith.addi %add3A_1756, %add3A_1757 : vector<16xi32>
    %ge3A_1759 = vector.broadcast %reduce_sum3A_149 : i32 to vector<16xi32>
    %ge3A_1760 = arith.cmpi sge, %add3A_1756, %ge3A_1759 : vector<16xi32>
    %sub3A_1761 = arith.subi %sub3A_266, %sub3A_264 : i32
    %jit3A_1762 = arith.constant 0 : i32
    %broadcast_in_dim3A_1763 = vector.broadcast %sub3A_1761 : i32 to vector<16xi32>
    %broadcast_in_dim3A_1764 = vector.broadcast %jit3A_1762 : i32 to vector<16xi32>
    %select_n3A_1765 = arith.select %ge3A_1760, %broadcast_in_dim3A_1763, %broadcast_in_dim3A_1764 : vector<16xi1>, vector<16xi32>
    %add3A_1766 = arith.addi %add3A_1758, %select_n3A_1765 : vector<16xi32>
    %ge3A_1767 = vector.broadcast %reduce_sum3A_159 : i32 to vector<16xi32>
    %ge3A_1768 = arith.cmpi sge, %add3A_1756, %ge3A_1767 : vector<16xi32>
    %sub3A_1769 = arith.subi %sub3A_268, %sub3A_266 : i32
    %jit3A_1770 = arith.constant 0 : i32
    %broadcast_in_dim3A_1771 = vector.broadcast %sub3A_1769 : i32 to vector<16xi32>
    %broadcast_in_dim3A_1772 = vector.broadcast %jit3A_1770 : i32 to vector<16xi32>
    %select_n3A_1773 = arith.select %ge3A_1768, %broadcast_in_dim3A_1771, %broadcast_in_dim3A_1772 : vector<16xi1>, vector<16xi32>
    %add3A_1774 = arith.addi %add3A_1766, %select_n3A_1773 : vector<16xi32>
    %ge3A_1775 = vector.broadcast %reduce_sum3A_169 : i32 to vector<16xi32>
    %ge3A_1776 = arith.cmpi sge, %add3A_1756, %ge3A_1775 : vector<16xi32>
    %sub3A_1777 = arith.subi %sub3A_270, %sub3A_268 : i32
    %jit3A_1778 = arith.constant 0 : i32
    %broadcast_in_dim3A_1779 = vector.broadcast %sub3A_1777 : i32 to vector<16xi32>
    %broadcast_in_dim3A_1780 = vector.broadcast %jit3A_1778 : i32 to vector<16xi32>
    %select_n3A_1781 = arith.select %ge3A_1776, %broadcast_in_dim3A_1779, %broadcast_in_dim3A_1780 : vector<16xi1>, vector<16xi32>
    %add3A_1782 = arith.addi %add3A_1774, %select_n3A_1781 : vector<16xi32>
    %ge3A_1783 = vector.broadcast %reduce_sum3A_179 : i32 to vector<16xi32>
    %ge3A_1784 = arith.cmpi sge, %add3A_1756, %ge3A_1783 : vector<16xi32>
    %sub3A_1785 = arith.subi %sub3A_272, %sub3A_270 : i32
    %jit3A_1786 = arith.constant 0 : i32
    %broadcast_in_dim3A_1787 = vector.broadcast %sub3A_1785 : i32 to vector<16xi32>
    %broadcast_in_dim3A_1788 = vector.broadcast %jit3A_1786 : i32 to vector<16xi32>
    %select_n3A_1789 = arith.select %ge3A_1784, %broadcast_in_dim3A_1787, %broadcast_in_dim3A_1788 : vector<16xi1>, vector<16xi32>
    %add3A_1790 = arith.addi %add3A_1782, %select_n3A_1789 : vector<16xi32>
    %ge3A_1791 = vector.broadcast %reduce_sum3A_189 : i32 to vector<16xi32>
    %ge3A_1792 = arith.cmpi sge, %add3A_1756, %ge3A_1791 : vector<16xi32>
    %sub3A_1793 = arith.subi %sub3A_274, %sub3A_272 : i32
    %jit3A_1794 = arith.constant 0 : i32
    %broadcast_in_dim3A_1795 = vector.broadcast %sub3A_1793 : i32 to vector<16xi32>
    %broadcast_in_dim3A_1796 = vector.broadcast %jit3A_1794 : i32 to vector<16xi32>
    %select_n3A_1797 = arith.select %ge3A_1792, %broadcast_in_dim3A_1795, %broadcast_in_dim3A_1796 : vector<16xi1>, vector<16xi32>
    %add3A_1798 = arith.addi %add3A_1790, %select_n3A_1797 : vector<16xi32>
    %ge3A_1799 = vector.broadcast %reduce_sum3A_199 : i32 to vector<16xi32>
    %ge3A_1800 = arith.cmpi sge, %add3A_1756, %ge3A_1799 : vector<16xi32>
    %sub3A_1801 = arith.subi %sub3A_276, %sub3A_274 : i32
    %jit3A_1802 = arith.constant 0 : i32
    %broadcast_in_dim3A_1803 = vector.broadcast %sub3A_1801 : i32 to vector<16xi32>
    %broadcast_in_dim3A_1804 = vector.broadcast %jit3A_1802 : i32 to vector<16xi32>
    %select_n3A_1805 = arith.select %ge3A_1800, %broadcast_in_dim3A_1803, %broadcast_in_dim3A_1804 : vector<16xi1>, vector<16xi32>
    %add3A_1806 = arith.addi %add3A_1798, %select_n3A_1805 : vector<16xi32>
    %ge3A_1807 = vector.broadcast %reduce_sum3A_209 : i32 to vector<16xi32>
    %ge3A_1808 = arith.cmpi sge, %add3A_1756, %ge3A_1807 : vector<16xi32>
    %sub3A_1809 = arith.subi %sub3A_278, %sub3A_276 : i32
    %jit3A_1810 = arith.constant 0 : i32
    %broadcast_in_dim3A_1811 = vector.broadcast %sub3A_1809 : i32 to vector<16xi32>
    %broadcast_in_dim3A_1812 = vector.broadcast %jit3A_1810 : i32 to vector<16xi32>
    %select_n3A_1813 = arith.select %ge3A_1808, %broadcast_in_dim3A_1811, %broadcast_in_dim3A_1812 : vector<16xi1>, vector<16xi32>
    %add3A_1814 = arith.addi %add3A_1806, %select_n3A_1813 : vector<16xi32>
    %ge3A_1815 = vector.broadcast %reduce_sum3A_219 : i32 to vector<16xi32>
    %ge3A_1816 = arith.cmpi sge, %add3A_1756, %ge3A_1815 : vector<16xi32>
    %sub3A_1817 = arith.subi %sub3A_281, %sub3A_278 : i32
    %jit3A_1818 = arith.constant 0 : i32
    %broadcast_in_dim3A_1819 = vector.broadcast %sub3A_1817 : i32 to vector<16xi32>
    %broadcast_in_dim3A_1820 = vector.broadcast %jit3A_1818 : i32 to vector<16xi32>
    %select_n3A_1821 = arith.select %ge3A_1816, %broadcast_in_dim3A_1819, %broadcast_in_dim3A_1820 : vector<16xi1>, vector<16xi32>
    %add3A_1822 = arith.addi %add3A_1814, %select_n3A_1821 : vector<16xi32>
    %swap3A_1823 = arith.constant 0 : index
    %swap3A_1824 = tpu.vector_load %arg14[%swap3A_1823] {strides = array<i32>} : memref<32xi32, #tpu.memory_space<vmem>>, vector<16xi32>,
    tpu.vector_store %arg14[%swap3A_1823], %add3A_1822 {strides = array<i32>} : memref<32xi32, #tpu.memory_space<vmem>>, vector<16xi32>,
    %add3A_1825 = arith.constant 16 : i32
    %add3A_1826 = arith.addi %add3A_22, %add3A_1825 : i32
    %add3A_1827 = vector.broadcast %add3A_1826 : i32 to vector<16xi32>
    %add3A_1828 = arith.addi %add3A_1827, %iota3A : vector<16xi32>
    %add3A_1829 = vector.broadcast %sub3A_264 : i32 to vector<16xi32>
    %add3A_1830 = arith.addi %add3A_1828, %add3A_1829 : vector<16xi32>
    %ge3A_1831 = vector.broadcast %reduce_sum3A_149 : i32 to vector<16xi32>
    %ge3A_1832 = arith.cmpi sge, %add3A_1828, %ge3A_1831 : vector<16xi32>
    %sub3A_1833 = arith.subi %sub3A_266, %sub3A_264 : i32
    %jit3A_1834 = arith.constant 0 : i32
    %broadcast_in_dim3A_1835 = vector.broadcast %sub3A_1833 : i32 to vector<16xi32>
    %broadcast_in_dim3A_1836 = vector.broadcast %jit3A_1834 : i32 to vector<16xi32>
    %select_n3A_1837 = arith.select %ge3A_1832, %broadcast_in_dim3A_1835, %broadcast_in_dim3A_1836 : vector<16xi1>, vector<16xi32>
    %add3A_1838 = arith.addi %add3A_1830, %select_n3A_1837 : vector<16xi32>
    %ge3A_1839 = vector.broadcast %reduce_sum3A_159 : i32 to vector<16xi32>
    %ge3A_1840 = arith.cmpi sge, %add3A_1828, %ge3A_1839 : vector<16xi32>
    %sub3A_1841 = arith.subi %sub3A_268, %sub3A_266 : i32
    %jit3A_1842 = arith.constant 0 : i32
    %broadcast_in_dim3A_1843 = vector.broadcast %sub3A_1841 : i32 to vector<16xi32>
    %broadcast_in_dim3A_1844 = vector.broadcast %jit3A_1842 : i32 to vector<16xi32>
    %select_n3A_1845 = arith.select %ge3A_1840, %broadcast_in_dim3A_1843, %broadcast_in_dim3A_1844 : vector<16xi1>, vector<16xi32>
    %add3A_1846 = arith.addi %add3A_1838, %select_n3A_1845 : vector<16xi32>
    %ge3A_1847 = vector.broadcast %reduce_sum3A_169 : i32 to vector<16xi32>
    %ge3A_1848 = arith.cmpi sge, %add3A_1828, %ge3A_1847 : vector<16xi32>
    %sub3A_1849 = arith.subi %sub3A_270, %sub3A_268 : i32
    %jit3A_1850 = arith.constant 0 : i32
    %broadcast_in_dim3A_1851 = vector.broadcast %sub3A_1849 : i32 to vector<16xi32>
    %broadcast_in_dim3A_1852 = vector.broadcast %jit3A_1850 : i32 to vector<16xi32>
    %select_n3A_1853 = arith.select %ge3A_1848, %broadcast_in_dim3A_1851, %broadcast_in_dim3A_1852 : vector<16xi1>, vector<16xi32>
    %add3A_1854 = arith.addi %add3A_1846, %select_n3A_1853 : vector<16xi32>
    %ge3A_1855 = vector.broadcast %reduce_sum3A_179 : i32 to vector<16xi32>
    %ge3A_1856 = arith.cmpi sge, %add3A_1828, %ge3A_1855 : vector<16xi32>
    %sub3A_1857 = arith.subi %sub3A_272, %sub3A_270 : i32
    %jit3A_1858 = arith.constant 0 : i32
    %broadcast_in_dim3A_1859 = vector.broadcast %sub3A_1857 : i32 to vector<16xi32>
    %broadcast_in_dim3A_1860 = vector.broadcast %jit3A_1858 : i32 to vector<16xi32>
    %select_n3A_1861 = arith.select %ge3A_1856, %broadcast_in_dim3A_1859, %broadcast_in_dim3A_1860 : vector<16xi1>, vector<16xi32>
    %add3A_1862 = arith.addi %add3A_1854, %select_n3A_1861 : vector<16xi32>
    %ge3A_1863 = vector.broadcast %reduce_sum3A_189 : i32 to vector<16xi32>
    %ge3A_1864 = arith.cmpi sge, %add3A_1828, %ge3A_1863 : vector<16xi32>
    %sub3A_1865 = arith.subi %sub3A_274, %sub3A_272 : i32
    %jit3A_1866 = arith.constant 0 : i32
    %broadcast_in_dim3A_1867 = vector.broadcast %sub3A_1865 : i32 to vector<16xi32>
    %broadcast_in_dim3A_1868 = vector.broadcast %jit3A_1866 : i32 to vector<16xi32>
    %select_n3A_1869 = arith.select %ge3A_1864, %broadcast_in_dim3A_1867, %broadcast_in_dim3A_1868 : vector<16xi1>, vector<16xi32>
    %add3A_1870 = arith.addi %add3A_1862, %select_n3A_1869 : vector<16xi32>
    %ge3A_1871 = vector.broadcast %reduce_sum3A_199 : i32 to vector<16xi32>
    %ge3A_1872 = arith.cmpi sge, %add3A_1828, %ge3A_1871 : vector<16xi32>
    %sub3A_1873 = arith.subi %sub3A_276, %sub3A_274 : i32
    %jit3A_1874 = arith.constant 0 : i32
    %broadcast_in_dim3A_1875 = vector.broadcast %sub3A_1873 : i32 to vector<16xi32>
    %broadcast_in_dim3A_1876 = vector.broadcast %jit3A_1874 : i32 to vector<16xi32>
    %select_n3A_1877 = arith.select %ge3A_1872, %broadcast_in_dim3A_1875, %broadcast_in_dim3A_1876 : vector<16xi1>, vector<16xi32>
    %add3A_1878 = arith.addi %add3A_1870, %select_n3A_1877 : vector<16xi32>
    %ge3A_1879 = vector.broadcast %reduce_sum3A_209 : i32 to vector<16xi32>
    %ge3A_1880 = arith.cmpi sge, %add3A_1828, %ge3A_1879 : vector<16xi32>
    %sub3A_1881 = arith.subi %sub3A_278, %sub3A_276 : i32
    %jit3A_1882 = arith.constant 0 : i32
    %broadcast_in_dim3A_1883 = vector.broadcast %sub3A_1881 : i32 to vector<16xi32>
    %broadcast_in_dim3A_1884 = vector.broadcast %jit3A_1882 : i32 to vector<16xi32>
    %select_n3A_1885 = arith.select %ge3A_1880, %broadcast_in_dim3A_1883, %broadcast_in_dim3A_1884 : vector<16xi1>, vector<16xi32>
    %add3A_1886 = arith.addi %add3A_1878, %select_n3A_1885 : vector<16xi32>
    %ge3A_1887 = vector.broadcast %reduce_sum3A_219 : i32 to vector<16xi32>
    %ge3A_1888 = arith.cmpi sge, %add3A_1828, %ge3A_1887 : vector<16xi32>
    %sub3A_1889 = arith.subi %sub3A_281, %sub3A_278 : i32
    %jit3A_1890 = arith.constant 0 : i32
    %broadcast_in_dim3A_1891 = vector.broadcast %sub3A_1889 : i32 to vector<16xi32>
    %broadcast_in_dim3A_1892 = vector.broadcast %jit3A_1890 : i32 to vector<16xi32>
    %select_n3A_1893 = arith.select %ge3A_1888, %broadcast_in_dim3A_1891, %broadcast_in_dim3A_1892 : vector<16xi1>, vector<16xi32>
    %add3A_1894 = arith.addi %add3A_1886, %select_n3A_1893 : vector<16xi32>
    %swap3A_1895 = arith.constant 16 : index
    %swap3A_1896 = tpu.vector_load %arg14[%swap3A_1895] {strides = array<i32>} : memref<32xi32, #tpu.memory_space<vmem>>, vector<16xi32>,
    tpu.vector_store %arg14[%swap3A_1895], %add3A_1894 {strides = array<i32>} : memref<32xi32, #tpu.memory_space<vmem>>, vector<16xi32>,
    %dma_start3A_1897 = arith.constant 0 : i32
    %dma_start3A_1898 = arith.constant 0 : i32
    %dma_start3A_1899 = tpu.memref_slice %arg6[%dma_start3A_1897, %dma_start3A_1898] : memref<16384x1024xf32, #tpu.memory_space<hbm>> -> memref<16384x1024xf32, #tpu.memory_space<hbm>>
    tpu.enqueue_indirect_dma source(%arg11 : memref<32x1024xf32, #tpu.memory_space<vmem>>) target(%dma_start3A_1899 : memref<16384x1024xf32, #tpu.memory_space<hbm>>) offsets(%arg14 : memref<32xi32, #tpu.memory_space<vmem>>) semaphore(%arg20 : memref<!tpu.dma_semaphore, #tpu.memory_space<semaphore_mem>>)
    %dma_wait3A_1900 = arith.constant 0 : i32
    %dma_wait3A_1901 = arith.constant 0 : i32
    %dma_wait3A_1902 = tpu.memref_slice %arg6[%dma_wait3A_1900, %dma_wait3A_1901] : memref<16384x1024xf32, #tpu.memory_space<hbm>> -> memref<16384x1024xf32, #tpu.memory_space<hbm>>
    tpu.wait_indirect_dma semaphore(%arg22 : memref<!tpu.dma_semaphore, #tpu.memory_space<semaphore_mem>>) src(%arg13 : memref<32x1024xf32, #tpu.memory_space<vmem>>) dst(%dma_wait3A_1902 : memref<16384x1024xf32, #tpu.memory_space<hbm>>)
    %dma_start3A_1903 = arith.constant 0 : i32
    %dma_start3A_1904 = tpu.memref_slice %arg4[%add3A_26, %dma_start3A_1903] : memref<8192x1024xf32, #tpu.memory_space<hbm>> -> memref<32x1024xf32, #tpu.memory_space<hbm>>
    %dma_start3A_1905 = arith.constant 0 : i32
    %dma_start3A_1906 = tpu.memref_slice %arg4[%add3A_26, %dma_start3A_1905] : memref<8192x1024xf32, #tpu.memory_space<hbm>> -> memref<32x1024xf32, #tpu.memory_space<hbm>>
    tpu.enqueue_dma source(%dma_start3A_1906 : memref<32x1024xf32, #tpu.memory_space<hbm>>) target(%arg13 : memref<32x1024xf32, #tpu.memory_space<vmem>>) target_semaphore(%arg19 : memref<!tpu.dma_semaphore, #tpu.memory_space<semaphore_mem>>)
    %dma_wait3A_1907 = arith.constant 0 : i32
    %dma_wait3A_1908 = tpu.memref_slice %arg4[%add3A_24, %dma_wait3A_1907] : memref<8192x1024xf32, #tpu.memory_space<hbm>> -> memref<32x1024xf32, #tpu.memory_space<hbm>>
    %dma_wait3A_1909 = arith.constant 0 : i32
    %dma_wait3A_1910 = tpu.memref_slice %arg4[%add3A_24, %dma_wait3A_1909] : memref<8192x1024xf32, #tpu.memory_space<hbm>> -> memref<32x1024xf32, #tpu.memory_space<hbm>>
    tpu.wait_dma2 semaphore(%arg18 : memref<!tpu.dma_semaphore, #tpu.memory_space<semaphore_mem>>) src(%dma_wait3A_1910 : memref<32x1024xf32, #tpu.memory_space<hbm>>) dst(%arg12 : memref<32x1024xf32, #tpu.memory_space<vmem>>)
    %add3A_1911 = arith.constant 0 : i32
    %add3A_1912 = arith.addi %add3A_24, %add3A_1911 : i32
    %add3A_1913 = vector.broadcast %add3A_1912 : i32 to vector<16xi32>
    %add3A_1914 = arith.addi %add3A_1913, %iota3A : vector<16xi32>
    %add3A_1915 = vector.broadcast %sub3A_264 : i32 to vector<16xi32>
    %add3A_1916 = arith.addi %add3A_1914, %add3A_1915 : vector<16xi32>
    %ge3A_1917 = vector.broadcast %reduce_sum3A_149 : i32 to vector<16xi32>
    %ge3A_1918 = arith.cmpi sge, %add3A_1914, %ge3A_1917 : vector<16xi32>
    %sub3A_1919 = arith.subi %sub3A_266, %sub3A_264 : i32
    %jit3A_1920 = arith.constant 0 : i32
    %broadcast_in_dim3A_1921 = vector.broadcast %sub3A_1919 : i32 to vector<16xi32>
    %broadcast_in_dim3A_1922 = vector.broadcast %jit3A_1920 : i32 to vector<16xi32>
    %select_n3A_1923 = arith.select %ge3A_1918, %broadcast_in_dim3A_1921, %broadcast_in_dim3A_1922 : vector<16xi1>, vector<16xi32>
    %add3A_1924 = arith.addi %add3A_1916, %select_n3A_1923 : vector<16xi32>
    %ge3A_1925 = vector.broadcast %reduce_sum3A_159 : i32 to vector<16xi32>
    %ge3A_1926 = arith.cmpi sge, %add3A_1914, %ge3A_1925 : vector<16xi32>
    %sub3A_1927 = arith.subi %sub3A_268, %sub3A_266 : i32
    %jit3A_1928 = arith.constant 0 : i32
    %broadcast_in_dim3A_1929 = vector.broadcast %sub3A_1927 : i32 to vector<16xi32>
    %broadcast_in_dim3A_1930 = vector.broadcast %jit3A_1928 : i32 to vector<16xi32>
    %select_n3A_1931 = arith.select %ge3A_1926, %broadcast_in_dim3A_1929, %broadcast_in_dim3A_1930 : vector<16xi1>, vector<16xi32>
    %add3A_1932 = arith.addi %add3A_1924, %select_n3A_1931 : vector<16xi32>
    %ge3A_1933 = vector.broadcast %reduce_sum3A_169 : i32 to vector<16xi32>
    %ge3A_1934 = arith.cmpi sge, %add3A_1914, %ge3A_1933 : vector<16xi32>
    %sub3A_1935 = arith.subi %sub3A_270, %sub3A_268 : i32
    %jit3A_1936 = arith.constant 0 : i32
    %broadcast_in_dim3A_1937 = vector.broadcast %sub3A_1935 : i32 to vector<16xi32>
    %broadcast_in_dim3A_1938 = vector.broadcast %jit3A_1936 : i32 to vector<16xi32>
    %select_n3A_1939 = arith.select %ge3A_1934, %broadcast_in_dim3A_1937, %broadcast_in_dim3A_1938 : vector<16xi1>, vector<16xi32>
    %add3A_1940 = arith.addi %add3A_1932, %select_n3A_1939 : vector<16xi32>
    %ge3A_1941 = vector.broadcast %reduce_sum3A_179 : i32 to vector<16xi32>
    %ge3A_1942 = arith.cmpi sge, %add3A_1914, %ge3A_1941 : vector<16xi32>
    %sub3A_1943 = arith.subi %sub3A_272, %sub3A_270 : i32
    %jit3A_1944 = arith.constant 0 : i32
    %broadcast_in_dim3A_1945 = vector.broadcast %sub3A_1943 : i32 to vector<16xi32>
    %broadcast_in_dim3A_1946 = vector.broadcast %jit3A_1944 : i32 to vector<16xi32>
    %select_n3A_1947 = arith.select %ge3A_1942, %broadcast_in_dim3A_1945, %broadcast_in_dim3A_1946 : vector<16xi1>, vector<16xi32>
    %add3A_1948 = arith.addi %add3A_1940, %select_n3A_1947 : vector<16xi32>
    %ge3A_1949 = vector.broadcast %reduce_sum3A_189 : i32 to vector<16xi32>
    %ge3A_1950 = arith.cmpi sge, %add3A_1914, %ge3A_1949 : vector<16xi32>
    %sub3A_1951 = arith.subi %sub3A_274, %sub3A_272 : i32
    %jit3A_1952 = arith.constant 0 : i32
    %broadcast_in_dim3A_1953 = vector.broadcast %sub3A_1951 : i32 to vector<16xi32>
    %broadcast_in_dim3A_1954 = vector.broadcast %jit3A_1952 : i32 to vector<16xi32>
    %select_n3A_1955 = arith.select %ge3A_1950, %broadcast_in_dim3A_1953, %broadcast_in_dim3A_1954 : vector<16xi1>, vector<16xi32>
    %add3A_1956 = arith.addi %add3A_1948, %select_n3A_1955 : vector<16xi32>
    %ge3A_1957 = vector.broadcast %reduce_sum3A_199 : i32 to vector<16xi32>
    %ge3A_1958 = arith.cmpi sge, %add3A_1914, %ge3A_1957 : vector<16xi32>
    %sub3A_1959 = arith.subi %sub3A_276, %sub3A_274 : i32
    %jit3A_1960 = arith.constant 0 : i32
    %broadcast_in_dim3A_1961 = vector.broadcast %sub3A_1959 : i32 to vector<16xi32>
    %broadcast_in_dim3A_1962 = vector.broadcast %jit3A_1960 : i32 to vector<16xi32>
    %select_n3A_1963 = arith.select %ge3A_1958, %broadcast_in_dim3A_1961, %broadcast_in_dim3A_1962 : vector<16xi1>, vector<16xi32>
    %add3A_1964 = arith.addi %add3A_1956, %select_n3A_1963 : vector<16xi32>
    %ge3A_1965 = vector.broadcast %reduce_sum3A_209 : i32 to vector<16xi32>
    %ge3A_1966 = arith.cmpi sge, %add3A_1914, %ge3A_1965 : vector<16xi32>
    %sub3A_1967 = arith.subi %sub3A_278, %sub3A_276 : i32
    %jit3A_1968 = arith.constant 0 : i32
    %broadcast_in_dim3A_1969 = vector.broadcast %sub3A_1967 : i32 to vector<16xi32>
    %broadcast_in_dim3A_1970 = vector.broadcast %jit3A_1968 : i32 to vector<16xi32>
    %select_n3A_1971 = arith.select %ge3A_1966, %broadcast_in_dim3A_1969, %broadcast_in_dim3A_1970 : vector<16xi1>, vector<16xi32>
    %add3A_1972 = arith.addi %add3A_1964, %select_n3A_1971 : vector<16xi32>
    %ge3A_1973 = vector.broadcast %reduce_sum3A_219 : i32 to vector<16xi32>
    %ge3A_1974 = arith.cmpi sge, %add3A_1914, %ge3A_1973 : vector<16xi32>
    %sub3A_1975 = arith.subi %sub3A_281, %sub3A_278 : i32
    %jit3A_1976 = arith.constant 0 : i32
    %broadcast_in_dim3A_1977 = vector.broadcast %sub3A_1975 : i32 to vector<16xi32>
    %broadcast_in_dim3A_1978 = vector.broadcast %jit3A_1976 : i32 to vector<16xi32>
    %select_n3A_1979 = arith.select %ge3A_1974, %broadcast_in_dim3A_1977, %broadcast_in_dim3A_1978 : vector<16xi1>, vector<16xi32>
    %add3A_1980 = arith.addi %add3A_1972, %select_n3A_1979 : vector<16xi32>
    %swap3A_1981 = arith.constant 0 : index
    %swap3A_1982 = tpu.vector_load %arg15[%swap3A_1981] {strides = array<i32>} : memref<32xi32, #tpu.memory_space<vmem>>, vector<16xi32>,
    tpu.vector_store %arg15[%swap3A_1981], %add3A_1980 {strides = array<i32>} : memref<32xi32, #tpu.memory_space<vmem>>, vector<16xi32>,
    %add3A_1983 = arith.constant 16 : i32
    %add3A_1984 = arith.addi %add3A_24, %add3A_1983 : i32
    %add3A_1985 = vector.broadcast %add3A_1984 : i32 to vector<16xi32>
    %add3A_1986 = arith.addi %add3A_1985, %iota3A : vector<16xi32>
    %add3A_1987 = vector.broadcast %sub3A_264 : i32 to vector<16xi32>
    %add3A_1988 = arith.addi %add3A_1986, %add3A_1987 : vector<16xi32>
    %ge3A_1989 = vector.broadcast %reduce_sum3A_149 : i32 to vector<16xi32>
    %ge3A_1990 = arith.cmpi sge, %add3A_1986, %ge3A_1989 : vector<16xi32>
    %sub3A_1991 = arith.subi %sub3A_266, %sub3A_264 : i32
    %jit3A_1992 = arith.constant 0 : i32
    %broadcast_in_dim3A_1993 = vector.broadcast %sub3A_1991 : i32 to vector<16xi32>
    %broadcast_in_dim3A_1994 = vector.broadcast %jit3A_1992 : i32 to vector<16xi32>
    %select_n3A_1995 = arith.select %ge3A_1990, %broadcast_in_dim3A_1993, %broadcast_in_dim3A_1994 : vector<16xi1>, vector<16xi32>
    %add3A_1996 = arith.addi %add3A_1988, %select_n3A_1995 : vector<16xi32>
    %ge3A_1997 = vector.broadcast %reduce_sum3A_159 : i32 to vector<16xi32>
    %ge3A_1998 = arith.cmpi sge, %add3A_1986, %ge3A_1997 : vector<16xi32>
    %sub3A_1999 = arith.subi %sub3A_268, %sub3A_266 : i32
    %jit3A_2000 = arith.constant 0 : i32
    %broadcast_in_dim3A_2001 = vector.broadcast %sub3A_1999 : i32 to vector<16xi32>
    %broadcast_in_dim3A_2002 = vector.broadcast %jit3A_2000 : i32 to vector<16xi32>
    %select_n3A_2003 = arith.select %ge3A_1998, %broadcast_in_dim3A_2001, %broadcast_in_dim3A_2002 : vector<16xi1>, vector<16xi32>
    %add3A_2004 = arith.addi %add3A_1996, %select_n3A_2003 : vector<16xi32>
    %ge3A_2005 = vector.broadcast %reduce_sum3A_169 : i32 to vector<16xi32>
    %ge3A_2006 = arith.cmpi sge, %add3A_1986, %ge3A_2005 : vector<16xi32>
    %sub3A_2007 = arith.subi %sub3A_270, %sub3A_268 : i32
    %jit3A_2008 = arith.constant 0 : i32
    %broadcast_in_dim3A_2009 = vector.broadcast %sub3A_2007 : i32 to vector<16xi32>
    %broadcast_in_dim3A_2010 = vector.broadcast %jit3A_2008 : i32 to vector<16xi32>
    %select_n3A_2011 = arith.select %ge3A_2006, %broadcast_in_dim3A_2009, %broadcast_in_dim3A_2010 : vector<16xi1>, vector<16xi32>
    %add3A_2012 = arith.addi %add3A_2004, %select_n3A_2011 : vector<16xi32>
    %ge3A_2013 = vector.broadcast %reduce_sum3A_179 : i32 to vector<16xi32>
    %ge3A_2014 = arith.cmpi sge, %add3A_1986, %ge3A_2013 : vector<16xi32>
    %sub3A_2015 = arith.subi %sub3A_272, %sub3A_270 : i32
    %jit3A_2016 = arith.constant 0 : i32
    %broadcast_in_dim3A_2017 = vector.broadcast %sub3A_2015 : i32 to vector<16xi32>
    %broadcast_in_dim3A_2018 = vector.broadcast %jit3A_2016 : i32 to vector<16xi32>
    %select_n3A_2019 = arith.select %ge3A_2014, %broadcast_in_dim3A_2017, %broadcast_in_dim3A_2018 : vector<16xi1>, vector<16xi32>
    %add3A_2020 = arith.addi %add3A_2012, %select_n3A_2019 : vector<16xi32>
    %ge3A_2021 = vector.broadcast %reduce_sum3A_189 : i32 to vector<16xi32>
    %ge3A_2022 = arith.cmpi sge, %add3A_1986, %ge3A_2021 : vector<16xi32>
    %sub3A_2023 = arith.subi %sub3A_274, %sub3A_272 : i32
    %jit3A_2024 = arith.constant 0 : i32
    %broadcast_in_dim3A_2025 = vector.broadcast %sub3A_2023 : i32 to vector<16xi32>
    %broadcast_in_dim3A_2026 = vector.broadcast %jit3A_2024 : i32 to vector<16xi32>
    %select_n3A_2027 = arith.select %ge3A_2022, %broadcast_in_dim3A_2025, %broadcast_in_dim3A_2026 : vector<16xi1>, vector<16xi32>
    %add3A_2028 = arith.addi %add3A_2020, %select_n3A_2027 : vector<16xi32>
    %ge3A_2029 = vector.broadcast %reduce_sum3A_199 : i32 to vector<16xi32>
    %ge3A_2030 = arith.cmpi sge, %add3A_1986, %ge3A_2029 : vector<16xi32>
    %sub3A_2031 = arith.subi %sub3A_276, %sub3A_274 : i32
    %jit3A_2032 = arith.constant 0 : i32
    %broadcast_in_dim3A_2033 = vector.broadcast %sub3A_2031 : i32 to vector<16xi32>
    %broadcast_in_dim3A_2034 = vector.broadcast %jit3A_2032 : i32 to vector<16xi32>
    %select_n3A_2035 = arith.select %ge3A_2030, %broadcast_in_dim3A_2033, %broadcast_in_dim3A_2034 : vector<16xi1>, vector<16xi32>
    %add3A_2036 = arith.addi %add3A_2028, %select_n3A_2035 : vector<16xi32>
    %ge3A_2037 = vector.broadcast %reduce_sum3A_209 : i32 to vector<16xi32>
    %ge3A_2038 = arith.cmpi sge, %add3A_1986, %ge3A_2037 : vector<16xi32>
    %sub3A_2039 = arith.subi %sub3A_278, %sub3A_276 : i32
    %jit3A_2040 = arith.constant 0 : i32
    %broadcast_in_dim3A_2041 = vector.broadcast %sub3A_2039 : i32 to vector<16xi32>
    %broadcast_in_dim3A_2042 = vector.broadcast %jit3A_2040 : i32 to vector<16xi32>
    %select_n3A_2043 = arith.select %ge3A_2038, %broadcast_in_dim3A_2041, %broadcast_in_dim3A_2042 : vector<16xi1>, vector<16xi32>
    %add3A_2044 = arith.addi %add3A_2036, %select_n3A_2043 : vector<16xi32>
    %ge3A_2045 = vector.broadcast %reduce_sum3A_219 : i32 to vector<16xi32>
    %ge3A_2046 = arith.cmpi sge, %add3A_1986, %ge3A_2045 : vector<16xi32>
    %sub3A_2047 = arith.subi %sub3A_281, %sub3A_278 : i32
    %jit3A_2048 = arith.constant 0 : i32
    %broadcast_in_dim3A_2049 = vector.broadcast %sub3A_2047 : i32 to vector<16xi32>
    %broadcast_in_dim3A_2050 = vector.broadcast %jit3A_2048 : i32 to vector<16xi32>
    %select_n3A_2051 = arith.select %ge3A_2046, %broadcast_in_dim3A_2049, %broadcast_in_dim3A_2050 : vector<16xi1>, vector<16xi32>
    %add3A_2052 = arith.addi %add3A_2044, %select_n3A_2051 : vector<16xi32>
    %swap3A_2053 = arith.constant 16 : index
    %swap3A_2054 = tpu.vector_load %arg15[%swap3A_2053] {strides = array<i32>} : memref<32xi32, #tpu.memory_space<vmem>>, vector<16xi32>,
    tpu.vector_store %arg15[%swap3A_2053], %add3A_2052 {strides = array<i32>} : memref<32xi32, #tpu.memory_space<vmem>>, vector<16xi32>,
    %dma_start3A_2055 = arith.constant 0 : i32
    %dma_start3A_2056 = arith.constant 0 : i32
    %dma_start3A_2057 = tpu.memref_slice %arg6[%dma_start3A_2055, %dma_start3A_2056] : memref<16384x1024xf32, #tpu.memory_space<hbm>> -> memref<16384x1024xf32, #tpu.memory_space<hbm>>
    tpu.enqueue_indirect_dma source(%arg12 : memref<32x1024xf32, #tpu.memory_space<vmem>>) target(%dma_start3A_2057 : memref<16384x1024xf32, #tpu.memory_space<hbm>>) offsets(%arg15 : memref<32xi32, #tpu.memory_space<vmem>>) semaphore(%arg21 : memref<!tpu.dma_semaphore, #tpu.memory_space<semaphore_mem>>)
    %dma_wait3A_2058 = arith.constant 0 : i32
    %dma_wait3A_2059 = arith.constant 0 : i32
    %dma_wait3A_2060 = tpu.memref_slice %arg6[%dma_wait3A_2058, %dma_wait3A_2059] : memref<16384x1024xf32, #tpu.memory_space<hbm>> -> memref<16384x1024xf32, #tpu.memory_space<hbm>>
    tpu.wait_indirect_dma semaphore(%arg20 : memref<!tpu.dma_semaphore, #tpu.memory_space<semaphore_mem>>) src(%arg11 : memref<32x1024xf32, #tpu.memory_space<vmem>>) dst(%dma_wait3A_2060 : memref<16384x1024xf32, #tpu.memory_space<hbm>>)
    %dma_start3A_2061 = arith.constant 0 : i32
    %dma_start3A_2062 = tpu.memref_slice %arg4[%add3A_28, %dma_start3A_2061] : memref<8192x1024xf32, #tpu.memory_space<hbm>> -> memref<32x1024xf32, #tpu.memory_space<hbm>>
    %dma_start3A_2063 = arith.constant 0 : i32
    %dma_start3A_2064 = tpu.memref_slice %arg4[%add3A_28, %dma_start3A_2063] : memref<8192x1024xf32, #tpu.memory_space<hbm>> -> memref<32x1024xf32, #tpu.memory_space<hbm>>
    tpu.enqueue_dma source(%dma_start3A_2064 : memref<32x1024xf32, #tpu.memory_space<hbm>>) target(%arg11 : memref<32x1024xf32, #tpu.memory_space<vmem>>) target_semaphore(%arg17 : memref<!tpu.dma_semaphore, #tpu.memory_space<semaphore_mem>>)
    %dma_wait3A_2065 = arith.constant 0 : i32
    %dma_wait3A_2066 = tpu.memref_slice %arg4[%add3A_26, %dma_wait3A_2065] : memref<8192x1024xf32, #tpu.memory_space<hbm>> -> memref<32x1024xf32, #tpu.memory_space<hbm>>
    %dma_wait3A_2067 = arith.constant 0 : i32
    %dma_wait3A_2068 = tpu.memref_slice %arg4[%add3A_26, %dma_wait3A_2067] : memref<8192x1024xf32, #tpu.memory_space<hbm>> -> memref<32x1024xf32, #tpu.memory_space<hbm>>
    tpu.wait_dma2 semaphore(%arg19 : memref<!tpu.dma_semaphore, #tpu.memory_space<semaphore_mem>>) src(%dma_wait3A_2068 : memref<32x1024xf32, #tpu.memory_space<hbm>>) dst(%arg13 : memref<32x1024xf32, #tpu.memory_space<vmem>>)
    %add3A_2069 = arith.constant 0 : i32
    %add3A_2070 = arith.addi %add3A_26, %add3A_2069 : i32
    %add3A_2071 = vector.broadcast %add3A_2070 : i32 to vector<16xi32>
    %add3A_2072 = arith.addi %add3A_2071, %iota3A : vector<16xi32>
    %add3A_2073 = vector.broadcast %sub3A_264 : i32 to vector<16xi32>
    %add3A_2074 = arith.addi %add3A_2072, %add3A_2073 : vector<16xi32>
    %ge3A_2075 = vector.broadcast %reduce_sum3A_149 : i32 to vector<16xi32>
    %ge3A_2076 = arith.cmpi sge, %add3A_2072, %ge3A_2075 : vector<16xi32>
    %sub3A_2077 = arith.subi %sub3A_266, %sub3A_264 : i32
    %jit3A_2078 = arith.constant 0 : i32
    %broadcast_in_dim3A_2079 = vector.broadcast %sub3A_2077 : i32 to vector<16xi32>
    %broadcast_in_dim3A_2080 = vector.broadcast %jit3A_2078 : i32 to vector<16xi32>
    %select_n3A_2081 = arith.select %ge3A_2076, %broadcast_in_dim3A_2079, %broadcast_in_dim3A_2080 : vector<16xi1>, vector<16xi32>
    %add3A_2082 = arith.addi %add3A_2074, %select_n3A_2081 : vector<16xi32>
    %ge3A_2083 = vector.broadcast %reduce_sum3A_159 : i32 to vector<16xi32>
    %ge3A_2084 = arith.cmpi sge, %add3A_2072, %ge3A_2083 : vector<16xi32>
    %sub3A_2085 = arith.subi %sub3A_268, %sub3A_266 : i32
    %jit3A_2086 = arith.constant 0 : i32
    %broadcast_in_dim3A_2087 = vector.broadcast %sub3A_2085 : i32 to vector<16xi32>
    %broadcast_in_dim3A_2088 = vector.broadcast %jit3A_2086 : i32 to vector<16xi32>
    %select_n3A_2089 = arith.select %ge3A_2084, %broadcast_in_dim3A_2087, %broadcast_in_dim3A_2088 : vector<16xi1>, vector<16xi32>
    %add3A_2090 = arith.addi %add3A_2082, %select_n3A_2089 : vector<16xi32>
    %ge3A_2091 = vector.broadcast %reduce_sum3A_169 : i32 to vector<16xi32>
    %ge3A_2092 = arith.cmpi sge, %add3A_2072, %ge3A_2091 : vector<16xi32>
    %sub3A_2093 = arith.subi %sub3A_270, %sub3A_268 : i32
    %jit3A_2094 = arith.constant 0 : i32
    %broadcast_in_dim3A_2095 = vector.broadcast %sub3A_2093 : i32 to vector<16xi32>
    %broadcast_in_dim3A_2096 = vector.broadcast %jit3A_2094 : i32 to vector<16xi32>
    %select_n3A_2097 = arith.select %ge3A_2092, %broadcast_in_dim3A_2095, %broadcast_in_dim3A_2096 : vector<16xi1>, vector<16xi32>
    %add3A_2098 = arith.addi %add3A_2090, %select_n3A_2097 : vector<16xi32>
    %ge3A_2099 = vector.broadcast %reduce_sum3A_179 : i32 to vector<16xi32>
    %ge3A_2100 = arith.cmpi sge, %add3A_2072, %ge3A_2099 : vector<16xi32>
    %sub3A_2101 = arith.subi %sub3A_272, %sub3A_270 : i32
    %jit3A_2102 = arith.constant 0 : i32
    %broadcast_in_dim3A_2103 = vector.broadcast %sub3A_2101 : i32 to vector<16xi32>
    %broadcast_in_dim3A_2104 = vector.broadcast %jit3A_2102 : i32 to vector<16xi32>
    %select_n3A_2105 = arith.select %ge3A_2100, %broadcast_in_dim3A_2103, %broadcast_in_dim3A_2104 : vector<16xi1>, vector<16xi32>
    %add3A_2106 = arith.addi %add3A_2098, %select_n3A_2105 : vector<16xi32>
    %ge3A_2107 = vector.broadcast %reduce_sum3A_189 : i32 to vector<16xi32>
    %ge3A_2108 = arith.cmpi sge, %add3A_2072, %ge3A_2107 : vector<16xi32>
    %sub3A_2109 = arith.subi %sub3A_274, %sub3A_272 : i32
    %jit3A_2110 = arith.constant 0 : i32
    %broadcast_in_dim3A_2111 = vector.broadcast %sub3A_2109 : i32 to vector<16xi32>
    %broadcast_in_dim3A_2112 = vector.broadcast %jit3A_2110 : i32 to vector<16xi32>
    %select_n3A_2113 = arith.select %ge3A_2108, %broadcast_in_dim3A_2111, %broadcast_in_dim3A_2112 : vector<16xi1>, vector<16xi32>
    %add3A_2114 = arith.addi %add3A_2106, %select_n3A_2113 : vector<16xi32>
    %ge3A_2115 = vector.broadcast %reduce_sum3A_199 : i32 to vector<16xi32>
    %ge3A_2116 = arith.cmpi sge, %add3A_2072, %ge3A_2115 : vector<16xi32>
    %sub3A_2117 = arith.subi %sub3A_276, %sub3A_274 : i32
    %jit3A_2118 = arith.constant 0 : i32
    %broadcast_in_dim3A_2119 = vector.broadcast %sub3A_2117 : i32 to vector<16xi32>
    %broadcast_in_dim3A_2120 = vector.broadcast %jit3A_2118 : i32 to vector<16xi32>
    %select_n3A_2121 = arith.select %ge3A_2116, %broadcast_in_dim3A_2119, %broadcast_in_dim3A_2120 : vector<16xi1>, vector<16xi32>
    %add3A_2122 = arith.addi %add3A_2114, %select_n3A_2121 : vector<16xi32>
    %ge3A_2123 = vector.broadcast %reduce_sum3A_209 : i32 to vector<16xi32>
    %ge3A_2124 = arith.cmpi sge, %add3A_2072, %ge3A_2123 : vector<16xi32>
    %sub3A_2125 = arith.subi %sub3A_278, %sub3A_276 : i32
    %jit3A_2126 = arith.constant 0 : i32
    %broadcast_in_dim3A_2127 = vector.broadcast %sub3A_2125 : i32 to vector<16xi32>
    %broadcast_in_dim3A_2128 = vector.broadcast %jit3A_2126 : i32 to vector<16xi32>
    %select_n3A_2129 = arith.select %ge3A_2124, %broadcast_in_dim3A_2127, %broadcast_in_dim3A_2128 : vector<16xi1>, vector<16xi32>
    %add3A_2130 = arith.addi %add3A_2122, %select_n3A_2129 : vector<16xi32>
    %ge3A_2131 = vector.broadcast %reduce_sum3A_219 : i32 to vector<16xi32>
    %ge3A_2132 = arith.cmpi sge, %add3A_2072, %ge3A_2131 : vector<16xi32>
    %sub3A_2133 = arith.subi %sub3A_281, %sub3A_278 : i32
    %jit3A_2134 = arith.constant 0 : i32
    %broadcast_in_dim3A_2135 = vector.broadcast %sub3A_2133 : i32 to vector<16xi32>
    %broadcast_in_dim3A_2136 = vector.broadcast %jit3A_2134 : i32 to vector<16xi32>
    %select_n3A_2137 = arith.select %ge3A_2132, %broadcast_in_dim3A_2135, %broadcast_in_dim3A_2136 : vector<16xi1>, vector<16xi32>
    %add3A_2138 = arith.addi %add3A_2130, %select_n3A_2137 : vector<16xi32>
    %swap3A_2139 = arith.constant 0 : index
    %swap3A_2140 = tpu.vector_load %arg16[%swap3A_2139] {strides = array<i32>} : memref<32xi32, #tpu.memory_space<vmem>>, vector<16xi32>,
    tpu.vector_store %arg16[%swap3A_2139], %add3A_2138 {strides = array<i32>} : memref<32xi32, #tpu.memory_space<vmem>>, vector<16xi32>,
    %add3A_2141 = arith.constant 16 : i32
    %add3A_2142 = arith.addi %add3A_26, %add3A_2141 : i32
    %add3A_2143 = vector.broadcast %add3A_2142 : i32 to vector<16xi32>
    %add3A_2144 = arith.addi %add3A_2143, %iota3A : vector<16xi32>
    %add3A_2145 = vector.broadcast %sub3A_264 : i32 to vector<16xi32>
    %add3A_2146 = arith.addi %add3A_2144, %add3A_2145 : vector<16xi32>
    %ge3A_2147 = vector.broadcast %reduce_sum3A_149 : i32 to vector<16xi32>
    %ge3A_2148 = arith.cmpi sge, %add3A_2144, %ge3A_2147 : vector<16xi32>
    %sub3A_2149 = arith.subi %sub3A_266, %sub3A_264 : i32
    %jit3A_2150 = arith.constant 0 : i32
    %broadcast_in_dim3A_2151 = vector.broadcast %sub3A_2149 : i32 to vector<16xi32>
    %broadcast_in_dim3A_2152 = vector.broadcast %jit3A_2150 : i32 to vector<16xi32>
    %select_n3A_2153 = arith.select %ge3A_2148, %broadcast_in_dim3A_2151, %broadcast_in_dim3A_2152 : vector<16xi1>, vector<16xi32>
    %add3A_2154 = arith.addi %add3A_2146, %select_n3A_2153 : vector<16xi32>
    %ge3A_2155 = vector.broadcast %reduce_sum3A_159 : i32 to vector<16xi32>
    %ge3A_2156 = arith.cmpi sge, %add3A_2144, %ge3A_2155 : vector<16xi32>
    %sub3A_2157 = arith.subi %sub3A_268, %sub3A_266 : i32
    %jit3A_2158 = arith.constant 0 : i32
    %broadcast_in_dim3A_2159 = vector.broadcast %sub3A_2157 : i32 to vector<16xi32>
    %broadcast_in_dim3A_2160 = vector.broadcast %jit3A_2158 : i32 to vector<16xi32>
    %select_n3A_2161 = arith.select %ge3A_2156, %broadcast_in_dim3A_2159, %broadcast_in_dim3A_2160 : vector<16xi1>, vector<16xi32>
    %add3A_2162 = arith.addi %add3A_2154, %select_n3A_2161 : vector<16xi32>
    %ge3A_2163 = vector.broadcast %reduce_sum3A_169 : i32 to vector<16xi32>
    %ge3A_2164 = arith.cmpi sge, %add3A_2144, %ge3A_2163 : vector<16xi32>
    %sub3A_2165 = arith.subi %sub3A_270, %sub3A_268 : i32
    %jit3A_2166 = arith.constant 0 : i32
    %broadcast_in_dim3A_2167 = vector.broadcast %sub3A_2165 : i32 to vector<16xi32>
    %broadcast_in_dim3A_2168 = vector.broadcast %jit3A_2166 : i32 to vector<16xi32>
    %select_n3A_2169 = arith.select %ge3A_2164, %broadcast_in_dim3A_2167, %broadcast_in_dim3A_2168 : vector<16xi1>, vector<16xi32>
    %add3A_2170 = arith.addi %add3A_2162, %select_n3A_2169 : vector<16xi32>
    %ge3A_2171 = vector.broadcast %reduce_sum3A_179 : i32 to vector<16xi32>
    %ge3A_2172 = arith.cmpi sge, %add3A_2144, %ge3A_2171 : vector<16xi32>
    %sub3A_2173 = arith.subi %sub3A_272, %sub3A_270 : i32
    %jit3A_2174 = arith.constant 0 : i32
    %broadcast_in_dim3A_2175 = vector.broadcast %sub3A_2173 : i32 to vector<16xi32>
    %broadcast_in_dim3A_2176 = vector.broadcast %jit3A_2174 : i32 to vector<16xi32>
    %select_n3A_2177 = arith.select %ge3A_2172, %broadcast_in_dim3A_2175, %broadcast_in_dim3A_2176 : vector<16xi1>, vector<16xi32>
    %add3A_2178 = arith.addi %add3A_2170, %select_n3A_2177 : vector<16xi32>
    %ge3A_2179 = vector.broadcast %reduce_sum3A_189 : i32 to vector<16xi32>
    %ge3A_2180 = arith.cmpi sge, %add3A_2144, %ge3A_2179 : vector<16xi32>
    %sub3A_2181 = arith.subi %sub3A_274, %sub3A_272 : i32
    %jit3A_2182 = arith.constant 0 : i32
    %broadcast_in_dim3A_2183 = vector.broadcast %sub3A_2181 : i32 to vector<16xi32>
    %broadcast_in_dim3A_2184 = vector.broadcast %jit3A_2182 : i32 to vector<16xi32>
    %select_n3A_2185 = arith.select %ge3A_2180, %broadcast_in_dim3A_2183, %broadcast_in_dim3A_2184 : vector<16xi1>, vector<16xi32>
    %add3A_2186 = arith.addi %add3A_2178, %select_n3A_2185 : vector<16xi32>
    %ge3A_2187 = vector.broadcast %reduce_sum3A_199 : i32 to vector<16xi32>
    %ge3A_2188 = arith.cmpi sge, %add3A_2144, %ge3A_2187 : vector<16xi32>
    %sub3A_2189 = arith.subi %sub3A_276, %sub3A_274 : i32
    %jit3A_2190 = arith.constant 0 : i32
    %broadcast_in_dim3A_2191 = vector.broadcast %sub3A_2189 : i32 to vector<16xi32>
    %broadcast_in_dim3A_2192 = vector.broadcast %jit3A_2190 : i32 to vector<16xi32>
    %select_n3A_2193 = arith.select %ge3A_2188, %broadcast_in_dim3A_2191, %broadcast_in_dim3A_2192 : vector<16xi1>, vector<16xi32>
    %add3A_2194 = arith.addi %add3A_2186, %select_n3A_2193 : vector<16xi32>
    %ge3A_2195 = vector.broadcast %reduce_sum3A_209 : i32 to vector<16xi32>
    %ge3A_2196 = arith.cmpi sge, %add3A_2144, %ge3A_2195 : vector<16xi32>
    %sub3A_2197 = arith.subi %sub3A_278, %sub3A_276 : i32
    %jit3A_2198 = arith.constant 0 : i32
    %broadcast_in_dim3A_2199 = vector.broadcast %sub3A_2197 : i32 to vector<16xi32>
    %broadcast_in_dim3A_2200 = vector.broadcast %jit3A_2198 : i32 to vector<16xi32>
    %select_n3A_2201 = arith.select %ge3A_2196, %broadcast_in_dim3A_2199, %broadcast_in_dim3A_2200 : vector<16xi1>, vector<16xi32>
    %add3A_2202 = arith.addi %add3A_2194, %select_n3A_2201 : vector<16xi32>
    %ge3A_2203 = vector.broadcast %reduce_sum3A_219 : i32 to vector<16xi32>
    %ge3A_2204 = arith.cmpi sge, %add3A_2144, %ge3A_2203 : vector<16xi32>
    %sub3A_2205 = arith.subi %sub3A_281, %sub3A_278 : i32
    %jit3A_2206 = arith.constant 0 : i32
    %broadcast_in_dim3A_2207 = vector.broadcast %sub3A_2205 : i32 to vector<16xi32>
    %broadcast_in_dim3A_2208 = vector.broadcast %jit3A_2206 : i32 to vector<16xi32>
    %select_n3A_2209 = arith.select %ge3A_2204, %broadcast_in_dim3A_2207, %broadcast_in_dim3A_2208 : vector<16xi1>, vector<16xi32>
    %add3A_2210 = arith.addi %add3A_2202, %select_n3A_2209 : vector<16xi32>
    %swap3A_2211 = arith.constant 16 : index
    %swap3A_2212 = tpu.vector_load %arg16[%swap3A_2211] {strides = array<i32>} : memref<32xi32, #tpu.memory_space<vmem>>, vector<16xi32>,
    tpu.vector_store %arg16[%swap3A_2211], %add3A_2210 {strides = array<i32>} : memref<32xi32, #tpu.memory_space<vmem>>, vector<16xi32>,
    %dma_start3A_2213 = arith.constant 0 : i32
    %dma_start3A_2214 = arith.constant 0 : i32
    %dma_start3A_2215 = tpu.memref_slice %arg6[%dma_start3A_2213, %dma_start3A_2214] : memref<16384x1024xf32, #tpu.memory_space<hbm>> -> memref<16384x1024xf32, #tpu.memory_space<hbm>>
    tpu.enqueue_indirect_dma source(%arg13 : memref<32x1024xf32, #tpu.memory_space<vmem>>) target(%dma_start3A_2215 : memref<16384x1024xf32, #tpu.memory_space<hbm>>) offsets(%arg16 : memref<32xi32, #tpu.memory_space<vmem>>) semaphore(%arg22 : memref<!tpu.dma_semaphore, #tpu.memory_space<semaphore_mem>>)
    %dma_wait3A_2216 = arith.constant 0 : i32
    %dma_wait3A_2217 = arith.constant 0 : i32
    %dma_wait3A_2218 = tpu.memref_slice %arg6[%dma_wait3A_2216, %dma_wait3A_2217] : memref<16384x1024xf32, #tpu.memory_space<hbm>> -> memref<16384x1024xf32, #tpu.memory_space<hbm>>
    tpu.wait_indirect_dma semaphore(%arg21 : memref<!tpu.dma_semaphore, #tpu.memory_space<semaphore_mem>>) src(%arg12 : memref<32x1024xf32, #tpu.memory_space<vmem>>) dst(%dma_wait3A_2218 : memref<16384x1024xf32, #tpu.memory_space<hbm>>)
    %dma_start3A_2219 = arith.constant 0 : i32
    %dma_start3A_2220 = tpu.memref_slice %arg4[%add3A_30, %dma_start3A_2219] : memref<8192x1024xf32, #tpu.memory_space<hbm>> -> memref<32x1024xf32, #tpu.memory_space<hbm>>
    %dma_start3A_2221 = arith.constant 0 : i32
    %dma_start3A_2222 = tpu.memref_slice %arg4[%add3A_30, %dma_start3A_2221] : memref<8192x1024xf32, #tpu.memory_space<hbm>> -> memref<32x1024xf32, #tpu.memory_space<hbm>>
    tpu.enqueue_dma source(%dma_start3A_2222 : memref<32x1024xf32, #tpu.memory_space<hbm>>) target(%arg12 : memref<32x1024xf32, #tpu.memory_space<vmem>>) target_semaphore(%arg18 : memref<!tpu.dma_semaphore, #tpu.memory_space<semaphore_mem>>)
    %dma_wait3A_2223 = arith.constant 0 : i32
    %dma_wait3A_2224 = tpu.memref_slice %arg4[%add3A_28, %dma_wait3A_2223] : memref<8192x1024xf32, #tpu.memory_space<hbm>> -> memref<32x1024xf32, #tpu.memory_space<hbm>>
    %dma_wait3A_2225 = arith.constant 0 : i32
    %dma_wait3A_2226 = tpu.memref_slice %arg4[%add3A_28, %dma_wait3A_2225] : memref<8192x1024xf32, #tpu.memory_space<hbm>> -> memref<32x1024xf32, #tpu.memory_space<hbm>>
    tpu.wait_dma2 semaphore(%arg17 : memref<!tpu.dma_semaphore, #tpu.memory_space<semaphore_mem>>) src(%dma_wait3A_2226 : memref<32x1024xf32, #tpu.memory_space<hbm>>) dst(%arg11 : memref<32x1024xf32, #tpu.memory_space<vmem>>)
    %add3A_2227 = arith.constant 0 : i32
    %add3A_2228 = arith.addi %add3A_28, %add3A_2227 : i32
    %add3A_2229 = vector.broadcast %add3A_2228 : i32 to vector<16xi32>
    %add3A_2230 = arith.addi %add3A_2229, %iota3A : vector<16xi32>
    %add3A_2231 = vector.broadcast %sub3A_264 : i32 to vector<16xi32>
    %add3A_2232 = arith.addi %add3A_2230, %add3A_2231 : vector<16xi32>
    %ge3A_2233 = vector.broadcast %reduce_sum3A_149 : i32 to vector<16xi32>
    %ge3A_2234 = arith.cmpi sge, %add3A_2230, %ge3A_2233 : vector<16xi32>
    %sub3A_2235 = arith.subi %sub3A_266, %sub3A_264 : i32
    %jit3A_2236 = arith.constant 0 : i32
    %broadcast_in_dim3A_2237 = vector.broadcast %sub3A_2235 : i32 to vector<16xi32>
    %broadcast_in_dim3A_2238 = vector.broadcast %jit3A_2236 : i32 to vector<16xi32>
    %select_n3A_2239 = arith.select %ge3A_2234, %broadcast_in_dim3A_2237, %broadcast_in_dim3A_2238 : vector<16xi1>, vector<16xi32>
    %add3A_2240 = arith.addi %add3A_2232, %select_n3A_2239 : vector<16xi32>
    %ge3A_2241 = vector.broadcast %reduce_sum3A_159 : i32 to vector<16xi32>
    %ge3A_2242 = arith.cmpi sge, %add3A_2230, %ge3A_2241 : vector<16xi32>
    %sub3A_2243 = arith.subi %sub3A_268, %sub3A_266 : i32
    %jit3A_2244 = arith.constant 0 : i32
    %broadcast_in_dim3A_2245 = vector.broadcast %sub3A_2243 : i32 to vector<16xi32>
    %broadcast_in_dim3A_2246 = vector.broadcast %jit3A_2244 : i32 to vector<16xi32>
    %select_n3A_2247 = arith.select %ge3A_2242, %broadcast_in_dim3A_2245, %broadcast_in_dim3A_2246 : vector<16xi1>, vector<16xi32>
    %add3A_2248 = arith.addi %add3A_2240, %select_n3A_2247 : vector<16xi32>
    %ge3A_2249 = vector.broadcast %reduce_sum3A_169 : i32 to vector<16xi32>
    %ge3A_2250 = arith.cmpi sge, %add3A_2230, %ge3A_2249 : vector<16xi32>
    %sub3A_2251 = arith.subi %sub3A_270, %sub3A_268 : i32
    %jit3A_2252 = arith.constant 0 : i32
    %broadcast_in_dim3A_2253 = vector.broadcast %sub3A_2251 : i32 to vector<16xi32>
    %broadcast_in_dim3A_2254 = vector.broadcast %jit3A_2252 : i32 to vector<16xi32>
    %select_n3A_2255 = arith.select %ge3A_2250, %broadcast_in_dim3A_2253, %broadcast_in_dim3A_2254 : vector<16xi1>, vector<16xi32>
    %add3A_2256 = arith.addi %add3A_2248, %select_n3A_2255 : vector<16xi32>
    %ge3A_2257 = vector.broadcast %reduce_sum3A_179 : i32 to vector<16xi32>
    %ge3A_2258 = arith.cmpi sge, %add3A_2230, %ge3A_2257 : vector<16xi32>
    %sub3A_2259 = arith.subi %sub3A_272, %sub3A_270 : i32
    %jit3A_2260 = arith.constant 0 : i32
    %broadcast_in_dim3A_2261 = vector.broadcast %sub3A_2259 : i32 to vector<16xi32>
    %broadcast_in_dim3A_2262 = vector.broadcast %jit3A_2260 : i32 to vector<16xi32>
    %select_n3A_2263 = arith.select %ge3A_2258, %broadcast_in_dim3A_2261, %broadcast_in_dim3A_2262 : vector<16xi1>, vector<16xi32>
    %add3A_2264 = arith.addi %add3A_2256, %select_n3A_2263 : vector<16xi32>
    %ge3A_2265 = vector.broadcast %reduce_sum3A_189 : i32 to vector<16xi32>
    %ge3A_2266 = arith.cmpi sge, %add3A_2230, %ge3A_2265 : vector<16xi32>
    %sub3A_2267 = arith.subi %sub3A_274, %sub3A_272 : i32
    %jit3A_2268 = arith.constant 0 : i32
    %broadcast_in_dim3A_2269 = vector.broadcast %sub3A_2267 : i32 to vector<16xi32>
    %broadcast_in_dim3A_2270 = vector.broadcast %jit3A_2268 : i32 to vector<16xi32>
    %select_n3A_2271 = arith.select %ge3A_2266, %broadcast_in_dim3A_2269, %broadcast_in_dim3A_2270 : vector<16xi1>, vector<16xi32>
    %add3A_2272 = arith.addi %add3A_2264, %select_n3A_2271 : vector<16xi32>
    %ge3A_2273 = vector.broadcast %reduce_sum3A_199 : i32 to vector<16xi32>
    %ge3A_2274 = arith.cmpi sge, %add3A_2230, %ge3A_2273 : vector<16xi32>
    %sub3A_2275 = arith.subi %sub3A_276, %sub3A_274 : i32
    %jit3A_2276 = arith.constant 0 : i32
    %broadcast_in_dim3A_2277 = vector.broadcast %sub3A_2275 : i32 to vector<16xi32>
    %broadcast_in_dim3A_2278 = vector.broadcast %jit3A_2276 : i32 to vector<16xi32>
    %select_n3A_2279 = arith.select %ge3A_2274, %broadcast_in_dim3A_2277, %broadcast_in_dim3A_2278 : vector<16xi1>, vector<16xi32>
    %add3A_2280 = arith.addi %add3A_2272, %select_n3A_2279 : vector<16xi32>
    %ge3A_2281 = vector.broadcast %reduce_sum3A_209 : i32 to vector<16xi32>
    %ge3A_2282 = arith.cmpi sge, %add3A_2230, %ge3A_2281 : vector<16xi32>
    %sub3A_2283 = arith.subi %sub3A_278, %sub3A_276 : i32
    %jit3A_2284 = arith.constant 0 : i32
    %broadcast_in_dim3A_2285 = vector.broadcast %sub3A_2283 : i32 to vector<16xi32>
    %broadcast_in_dim3A_2286 = vector.broadcast %jit3A_2284 : i32 to vector<16xi32>
    %select_n3A_2287 = arith.select %ge3A_2282, %broadcast_in_dim3A_2285, %broadcast_in_dim3A_2286 : vector<16xi1>, vector<16xi32>
    %add3A_2288 = arith.addi %add3A_2280, %select_n3A_2287 : vector<16xi32>
    %ge3A_2289 = vector.broadcast %reduce_sum3A_219 : i32 to vector<16xi32>
    %ge3A_2290 = arith.cmpi sge, %add3A_2230, %ge3A_2289 : vector<16xi32>
    %sub3A_2291 = arith.subi %sub3A_281, %sub3A_278 : i32
    %jit3A_2292 = arith.constant 0 : i32
    %broadcast_in_dim3A_2293 = vector.broadcast %sub3A_2291 : i32 to vector<16xi32>
    %broadcast_in_dim3A_2294 = vector.broadcast %jit3A_2292 : i32 to vector<16xi32>
    %select_n3A_2295 = arith.select %ge3A_2290, %broadcast_in_dim3A_2293, %broadcast_in_dim3A_2294 : vector<16xi1>, vector<16xi32>
    %add3A_2296 = arith.addi %add3A_2288, %select_n3A_2295 : vector<16xi32>
    %swap3A_2297 = arith.constant 0 : index
    %swap3A_2298 = tpu.vector_load %arg14[%swap3A_2297] {strides = array<i32>} : memref<32xi32, #tpu.memory_space<vmem>>, vector<16xi32>,
    tpu.vector_store %arg14[%swap3A_2297], %add3A_2296 {strides = array<i32>} : memref<32xi32, #tpu.memory_space<vmem>>, vector<16xi32>,
    %add3A_2299 = arith.constant 16 : i32
    %add3A_2300 = arith.addi %add3A_28, %add3A_2299 : i32
    %add3A_2301 = vector.broadcast %add3A_2300 : i32 to vector<16xi32>
    %add3A_2302 = arith.addi %add3A_2301, %iota3A : vector<16xi32>
    %add3A_2303 = vector.broadcast %sub3A_264 : i32 to vector<16xi32>
    %add3A_2304 = arith.addi %add3A_2302, %add3A_2303 : vector<16xi32>
    %ge3A_2305 = vector.broadcast %reduce_sum3A_149 : i32 to vector<16xi32>
    %ge3A_2306 = arith.cmpi sge, %add3A_2302, %ge3A_2305 : vector<16xi32>
    %sub3A_2307 = arith.subi %sub3A_266, %sub3A_264 : i32
    %jit3A_2308 = arith.constant 0 : i32
    %broadcast_in_dim3A_2309 = vector.broadcast %sub3A_2307 : i32 to vector<16xi32>
    %broadcast_in_dim3A_2310 = vector.broadcast %jit3A_2308 : i32 to vector<16xi32>
    %select_n3A_2311 = arith.select %ge3A_2306, %broadcast_in_dim3A_2309, %broadcast_in_dim3A_2310 : vector<16xi1>, vector<16xi32>
    %add3A_2312 = arith.addi %add3A_2304, %select_n3A_2311 : vector<16xi32>
    %ge3A_2313 = vector.broadcast %reduce_sum3A_159 : i32 to vector<16xi32>
    %ge3A_2314 = arith.cmpi sge, %add3A_2302, %ge3A_2313 : vector<16xi32>
    %sub3A_2315 = arith.subi %sub3A_268, %sub3A_266 : i32
    %jit3A_2316 = arith.constant 0 : i32
    %broadcast_in_dim3A_2317 = vector.broadcast %sub3A_2315 : i32 to vector<16xi32>
    %broadcast_in_dim3A_2318 = vector.broadcast %jit3A_2316 : i32 to vector<16xi32>
    %select_n3A_2319 = arith.select %ge3A_2314, %broadcast_in_dim3A_2317, %broadcast_in_dim3A_2318 : vector<16xi1>, vector<16xi32>
    %add3A_2320 = arith.addi %add3A_2312, %select_n3A_2319 : vector<16xi32>
    %ge3A_2321 = vector.broadcast %reduce_sum3A_169 : i32 to vector<16xi32>
    %ge3A_2322 = arith.cmpi sge, %add3A_2302, %ge3A_2321 : vector<16xi32>
    %sub3A_2323 = arith.subi %sub3A_270, %sub3A_268 : i32
    %jit3A_2324 = arith.constant 0 : i32
    %broadcast_in_dim3A_2325 = vector.broadcast %sub3A_2323 : i32 to vector<16xi32>
    %broadcast_in_dim3A_2326 = vector.broadcast %jit3A_2324 : i32 to vector<16xi32>
    %select_n3A_2327 = arith.select %ge3A_2322, %broadcast_in_dim3A_2325, %broadcast_in_dim3A_2326 : vector<16xi1>, vector<16xi32>
    %add3A_2328 = arith.addi %add3A_2320, %select_n3A_2327 : vector<16xi32>
    %ge3A_2329 = vector.broadcast %reduce_sum3A_179 : i32 to vector<16xi32>
    %ge3A_2330 = arith.cmpi sge, %add3A_2302, %ge3A_2329 : vector<16xi32>
    %sub3A_2331 = arith.subi %sub3A_272, %sub3A_270 : i32
    %jit3A_2332 = arith.constant 0 : i32
    %broadcast_in_dim3A_2333 = vector.broadcast %sub3A_2331 : i32 to vector<16xi32>
    %broadcast_in_dim3A_2334 = vector.broadcast %jit3A_2332 : i32 to vector<16xi32>
    %select_n3A_2335 = arith.select %ge3A_2330, %broadcast_in_dim3A_2333, %broadcast_in_dim3A_2334 : vector<16xi1>, vector<16xi32>
    %add3A_2336 = arith.addi %add3A_2328, %select_n3A_2335 : vector<16xi32>
    %ge3A_2337 = vector.broadcast %reduce_sum3A_189 : i32 to vector<16xi32>
    %ge3A_2338 = arith.cmpi sge, %add3A_2302, %ge3A_2337 : vector<16xi32>
    %sub3A_2339 = arith.subi %sub3A_274, %sub3A_272 : i32
    %jit3A_2340 = arith.constant 0 : i32
    %broadcast_in_dim3A_2341 = vector.broadcast %sub3A_2339 : i32 to vector<16xi32>
    %broadcast_in_dim3A_2342 = vector.broadcast %jit3A_2340 : i32 to vector<16xi32>
    %select_n3A_2343 = arith.select %ge3A_2338, %broadcast_in_dim3A_2341, %broadcast_in_dim3A_2342 : vector<16xi1>, vector<16xi32>
    %add3A_2344 = arith.addi %add3A_2336, %select_n3A_2343 : vector<16xi32>
    %ge3A_2345 = vector.broadcast %reduce_sum3A_199 : i32 to vector<16xi32>
    %ge3A_2346 = arith.cmpi sge, %add3A_2302, %ge3A_2345 : vector<16xi32>
    %sub3A_2347 = arith.subi %sub3A_276, %sub3A_274 : i32
    %jit3A_2348 = arith.constant 0 : i32
    %broadcast_in_dim3A_2349 = vector.broadcast %sub3A_2347 : i32 to vector<16xi32>
    %broadcast_in_dim3A_2350 = vector.broadcast %jit3A_2348 : i32 to vector<16xi32>
    %select_n3A_2351 = arith.select %ge3A_2346, %broadcast_in_dim3A_2349, %broadcast_in_dim3A_2350 : vector<16xi1>, vector<16xi32>
    %add3A_2352 = arith.addi %add3A_2344, %select_n3A_2351 : vector<16xi32>
    %ge3A_2353 = vector.broadcast %reduce_sum3A_209 : i32 to vector<16xi32>
    %ge3A_2354 = arith.cmpi sge, %add3A_2302, %ge3A_2353 : vector<16xi32>
    %sub3A_2355 = arith.subi %sub3A_278, %sub3A_276 : i32
    %jit3A_2356 = arith.constant 0 : i32
    %broadcast_in_dim3A_2357 = vector.broadcast %sub3A_2355 : i32 to vector<16xi32>
    %broadcast_in_dim3A_2358 = vector.broadcast %jit3A_2356 : i32 to vector<16xi32>
    %select_n3A_2359 = arith.select %ge3A_2354, %broadcast_in_dim3A_2357, %broadcast_in_dim3A_2358 : vector<16xi1>, vector<16xi32>
    %add3A_2360 = arith.addi %add3A_2352, %select_n3A_2359 : vector<16xi32>
    %ge3A_2361 = vector.broadcast %reduce_sum3A_219 : i32 to vector<16xi32>
    %ge3A_2362 = arith.cmpi sge, %add3A_2302, %ge3A_2361 : vector<16xi32>
    %sub3A_2363 = arith.subi %sub3A_281, %sub3A_278 : i32
    %jit3A_2364 = arith.constant 0 : i32
    %broadcast_in_dim3A_2365 = vector.broadcast %sub3A_2363 : i32 to vector<16xi32>
    %broadcast_in_dim3A_2366 = vector.broadcast %jit3A_2364 : i32 to vector<16xi32>
    %select_n3A_2367 = arith.select %ge3A_2362, %broadcast_in_dim3A_2365, %broadcast_in_dim3A_2366 : vector<16xi1>, vector<16xi32>
    %add3A_2368 = arith.addi %add3A_2360, %select_n3A_2367 : vector<16xi32>
    %swap3A_2369 = arith.constant 16 : index
    %swap3A_2370 = tpu.vector_load %arg14[%swap3A_2369] {strides = array<i32>} : memref<32xi32, #tpu.memory_space<vmem>>, vector<16xi32>,
    tpu.vector_store %arg14[%swap3A_2369], %add3A_2368 {strides = array<i32>} : memref<32xi32, #tpu.memory_space<vmem>>, vector<16xi32>,
    %dma_start3A_2371 = arith.constant 0 : i32
    %dma_start3A_2372 = arith.constant 0 : i32
    %dma_start3A_2373 = tpu.memref_slice %arg6[%dma_start3A_2371, %dma_start3A_2372] : memref<16384x1024xf32, #tpu.memory_space<hbm>> -> memref<16384x1024xf32, #tpu.memory_space<hbm>>
    tpu.enqueue_indirect_dma source(%arg11 : memref<32x1024xf32, #tpu.memory_space<vmem>>) target(%dma_start3A_2373 : memref<16384x1024xf32, #tpu.memory_space<hbm>>) offsets(%arg14 : memref<32xi32, #tpu.memory_space<vmem>>) semaphore(%arg20 : memref<!tpu.dma_semaphore, #tpu.memory_space<semaphore_mem>>)
    %dma_wait3A_2374 = arith.constant 0 : i32
    %dma_wait3A_2375 = arith.constant 0 : i32
    %dma_wait3A_2376 = tpu.memref_slice %arg6[%dma_wait3A_2374, %dma_wait3A_2375] : memref<16384x1024xf32, #tpu.memory_space<hbm>> -> memref<16384x1024xf32, #tpu.memory_space<hbm>>
    tpu.wait_indirect_dma semaphore(%arg22 : memref<!tpu.dma_semaphore, #tpu.memory_space<semaphore_mem>>) src(%arg13 : memref<32x1024xf32, #tpu.memory_space<vmem>>) dst(%dma_wait3A_2376 : memref<16384x1024xf32, #tpu.memory_space<hbm>>)
    %dma_start3A_2377 = arith.constant 0 : i32
    %dma_start3A_2378 = tpu.memref_slice %arg4[%add3A_32, %dma_start3A_2377] : memref<8192x1024xf32, #tpu.memory_space<hbm>> -> memref<32x1024xf32, #tpu.memory_space<hbm>>
    %dma_start3A_2379 = arith.constant 0 : i32
    %dma_start3A_2380 = tpu.memref_slice %arg4[%add3A_32, %dma_start3A_2379] : memref<8192x1024xf32, #tpu.memory_space<hbm>> -> memref<32x1024xf32, #tpu.memory_space<hbm>>
    tpu.enqueue_dma source(%dma_start3A_2380 : memref<32x1024xf32, #tpu.memory_space<hbm>>) target(%arg13 : memref<32x1024xf32, #tpu.memory_space<vmem>>) target_semaphore(%arg19 : memref<!tpu.dma_semaphore, #tpu.memory_space<semaphore_mem>>)
    %dma_wait3A_2381 = arith.constant 0 : i32
    %dma_wait3A_2382 = tpu.memref_slice %arg4[%add3A_30, %dma_wait3A_2381] : memref<8192x1024xf32, #tpu.memory_space<hbm>> -> memref<32x1024xf32, #tpu.memory_space<hbm>>
    %dma_wait3A_2383 = arith.constant 0 : i32
    %dma_wait3A_2384 = tpu.memref_slice %arg4[%add3A_30, %dma_wait3A_2383] : memref<8192x1024xf32, #tpu.memory_space<hbm>> -> memref<32x1024xf32, #tpu.memory_space<hbm>>
    tpu.wait_dma2 semaphore(%arg18 : memref<!tpu.dma_semaphore, #tpu.memory_space<semaphore_mem>>) src(%dma_wait3A_2384 : memref<32x1024xf32, #tpu.memory_space<hbm>>) dst(%arg12 : memref<32x1024xf32, #tpu.memory_space<vmem>>)
    %add3A_2385 = arith.constant 0 : i32
    %add3A_2386 = arith.addi %add3A_30, %add3A_2385 : i32
    %add3A_2387 = vector.broadcast %add3A_2386 : i32 to vector<16xi32>
    %add3A_2388 = arith.addi %add3A_2387, %iota3A : vector<16xi32>
    %add3A_2389 = vector.broadcast %sub3A_264 : i32 to vector<16xi32>
    %add3A_2390 = arith.addi %add3A_2388, %add3A_2389 : vector<16xi32>
    %ge3A_2391 = vector.broadcast %reduce_sum3A_149 : i32 to vector<16xi32>
    %ge3A_2392 = arith.cmpi sge, %add3A_2388, %ge3A_2391 : vector<16xi32>
    %sub3A_2393 = arith.subi %sub3A_266, %sub3A_264 : i32
    %jit3A_2394 = arith.constant 0 : i32
    %broadcast_in_dim3A_2395 = vector.broadcast %sub3A_2393 : i32 to vector<16xi32>
    %broadcast_in_dim3A_2396 = vector.broadcast %jit3A_2394 : i32 to vector<16xi32>
    %select_n3A_2397 = arith.select %ge3A_2392, %broadcast_in_dim3A_2395, %broadcast_in_dim3A_2396 : vector<16xi1>, vector<16xi32>
    %add3A_2398 = arith.addi %add3A_2390, %select_n3A_2397 : vector<16xi32>
    %ge3A_2399 = vector.broadcast %reduce_sum3A_159 : i32 to vector<16xi32>
    %ge3A_2400 = arith.cmpi sge, %add3A_2388, %ge3A_2399 : vector<16xi32>
    %sub3A_2401 = arith.subi %sub3A_268, %sub3A_266 : i32
    %jit3A_2402 = arith.constant 0 : i32
    %broadcast_in_dim3A_2403 = vector.broadcast %sub3A_2401 : i32 to vector<16xi32>
    %broadcast_in_dim3A_2404 = vector.broadcast %jit3A_2402 : i32 to vector<16xi32>
    %select_n3A_2405 = arith.select %ge3A_2400, %broadcast_in_dim3A_2403, %broadcast_in_dim3A_2404 : vector<16xi1>, vector<16xi32>
    %add3A_2406 = arith.addi %add3A_2398, %select_n3A_2405 : vector<16xi32>
    %ge3A_2407 = vector.broadcast %reduce_sum3A_169 : i32 to vector<16xi32>
    %ge3A_2408 = arith.cmpi sge, %add3A_2388, %ge3A_2407 : vector<16xi32>
    %sub3A_2409 = arith.subi %sub3A_270, %sub3A_268 : i32
    %jit3A_2410 = arith.constant 0 : i32
    %broadcast_in_dim3A_2411 = vector.broadcast %sub3A_2409 : i32 to vector<16xi32>
    %broadcast_in_dim3A_2412 = vector.broadcast %jit3A_2410 : i32 to vector<16xi32>
    %select_n3A_2413 = arith.select %ge3A_2408, %broadcast_in_dim3A_2411, %broadcast_in_dim3A_2412 : vector<16xi1>, vector<16xi32>
    %add3A_2414 = arith.addi %add3A_2406, %select_n3A_2413 : vector<16xi32>
    %ge3A_2415 = vector.broadcast %reduce_sum3A_179 : i32 to vector<16xi32>
    %ge3A_2416 = arith.cmpi sge, %add3A_2388, %ge3A_2415 : vector<16xi32>
    %sub3A_2417 = arith.subi %sub3A_272, %sub3A_270 : i32
    %jit3A_2418 = arith.constant 0 : i32
    %broadcast_in_dim3A_2419 = vector.broadcast %sub3A_2417 : i32 to vector<16xi32>
    %broadcast_in_dim3A_2420 = vector.broadcast %jit3A_2418 : i32 to vector<16xi32>
    %select_n3A_2421 = arith.select %ge3A_2416, %broadcast_in_dim3A_2419, %broadcast_in_dim3A_2420 : vector<16xi1>, vector<16xi32>
    %add3A_2422 = arith.addi %add3A_2414, %select_n3A_2421 : vector<16xi32>
    %ge3A_2423 = vector.broadcast %reduce_sum3A_189 : i32 to vector<16xi32>
    %ge3A_2424 = arith.cmpi sge, %add3A_2388, %ge3A_2423 : vector<16xi32>
    %sub3A_2425 = arith.subi %sub3A_274, %sub3A_272 : i32
    %jit3A_2426 = arith.constant 0 : i32
    %broadcast_in_dim3A_2427 = vector.broadcast %sub3A_2425 : i32 to vector<16xi32>
    %broadcast_in_dim3A_2428 = vector.broadcast %jit3A_2426 : i32 to vector<16xi32>
    %select_n3A_2429 = arith.select %ge3A_2424, %broadcast_in_dim3A_2427, %broadcast_in_dim3A_2428 : vector<16xi1>, vector<16xi32>
    %add3A_2430 = arith.addi %add3A_2422, %select_n3A_2429 : vector<16xi32>
    %ge3A_2431 = vector.broadcast %reduce_sum3A_199 : i32 to vector<16xi32>
    %ge3A_2432 = arith.cmpi sge, %add3A_2388, %ge3A_2431 : vector<16xi32>
    %sub3A_2433 = arith.subi %sub3A_276, %sub3A_274 : i32
    %jit3A_2434 = arith.constant 0 : i32
    %broadcast_in_dim3A_2435 = vector.broadcast %sub3A_2433 : i32 to vector<16xi32>
    %broadcast_in_dim3A_2436 = vector.broadcast %jit3A_2434 : i32 to vector<16xi32>
    %select_n3A_2437 = arith.select %ge3A_2432, %broadcast_in_dim3A_2435, %broadcast_in_dim3A_2436 : vector<16xi1>, vector<16xi32>
    %add3A_2438 = arith.addi %add3A_2430, %select_n3A_2437 : vector<16xi32>
    %ge3A_2439 = vector.broadcast %reduce_sum3A_209 : i32 to vector<16xi32>
    %ge3A_2440 = arith.cmpi sge, %add3A_2388, %ge3A_2439 : vector<16xi32>
    %sub3A_2441 = arith.subi %sub3A_278, %sub3A_276 : i32
    %jit3A_2442 = arith.constant 0 : i32
    %broadcast_in_dim3A_2443 = vector.broadcast %sub3A_2441 : i32 to vector<16xi32>
    %broadcast_in_dim3A_2444 = vector.broadcast %jit3A_2442 : i32 to vector<16xi32>
    %select_n3A_2445 = arith.select %ge3A_2440, %broadcast_in_dim3A_2443, %broadcast_in_dim3A_2444 : vector<16xi1>, vector<16xi32>
    %add3A_2446 = arith.addi %add3A_2438, %select_n3A_2445 : vector<16xi32>
    %ge3A_2447 = vector.broadcast %reduce_sum3A_219 : i32 to vector<16xi32>
    %ge3A_2448 = arith.cmpi sge, %add3A_2388, %ge3A_2447 : vector<16xi32>
    %sub3A_2449 = arith.subi %sub3A_281, %sub3A_278 : i32
    %jit3A_2450 = arith.constant 0 : i32
    %broadcast_in_dim3A_2451 = vector.broadcast %sub3A_2449 : i32 to vector<16xi32>
    %broadcast_in_dim3A_2452 = vector.broadcast %jit3A_2450 : i32 to vector<16xi32>
    %select_n3A_2453 = arith.select %ge3A_2448, %broadcast_in_dim3A_2451, %broadcast_in_dim3A_2452 : vector<16xi1>, vector<16xi32>
    %add3A_2454 = arith.addi %add3A_2446, %select_n3A_2453 : vector<16xi32>
    %swap3A_2455 = arith.constant 0 : index
    %swap3A_2456 = tpu.vector_load %arg15[%swap3A_2455] {strides = array<i32>} : memref<32xi32, #tpu.memory_space<vmem>>, vector<16xi32>,
    tpu.vector_store %arg15[%swap3A_2455], %add3A_2454 {strides = array<i32>} : memref<32xi32, #tpu.memory_space<vmem>>, vector<16xi32>,
    %add3A_2457 = arith.constant 16 : i32
    %add3A_2458 = arith.addi %add3A_30, %add3A_2457 : i32
    %add3A_2459 = vector.broadcast %add3A_2458 : i32 to vector<16xi32>
    %add3A_2460 = arith.addi %add3A_2459, %iota3A : vector<16xi32>
    %add3A_2461 = vector.broadcast %sub3A_264 : i32 to vector<16xi32>
    %add3A_2462 = arith.addi %add3A_2460, %add3A_2461 : vector<16xi32>
    %ge3A_2463 = vector.broadcast %reduce_sum3A_149 : i32 to vector<16xi32>
    %ge3A_2464 = arith.cmpi sge, %add3A_2460, %ge3A_2463 : vector<16xi32>
    %sub3A_2465 = arith.subi %sub3A_266, %sub3A_264 : i32
    %jit3A_2466 = arith.constant 0 : i32
    %broadcast_in_dim3A_2467 = vector.broadcast %sub3A_2465 : i32 to vector<16xi32>
    %broadcast_in_dim3A_2468 = vector.broadcast %jit3A_2466 : i32 to vector<16xi32>
    %select_n3A_2469 = arith.select %ge3A_2464, %broadcast_in_dim3A_2467, %broadcast_in_dim3A_2468 : vector<16xi1>, vector<16xi32>
    %add3A_2470 = arith.addi %add3A_2462, %select_n3A_2469 : vector<16xi32>
    %ge3A_2471 = vector.broadcast %reduce_sum3A_159 : i32 to vector<16xi32>
    %ge3A_2472 = arith.cmpi sge, %add3A_2460, %ge3A_2471 : vector<16xi32>
    %sub3A_2473 = arith.subi %sub3A_268, %sub3A_266 : i32
    %jit3A_2474 = arith.constant 0 : i32
    %broadcast_in_dim3A_2475 = vector.broadcast %sub3A_2473 : i32 to vector<16xi32>
    %broadcast_in_dim3A_2476 = vector.broadcast %jit3A_2474 : i32 to vector<16xi32>
    %select_n3A_2477 = arith.select %ge3A_2472, %broadcast_in_dim3A_2475, %broadcast_in_dim3A_2476 : vector<16xi1>, vector<16xi32>
    %add3A_2478 = arith.addi %add3A_2470, %select_n3A_2477 : vector<16xi32>
    %ge3A_2479 = vector.broadcast %reduce_sum3A_169 : i32 to vector<16xi32>
    %ge3A_2480 = arith.cmpi sge, %add3A_2460, %ge3A_2479 : vector<16xi32>
    %sub3A_2481 = arith.subi %sub3A_270, %sub3A_268 : i32
    %jit3A_2482 = arith.constant 0 : i32
    %broadcast_in_dim3A_2483 = vector.broadcast %sub3A_2481 : i32 to vector<16xi32>
    %broadcast_in_dim3A_2484 = vector.broadcast %jit3A_2482 : i32 to vector<16xi32>
    %select_n3A_2485 = arith.select %ge3A_2480, %broadcast_in_dim3A_2483, %broadcast_in_dim3A_2484 : vector<16xi1>, vector<16xi32>
    %add3A_2486 = arith.addi %add3A_2478, %select_n3A_2485 : vector<16xi32>
    %ge3A_2487 = vector.broadcast %reduce_sum3A_179 : i32 to vector<16xi32>
    %ge3A_2488 = arith.cmpi sge, %add3A_2460, %ge3A_2487 : vector<16xi32>
    %sub3A_2489 = arith.subi %sub3A_272, %sub3A_270 : i32
    %jit3A_2490 = arith.constant 0 : i32
    %broadcast_in_dim3A_2491 = vector.broadcast %sub3A_2489 : i32 to vector<16xi32>
    %broadcast_in_dim3A_2492 = vector.broadcast %jit3A_2490 : i32 to vector<16xi32>
    %select_n3A_2493 = arith.select %ge3A_2488, %broadcast_in_dim3A_2491, %broadcast_in_dim3A_2492 : vector<16xi1>, vector<16xi32>
    %add3A_2494 = arith.addi %add3A_2486, %select_n3A_2493 : vector<16xi32>
    %ge3A_2495 = vector.broadcast %reduce_sum3A_189 : i32 to vector<16xi32>
    %ge3A_2496 = arith.cmpi sge, %add3A_2460, %ge3A_2495 : vector<16xi32>
    %sub3A_2497 = arith.subi %sub3A_274, %sub3A_272 : i32
    %jit3A_2498 = arith.constant 0 : i32
    %broadcast_in_dim3A_2499 = vector.broadcast %sub3A_2497 : i32 to vector<16xi32>
    %broadcast_in_dim3A_2500 = vector.broadcast %jit3A_2498 : i32 to vector<16xi32>
    %select_n3A_2501 = arith.select %ge3A_2496, %broadcast_in_dim3A_2499, %broadcast_in_dim3A_2500 : vector<16xi1>, vector<16xi32>
    %add3A_2502 = arith.addi %add3A_2494, %select_n3A_2501 : vector<16xi32>
    %ge3A_2503 = vector.broadcast %reduce_sum3A_199 : i32 to vector<16xi32>
    %ge3A_2504 = arith.cmpi sge, %add3A_2460, %ge3A_2503 : vector<16xi32>
    %sub3A_2505 = arith.subi %sub3A_276, %sub3A_274 : i32
    %jit3A_2506 = arith.constant 0 : i32
    %broadcast_in_dim3A_2507 = vector.broadcast %sub3A_2505 : i32 to vector<16xi32>
    %broadcast_in_dim3A_2508 = vector.broadcast %jit3A_2506 : i32 to vector<16xi32>
    %select_n3A_2509 = arith.select %ge3A_2504, %broadcast_in_dim3A_2507, %broadcast_in_dim3A_2508 : vector<16xi1>, vector<16xi32>
    %add3A_2510 = arith.addi %add3A_2502, %select_n3A_2509 : vector<16xi32>
    %ge3A_2511 = vector.broadcast %reduce_sum3A_209 : i32 to vector<16xi32>
    %ge3A_2512 = arith.cmpi sge, %add3A_2460, %ge3A_2511 : vector<16xi32>
    %sub3A_2513 = arith.subi %sub3A_278, %sub3A_276 : i32
    %jit3A_2514 = arith.constant 0 : i32
    %broadcast_in_dim3A_2515 = vector.broadcast %sub3A_2513 : i32 to vector<16xi32>
    %broadcast_in_dim3A_2516 = vector.broadcast %jit3A_2514 : i32 to vector<16xi32>
    %select_n3A_2517 = arith.select %ge3A_2512, %broadcast_in_dim3A_2515, %broadcast_in_dim3A_2516 : vector<16xi1>, vector<16xi32>
    %add3A_2518 = arith.addi %add3A_2510, %select_n3A_2517 : vector<16xi32>
    %ge3A_2519 = vector.broadcast %reduce_sum3A_219 : i32 to vector<16xi32>
    %ge3A_2520 = arith.cmpi sge, %add3A_2460, %ge3A_2519 : vector<16xi32>
    %sub3A_2521 = arith.subi %sub3A_281, %sub3A_278 : i32
    %jit3A_2522 = arith.constant 0 : i32
    %broadcast_in_dim3A_2523 = vector.broadcast %sub3A_2521 : i32 to vector<16xi32>
    %broadcast_in_dim3A_2524 = vector.broadcast %jit3A_2522 : i32 to vector<16xi32>
    %select_n3A_2525 = arith.select %ge3A_2520, %broadcast_in_dim3A_2523, %broadcast_in_dim3A_2524 : vector<16xi1>, vector<16xi32>
    %add3A_2526 = arith.addi %add3A_2518, %select_n3A_2525 : vector<16xi32>
    %swap3A_2527 = arith.constant 16 : index
    %swap3A_2528 = tpu.vector_load %arg15[%swap3A_2527] {strides = array<i32>} : memref<32xi32, #tpu.memory_space<vmem>>, vector<16xi32>,
    tpu.vector_store %arg15[%swap3A_2527], %add3A_2526 {strides = array<i32>} : memref<32xi32, #tpu.memory_space<vmem>>, vector<16xi32>,
    %dma_start3A_2529 = arith.constant 0 : i32
    %dma_start3A_2530 = arith.constant 0 : i32
    %dma_start3A_2531 = tpu.memref_slice %arg6[%dma_start3A_2529, %dma_start3A_2530] : memref<16384x1024xf32, #tpu.memory_space<hbm>> -> memref<16384x1024xf32, #tpu.memory_space<hbm>>
    tpu.enqueue_indirect_dma source(%arg12 : memref<32x1024xf32, #tpu.memory_space<vmem>>) target(%dma_start3A_2531 : memref<16384x1024xf32, #tpu.memory_space<hbm>>) offsets(%arg15 : memref<32xi32, #tpu.memory_space<vmem>>) semaphore(%arg21 : memref<!tpu.dma_semaphore, #tpu.memory_space<semaphore_mem>>)
    %dma_wait3A_2532 = arith.constant 0 : i32
    %dma_wait3A_2533 = arith.constant 0 : i32
    %dma_wait3A_2534 = tpu.memref_slice %arg6[%dma_wait3A_2532, %dma_wait3A_2533] : memref<16384x1024xf32, #tpu.memory_space<hbm>> -> memref<16384x1024xf32, #tpu.memory_space<hbm>>
    tpu.wait_indirect_dma semaphore(%arg20 : memref<!tpu.dma_semaphore, #tpu.memory_space<semaphore_mem>>) src(%arg11 : memref<32x1024xf32, #tpu.memory_space<vmem>>) dst(%dma_wait3A_2534 : memref<16384x1024xf32, #tpu.memory_space<hbm>>)
    %dma_start3A_2535 = arith.constant 0 : i32
    %dma_start3A_2536 = tpu.memref_slice %arg4[%add3A_34, %dma_start3A_2535] : memref<8192x1024xf32, #tpu.memory_space<hbm>> -> memref<32x1024xf32, #tpu.memory_space<hbm>>
    %dma_start3A_2537 = arith.constant 0 : i32
    %dma_start3A_2538 = tpu.memref_slice %arg4[%add3A_34, %dma_start3A_2537] : memref<8192x1024xf32, #tpu.memory_space<hbm>> -> memref<32x1024xf32, #tpu.memory_space<hbm>>
    tpu.enqueue_dma source(%dma_start3A_2538 : memref<32x1024xf32, #tpu.memory_space<hbm>>) target(%arg11 : memref<32x1024xf32, #tpu.memory_space<vmem>>) target_semaphore(%arg17 : memref<!tpu.dma_semaphore, #tpu.memory_space<semaphore_mem>>)
    %dma_wait3A_2539 = arith.constant 0 : i32
    %dma_wait3A_2540 = tpu.memref_slice %arg4[%add3A_32, %dma_wait3A_2539] : memref<8192x1024xf32, #tpu.memory_space<hbm>> -> memref<32x1024xf32, #tpu.memory_space<hbm>>
    %dma_wait3A_2541 = arith.constant 0 : i32
    %dma_wait3A_2542 = tpu.memref_slice %arg4[%add3A_32, %dma_wait3A_2541] : memref<8192x1024xf32, #tpu.memory_space<hbm>> -> memref<32x1024xf32, #tpu.memory_space<hbm>>
    tpu.wait_dma2 semaphore(%arg19 : memref<!tpu.dma_semaphore, #tpu.memory_space<semaphore_mem>>) src(%dma_wait3A_2542 : memref<32x1024xf32, #tpu.memory_space<hbm>>) dst(%arg13 : memref<32x1024xf32, #tpu.memory_space<vmem>>)
    %add3A_2543 = arith.constant 0 : i32
    %add3A_2544 = arith.addi %add3A_32, %add3A_2543 : i32
    %add3A_2545 = vector.broadcast %add3A_2544 : i32 to vector<16xi32>
    %add3A_2546 = arith.addi %add3A_2545, %iota3A : vector<16xi32>
    %add3A_2547 = vector.broadcast %sub3A_264 : i32 to vector<16xi32>
    %add3A_2548 = arith.addi %add3A_2546, %add3A_2547 : vector<16xi32>
    %ge3A_2549 = vector.broadcast %reduce_sum3A_149 : i32 to vector<16xi32>
    %ge3A_2550 = arith.cmpi sge, %add3A_2546, %ge3A_2549 : vector<16xi32>
    %sub3A_2551 = arith.subi %sub3A_266, %sub3A_264 : i32
    %jit3A_2552 = arith.constant 0 : i32
    %broadcast_in_dim3A_2553 = vector.broadcast %sub3A_2551 : i32 to vector<16xi32>
    %broadcast_in_dim3A_2554 = vector.broadcast %jit3A_2552 : i32 to vector<16xi32>
    %select_n3A_2555 = arith.select %ge3A_2550, %broadcast_in_dim3A_2553, %broadcast_in_dim3A_2554 : vector<16xi1>, vector<16xi32>
    %add3A_2556 = arith.addi %add3A_2548, %select_n3A_2555 : vector<16xi32>
    %ge3A_2557 = vector.broadcast %reduce_sum3A_159 : i32 to vector<16xi32>
    %ge3A_2558 = arith.cmpi sge, %add3A_2546, %ge3A_2557 : vector<16xi32>
    %sub3A_2559 = arith.subi %sub3A_268, %sub3A_266 : i32
    %jit3A_2560 = arith.constant 0 : i32
    %broadcast_in_dim3A_2561 = vector.broadcast %sub3A_2559 : i32 to vector<16xi32>
    %broadcast_in_dim3A_2562 = vector.broadcast %jit3A_2560 : i32 to vector<16xi32>
    %select_n3A_2563 = arith.select %ge3A_2558, %broadcast_in_dim3A_2561, %broadcast_in_dim3A_2562 : vector<16xi1>, vector<16xi32>
    %add3A_2564 = arith.addi %add3A_2556, %select_n3A_2563 : vector<16xi32>
    %ge3A_2565 = vector.broadcast %reduce_sum3A_169 : i32 to vector<16xi32>
    %ge3A_2566 = arith.cmpi sge, %add3A_2546, %ge3A_2565 : vector<16xi32>
    %sub3A_2567 = arith.subi %sub3A_270, %sub3A_268 : i32
    %jit3A_2568 = arith.constant 0 : i32
    %broadcast_in_dim3A_2569 = vector.broadcast %sub3A_2567 : i32 to vector<16xi32>
    %broadcast_in_dim3A_2570 = vector.broadcast %jit3A_2568 : i32 to vector<16xi32>
    %select_n3A_2571 = arith.select %ge3A_2566, %broadcast_in_dim3A_2569, %broadcast_in_dim3A_2570 : vector<16xi1>, vector<16xi32>
    %add3A_2572 = arith.addi %add3A_2564, %select_n3A_2571 : vector<16xi32>
    %ge3A_2573 = vector.broadcast %reduce_sum3A_179 : i32 to vector<16xi32>
    %ge3A_2574 = arith.cmpi sge, %add3A_2546, %ge3A_2573 : vector<16xi32>
    %sub3A_2575 = arith.subi %sub3A_272, %sub3A_270 : i32
    %jit3A_2576 = arith.constant 0 : i32
    %broadcast_in_dim3A_2577 = vector.broadcast %sub3A_2575 : i32 to vector<16xi32>
    %broadcast_in_dim3A_2578 = vector.broadcast %jit3A_2576 : i32 to vector<16xi32>
    %select_n3A_2579 = arith.select %ge3A_2574, %broadcast_in_dim3A_2577, %broadcast_in_dim3A_2578 : vector<16xi1>, vector<16xi32>
    %add3A_2580 = arith.addi %add3A_2572, %select_n3A_2579 : vector<16xi32>
    %ge3A_2581 = vector.broadcast %reduce_sum3A_189 : i32 to vector<16xi32>
    %ge3A_2582 = arith.cmpi sge, %add3A_2546, %ge3A_2581 : vector<16xi32>
    %sub3A_2583 = arith.subi %sub3A_274, %sub3A_272 : i32
    %jit3A_2584 = arith.constant 0 : i32
    %broadcast_in_dim3A_2585 = vector.broadcast %sub3A_2583 : i32 to vector<16xi32>
    %broadcast_in_dim3A_2586 = vector.broadcast %jit3A_2584 : i32 to vector<16xi32>
    %select_n3A_2587 = arith.select %ge3A_2582, %broadcast_in_dim3A_2585, %broadcast_in_dim3A_2586 : vector<16xi1>, vector<16xi32>
    %add3A_2588 = arith.addi %add3A_2580, %select_n3A_2587 : vector<16xi32>
    %ge3A_2589 = vector.broadcast %reduce_sum3A_199 : i32 to vector<16xi32>
    %ge3A_2590 = arith.cmpi sge, %add3A_2546, %ge3A_2589 : vector<16xi32>
    %sub3A_2591 = arith.subi %sub3A_276, %sub3A_274 : i32
    %jit3A_2592 = arith.constant 0 : i32
    %broadcast_in_dim3A_2593 = vector.broadcast %sub3A_2591 : i32 to vector<16xi32>
    %broadcast_in_dim3A_2594 = vector.broadcast %jit3A_2592 : i32 to vector<16xi32>
    %select_n3A_2595 = arith.select %ge3A_2590, %broadcast_in_dim3A_2593, %broadcast_in_dim3A_2594 : vector<16xi1>, vector<16xi32>
    %add3A_2596 = arith.addi %add3A_2588, %select_n3A_2595 : vector<16xi32>
    %ge3A_2597 = vector.broadcast %reduce_sum3A_209 : i32 to vector<16xi32>
    %ge3A_2598 = arith.cmpi sge, %add3A_2546, %ge3A_2597 : vector<16xi32>
    %sub3A_2599 = arith.subi %sub3A_278, %sub3A_276 : i32
    %jit3A_2600 = arith.constant 0 : i32
    %broadcast_in_dim3A_2601 = vector.broadcast %sub3A_2599 : i32 to vector<16xi32>
    %broadcast_in_dim3A_2602 = vector.broadcast %jit3A_2600 : i32 to vector<16xi32>
    %select_n3A_2603 = arith.select %ge3A_2598, %broadcast_in_dim3A_2601, %broadcast_in_dim3A_2602 : vector<16xi1>, vector<16xi32>
    %add3A_2604 = arith.addi %add3A_2596, %select_n3A_2603 : vector<16xi32>
    %ge3A_2605 = vector.broadcast %reduce_sum3A_219 : i32 to vector<16xi32>
    %ge3A_2606 = arith.cmpi sge, %add3A_2546, %ge3A_2605 : vector<16xi32>
    %sub3A_2607 = arith.subi %sub3A_281, %sub3A_278 : i32
    %jit3A_2608 = arith.constant 0 : i32
    %broadcast_in_dim3A_2609 = vector.broadcast %sub3A_2607 : i32 to vector<16xi32>
    %broadcast_in_dim3A_2610 = vector.broadcast %jit3A_2608 : i32 to vector<16xi32>
    %select_n3A_2611 = arith.select %ge3A_2606, %broadcast_in_dim3A_2609, %broadcast_in_dim3A_2610 : vector<16xi1>, vector<16xi32>
    %add3A_2612 = arith.addi %add3A_2604, %select_n3A_2611 : vector<16xi32>
    %swap3A_2613 = arith.constant 0 : index
    %swap3A_2614 = tpu.vector_load %arg16[%swap3A_2613] {strides = array<i32>} : memref<32xi32, #tpu.memory_space<vmem>>, vector<16xi32>,
    tpu.vector_store %arg16[%swap3A_2613], %add3A_2612 {strides = array<i32>} : memref<32xi32, #tpu.memory_space<vmem>>, vector<16xi32>,
    %add3A_2615 = arith.constant 16 : i32
    %add3A_2616 = arith.addi %add3A_32, %add3A_2615 : i32
    %add3A_2617 = vector.broadcast %add3A_2616 : i32 to vector<16xi32>
    %add3A_2618 = arith.addi %add3A_2617, %iota3A : vector<16xi32>
    %add3A_2619 = vector.broadcast %sub3A_264 : i32 to vector<16xi32>
    %add3A_2620 = arith.addi %add3A_2618, %add3A_2619 : vector<16xi32>
    %ge3A_2621 = vector.broadcast %reduce_sum3A_149 : i32 to vector<16xi32>
    %ge3A_2622 = arith.cmpi sge, %add3A_2618, %ge3A_2621 : vector<16xi32>
    %sub3A_2623 = arith.subi %sub3A_266, %sub3A_264 : i32
    %jit3A_2624 = arith.constant 0 : i32
    %broadcast_in_dim3A_2625 = vector.broadcast %sub3A_2623 : i32 to vector<16xi32>
    %broadcast_in_dim3A_2626 = vector.broadcast %jit3A_2624 : i32 to vector<16xi32>
    %select_n3A_2627 = arith.select %ge3A_2622, %broadcast_in_dim3A_2625, %broadcast_in_dim3A_2626 : vector<16xi1>, vector<16xi32>
    %add3A_2628 = arith.addi %add3A_2620, %select_n3A_2627 : vector<16xi32>
    %ge3A_2629 = vector.broadcast %reduce_sum3A_159 : i32 to vector<16xi32>
    %ge3A_2630 = arith.cmpi sge, %add3A_2618, %ge3A_2629 : vector<16xi32>
    %sub3A_2631 = arith.subi %sub3A_268, %sub3A_266 : i32
    %jit3A_2632 = arith.constant 0 : i32
    %broadcast_in_dim3A_2633 = vector.broadcast %sub3A_2631 : i32 to vector<16xi32>
    %broadcast_in_dim3A_2634 = vector.broadcast %jit3A_2632 : i32 to vector<16xi32>
    %select_n3A_2635 = arith.select %ge3A_2630, %broadcast_in_dim3A_2633, %broadcast_in_dim3A_2634 : vector<16xi1>, vector<16xi32>
    %add3A_2636 = arith.addi %add3A_2628, %select_n3A_2635 : vector<16xi32>
    %ge3A_2637 = vector.broadcast %reduce_sum3A_169 : i32 to vector<16xi32>
    %ge3A_2638 = arith.cmpi sge, %add3A_2618, %ge3A_2637 : vector<16xi32>
    %sub3A_2639 = arith.subi %sub3A_270, %sub3A_268 : i32
    %jit3A_2640 = arith.constant 0 : i32
    %broadcast_in_dim3A_2641 = vector.broadcast %sub3A_2639 : i32 to vector<16xi32>
    %broadcast_in_dim3A_2642 = vector.broadcast %jit3A_2640 : i32 to vector<16xi32>
    %select_n3A_2643 = arith.select %ge3A_2638, %broadcast_in_dim3A_2641, %broadcast_in_dim3A_2642 : vector<16xi1>, vector<16xi32>
    %add3A_2644 = arith.addi %add3A_2636, %select_n3A_2643 : vector<16xi32>
    %ge3A_2645 = vector.broadcast %reduce_sum3A_179 : i32 to vector<16xi32>
    %ge3A_2646 = arith.cmpi sge, %add3A_2618, %ge3A_2645 : vector<16xi32>
    %sub3A_2647 = arith.subi %sub3A_272, %sub3A_270 : i32
    %jit3A_2648 = arith.constant 0 : i32
    %broadcast_in_dim3A_2649 = vector.broadcast %sub3A_2647 : i32 to vector<16xi32>
    %broadcast_in_dim3A_2650 = vector.broadcast %jit3A_2648 : i32 to vector<16xi32>
    %select_n3A_2651 = arith.select %ge3A_2646, %broadcast_in_dim3A_2649, %broadcast_in_dim3A_2650 : vector<16xi1>, vector<16xi32>
    %add3A_2652 = arith.addi %add3A_2644, %select_n3A_2651 : vector<16xi32>
    %ge3A_2653 = vector.broadcast %reduce_sum3A_189 : i32 to vector<16xi32>
    %ge3A_2654 = arith.cmpi sge, %add3A_2618, %ge3A_2653 : vector<16xi32>
    %sub3A_2655 = arith.subi %sub3A_274, %sub3A_272 : i32
    %jit3A_2656 = arith.constant 0 : i32
    %broadcast_in_dim3A_2657 = vector.broadcast %sub3A_2655 : i32 to vector<16xi32>
    %broadcast_in_dim3A_2658 = vector.broadcast %jit3A_2656 : i32 to vector<16xi32>
    %select_n3A_2659 = arith.select %ge3A_2654, %broadcast_in_dim3A_2657, %broadcast_in_dim3A_2658 : vector<16xi1>, vector<16xi32>
    %add3A_2660 = arith.addi %add3A_2652, %select_n3A_2659 : vector<16xi32>
    %ge3A_2661 = vector.broadcast %reduce_sum3A_199 : i32 to vector<16xi32>
    %ge3A_2662 = arith.cmpi sge, %add3A_2618, %ge3A_2661 : vector<16xi32>
    %sub3A_2663 = arith.subi %sub3A_276, %sub3A_274 : i32
    %jit3A_2664 = arith.constant 0 : i32
    %broadcast_in_dim3A_2665 = vector.broadcast %sub3A_2663 : i32 to vector<16xi32>
    %broadcast_in_dim3A_2666 = vector.broadcast %jit3A_2664 : i32 to vector<16xi32>
    %select_n3A_2667 = arith.select %ge3A_2662, %broadcast_in_dim3A_2665, %broadcast_in_dim3A_2666 : vector<16xi1>, vector<16xi32>
    %add3A_2668 = arith.addi %add3A_2660, %select_n3A_2667 : vector<16xi32>
    %ge3A_2669 = vector.broadcast %reduce_sum3A_209 : i32 to vector<16xi32>
    %ge3A_2670 = arith.cmpi sge, %add3A_2618, %ge3A_2669 : vector<16xi32>
    %sub3A_2671 = arith.subi %sub3A_278, %sub3A_276 : i32
    %jit3A_2672 = arith.constant 0 : i32
    %broadcast_in_dim3A_2673 = vector.broadcast %sub3A_2671 : i32 to vector<16xi32>
    %broadcast_in_dim3A_2674 = vector.broadcast %jit3A_2672 : i32 to vector<16xi32>
    %select_n3A_2675 = arith.select %ge3A_2670, %broadcast_in_dim3A_2673, %broadcast_in_dim3A_2674 : vector<16xi1>, vector<16xi32>
    %add3A_2676 = arith.addi %add3A_2668, %select_n3A_2675 : vector<16xi32>
    %ge3A_2677 = vector.broadcast %reduce_sum3A_219 : i32 to vector<16xi32>
    %ge3A_2678 = arith.cmpi sge, %add3A_2618, %ge3A_2677 : vector<16xi32>
    %sub3A_2679 = arith.subi %sub3A_281, %sub3A_278 : i32
    %jit3A_2680 = arith.constant 0 : i32
    %broadcast_in_dim3A_2681 = vector.broadcast %sub3A_2679 : i32 to vector<16xi32>
    %broadcast_in_dim3A_2682 = vector.broadcast %jit3A_2680 : i32 to vector<16xi32>
    %select_n3A_2683 = arith.select %ge3A_2678, %broadcast_in_dim3A_2681, %broadcast_in_dim3A_2682 : vector<16xi1>, vector<16xi32>
    %add3A_2684 = arith.addi %add3A_2676, %select_n3A_2683 : vector<16xi32>
    %swap3A_2685 = arith.constant 16 : index
    %swap3A_2686 = tpu.vector_load %arg16[%swap3A_2685] {strides = array<i32>} : memref<32xi32, #tpu.memory_space<vmem>>, vector<16xi32>,
    tpu.vector_store %arg16[%swap3A_2685], %add3A_2684 {strides = array<i32>} : memref<32xi32, #tpu.memory_space<vmem>>, vector<16xi32>,
    %dma_start3A_2687 = arith.constant 0 : i32
    %dma_start3A_2688 = arith.constant 0 : i32
    %dma_start3A_2689 = tpu.memref_slice %arg6[%dma_start3A_2687, %dma_start3A_2688] : memref<16384x1024xf32, #tpu.memory_space<hbm>> -> memref<16384x1024xf32, #tpu.memory_space<hbm>>
    tpu.enqueue_indirect_dma source(%arg13 : memref<32x1024xf32, #tpu.memory_space<vmem>>) target(%dma_start3A_2689 : memref<16384x1024xf32, #tpu.memory_space<hbm>>) offsets(%arg16 : memref<32xi32, #tpu.memory_space<vmem>>) semaphore(%arg22 : memref<!tpu.dma_semaphore, #tpu.memory_space<semaphore_mem>>)
    %dma_wait3A_2690 = arith.constant 0 : i32
    %dma_wait3A_2691 = tpu.memref_slice %arg4[%add3A_34, %dma_wait3A_2690] : memref<8192x1024xf32, #tpu.memory_space<hbm>> -> memref<32x1024xf32, #tpu.memory_space<hbm>>
    %dma_wait3A_2692 = arith.constant 0 : i32
    %dma_wait3A_2693 = tpu.memref_slice %arg4[%add3A_34, %dma_wait3A_2692] : memref<8192x1024xf32, #tpu.memory_space<hbm>> -> memref<32x1024xf32, #tpu.memory_space<hbm>>
    tpu.wait_dma2 semaphore(%arg17 : memref<!tpu.dma_semaphore, #tpu.memory_space<semaphore_mem>>) src(%dma_wait3A_2693 : memref<32x1024xf32, #tpu.memory_space<hbm>>) dst(%arg11 : memref<32x1024xf32, #tpu.memory_space<vmem>>)
    %add3A_2694 = arith.constant 0 : i32
    %add3A_2695 = arith.addi %add3A_34, %add3A_2694 : i32
    %add3A_2696 = vector.broadcast %add3A_2695 : i32 to vector<16xi32>
    %add3A_2697 = arith.addi %add3A_2696, %iota3A : vector<16xi32>
    %add3A_2698 = vector.broadcast %sub3A_264 : i32 to vector<16xi32>
    %add3A_2699 = arith.addi %add3A_2697, %add3A_2698 : vector<16xi32>
    %ge3A_2700 = vector.broadcast %reduce_sum3A_149 : i32 to vector<16xi32>
    %ge3A_2701 = arith.cmpi sge, %add3A_2697, %ge3A_2700 : vector<16xi32>
    %sub3A_2702 = arith.subi %sub3A_266, %sub3A_264 : i32
    %jit3A_2703 = arith.constant 0 : i32
    %broadcast_in_dim3A_2704 = vector.broadcast %sub3A_2702 : i32 to vector<16xi32>
    %broadcast_in_dim3A_2705 = vector.broadcast %jit3A_2703 : i32 to vector<16xi32>
    %select_n3A_2706 = arith.select %ge3A_2701, %broadcast_in_dim3A_2704, %broadcast_in_dim3A_2705 : vector<16xi1>, vector<16xi32>
    %add3A_2707 = arith.addi %add3A_2699, %select_n3A_2706 : vector<16xi32>
    %ge3A_2708 = vector.broadcast %reduce_sum3A_159 : i32 to vector<16xi32>
    %ge3A_2709 = arith.cmpi sge, %add3A_2697, %ge3A_2708 : vector<16xi32>
    %sub3A_2710 = arith.subi %sub3A_268, %sub3A_266 : i32
    %jit3A_2711 = arith.constant 0 : i32
    %broadcast_in_dim3A_2712 = vector.broadcast %sub3A_2710 : i32 to vector<16xi32>
    %broadcast_in_dim3A_2713 = vector.broadcast %jit3A_2711 : i32 to vector<16xi32>
    %select_n3A_2714 = arith.select %ge3A_2709, %broadcast_in_dim3A_2712, %broadcast_in_dim3A_2713 : vector<16xi1>, vector<16xi32>
    %add3A_2715 = arith.addi %add3A_2707, %select_n3A_2714 : vector<16xi32>
    %ge3A_2716 = vector.broadcast %reduce_sum3A_169 : i32 to vector<16xi32>
    %ge3A_2717 = arith.cmpi sge, %add3A_2697, %ge3A_2716 : vector<16xi32>
    %sub3A_2718 = arith.subi %sub3A_270, %sub3A_268 : i32
    %jit3A_2719 = arith.constant 0 : i32
    %broadcast_in_dim3A_2720 = vector.broadcast %sub3A_2718 : i32 to vector<16xi32>
    %broadcast_in_dim3A_2721 = vector.broadcast %jit3A_2719 : i32 to vector<16xi32>
    %select_n3A_2722 = arith.select %ge3A_2717, %broadcast_in_dim3A_2720, %broadcast_in_dim3A_2721 : vector<16xi1>, vector<16xi32>
    %add3A_2723 = arith.addi %add3A_2715, %select_n3A_2722 : vector<16xi32>
    %ge3A_2724 = vector.broadcast %reduce_sum3A_179 : i32 to vector<16xi32>
    %ge3A_2725 = arith.cmpi sge, %add3A_2697, %ge3A_2724 : vector<16xi32>
    %sub3A_2726 = arith.subi %sub3A_272, %sub3A_270 : i32
    %jit3A_2727 = arith.constant 0 : i32
    %broadcast_in_dim3A_2728 = vector.broadcast %sub3A_2726 : i32 to vector<16xi32>
    %broadcast_in_dim3A_2729 = vector.broadcast %jit3A_2727 : i32 to vector<16xi32>
    %select_n3A_2730 = arith.select %ge3A_2725, %broadcast_in_dim3A_2728, %broadcast_in_dim3A_2729 : vector<16xi1>, vector<16xi32>
    %add3A_2731 = arith.addi %add3A_2723, %select_n3A_2730 : vector<16xi32>
    %ge3A_2732 = vector.broadcast %reduce_sum3A_189 : i32 to vector<16xi32>
    %ge3A_2733 = arith.cmpi sge, %add3A_2697, %ge3A_2732 : vector<16xi32>
    %sub3A_2734 = arith.subi %sub3A_274, %sub3A_272 : i32
    %jit3A_2735 = arith.constant 0 : i32
    %broadcast_in_dim3A_2736 = vector.broadcast %sub3A_2734 : i32 to vector<16xi32>
    %broadcast_in_dim3A_2737 = vector.broadcast %jit3A_2735 : i32 to vector<16xi32>
    %select_n3A_2738 = arith.select %ge3A_2733, %broadcast_in_dim3A_2736, %broadcast_in_dim3A_2737 : vector<16xi1>, vector<16xi32>
    %add3A_2739 = arith.addi %add3A_2731, %select_n3A_2738 : vector<16xi32>
    %ge3A_2740 = vector.broadcast %reduce_sum3A_199 : i32 to vector<16xi32>
    %ge3A_2741 = arith.cmpi sge, %add3A_2697, %ge3A_2740 : vector<16xi32>
    %sub3A_2742 = arith.subi %sub3A_276, %sub3A_274 : i32
    %jit3A_2743 = arith.constant 0 : i32
    %broadcast_in_dim3A_2744 = vector.broadcast %sub3A_2742 : i32 to vector<16xi32>
    %broadcast_in_dim3A_2745 = vector.broadcast %jit3A_2743 : i32 to vector<16xi32>
    %select_n3A_2746 = arith.select %ge3A_2741, %broadcast_in_dim3A_2744, %broadcast_in_dim3A_2745 : vector<16xi1>, vector<16xi32>
    %add3A_2747 = arith.addi %add3A_2739, %select_n3A_2746 : vector<16xi32>
    %ge3A_2748 = vector.broadcast %reduce_sum3A_209 : i32 to vector<16xi32>
    %ge3A_2749 = arith.cmpi sge, %add3A_2697, %ge3A_2748 : vector<16xi32>
    %sub3A_2750 = arith.subi %sub3A_278, %sub3A_276 : i32
    %jit3A_2751 = arith.constant 0 : i32
    %broadcast_in_dim3A_2752 = vector.broadcast %sub3A_2750 : i32 to vector<16xi32>
    %broadcast_in_dim3A_2753 = vector.broadcast %jit3A_2751 : i32 to vector<16xi32>
    %select_n3A_2754 = arith.select %ge3A_2749, %broadcast_in_dim3A_2752, %broadcast_in_dim3A_2753 : vector<16xi1>, vector<16xi32>
    %add3A_2755 = arith.addi %add3A_2747, %select_n3A_2754 : vector<16xi32>
    %ge3A_2756 = vector.broadcast %reduce_sum3A_219 : i32 to vector<16xi32>
    %ge3A_2757 = arith.cmpi sge, %add3A_2697, %ge3A_2756 : vector<16xi32>
    %sub3A_2758 = arith.subi %sub3A_281, %sub3A_278 : i32
    %jit3A_2759 = arith.constant 0 : i32
    %broadcast_in_dim3A_2760 = vector.broadcast %sub3A_2758 : i32 to vector<16xi32>
    %broadcast_in_dim3A_2761 = vector.broadcast %jit3A_2759 : i32 to vector<16xi32>
    %select_n3A_2762 = arith.select %ge3A_2757, %broadcast_in_dim3A_2760, %broadcast_in_dim3A_2761 : vector<16xi1>, vector<16xi32>
    %add3A_2763 = arith.addi %add3A_2755, %select_n3A_2762 : vector<16xi32>
    %swap3A_2764 = arith.constant 0 : index
    %swap3A_2765 = tpu.vector_load %arg14[%swap3A_2764] {strides = array<i32>} : memref<32xi32, #tpu.memory_space<vmem>>, vector<16xi32>,
    tpu.vector_store %arg14[%swap3A_2764], %add3A_2763 {strides = array<i32>} : memref<32xi32, #tpu.memory_space<vmem>>, vector<16xi32>,
    %add3A_2766 = arith.constant 16 : i32
    %add3A_2767 = arith.addi %add3A_34, %add3A_2766 : i32
    %add3A_2768 = vector.broadcast %add3A_2767 : i32 to vector<16xi32>
    %add3A_2769 = arith.addi %add3A_2768, %iota3A : vector<16xi32>
    %add3A_2770 = vector.broadcast %sub3A_264 : i32 to vector<16xi32>
    %add3A_2771 = arith.addi %add3A_2769, %add3A_2770 : vector<16xi32>
    %ge3A_2772 = vector.broadcast %reduce_sum3A_149 : i32 to vector<16xi32>
    %ge3A_2773 = arith.cmpi sge, %add3A_2769, %ge3A_2772 : vector<16xi32>
    %sub3A_2774 = arith.subi %sub3A_266, %sub3A_264 : i32
    %jit3A_2775 = arith.constant 0 : i32
    %broadcast_in_dim3A_2776 = vector.broadcast %sub3A_2774 : i32 to vector<16xi32>
    %broadcast_in_dim3A_2777 = vector.broadcast %jit3A_2775 : i32 to vector<16xi32>
    %select_n3A_2778 = arith.select %ge3A_2773, %broadcast_in_dim3A_2776, %broadcast_in_dim3A_2777 : vector<16xi1>, vector<16xi32>
    %add3A_2779 = arith.addi %add3A_2771, %select_n3A_2778 : vector<16xi32>
    %ge3A_2780 = vector.broadcast %reduce_sum3A_159 : i32 to vector<16xi32>
    %ge3A_2781 = arith.cmpi sge, %add3A_2769, %ge3A_2780 : vector<16xi32>
    %sub3A_2782 = arith.subi %sub3A_268, %sub3A_266 : i32
    %jit3A_2783 = arith.constant 0 : i32
    %broadcast_in_dim3A_2784 = vector.broadcast %sub3A_2782 : i32 to vector<16xi32>
    %broadcast_in_dim3A_2785 = vector.broadcast %jit3A_2783 : i32 to vector<16xi32>
    %select_n3A_2786 = arith.select %ge3A_2781, %broadcast_in_dim3A_2784, %broadcast_in_dim3A_2785 : vector<16xi1>, vector<16xi32>
    %add3A_2787 = arith.addi %add3A_2779, %select_n3A_2786 : vector<16xi32>
    %ge3A_2788 = vector.broadcast %reduce_sum3A_169 : i32 to vector<16xi32>
    %ge3A_2789 = arith.cmpi sge, %add3A_2769, %ge3A_2788 : vector<16xi32>
    %sub3A_2790 = arith.subi %sub3A_270, %sub3A_268 : i32
    %jit3A_2791 = arith.constant 0 : i32
    %broadcast_in_dim3A_2792 = vector.broadcast %sub3A_2790 : i32 to vector<16xi32>
    %broadcast_in_dim3A_2793 = vector.broadcast %jit3A_2791 : i32 to vector<16xi32>
    %select_n3A_2794 = arith.select %ge3A_2789, %broadcast_in_dim3A_2792, %broadcast_in_dim3A_2793 : vector<16xi1>, vector<16xi32>
    %add3A_2795 = arith.addi %add3A_2787, %select_n3A_2794 : vector<16xi32>
    %ge3A_2796 = vector.broadcast %reduce_sum3A_179 : i32 to vector<16xi32>
    %ge3A_2797 = arith.cmpi sge, %add3A_2769, %ge3A_2796 : vector<16xi32>
    %sub3A_2798 = arith.subi %sub3A_272, %sub3A_270 : i32
    %jit3A_2799 = arith.constant 0 : i32
    %broadcast_in_dim3A_2800 = vector.broadcast %sub3A_2798 : i32 to vector<16xi32>
    %broadcast_in_dim3A_2801 = vector.broadcast %jit3A_2799 : i32 to vector<16xi32>
    %select_n3A_2802 = arith.select %ge3A_2797, %broadcast_in_dim3A_2800, %broadcast_in_dim3A_2801 : vector<16xi1>, vector<16xi32>
    %add3A_2803 = arith.addi %add3A_2795, %select_n3A_2802 : vector<16xi32>
    %ge3A_2804 = vector.broadcast %reduce_sum3A_189 : i32 to vector<16xi32>
    %ge3A_2805 = arith.cmpi sge, %add3A_2769, %ge3A_2804 : vector<16xi32>
    %sub3A_2806 = arith.subi %sub3A_274, %sub3A_272 : i32
    %jit3A_2807 = arith.constant 0 : i32
    %broadcast_in_dim3A_2808 = vector.broadcast %sub3A_2806 : i32 to vector<16xi32>
    %broadcast_in_dim3A_2809 = vector.broadcast %jit3A_2807 : i32 to vector<16xi32>
    %select_n3A_2810 = arith.select %ge3A_2805, %broadcast_in_dim3A_2808, %broadcast_in_dim3A_2809 : vector<16xi1>, vector<16xi32>
    %add3A_2811 = arith.addi %add3A_2803, %select_n3A_2810 : vector<16xi32>
    %ge3A_2812 = vector.broadcast %reduce_sum3A_199 : i32 to vector<16xi32>
    %ge3A_2813 = arith.cmpi sge, %add3A_2769, %ge3A_2812 : vector<16xi32>
    %sub3A_2814 = arith.subi %sub3A_276, %sub3A_274 : i32
    %jit3A_2815 = arith.constant 0 : i32
    %broadcast_in_dim3A_2816 = vector.broadcast %sub3A_2814 : i32 to vector<16xi32>
    %broadcast_in_dim3A_2817 = vector.broadcast %jit3A_2815 : i32 to vector<16xi32>
    %select_n3A_2818 = arith.select %ge3A_2813, %broadcast_in_dim3A_2816, %broadcast_in_dim3A_2817 : vector<16xi1>, vector<16xi32>
    %add3A_2819 = arith.addi %add3A_2811, %select_n3A_2818 : vector<16xi32>
    %ge3A_2820 = vector.broadcast %reduce_sum3A_209 : i32 to vector<16xi32>
    %ge3A_2821 = arith.cmpi sge, %add3A_2769, %ge3A_2820 : vector<16xi32>
    %sub3A_2822 = arith.subi %sub3A_278, %sub3A_276 : i32
    %jit3A_2823 = arith.constant 0 : i32
    %broadcast_in_dim3A_2824 = vector.broadcast %sub3A_2822 : i32 to vector<16xi32>
    %broadcast_in_dim3A_2825 = vector.broadcast %jit3A_2823 : i32 to vector<16xi32>
    %select_n3A_2826 = arith.select %ge3A_2821, %broadcast_in_dim3A_2824, %broadcast_in_dim3A_2825 : vector<16xi1>, vector<16xi32>
    %add3A_2827 = arith.addi %add3A_2819, %select_n3A_2826 : vector<16xi32>
    %ge3A_2828 = vector.broadcast %reduce_sum3A_219 : i32 to vector<16xi32>
    %ge3A_2829 = arith.cmpi sge, %add3A_2769, %ge3A_2828 : vector<16xi32>
    %sub3A_2830 = arith.subi %sub3A_281, %sub3A_278 : i32
    %jit3A_2831 = arith.constant 0 : i32
    %broadcast_in_dim3A_2832 = vector.broadcast %sub3A_2830 : i32 to vector<16xi32>
    %broadcast_in_dim3A_2833 = vector.broadcast %jit3A_2831 : i32 to vector<16xi32>
    %select_n3A_2834 = arith.select %ge3A_2829, %broadcast_in_dim3A_2832, %broadcast_in_dim3A_2833 : vector<16xi1>, vector<16xi32>
    %add3A_2835 = arith.addi %add3A_2827, %select_n3A_2834 : vector<16xi32>
    %swap3A_2836 = arith.constant 16 : index
    %swap3A_2837 = tpu.vector_load %arg14[%swap3A_2836] {strides = array<i32>} : memref<32xi32, #tpu.memory_space<vmem>>, vector<16xi32>,
    tpu.vector_store %arg14[%swap3A_2836], %add3A_2835 {strides = array<i32>} : memref<32xi32, #tpu.memory_space<vmem>>, vector<16xi32>,
    %dma_start3A_2838 = arith.constant 0 : i32
    %dma_start3A_2839 = arith.constant 0 : i32
    %dma_start3A_2840 = tpu.memref_slice %arg6[%dma_start3A_2838, %dma_start3A_2839] : memref<16384x1024xf32, #tpu.memory_space<hbm>> -> memref<16384x1024xf32, #tpu.memory_space<hbm>>
    tpu.enqueue_indirect_dma source(%arg11 : memref<32x1024xf32, #tpu.memory_space<vmem>>) target(%dma_start3A_2840 : memref<16384x1024xf32, #tpu.memory_space<hbm>>) offsets(%arg14 : memref<32xi32, #tpu.memory_space<vmem>>) semaphore(%arg20 : memref<!tpu.dma_semaphore, #tpu.memory_space<semaphore_mem>>)
    %dma_wait3A_2841 = arith.constant 0 : i32
    %dma_wait3A_2842 = arith.constant 0 : i32
    %dma_wait3A_2843 = tpu.memref_slice %arg6[%dma_wait3A_2841, %dma_wait3A_2842] : memref<16384x1024xf32, #tpu.memory_space<hbm>> -> memref<16384x1024xf32, #tpu.memory_space<hbm>>
    tpu.wait_indirect_dma semaphore(%arg21 : memref<!tpu.dma_semaphore, #tpu.memory_space<semaphore_mem>>) src(%arg12 : memref<32x1024xf32, #tpu.memory_space<vmem>>) dst(%dma_wait3A_2843 : memref<16384x1024xf32, #tpu.memory_space<hbm>>)
    %dma_wait3A_2844 = arith.constant 0 : i32
    %dma_wait3A_2845 = arith.constant 0 : i32
    %dma_wait3A_2846 = tpu.memref_slice %arg6[%dma_wait3A_2844, %dma_wait3A_2845] : memref<16384x1024xf32, #tpu.memory_space<hbm>> -> memref<16384x1024xf32, #tpu.memory_space<hbm>>
    tpu.wait_indirect_dma semaphore(%arg22 : memref<!tpu.dma_semaphore, #tpu.memory_space<semaphore_mem>>) src(%arg13 : memref<32x1024xf32, #tpu.memory_space<vmem>>) dst(%dma_wait3A_2846 : memref<16384x1024xf32, #tpu.memory_space<hbm>>)
    %dma_wait3A_2847 = arith.constant 0 : i32
    %dma_wait3A_2848 = arith.constant 0 : i32
    %dma_wait3A_2849 = tpu.memref_slice %arg6[%dma_wait3A_2847, %dma_wait3A_2848] : memref<16384x1024xf32, #tpu.memory_space<hbm>> -> memref<16384x1024xf32, #tpu.memory_space<hbm>>
    tpu.wait_indirect_dma semaphore(%arg20 : memref<!tpu.dma_semaphore, #tpu.memory_space<semaphore_mem>>) src(%arg11 : memref<32x1024xf32, #tpu.memory_space<vmem>>) dst(%dma_wait3A_2849 : memref<16384x1024xf32, #tpu.memory_space<hbm>>)
    return
  }
}

</mosaic_0001>

<sc_bundles>
// kernel: kernel.3.cloned.1.call-start
scs
__scs_entry_jumppad:
0x0: {  	(pc) =	sbr.rel $0x88, $3  }
0x1: {  	(tag) =	ssettag $0x0;
	lr =	simm.s32 $0x1  }
0x2: {  	[smem:$0x3F9D] =	sst lr;
	_ =	strace $0xD0000000  }
0x3: {  	_ = 	snop  }
0x4: {  	_ = 	snop  }
0x5: {  	_ = 	snop  }
0x6: {  	_ = 	snop  }
0x7: {  	_ = 	snop  }
__scs_overlays_trampoline_lowered:
0x8: {  	[smem:$0x3FAC] =	sst s0  }
0x9: {  	[smem:$0x3FAD] =	sst s1  }
0xa: {  	[smem:$0x3FAE] =	sst s2  }
0xb: {  	[smem:$0x3FAF] =	sst s3  }
0xc: {  	[smem:$0x3FB0] =	sst s4  }
0xd: {  	[smem:$0x3FB1] =	sst s5  }
0xe: {  	[smem:$0x3FB2] =	sst s6  }
0xf: {  	[smem:$0x3FB3] =	sst s7  }
0x10: {  	[smem:$0x3FB4] =	sst s8  }
0x11: {  	[smem:$0x3FB5] =	sst s9;
	s0 =	simm.s32 @!p0 $0x0  }
0x12: {  	s1 =	sld [smem:$0x3F9B];
	s0 =	simm.s32 @p0 $0x1  }
0x13: {  	[smem:$0x3FB6] =	sst s0;
	s0 =	simm.s32 @!p1 $0x0  }
0x14: {  	s2 =	sld [smem:$0x3F9A];
	s0 =	simm.s32 @p1 $0x1  }
0x15: {  	[smem:$0x3FB7] =	sst s0;
	s0 =	simm.s32 @!p2 $0x0  }
0x16: {  	s3 =	sld [smem:$0x3FDB];
	s0 =	simm.s32 @p2 $0x1  }
0x17: {  	s4 =	simm.s32 $0x1BF5;
	[smem:$0x3FB9] =	sst s0  }
0x18: {  	s0 =	sld [smem:$0x3F9C];
	_ =	swait.ge [sflag:s4], $0x0  }
0x19: {  	s7 =	sld [smem:$0x3F9D]  }
0x1a: {  	s8 =	sadd.s32 $0xFFFFE003, lr  }
0x1b: {  	s9 =	sadd.s32 $0xFFFFFEF7, lr;
	s5 =	simm.s32 $0xFFFFFFFF;
	p2 =	slt.u32 s8, $0xFFFFF086  }
0x1c: {  	p1 =	slt.u32 s9, $0xF7A;
	s5 =	simm.s32 @!p2 $0x0  }
0x1d: {  	s5 =	simm.s32 @p1 $0x1;
	p0 =	seq.s32 s7, s2  }
0x1e: {  	s7 =	smul.u32 @!p0 $0xF7A, s2;
	p2 =	seq.s32 @!p0 s5, $0x0  }
0x1f: {  	s9 =	smul.u32 $0xF7A, s1;
	s8 =	simm.s32 @!p0 $0x1BF5;
	p2 =	por !p2, p0  }
0x20: {  	[sflag:s8] =	ssyncset.s32 @!p0 $0xFFFFF086;
	s6 =	sadd.s32 @!p0 s3, s7;
	s7 =	simm.s32 @!p0 $0x108  }
0x21: {  	s3 =	sadd.s32 s3, s9;
	s6 =	sadd.s32 @!p0 $0x88, s6;
	s7 =	simm.s32 @p2 $0x1082  }
0x22: {  	[simem:s7], [sflag:s8] =	dma.local @!p0 [hbm:s6], $0xF7A  }
0x23: {  	s9 =	sor.u32 $0xD0000000, s2;
	s6 =	simm.s32 $0x108;
	_ =	swait.ge @!p0 [sflag:s8], $0x0  }
0x24: {  	s3 =	sadd.s32 $0x88, s3;
	s6 =	simm.s32 @!p1 $0x1082;
	[sflag:s4] =	ssyncset.s32 $0xFFFFF086  }
0x25: {  	[simem:s6], [sflag:s4] =	dma.local [hbm:s3], $0xF7A  }
0x26: {  	[smem:$0x3F9D] =	sst s1;
	(tag) =	ssettag s2;
	_ =	strace s9  }
0x27: {  	s1 =	sld [smem:$0x3FAD]  }
0x28: {  	s2 =	sld [smem:$0x3FAE]  }
0x29: {  	s4 =	sld [smem:$0x3FB0]  }
0x2a: {  	p0 =	seq.s32 s5, $0x0;
	s5 =	sld [smem:$0x3FB1]  }
0x2b: {  	s6 =	sld [smem:$0x3FB2]  }
0x2c: {  	s7 =	sld [smem:$0x3FB3]  }
0x2d: {  	s3 =	simm.s32 $0x108;
	s8 =	sld [smem:$0x3FB4]  }
0x2e: {  	s3 =	simm.s32 @!p0 $0x1082;
	s9 =	sld [smem:$0x3FB5]  }
0x2f: {  	lr =	sadd.s32 s0, s3;
	s0 =	sld [smem:$0x3FAC]  }
0x30: {  	s3 =	sld [smem:$0x3FAF]  }
0x31: {  	[smem:$0x3FB8] =	sst s10  }
0x32: {  	s10 =	sld [smem:$0x3FB6];
	_ =	sdelay $0x3  }
0x33: {  	p0 =	seq.s32 s10, $0x1;
	s10 =	sld [smem:$0x3FB8];
	_ =	sdelay $0x3  }
0x34: {  	[smem:$0x3FB8] =	sst s10  }
0x35: {  	s10 =	sld [smem:$0x3FB7];
	_ =	sdelay $0x3  }
0x36: {  	p1 =	seq.s32 s10, $0x1;
	s10 =	sld [smem:$0x3FB8];
	_ =	sdelay $0x3  }
0x37: {  	[smem:$0x3FB8] =	sst s10  }
0x38: {  	s10 =	sld [smem:$0x3FB9]  }
0x39: {  	_ = 	snop;
	(pc) =	sbr.ind lr, $3  }
0x3a: {  	_ = 	snop  }
0x3b: {  	_ = 	snop  }
0x3c: {  	p2 =	seq.s32 s10, $0x1;
	s10 =	sld [smem:$0x3FB8]  }
0x3d: {  	_ =	shalt  }
0x3e: {  	_ =	shalt  }
0x3f: {  	_ =	shalt  }
0x40: {  	_ =	shalt  }
0x41: {  	_ =	shalt  }
0x42: {  	_ =	shalt  }
0x43: {  	_ =	shalt  }
0x44: {  	_ =	shalt  }
0x45: {  	_ =	shalt  }
0x46: {  	_ =	shalt  }
0x47: {  	_ =	shalt  }
0x48: {  	_ =	shalt  }
0x49: {  	_ =	shalt  }
0x4a: {  	_ =	shalt  }
0x4b: {  	_ =	shalt  }
0x4c: {  	_ =	shalt  }
0x4d: {  	_ =	shalt  }
0x4e: {  	_ =	shalt  }
0x4f: {  	_ =	shalt  }
0x50: {  	_ =	shalt  }
0x51: {  	_ =	shalt  }
0x52: {  	_ =	shalt  }
0x53: {  	_ =	shalt  }
0x54: {  	_ =	shalt  }
0x55: {  	_ =	shalt  }
0x56: {  	_ =	shalt  }
0x57: {  	_ =	shalt  }
0x58: {  	_ =	shalt  }
0x59: {  	_ =	shalt  }
0x5a: {  	_ =	shalt  }
0x5b: {  	_ =	shalt  }
0x5c: {  	_ =	shalt  }
0x5d: {  	_ =	shalt  }
0x5e: {  	_ =	shalt  }
0x5f: {  	_ =	shalt  }
0x60: {  	_ =	shalt  }
0x61: {  	_ =	shalt  }
0x62: {  	_ =	shalt  }
0x63: {  	_ =	shalt  }
0x64: {  	_ =	shalt  }
0x65: {  	_ =	shalt  }
0x66: {  	_ =	shalt  }
0x67: {  	_ =	shalt  }
0x68: {  	_ =	shalt  }
0x69: {  	_ =	shalt  }
0x6a: {  	_ =	shalt  }
0x6b: {  	_ =	shalt  }
0x6c: {  	_ =	shalt  }
0x6d: {  	_ =	shalt  }
0x6e: {  	_ =	shalt  }
0x6f: {  	_ =	shalt  }
0x70: {  	_ =	shalt  }
0x71: {  	_ =	shalt  }
0x72: {  	_ =	shalt  }
0x73: {  	_ =	shalt  }
0x74: {  	_ =	shalt  }
0x75: {  	_ =	shalt  }
0x76: {  	_ =	shalt  }
0x77: {  	_ =	shalt  }
0x78: {  	_ =	shalt  }
0x79: {  	_ =	shalt  }
0x7a: {  	_ =	shalt  }
0x7b: {  	_ =	shalt  }
0x7c: {  	_ =	shalt  }
0x7d: {  	_ =	shalt  }
0x7e: {  	_ =	shalt  }
0x7f: {  	_ =	shalt  }
0x80: {  	_ =	shalt  }
0x81: {  	_ =	shalt  }
0x82: {  	_ =	shalt  }
0x83: {  	_ =	shalt  }
0x84: {  	_ =	shalt  }
0x85: {  	_ =	shalt  }
0x86: {  	_ =	shalt  }
0x87: {  	_ =	shalt  }
.Lfunc_end0:
.L_simem_size_0:
called_computation_lowered:
.L_overlay_start_0:
0x88: {  	s2 =	sld [smem:$0x3FD9]  }
0x89: {  	s3 =	sld [smem:$0x3FFE];
	_ =	sdelay $0x1  }
0x8a: {  	s1 =	srdreg.scid  }
0x8b: {  	s0 =	sand.u32 $0x1, s1  }
0x8c: {  	s14 =	sshll.u32 s0, $0xA;
	s2 =	sadd.s32 s3, s2  }
0x8d: {  	s2 =	sadd.s32 s2, s14  }
0x8e: {  	[smem:$0x3FC4] =	sst s2  }
0x8f: {  	_ = 	snop  }
0x90: {  	s2 =	sld [smem:$0x3FD0];
	_ =	sdelay $0x1  }
0x91: {  	s15 =	sld [smem:$0x3FC9]  }
0x92: {  	s5 =	simm.s32 $0xA;
	s6 =	simm.s32 $0x10;
	s4 =	sld [smem:$0x3FC7]  }
0x93: {  	[smem:s6], [sflag:s5] =	dma.local [hbm:s2], $0x1  }
0x94: {  	_ =	swait.eq [sflag:s5], $0x1  }
0x95: {  	[sflag:s5] =	ssyncset.done $0x0  }
0x96: {  	s16 =	sld [smem:$0x10];
	[sflag:s5] =	ssyncadd.s32 $0xFFFFFFFF  }
0x97: {  	s17 =	sld [smem:$0x11];
	(tm) =	ssettm $0x1  }
0x98: {  	s18 =	sld [smem:$0x3FFB];
	_ =	sdelay $0x3  }
0x99: {  	_ =	strace s18  }
0x9a: {  	s6 =	sld [smem:$0x3FFC];
	_ =	sdelay $0x3  }
0x9b: {  	_ =	strace s6  }
0x9c: {  	s6 =	sld [smem:$0x3FFD];
	_ =	sdelay $0x3  }
0x9d: {  	_ =	strace s6  }
0x9e: {  	_ =	strace $0x8FFFFFFF  }
0x9f: {  	s19 =	sld [smem:$0x3FDB];
	_ =	sdelay $0x1  }
0xa0: {  	s7 =	simm.s32 $_scs_section_size  }
0xa1: {  	s8 =	simm.s32 $_size__tile_overlayer_lowered;
	s9 =	simm.s32 $_tile_overlayer_lowered  }
0xa2: {  	s22 =	simm.s32 $0x1BFF;
	s21 =	sshll.u32 s9, $0x1;
	s6 =	sadd.s32 s7, s19  }
0xa3: {  	s10 =	simm.s32 $0x0;
	s20 =	sshll.u32 s8, $0x1;
	s8 =	sadd.s32 s21, s6  }
0xa4: {  	[timem:s10], [sflag:s22] =	dma.local [hbm:s8], s20  }
0xa5: {  	_ =	swait.ge [sflag:s22], s20  }
0xa6: {  	s7 =	ssub.s32 $0x0, s20;
	[sflag:s22] =	ssyncset.done $0x0  }
0xa7: {  	[sflag:s22] =	ssyncadd.s32 s7;
	_ =	sdelay $0x1  }
0xa8: {  	s23 =	simm.s32 $0x1B8B  }
0xa9: {  	_ =	swait.ge [sflag:s23], $0x1  }
0xaa: {  	[sflag:s23] =	ssyncset.done $0x0  }
0xab: {  	s25 =	simm.s32 $0x1B8E;
	s24 =	sld [smem:$0x3FFE];
	[sflag:s23] =	ssyncadd.s32 $0xFFFFFFFF  }
0xac: {  	s26 =	simm.s32 $execute0_lowered;
	[smem:$0x3FD2] =	sst s25  }
0xad: {  	s8 =	sshll.u32 s26, $0x1;
	_ =	strace $0x80000046;
	[dreg:$0x1] =	wrdreg $0xFFFFFFFF  }
0xae: {  	s28 =	simm.s32 $_size_execute0_lowered;
	s6 =	sadd.s32 s6, s8;
	[dreg:$0x0] =	wrdreg $0x0  }
0xaf: {  	s8 =	sshll.u32 s28, $0x1;
	[dreg:$0x2] =	wrdreg s6  }
0xb0: {  	[dreg:$0x3] =	wrdreg s8  }
0xb1: {  	[dreg:$0x4] =	wrdreg $0xC0  }
0xb2: {  	_ =	task [dreg:s10], $0x5FFFF  }
0xb3: {  	[dreg:$0x1] =	wrdreg $0xFFFFFFFF  }
0xb4: {  	[dreg:$0x0] =	wrdreg $0x60  }
0xb5: {  	[dreg:$0x2] =	wrdreg s15  }
0xb6: {  	[dreg:$0x3] =	wrdreg s24  }
0xb7: {  	[dreg:$0x4] =	wrdreg s4  }
0xb8: {  	[dreg:$0x5] =	wrdreg s16  }
0xb9: {  	[dreg:$0x6] =	wrdreg s17  }
0xba: {  	[dreg:$0x7] =	wrdreg $0x9  }
0xbb: {  	_ =	task.clear_ibuf [dreg:s10], $0x8FFFF;
	_ =	strace $0x90000046  }
0xbc: {  	s29 =	simm.s32 $0x9;
	_ =	strace $0x80000048  }
0xbd: {  	_ =	swait.ge [sflag:s29], $0x1  }
0xbe: {  	[sflag:s29] =	ssyncadd.s32 $0xFFFFFFFF  }
0xbf: {  	_ =	strace $0x90000048  }
0xc0: {  	_ =	sfence  }
0xc1: {  	s30 =	sld [smem:$0x0];
	_ =	sdelay $0x2  }
0xc2: {  	s31 =	sshll.u32 s1, $0xD;
	s1 =	sshrl.u32 s1, $0x2  }
0xc3: {  	s3 =	sand.u32 $0x4000, s31;
	s1 =	sadd.s32 s1, s30  }
0xc4: {  	s0 =	sor.u32 s3, s0;
	s1 =	sshll.u32 s1, $0x11  }
0xc5: {  	s0 =	sor.u32 s1, s0  }
0xc6: {  	s0 =	sadd.s32 $0x8F2B, s0  }
0xc7: {  	[sflag:s0] =	ssyncadd.remote.s32 $0x1  }
0xc8: {  	_ =	sfence.sel $0xFFFF  }
0xc9: {  	[dreg:$0x0] =	wrdreg $0xFFFFFFFF;
	(pc) =	sbr.abs _section_cstart, $3  }
0xca: {  	[dreg:$0x1] =	wrdreg $0xFFFFFFFF  }
0xcb: {  	_ =	task.clear_ibuf [dreg:s10], $0x2FFFF;
	_ =	strace $0x9FFFFFFF  }
0xcc: {  	(tm) =	ssettm $0x7FFFFFFF  }
0xcd: {  	_ =	shalt  }
tec
execute0_lowered:
.L_overlay_start_1:
0x0: {  	(tag) =	ssettag $0x1  }
0x1: {  	s4 =	rddreg [dreg:$0x0]  }
0x2: {  	s0 =	rddreg [dreg:$0x1]  }
0x3: {  	s7 =	rddreg [dreg:$0x2]  }
0x4: {  	s1 =	rddreg [dreg:$0x3]  }
0x5: {  	s2 =	rddreg [dreg:$0x4];
	s3 =	simm.s32 $0x0;
	s31 =	srdreg.scid  }
0x6: {  	s6 =	stileid.u32;
	s30 =	simm.s32 $0x2;
	[dreg:$0x8] =	wrdreg s2  }
0x7: {  	[smem:$0x7FF] =	sst s3;
	s5 =	sadd.s32 $0x800, s0;
	s2 =	sand.u32 $0x1, s31  }
0x8: {  	s6 =	sshll.u32 s6, $0x1;
	s0 =	sadd.s32 $0xA00, s0;
	_ =	strace $0x80000047  }
0x9: {  	[dreg:$0x6] =	wrdreg s5;
	s11 =	sor.u32 s2, s6;
	s6 =	ssub.s32 $0x2, s2  }
0xa: {  	[dreg:$0x7] =	wrdreg s0;
	s5 =	sadd.s32 $0x200, s1;
	s28 =	sshll.u32 s11, $0x8  }
0xb: {  	s14 =	sshrl.u32 s6, $0x1;
	s15 =	sshll.u32 s11, $0xF;
	p0 =	sne.s32 s11, $0x0  }
0xc: {  	s13 =	sor.u32 $0x20, s28;
	s12 =	sor.u32 $0x40, s28;
	s8 =	sor.u32 $0x60, s28  }
0xd: {  	s10 =	sor.u32 $0x80, s28;
	s9 =	sor.u32 $0xA0, s28;
	s2 =	sor.u32 $0xC0, s28  }
0xe: {  	s0 =	sor.u32 $0xE0, s28;
	s16 =	sadd.s32 s4, s15;
	s26 =	sadd.s32 s7, s15  }
0xf: {  	s17 =	sshll.u32 s13, $0x7;
	[dreg:$0x9] =	wrdreg s16;
	s18 =	sshll.u32 s12, $0x7  }
0x10: {  	s19 =	sshll.u32 s8, $0x7;
	[dreg:$0x11] =	wrdreg s26;
	s20 =	sadd.s32 s4, s17  }
0x11: {  	s16 =	sor.u32 $0x30, s28;
	s21 =	sadd.s32 s4, s18;
	[dreg:$0xa] =	wrdreg s20  }
0x12: {  	s26 =	sor.u32 $0x50, s28;
	s22 =	sadd.s32 s4, s19;
	[dreg:$0xb] =	wrdreg s21  }
0x13: {  	s29 =	sadd.s32 s7, s17;
	s31 =	sadd.s32 s7, s18;
	[dreg:$0xc] =	wrdreg s22  }
0x14: {  	v18 =	vlaneseq.u32;
	vm0 =	vmmov $0x1;
	vm1 =	vcmask $0x308;
	s18 =	sor.u32 $0x90, s28;
	s20 =	sshll.u32 s10, $0x7;
	[dreg:$0x12] =	wrdreg s29  }
0x15: {  	vm2 =	vcmask $0x70C;
	vm3 =	vcmask $0xB10;
	vm4 =	vcmask $0xF14;
	s21 =	sshll.u32 s9, $0x7;
	[dreg:$0x13] =	wrdreg s31;
	s31 =	simm.s32 $0x80  }
0x16: {  	vm5 =	vcmask $0x1318;
	vm6 =	vcmask $0x171C;
	vm7 =	vcmask $0x1B20;
	s22 =	sshll.u32 s2, $0x7;
	s23 =	sadd.s32 s4, s20;
	[dreg:$0x19] =	wrdreg s31  }
0x17: {  	vm8 =	vcmask $0x1F24;
	vm10 =	vmmov $0xffff;
	v17 =	vshrl.u32 v18, $0x3;
	s29 =	sor.u32 $0xF0, s28;
	s24 =	sadd.s32 s4, s21;
	[dreg:$0xd] =	wrdreg s23  }
0x18: {  	v16 =	vand.u32 $0x7, v18;
	v17 =	vmul.u32 $0x8, v17;
	v0 =	vor.u32 s28, v18;
	s25 =	sadd.s32 s4, s22;
	[dreg:$0xe] =	wrdreg s24;
	s23 =	sshll.u32 s0, $0x7  }
0x19: {  	vm12 =	vcmask @!p0 $0x1310;
	vm13 =	vcmask @!p0 $0x1714;
	vm14 =	vcmask @!p0 $0x1B18;
	s24 =	ssub.s32 s6, s14;
	[dreg:$0xf] =	wrdreg s25;
	s14 =	sadd.s32 s7, s19  }
0x1a: {  	vm15 =	vcmask @!p0 $0x1F1C;
	vm9 =	vcmask @!p0 $0x2320;
	v2 =	vor.u32 s13, v18;
	s25 =	sor.u32 $0x10, s28;
	s19 =	sadd.s32 s7, s20;
	[dreg:$0x14] =	wrdreg s14  }
0x1b: {  	v4 =	vor.u32 s12, v18;
	v6 =	vor.u32 s8, v18;
	v8 =	vor.u32 s10, v18;
	s6 =	sadd.s32 $0x300, s1;
	s20 =	sadd.s32 s7, s21;
	[dreg:$0x15] =	wrdreg s19  }
0x1c: {  	v10 =	vor.u32 s9, v18;
	v12 =	vor.u32 s2, v18;
	v14 =	vor.u32 s0, v18;
	s21 =	sor.u32 $0x70, s28;
	s4 =	sadd.s32 s4, s23;
	[dreg:$0x16] =	wrdreg s20  }
0x1d: {  	v3 =	vor.u32 s16, v18;
	v5 =	vor.u32 s26, v18;
	v9 =	vor.u32 s18, v18;
	s14 =	sadd.s32 s7, s22;
	s20 =	sor.u32 $0xB0, s28;
	[dreg:$0x10] =	wrdreg s4  }
0x1e: {  	v15 =	vor.u32 s29, v18;
	s22 =	sor.u32 $0xD0, s28;
	s7 =	sadd.s32 s7, s23;
	v1 =	vor.u32 s25, v18;
	v7 =	vor.u32 s21, v18;
	[dreg:$0x17] =	wrdreg s14  }
0x1f: {  	s23 =	smax.u32 s24, $0x1;
	s4 =	sadd.s32 $0x100, s1;
	[dreg:$0x18] =	wrdreg s7;
	v11 =	vor.u32 s20, v18;
	v13 =	vor.u32 s22, v18;
	v18 =	vor.u32 $0x8, v18  }
.LBB2_1:
0x20: {  	s8 =	rddreg [dreg:$0x9];
	s0 =	simm.s32 $0x180  }
0x21: {  	[tilespmem:s0], [sflag:$0x1] =	stream.linear.gather [hbm4b:s8+s3], $0x8000, $0x38;
	[tilespmem:$0x18300] =	vst v63  }
0x22: {  	s9 =	rddreg [dreg:$0xa];
	s17 =	simm.s32 $0x8180  }
0x23: {  	[tilespmem:s17], [sflag:$0x2] =	stream.linear.gather [hbm4b:s9+s3], $0x8000, $0x38;
	[tilespmem:$0x18300] =	vst v63  }
0x24: {  	s16 =	rddreg [dreg:$0x6];
	s7 =	simm.s32 $0x7  }
0x25: {  	[tilespmem:s3], [sflag:$0x7] =	stream.linear.gather [hbm4b:s16+s3], $0x80, $0x38;
	[tilespmem:$0x18300] =	vst v63  }
0x26: {  	_ =	swait.ge [sflag:s7], $0x80  }
0x27: {  	s18 =	rddreg [dreg:$0x7];
	[sflag:s7] =	ssyncset.done $0x0  }
0x28: {  	s19 =	rddreg [dreg:$0x19];
	[sflag:s7] =	ssyncadd.s32 $0xFFFFFF80  }
0x29: {  	[tilespmem:s19], [sflag:$0x7] =	stream.linear.gather [hbm4b:s18+s3], $0x80, $0x38;
	[tilespmem:$0x18300] =	vst v63  }
0x2a: {  	_ =	swait.ge [sflag:s7], $0x80  }
0x2b: {  	[sflag:s7] =	ssyncset.done $0x0  }
0x2c: {  	[sflag:s7] =	ssyncadd.s32 $0xFFFFFF80  }
0x2d: {  	v19 =	vld [tilespmem:$0x0];
	_ =	sdelay $0x4  }
0x2e: {  	v20 =	vnsel vm0, $0x0, v19  }
0x2f: {  	(xrf0) =	vadd.scan.msk.s32 $0xffff, v20;
	v20 =	vsel vm1, $0x0, v19  }
0x30: {  	(xrf0) =	vadd.scan.msk.s32 $0xffff, v20;
	v20 =	vsel vm2, $0x0, v19  }
0x31: {  	(xrf0) =	vadd.scan.msk.s32 $0xffff, v20;
	v20 =	vsel vm3, $0x0, v19  }
0x32: {  	(xrf0) =	vadd.scan.msk.s32 $0xffff, v20;
	v20 =	vsel vm4, $0x0, v19  }
0x33: {  	v22 =	vld [tilespmem:$0x80];
	(xrf0) =	vadd.scan.msk.s32 $0xffff, v20;
	v20 =	vsel vm5, $0x0, v19  }
0x34: {  	(xrf0) =	vadd.scan.msk.s32 $0xffff, v20;
	v20 =	vsel vm6, $0x0, v19  }
0x35: {  	v21, _, _ =	vpop (xrf0);
	(xrf0) =	vadd.scan.msk.s32 $0xffff, v20  }
0x36: {  	v20 =	vsel vm7, $0x0, v19;
	v28, _, _ =	vpop (xrf0)  }
0x37: {  	v19 =	vsel vm8, $0x0, v19;
	(v2sf) =	vpush v21, $0xF;
	(xrf0) =	vadd.scan.msk.s32 $0xffff, v20;
	v29, _, _ =	vpop (xrf0)  }
0x38: {  	(v2sf) =	vpush v28, $0xF;
	(xrf0) =	vadd.scan.msk.s32 $0xffff, v19;
	v19 =	vnsel vm0, $0x0, v22;
	v33, _, _ =	vpop (xrf0)  }
0x39: {  	(v2sf) =	vpush v29, $0xF;
	(xrf0) =	vadd.scan.msk.s32 $0xffff, v19;
	v19 =	vsel vm1, $0x0, v22;
	v34, _, _ =	vpop (xrf0)  }
0x3a: {  	(v2sf) =	vpush v33, $0xF;
	(xrf0) =	vadd.scan.msk.s32 $0xffff, v19;
	v19 =	vsel vm2, $0x0, v22;
	v35, _, _ =	vpop (xrf0)  }
0x3b: {  	(v2sf) =	vpush v34, $0xF;
	v40, _, _ =	vpop (xrf0);
	(xrf0) =	vadd.scan.msk.s32 $0xffff, v19  }
0x3c: {  	(v2sf) =	vpush v35, $0xF;
	v19 =	vsel vm3, $0x0, v22  }
0x3d: {  	v38, _, _ =	vpop (xrf0);
	(v2sf) =	vpush v40, $0xF  }
0x3e: {  	(xrf0) =	vadd.scan.msk.s32 $0xffff, v19;
	(v2sf) =	vpush v38, $0xF;
	v39, _, _ =	vpop (xrf0)  }
0x3f: {  	v20 =	vsel vm4, $0x0, v22;
	(v2sf) =	vpush v39, $0xF;
	v19, _, _ =	vpop (xrf0)  }
0x40: {  	(xrf0) =	vadd.scan.msk.s32 $0xffff, v20;
	(v2sf) =	vpush v19, $0xF;
	v25, _, _ =	vpop (xrf0)  }
0x41: {  	v19 =	vsel vm5, $0x0, v22;
	(v2sf) =	vpush v25, $0xF;
	v23, _, _ =	vpop (xrf0)  }
0x42: {  	(xrf0) =	vadd.scan.msk.s32 $0xffff, v19;
	(v2sf) =	vpush v23, $0xF  }
0x43: {  	v19 =	vsel vm6, $0x0, v22  }
0x44: {  	(xrf0) =	vadd.scan.msk.s32 $0xffff, v19;
	v24, _, _ =	vpop (xrf0)  }
0x45: {  	(v2sf) =	vpush v24, $0xF  }
0x46: {  	v20, _, _ =	vpop (xrf0);
	s9 =	spop (v2sf)  }
0x47: {  	(v2sf) =	vpush v20, $0xF;
	s10 =	spop (v2sf)  }
0x48: {  	v21, _, _ =	vpop (xrf0);
	s24 =	spop (v2sf)  }
0x49: {  	v26 =	vsel vm7, $0x0, v22;
	(v2sf) =	vpush v21, $0xF;
	s25 =	spop (v2sf)  }
0x4a: {  	v19, _, _ =	vpop (xrf0);
	(xrf0) =	vadd.scan.msk.s32 $0xffff, v26;
	s26 =	spop (v2sf)  }
0x4b: {  	(v2sf) =	vpush v19, $0xF;
	s7 =	spop (v2sf)  }
0x4c: {  	s21 =	spop (v2sf)  }
0x4d: {  	v22 =	vsel vm8, $0x0, v22;
	s8 =	spop (v2sf)  }
0x4e: {  	s11 =	ssub.s32 s10, s9;
	(xrf0) =	vadd.scan.msk.s32 $0xffff, v22;
	s28 =	spop (v2sf)  }
0x4f: {  	s14 =	smov.u32 s23;
	[dreg:$0x1c] =	wrdreg s11;
	s2 =	spop (v2sf)  }
0x50: {  	s10 =	ssub.s32 s24, s10;
	v22, _, _ =	vpop (xrf0);
	[dreg:$0x1a] =	wrdreg s2;
	s20 =	spop (v2sf)  }
0x51: {  	(v2sf) =	vpush v22, $0xF;
	[dreg:$0x1b] =	wrdreg s20;
	s16 =	ssub.s32 s20, s2;
	s29 =	spop (v2sf)  }
0x52: {  	s22 =	sadd.s32 s11, s16;
	s11 =	ssub.s32 s25, s24;
	s16 =	ssub.s32 s16, s9  }
0x53: {  	[dreg:$0x1d] =	wrdreg s29;
	s12 =	ssub.s32 s29, s20;
	s10 =	sadd.s32 s10, s22  }
0x54: {  	v46, _, _ =	vpop (xrf0);
	s17 =	spop (v2sf);
	[dreg:$0x1e] =	wrdreg s10;
	s19 =	sadd.s32 s12, s10  }
0x55: {  	(v2sf) =	vpush v46, $0xF;
	[smem:$0x7F8] =	sst s17;
	s13 =	ssub.s32 s17, s29;
	s0 =	sadd.s32 s11, s19  }
0x56: {  	s29 =	ssub.s32 s26, s25;
	s18 =	spop (v2sf);
	[dreg:$0x1f] =	wrdreg s0  }
0x57: {  	s24 =	ssub.s32 s19, s24;
	s11 =	ssub.s32 s8, s21;
	[smem:$0x7FA] =	sst s18  }
0x58: {  	s20 =	sadd.s32 s13, s0;
	s12 =	ssub.s32 s18, s17;
	s0 =	spop (v2sf)  }
0x59: {  	vm11 =	vcmask @!p0 $0x704;
	v26 =	vmov @!p0 s22;
	s10 =	sadd.s32 s29, s20;
	s29 =	ssub.s32 s7, s26;
	s25 =	ssub.s32 s20, s25  }
0x5a: {  	v31 =	vbroadcast v28, $0xF;
	v26 =	vnsel @!p0 vm11, $0x0, v26;
	vm11 =	vcmask @!p0 $0xB08;
	[smem:$0x7F9] =	sst s10;
	s13 =	spop (v2sf);
	s23 =	sadd.s32 s12, s10  }
0x5b: {  	v32 =	vbroadcast v29, $0xF;
	v26 =	vsel @!p0 vm11, s19, v26;
	vm11 =	vcmask @!p0 $0xF0C;
	s17 =	ssub.s32 s0, s18;
	s18 =	sadd.s32 s9, s16;
	s16 =	ssub.s32 s24, s16  }
0x5c: {  	v34 =	vbroadcast v34, $0xF;
	v38 =	vbroadcast v38, $0xF;
	v30 =	vsel @!p0 vm11, s20, v26;
	s9 =	ssub.s32 $0x0, s9;
	s10 =	sadd.s32 s29, s23;
	s29 =	ssub.s32 s21, s7  }
0x5d: {  	vm11 =	vlt.s32 v0, v31;
	v26 =	vmov s18;
	s2 =	ssub.s32 s13, s0;
	v30 =	vsel @!p0 vm12, s23, v30;
	s23 =	ssub.s32 s23, s26;
	s20 =	sadd.s32 s17, s10  }
0x5e: {  	v27 =	vmov s16;
	v47 =	vadd.s32 s9, v0;
	[smem:$0x7FB] =	sst s10;
	s10 =	ssub.s32 s25, s24;
	v36 =	vsel vm11, $0x0, v26;
	s29 =	sadd.s32 s29, s20  }
0x5f: {  	s12 =	ssub.s32 s23, s25;
	vm11 =	vlt.s32 v0, v32;
	v30 =	vsel @!p0 vm13, s20, v30;
	s7 =	ssub.s32 s20, s7;
	v41 =	vadd.s32 v36, v47;
	s19 =	sadd.s32 s2, s29  }
0x60: {  	v42 =	vsel vm11, $0x0, v27;
	v36 =	vbroadcast v33, $0xF;
	v37 =	vsel @!p0 vm14, s19, v30;
	s25 =	sadd.s32 s11, s19;
	s19 =	ssub.s32 s19, s21;
	s21 =	spop (v2sf)  }
0x61: {  	v39 =	vbroadcast v39, $0xF;
	[smem:$0x7FD] =	sst s13;
	v28 =	vmov s10;
	s16 =	ssub.s32 s7, s23;
	v41 =	vadd.s32 v42, v41;
	s13 =	ssub.s32 s21, s13  }
0x62: {  	v30 =	vmov s12;
	v33 =	vmov s16;
	vm11 =	vlt.s32 v0, v36;
	s20 =	sadd.s32 s13, s25  }
0x63: {  	s7 =	ssub.s32 s19, s7;
	v48 =	vsel vm11, $0x0, v28;
	v43 =	vsel @!p0 vm15, s20, v37;
	v37 =	vbroadcast v35, $0xF  }
0x64: {  	s18 =	ssub.s32 s28, s8;
	vm11 =	vlt.s32 v0, v34;
	v29 =	vmov s7;
	s17 =	spop (v2sf);
	v35 =	vbroadcast v40, $0xF  }
0x65: {  	v41 =	vadd.s32 v48, v41;
	v49 =	vsel vm11, $0x0, v30;
	s7 =	ssub.s32 s17, s21;
	s26 =	sadd.s32 s18, s20;
	vm11 =	vlt.s32 v0, v37  }
0x66: {  	v50 =	vadd.s32 v49, v41;
	s8 =	ssub.s32 s20, s8;
	s7 =	sadd.s32 s7, s26;
	v51 =	vsel vm11, $0x0, v33;
	vm11 =	vlt.s32 v0, v35  }
0x67: {  	s19 =	ssub.s32 s8, s19;
	s8 =	sadd.s32 s28, s8;
	v43 =	vsel @!p0 vm9, s7, v43;
	v40 =	vadd.s32 v51, v50;
	v52 =	vsel vm11, $0x0, v29  }
0x68: {  	s7 =	ssub.s32 s7, s8;
	vm11 =	vlt.s32 v0, v38;
	v53 =	vadd.s32 v52, v40;
	v40 =	vmov s19  }
0x69: {  	v41 =	vmov s7;
	v44 =	vsel vm11, $0x0, v40;
	vm11 =	vlt.s32 v0, v39  }
0x6a: {  	v54 =	vsel vm11, $0x0, v41;
	vm11 =	vlt.s32 v1, v31  }
0x6b: {  	v45 =	vadd.s32 s9, v1;
	v42 =	vadd.s32 v44, v53;
	v46 =	vsel vm11, $0x0, v26  }
0x6c: {  	vm11 =	vlt.s32 v1, v32;
	v42 =	vadd.s32 v54, v42;
	v45 =	vadd.s32 v46, v45  }
0x6d: {  	s8 =	simm.s32 @!p0 $0x0;
	s7 =	rddreg [dreg:$0x8];
	[tilespmem:$0x100] =	vst @!p0 v43;
	s19 =	simm.s32 @!p0 $0x100;
	v55 =	vsel vm11, $0x0, v27;
	vm11 =	vlt.s32 v1, v36;
	v58 =	vshll.u32 v42, $0x3  }
0x6e: {  	[hbm4b:s7+s8] =	stream.linear.scatter @!p0 [tilespmem:s19], [sflag:$0x7], $0x80, $0x38;
	v59 =	vand.u32 $0x7, v42;
	v56 =	vadd.s32 v55, v45;
	v57 =	vsel vm11, $0x0, v28;
	[tilespmem:$0x18300] =	vst v63  }
0x6f: {  	[smem:$0x7FC] =	sst s0;
	s7 =	simm.s32 @!p0 $0x7;
	vm11 =	vlt.s32 v1, v34;
	v44 =	vand.u32 $0xFFFFFFC0, v58;
	v43 =	vadd.s32 v57, v56  }
0x70: {  	_ =	swait.ge @!p0 [sflag:s7], $0x80;
	v60 =	vsel vm11, $0x0, v30;
	vm11 =	vlt.s32 v1, v37;
	v44 =	vor.u32 v59, v44  }
0x71: {  	[sflag:s7] =	ssyncset.done @!p0 $0x0;
	v43 =	vadd.s32 v60, v43;
	v61 =	vsel vm11, $0x0, v33;
	v62 =	vperm.xlane v44, v16  }
0x72: {  	s23 =	smov.u32 s14;
	s14 =	simm.s32 $0x1;
	[sflag:s7] =	ssyncadd.s32 @!p0 $0xFFFFFF80;
	vm11 =	vlt.s32 v1, v35;
	v43 =	vadd.s32 v61, v43  }
0x73: {  	_ =	swait.ge [sflag:s14], $0x8000;
	v63 =	vsel vm11, $0x0, v29;
	vm11 =	vlt.s32 v1, v38;
	v46 =	vadd.s32 v17, v62  }
0x74: {  	[sflag:s14] =	ssyncset.done $0x0;
	v43 =	vadd.s32 v63, v43;
	v48 =	vsel vm11, $0x0, v40;
	vm11 =	vlt.s32 v1, v39  }
0x75: {  	[sflag:s14] =	ssyncadd.s32 $0xFFFF8000;
	v43 =	vadd.s32 v48, v43;
	v49 =	vsel vm11, $0x0, v41  }
0x76: {  	[tilespmem:$0x18180] =	vst v42;
	v50 =	vadd.s32 v49, v43  }
0x77: {  	s15 =	simm.s32 $0x180;
	[tilespmem:$0x18190] =	vst v50  }
0x78: {  	[hbm4b:s1+s3] =	stream.indirect_vreg.scatter [tilespmem:s15], [sflag:$0x4], $0x80, v46, vm10, $0xb8;
	[tilespmem:$0x18300] =	vst v63  }
0x79: {  	s20 =	simm.s32 $0x980;
	v51 =	vperm.xlane v44, v18  }
0x7a: {  	[hbm4b:s4+s3] =	stream.indirect_vreg.scatter [tilespmem:s20], [sflag:$0x4], $0x80, v46, vm10, $0xb8;
	[tilespmem:$0x18300] =	vst v63  }
0x7b: {  	s22 =	simm.s32 $0x1180;
	v42 =	vadd.s32 v17, v51  }
0x7c: {  	[hbm4b:s5+s3] =	stream.indirect_vreg.scatter [tilespmem:s22], [sflag:$0x4], $0x80, v46, vm10, $0xb8;
	[tilespmem:$0x18300] =	vst v63  }
0x7d: {  	s24 =	simm.s32 $0x1980  }
0x7e: {  	[hbm4b:s6+s3] =	stream.indirect_vreg.scatter [tilespmem:s24], [sflag:$0x4], $0x80, v46, vm10, $0xb8;
	[tilespmem:$0x18300] =	vst v63  }
0x7f: {  	s2 =	simm.s32 $0x2180  }
0x80: {  	[hbm4b:s1+s3] =	stream.indirect_vreg.scatter [tilespmem:s2], [sflag:$0x4], $0x80, v42, vm10, $0xb8;
	[tilespmem:$0x18300] =	vst v63  }
0x81: {  	s7 =	simm.s32 $0x2980  }
0x82: {  	[hbm4b:s4+s3] =	stream.indirect_vreg.scatter [tilespmem:s7], [sflag:$0x4], $0x80, v42, vm10, $0xb8;
	[tilespmem:$0x18300] =	vst v63  }
0x83: {  	s8 =	simm.s32 $0x3180  }
0x84: {  	[hbm4b:s5+s3] =	stream.indirect_vreg.scatter [tilespmem:s8], [sflag:$0x4], $0x80, v42, vm10, $0xb8;
	[tilespmem:$0x18300] =	vst v63  }
0x85: {  	s10 =	simm.s32 $0x3980  }
0x86: {  	[hbm4b:s6+s3] =	stream.indirect_vreg.scatter [tilespmem:s10], [sflag:$0x4], $0x80, v42, vm10, $0xb8;
	[tilespmem:$0x18300] =	vst v63  }
0x87: {  	v42 =	vld [tilespmem:$0x18190];
	_ =	sdelay $0x4  }
0x88: {  	v52 =	vshll.u32 v42, $0x3  }
0x89: {  	v42 =	vand.u32 $0x7, v42;
	v43 =	vand.u32 $0xFFFFFFC0, v52  }
0x8a: {  	v42 =	vor.u32 v42, v43  }
0x8b: {  	v43 =	vperm.xlane v42, v16;
	_ =	sdelay $0x1  }
0x8c: {  	v43 =	vadd.s32 v17, v43;
	_ =	sdelay $0x3  }
0x8d: {  	s11 =	simm.s32 $0x4180  }
0x8e: {  	v53 =	vadd.s32 s9, v2;
	vm11 =	vlt.s32 v2, v31;
	[hbm4b:s1+s3] =	stream.indirect_vreg.scatter [tilespmem:s11], [sflag:$0x4], $0x80, v43, vm10, $0xb8;
	[tilespmem:$0x18300] =	vst v63  }
0x8f: {  	s12 =	simm.s32 $0x4980;
	v54 =	vsel vm11, $0x0, v26;
	vm11 =	vlt.s32 v2, v32;
	v42 =	vperm.xlane v42, v18  }
0x90: {  	v63 =	vadd.s32 s9, v3;
	v55 =	vsel vm11, $0x0, v27;
	vm11 =	vlt.s32 v2, v36;
	[hbm4b:s4+s3] =	stream.indirect_vreg.scatter [tilespmem:s12], [sflag:$0x4], $0x80, v43, vm10, $0xb8;
	[tilespmem:$0x18300] =	vst v63  }
0x91: {  	s13 =	simm.s32 $0x5180;
	v56 =	vsel vm11, $0x0, v28;
	vm11 =	vlt.s32 v2, v34;
	v42 =	vadd.s32 v17, v42  }
0x92: {  	v44 =	vadd.s32 v54, v53;
	v57 =	vsel vm11, $0x0, v30;
	vm11 =	vlt.s32 v2, v37;
	[hbm4b:s5+s3] =	stream.indirect_vreg.scatter [tilespmem:s13], [sflag:$0x4], $0x80, v43, vm10, $0xb8;
	[tilespmem:$0x18300] =	vst v63  }
0x93: {  	v44 =	vadd.s32 v55, v44;
	s15 =	simm.s32 $0x5980;
	v58 =	vsel vm11, $0x0, v33;
	vm11 =	vlt.s32 v2, v35  }
0x94: {  	v44 =	vadd.s32 v56, v44;
	v60 =	vsel vm11, $0x0, v29;
	vm11 =	vlt.s32 v2, v38;
	[hbm4b:s6+s3] =	stream.indirect_vreg.scatter [tilespmem:s15], [sflag:$0x4], $0x80, v43, vm10, $0xb8;
	[tilespmem:$0x18300] =	vst v63  }
0x95: {  	s16 =	simm.s32 $0x6180;
	v44 =	vadd.s32 v57, v44;
	v61 =	vsel vm11, $0x0, v40;
	vm11 =	vlt.s32 v2, v39  }
0x96: {  	v59 =	vadd.s32 v58, v44;
	v62 =	vsel vm11, $0x0, v41;
	vm11 =	vlt.s32 v3, v31;
	[hbm4b:s1+s3] =	stream.indirect_vreg.scatter [tilespmem:s16], [sflag:$0x4], $0x80, v42, vm10, $0xb8;
	[tilespmem:$0x18300] =	vst v63  }
0x97: {  	s19 =	simm.s32 $0x6980;
	v48 =	vsel vm11, $0x0, v26;
	vm11 =	vlt.s32 v3, v32;
	v43 =	vadd.s32 v60, v59  }
0x98: {  	v45 =	vadd.s32 v48, v63;
	v49 =	vsel vm11, $0x0, v27;
	v43 =	vadd.s32 v61, v43;
	[hbm4b:s4+s3] =	stream.indirect_vreg.scatter [tilespmem:s19], [sflag:$0x4], $0x80, v42, vm10, $0xb8;
	[tilespmem:$0x18300] =	vst v63  }
0x99: {  	s20 =	simm.s32 $0x7180;
	vm11 =	vlt.s32 v3, v36;
	v50 =	vadd.s32 v49, v45;
	v43 =	vadd.s32 v62, v43  }
0x9a: {  	v51 =	vsel vm11, $0x0, v28;
	vm11 =	vlt.s32 v3, v34;
	v52 =	vshll.u32 v43, $0x3;
	[hbm4b:s5+s3] =	stream.indirect_vreg.scatter [tilespmem:s20], [sflag:$0x4], $0x80, v42, vm10, $0xb8;
	[tilespmem:$0x18300] =	vst v63  }
0x9b: {  	v44 =	vadd.s32 v51, v50;
	s2 =	simm.s32 $0x7980;
	v53 =	vand.u32 $0x7, v43;
	v45 =	vand.u32 $0xFFFFFFC0, v52  }
0x9c: {  	v54 =	vsel vm11, $0x0, v30;
	vm11 =	vlt.s32 v3, v37;
	v45 =	vor.u32 v53, v45;
	[hbm4b:s6+s3] =	stream.indirect_vreg.scatter [tilespmem:s2], [sflag:$0x4], $0x80, v42, vm10, $0xb8;
	[tilespmem:$0x18300] =	vst v63  }
0x9d: {  	s22 =	rddreg [dreg:$0xb];
	v55 =	vsel vm11, $0x0, v33;
	vm11 =	vlt.s32 v3, v35;
	s8 =	simm.s32 $0x10180;
	v46 =	vperm.xlane v45, v16  }
0x9e: {  	v56 =	vsel vm11, $0x0, v29;
	v42 =	vadd.s32 v54, v44;
	[tilespmem:s8], [sflag:$0x3] =	stream.linear.gather [hbm4b:s22+s3], $0x8000, $0x38;
	[tilespmem:$0x18300] =	vst v63  }
0x9f: {  	vm11 =	vlt.s32 v3, v38;
	v46 =	vadd.s32 v17, v46;
	v42 =	vadd.s32 v55, v42;
	_ =	swait.ge [sflag:s30], $0x8000  }
0xa0: {  	v57 =	vsel vm11, $0x0, v40;
	vm11 =	vlt.s32 v3, v39;
	v42 =	vadd.s32 v56, v42;
	[sflag:s30] =	ssyncset.done $0x0  }
0xa1: {  	v58 =	vsel vm11, $0x0, v41;
	v42 =	vadd.s32 v57, v42;
	[sflag:s30] =	ssyncadd.s32 $0xFFFF8000  }
0xa2: {  	v42 =	vadd.s32 v58, v42;
	[tilespmem:$0x18200] =	vst v43  }
0xa3: {  	s31 =	simm.s32 $0x8180;
	[tilespmem:$0x18210] =	vst v42  }
0xa4: {  	[hbm4b:s1+s3] =	stream.indirect_vreg.scatter [tilespmem:s31], [sflag:$0x5], $0x80, v46, vm10, $0xb8;
	[tilespmem:$0x18300] =	vst v63  }
0xa5: {  	s10 =	simm.s32 $0x8980;
	v59 =	vperm.xlane v45, v18  }
0xa6: {  	[hbm4b:s4+s3] =	stream.indirect_vreg.scatter [tilespmem:s10], [sflag:$0x5], $0x80, v46, vm10, $0xb8;
	[tilespmem:$0x18300] =	vst v63  }
0xa7: {  	s20 =	simm.s32 $0x9180;
	v42 =	vadd.s32 v17, v59  }
0xa8: {  	[hbm4b:s5+s3] =	stream.indirect_vreg.scatter [tilespmem:s20], [sflag:$0x5], $0x80, v46, vm10, $0xb8;
	[tilespmem:$0x18300] =	vst v63  }
0xa9: {  	s22 =	simm.s32 $0x9980  }
0xaa: {  	[hbm4b:s6+s3] =	stream.indirect_vreg.scatter [tilespmem:s22], [sflag:$0x5], $0x80, v46, vm10, $0xb8;
	[tilespmem:$0x18300] =	vst v63  }
0xab: {  	s31 =	simm.s32 $0xA180  }
0xac: {  	[hbm4b:s1+s3] =	stream.indirect_vreg.scatter [tilespmem:s31], [sflag:$0x5], $0x80, v42, vm10, $0xb8;
	[tilespmem:$0x18300] =	vst v63  }
0xad: {  	s2 =	simm.s32 $0xA980  }
0xae: {  	[hbm4b:s4+s3] =	stream.indirect_vreg.scatter [tilespmem:s2], [sflag:$0x5], $0x80, v42, vm10, $0xb8;
	[tilespmem:$0x18300] =	vst v63  }
0xaf: {  	s7 =	simm.s32 $0xB180  }
0xb0: {  	[hbm4b:s5+s3] =	stream.indirect_vreg.scatter [tilespmem:s7], [sflag:$0x5], $0x80, v42, vm10, $0xb8;
	[tilespmem:$0x18300] =	vst v63  }
0xb1: {  	s10 =	simm.s32 $0xB980  }
0xb2: {  	[hbm4b:s6+s3] =	stream.indirect_vreg.scatter [tilespmem:s10], [sflag:$0x5], $0x80, v42, vm10, $0xb8;
	[tilespmem:$0x18300] =	vst v63  }
0xb3: {  	v42 =	vld [tilespmem:$0x18210];
	_ =	sdelay $0x4  }
0xb4: {  	v60 =	vshll.u32 v42, $0x3  }
0xb5: {  	v42 =	vand.u32 $0x7, v42;
	v43 =	vand.u32 $0xFFFFFFC0, v60  }
0xb6: {  	v42 =	vor.u32 v42, v43  }
0xb7: {  	v43 =	vperm.xlane v42, v16;
	_ =	sdelay $0x1  }
0xb8: {  	v43 =	vadd.s32 v17, v43;
	_ =	sdelay $0x3  }
0xb9: {  	s20 =	simm.s32 $0xC180  }
0xba: {  	[hbm4b:s1+s3] =	stream.indirect_vreg.scatter [tilespmem:s20], [sflag:$0x5], $0x80, v43, vm10, $0xb8;
	[tilespmem:$0x18300] =	vst v63  }
0xbb: {  	vm11 =	vlt.s32 v4, v31;
	s22 =	simm.s32 $0xC980;
	v42 =	vperm.xlane v42, v18  }
0xbc: {  	v62 =	vsel vm11, $0x0, v26;
	vm11 =	vlt.s32 v4, v32;
	[hbm4b:s4+s3] =	stream.indirect_vreg.scatter [tilespmem:s22], [sflag:$0x5], $0x80, v43, vm10, $0xb8;
	[tilespmem:$0x18300] =	vst v63  }
0xbd: {  	v63 =	vsel vm11, $0x0, v27;
	vm11 =	vlt.s32 v4, v36;
	s31 =	simm.s32 $0xD180;
	v42 =	vadd.s32 v17, v42  }
0xbe: {  	v49 =	vsel vm11, $0x0, v28;
	vm11 =	vlt.s32 v4, v34;
	[hbm4b:s5+s3] =	stream.indirect_vreg.scatter [tilespmem:s31], [sflag:$0x5], $0x80, v43, vm10, $0xb8;
	[tilespmem:$0x18300] =	vst v63  }
0xbf: {  	v61 =	vadd.s32 s9, v4;
	v50 =	vsel vm11, $0x0, v30;
	vm11 =	vlt.s32 v4, v37;
	s2 =	simm.s32 $0xD980  }
0xc0: {  	v51 =	vsel vm11, $0x0, v33;
	vm11 =	vlt.s32 v4, v35;
	v44 =	vadd.s32 v62, v61;
	[hbm4b:s6+s3] =	stream.indirect_vreg.scatter [tilespmem:s2], [sflag:$0x5], $0x80, v43, vm10, $0xb8;
	[tilespmem:$0x18300] =	vst v63  }
0xc1: {  	v52 =	vsel vm11, $0x0, v29;
	vm11 =	vlt.s32 v4, v38;
	v48 =	vadd.s32 v63, v44;
	s7 =	simm.s32 $0xE180  }
0xc2: {  	v53 =	vsel vm11, $0x0, v40;
	vm11 =	vlt.s32 v4, v39;
	v43 =	vadd.s32 v49, v48;
	[hbm4b:s1+s3] =	stream.indirect_vreg.scatter [tilespmem:s7], [sflag:$0x5], $0x80, v42, vm10, $0xb8;
	[tilespmem:$0x18300] =	vst v63  }
0xc3: {  	v54 =	vsel vm11, $0x0, v41;
	s10 =	simm.s32 $0xE980;
	v43 =	vadd.s32 v50, v43  }
0xc4: {  	vm11 =	vlt.s32 v5, v31;
	v55 =	vadd.s32 s9, v5;
	v43 =	vadd.s32 v51, v43;
	[hbm4b:s4+s3] =	stream.indirect_vreg.scatter [tilespmem:s10], [sflag:$0x5], $0x80, v42, vm10, $0xb8;
	[tilespmem:$0x18300] =	vst v63  }
0xc5: {  	v56 =	vsel vm11, $0x0, v26;
	vm11 =	vlt.s32 v5, v32;
	s20 =	simm.s32 $0xF180;
	v43 =	vadd.s32 v52, v43  }
0xc6: {  	v57 =	vsel vm11, $0x0, v27;
	vm11 =	vlt.s32 v5, v36;
	v43 =	vadd.s32 v53, v43;
	[hbm4b:s5+s3] =	stream.indirect_vreg.scatter [tilespmem:s20], [sflag:$0x5], $0x80, v42, vm10, $0xb8;
	[tilespmem:$0x18300] =	vst v63  }
0xc7: {  	v60 =	vsel vm11, $0x0, v28;
	vm11 =	vlt.s32 v5, v34;
	s22 =	simm.s32 $0xF980;
	v58 =	vadd.s32 v54, v43;
	s20 =	simm.s32 $0x4  }
0xc8: {  	v45 =	vadd.s32 v56, v55;
	v63 =	vsel vm11, $0x0, v30;
	v61 =	vshll.u32 v58, $0x3;
	[hbm4b:s6+s3] =	stream.indirect_vreg.scatter [tilespmem:s22], [sflag:$0x5], $0x80, v42, vm10, $0xb8;
	[tilespmem:$0x18300] =	vst v63  }
0xc9: {  	vm11 =	vlt.s32 v5, v37;
	v62 =	vand.u32 $0x7, v58;
	v44 =	vand.u32 $0xFFFFFFC0, v61;
	_ =	swait.ge [sflag:s20], $0x8000  }
0xca: {  	v59 =	vadd.s32 v57, v45;
	v48 =	vsel vm11, $0x0, v33;
	s2 =	simm.s32 $0x3;
	v44 =	vor.u32 v62, v44;
	[sflag:s20] =	ssyncset.done $0x0  }
0xcb: {  	vm11 =	vlt.s32 v5, v35;
	s10 =	simm.s32 $0x180;
	v43 =	vadd.s32 v60, v59;
	v49 =	vperm.xlane v44, v16;
	s31 =	rddreg [dreg:$0xc];
	[sflag:s20] =	ssyncadd.s32 $0xFFFF8000  }
0xcc: {  	v50 =	vsel vm11, $0x0, v29;
	v43 =	vadd.s32 v63, v43;
	[tilespmem:s10], [sflag:$0x1] =	stream.linear.gather [hbm4b:s31+s3], $0x8000, $0x38;
	[tilespmem:$0x18300] =	vst v63  }
0xcd: {  	vm11 =	vlt.s32 v5, v38;
	v43 =	vadd.s32 v48, v43;
	v46 =	vadd.s32 v17, v49;
	_ =	swait.ge [sflag:s2], $0x8000  }
0xce: {  	v51 =	vsel vm11, $0x0, v40;
	vm11 =	vlt.s32 v5, v39;
	v43 =	vadd.s32 v50, v43;
	[sflag:s2] =	ssyncset.done $0x0  }
0xcf: {  	v52 =	vsel vm11, $0x0, v41;
	v43 =	vadd.s32 v51, v43;
	[sflag:s2] =	ssyncadd.s32 $0xFFFF8000  }
0xd0: {  	v53 =	vadd.s32 v52, v43;
	[tilespmem:$0x18280] =	vst v58  }
0xd1: {  	s8 =	simm.s32 $0x10180;
	[tilespmem:$0x18290] =	vst v53  }
0xd2: {  	[hbm4b:s1+s3] =	stream.indirect_vreg.scatter [tilespmem:s8], [sflag:$0x6], $0x80, v46, vm10, $0xb8;
	[tilespmem:$0x18300] =	vst v63  }
0xd3: {  	s0 =	simm.s32 $0x10980;
	v54 =	vperm.xlane v44, v18  }
0xd4: {  	[hbm4b:s4+s3] =	stream.indirect_vreg.scatter [tilespmem:s0], [sflag:$0x6], $0x80, v46, vm10, $0xb8;
	[tilespmem:$0x18300] =	vst v63  }
0xd5: {  	v42 =	vadd.s32 v17, v54;
	s8 =	simm.s32 $0x11180  }
0xd6: {  	[hbm4b:s5+s3] =	stream.indirect_vreg.scatter [tilespmem:s8], [sflag:$0x6], $0x80, v46, vm10, $0xb8;
	[tilespmem:$0x18300] =	vst v63  }
0xd7: {  	s31 =	simm.s32 $0x11980  }
0xd8: {  	[hbm4b:s6+s3] =	stream.indirect_vreg.scatter [tilespmem:s31], [sflag:$0x6], $0x80, v46, vm10, $0xb8;
	[tilespmem:$0x18300] =	vst v63  }
0xd9: {  	s0 =	simm.s32 $0x12180  }
0xda: {  	[hbm4b:s1+s3] =	stream.indirect_vreg.scatter [tilespmem:s0], [sflag:$0x6], $0x80, v42, vm10, $0xb8;
	[tilespmem:$0x18300] =	vst v63  }
0xdb: {  	s8 =	simm.s32 $0x12980  }
0xdc: {  	[hbm4b:s4+s3] =	stream.indirect_vreg.scatter [tilespmem:s8], [sflag:$0x6], $0x80, v42, vm10, $0xb8;
	[tilespmem:$0x18300] =	vst v63  }
0xdd: {  	s31 =	simm.s32 $0x13180  }
0xde: {  	[hbm4b:s5+s3] =	stream.indirect_vreg.scatter [tilespmem:s31], [sflag:$0x6], $0x80, v42, vm10, $0xb8;
	[tilespmem:$0x18300] =	vst v63  }
0xdf: {  	s0 =	simm.s32 $0x13980  }
0xe0: {  	[hbm4b:s6+s3] =	stream.indirect_vreg.scatter [tilespmem:s0], [sflag:$0x6], $0x80, v42, vm10, $0xb8;
	[tilespmem:$0x18300] =	vst v63  }
0xe1: {  	v42 =	vld [tilespmem:$0x18290];
	_ =	sdelay $0x4  }
0xe2: {  	v55 =	vshll.u32 v42, $0x3  }
0xe3: {  	v42 =	vand.u32 $0x7, v42;
	v43 =	vand.u32 $0xFFFFFFC0, v55  }
0xe4: {  	v42 =	vor.u32 v42, v43  }
0xe5: {  	v43 =	vperm.xlane v42, v16;
	_ =	sdelay $0x1  }
0xe6: {  	v43 =	vadd.s32 v17, v43;
	_ =	sdelay $0x3  }
0xe7: {  	s8 =	simm.s32 $0x14180  }
0xe8: {  	[hbm4b:s1+s3] =	stream.indirect_vreg.scatter [tilespmem:s8], [sflag:$0x6], $0x80, v43, vm10, $0xb8;
	[tilespmem:$0x18300] =	vst v63  }
0xe9: {  	s31 =	simm.s32 $0x14980;
	v42 =	vperm.xlane v42, v18  }
0xea: {  	[hbm4b:s4+s3] =	stream.indirect_vreg.scatter [tilespmem:s31], [sflag:$0x6], $0x80, v43, vm10, $0xb8;
	[tilespmem:$0x18300] =	vst v63  }
0xeb: {  	vm11 =	vlt.s32 v6, v31;
	s0 =	simm.s32 $0x15180;
	v42 =	vadd.s32 v17, v42  }
0xec: {  	v57 =	vsel vm11, $0x0, v26;
	vm11 =	vlt.s32 v6, v32;
	[hbm4b:s5+s3] =	stream.indirect_vreg.scatter [tilespmem:s0], [sflag:$0x6], $0x80, v43, vm10, $0xb8;
	[tilespmem:$0x18300] =	vst v63  }
0xed: {  	v56 =	vadd.s32 s9, v6;
	v58 =	vsel vm11, $0x0, v27;
	vm11 =	vlt.s32 v6, v36;
	s8 =	simm.s32 $0x15980  }
0xee: {  	v50 =	vadd.s32 s9, v7;
	v60 =	vsel vm11, $0x0, v28;
	vm11 =	vlt.s32 v6, v34;
	[hbm4b:s6+s3] =	stream.indirect_vreg.scatter [tilespmem:s8], [sflag:$0x6], $0x80, v43, vm10, $0xb8;
	[tilespmem:$0x18300] =	vst v63  }
0xef: {  	v44 =	vadd.s32 v57, v56;
	v61 =	vsel vm11, $0x0, v30;
	vm11 =	vlt.s32 v6, v37;
	s31 =	simm.s32 $0x16180  }
0xf0: {  	v59 =	vadd.s32 v58, v44;
	v62 =	vsel vm11, $0x0, v33;
	vm11 =	vlt.s32 v6, v35;
	[hbm4b:s1+s3] =	stream.indirect_vreg.scatter [tilespmem:s31], [sflag:$0x6], $0x80, v42, vm10, $0xb8;
	[tilespmem:$0x18300] =	vst v63  }
0xf1: {  	v63 =	vsel vm11, $0x0, v29;
	vm11 =	vlt.s32 v6, v38;
	s0 =	simm.s32 $0x16980;
	v43 =	vadd.s32 v60, v59  }
0xf2: {  	v48 =	vsel vm11, $0x0, v40;
	vm11 =	vlt.s32 v6, v39;
	v43 =	vadd.s32 v61, v43;
	[hbm4b:s4+s3] =	stream.indirect_vreg.scatter [tilespmem:s0], [sflag:$0x6], $0x80, v42, vm10, $0xb8;
	[tilespmem:$0x18300] =	vst v63  }
0xf3: {  	v49 =	vsel vm11, $0x0, v41;
	vm11 =	vlt.s32 v7, v31;
	s8 =	simm.s32 $0x17180;
	v43 =	vadd.s32 v62, v43  }
0xf4: {  	v51 =	vsel vm11, $0x0, v26;
	vm11 =	vlt.s32 v7, v32;
	v43 =	vadd.s32 v63, v43;
	[hbm4b:s5+s3] =	stream.indirect_vreg.scatter [tilespmem:s8], [sflag:$0x6], $0x80, v42, vm10, $0xb8;
	[tilespmem:$0x18300] =	vst v63  }
0xf5: {  	v52 =	vsel vm11, $0x0, v27;
	vm11 =	vlt.s32 v7, v36;
	s31 =	simm.s32 $0x17980;
	v43 =	vadd.s32 v48, v43  }
0xf6: {  	v55 =	vsel vm11, $0x0, v28;
	vm11 =	vlt.s32 v7, v34;
	v53 =	vadd.s32 v49, v43;
	[hbm4b:s6+s3] =	stream.indirect_vreg.scatter [tilespmem:s31], [sflag:$0x6], $0x80, v42, vm10, $0xb8;
	[tilespmem:$0x18300] =	vst v63  }
0xf7: {  	v45 =	vadd.s32 v51, v50;
	v58 =	vsel vm11, $0x0, v30;
	v56 =	vshll.u32 v53, $0x3;
	s31 =	simm.s32 $0x5  }
0xf8: {  	vm11 =	vlt.s32 v7, v37;
	v57 =	vand.u32 $0x7, v53;
	v44 =	vand.u32 $0xFFFFFFC0, v56;
	_ =	swait.ge [sflag:s31], $0x8000  }
0xf9: {  	v54 =	vadd.s32 v52, v45;
	v59 =	vsel vm11, $0x0, v33;
	v44 =	vor.u32 v57, v44;
	[sflag:s31] =	ssyncset.done $0x0  }
0xfa: {  	vm11 =	vlt.s32 v7, v35;
	v43 =	vadd.s32 v55, v54;
	s8 =	simm.s32 $0x8180;
	v60 =	vperm.xlane v44, v16;
	s0 =	rddreg [dreg:$0xd];
	[sflag:s31] =	ssyncadd.s32 $0xFFFF8000  }
0xfb: {  	v61 =	vsel vm11, $0x0, v29;
	v43 =	vadd.s32 v58, v43;
	[tilespmem:s8], [sflag:$0x2] =	stream.linear.gather [hbm4b:s0+s3], $0x8000, $0x38;
	[tilespmem:$0x18300] =	vst v63  }
0xfc: {  	vm11 =	vlt.s32 v7, v38;
	v43 =	vadd.s32 v59, v43;
	v46 =	vadd.s32 v17, v60;
	_ =	swait.ge [sflag:s14], $0x8000  }
0xfd: {  	v62 =	vsel vm11, $0x0, v40;
	vm11 =	vlt.s32 v7, v39;
	v43 =	vadd.s32 v61, v43;
	[sflag:s14] =	ssyncset.done $0x0  }
0xfe: {  	v63 =	vsel vm11, $0x0, v41;
	v43 =	vadd.s32 v62, v43;
	[sflag:s14] =	ssyncadd.s32 $0xFFFF8000  }
0xff: {  	v47 =	vadd.s32 v63, v43;
	[tilespmem:$0x18180] =	vst v53  }
0x100: {  	[tilespmem:$0x18190] =	vst v47  }
0x101: {  	[hbm4b:s1+s3] =	stream.indirect_vreg.scatter [tilespmem:s10], [sflag:$0x4], $0x80, v46, vm10, $0xb8;
	[tilespmem:$0x18300] =	vst v63  }
0x102: {  	s28 =	simm.s32 $0x980;
	v48 =	vperm.xlane v44, v18  }
0x103: {  	[hbm4b:s4+s3] =	stream.indirect_vreg.scatter [tilespmem:s28], [sflag:$0x4], $0x80, v46, vm10, $0xb8;
	[tilespmem:$0x18300] =	vst v63  }
0x104: {  	v42 =	vadd.s32 v17, v48;
	s0 =	simm.s32 $0x1180  }
0x105: {  	[hbm4b:s5+s3] =	stream.indirect_vreg.scatter [tilespmem:s0], [sflag:$0x4], $0x80, v46, vm10, $0xb8;
	[tilespmem:$0x18300] =	vst v63  }
0x106: {  	s28 =	simm.s32 $0x1980  }
0x107: {  	[hbm4b:s6+s3] =	stream.indirect_vreg.scatter [tilespmem:s28], [sflag:$0x4], $0x80, v46, vm10, $0xb8;
	[tilespmem:$0x18300] =	vst v63  }
0x108: {  	s0 =	simm.s32 $0x2180  }
0x109: {  	[hbm4b:s1+s3] =	stream.indirect_vreg.scatter [tilespmem:s0], [sflag:$0x4], $0x80, v42, vm10, $0xb8;
	[tilespmem:$0x18300] =	vst v63  }
0x10a: {  	s28 =	simm.s32 $0x2980  }
0x10b: {  	[hbm4b:s4+s3] =	stream.indirect_vreg.scatter [tilespmem:s28], [sflag:$0x4], $0x80, v42, vm10, $0xb8;
	[tilespmem:$0x18300] =	vst v63  }
0x10c: {  	s0 =	simm.s32 $0x3180  }
0x10d: {  	[hbm4b:s5+s3] =	stream.indirect_vreg.scatter [tilespmem:s0], [sflag:$0x4], $0x80, v42, vm10, $0xb8;
	[tilespmem:$0x18300] =	vst v63  }
0x10e: {  	s24 =	simm.s32 $0x3980  }
0x10f: {  	[hbm4b:s6+s3] =	stream.indirect_vreg.scatter [tilespmem:s24], [sflag:$0x4], $0x80, v42, vm10, $0xb8;
	[tilespmem:$0x18300] =	vst v63  }
0x110: {  	v42 =	vld [tilespmem:$0x18190];
	_ =	sdelay $0x4  }
0x111: {  	v49 =	vshll.u32 v42, $0x3  }
0x112: {  	v42 =	vand.u32 $0x7, v42;
	v43 =	vand.u32 $0xFFFFFFC0, v49  }
0x113: {  	v42 =	vor.u32 v42, v43  }
0x114: {  	v43 =	vperm.xlane v42, v16;
	_ =	sdelay $0x1  }
0x115: {  	v43 =	vadd.s32 v17, v43;
	_ =	sdelay $0x3  }
0x116: {  	s18 =	simm.s32 $0x4180  }
0x117: {  	[hbm4b:s1+s3] =	stream.indirect_vreg.scatter [tilespmem:s18], [sflag:$0x4], $0x80, v43, vm10, $0xb8;
	[tilespmem:$0x18300] =	vst v63  }
0x118: {  	s17 =	simm.s32 $0x4980;
	vm11 =	vlt.s32 v8, v31;
	v42 =	vperm.xlane v42, v18  }
0x119: {  	v51 =	vsel vm11, $0x0, v26;
	vm11 =	vlt.s32 v8, v32;
	[hbm4b:s4+s3] =	stream.indirect_vreg.scatter [tilespmem:s17], [sflag:$0x4], $0x80, v43, vm10, $0xb8;
	[tilespmem:$0x18300] =	vst v63  }
0x11a: {  	s11 =	simm.s32 $0x5180;
	v52 =	vsel vm11, $0x0, v27;
	vm11 =	vlt.s32 v8, v36;
	v42 =	vadd.s32 v17, v42  }
0x11b: {  	v54 =	vsel vm11, $0x0, v28;
	vm11 =	vlt.s32 v8, v34;
	[hbm4b:s5+s3] =	stream.indirect_vreg.scatter [tilespmem:s11], [sflag:$0x4], $0x80, v43, vm10, $0xb8;
	[tilespmem:$0x18300] =	vst v63  }
0x11c: {  	s13 =	simm.s32 $0x5980;
	v50 =	vadd.s32 s9, v8;
	v55 =	vsel vm11, $0x0, v30;
	vm11 =	vlt.s32 v8, v37  }
0x11d: {  	v56 =	vsel vm11, $0x0, v33;
	vm11 =	vlt.s32 v8, v35;
	v44 =	vadd.s32 v51, v50;
	[hbm4b:s6+s3] =	stream.indirect_vreg.scatter [tilespmem:s13], [sflag:$0x4], $0x80, v43, vm10, $0xb8;
	[tilespmem:$0x18300] =	vst v63  }
0x11e: {  	s12 =	simm.s32 $0x6180;
	v57 =	vsel vm11, $0x0, v29;
	vm11 =	vlt.s32 v8, v38;
	v53 =	vadd.s32 v52, v44  }
0x11f: {  	v58 =	vsel vm11, $0x0, v40;
	vm11 =	vlt.s32 v8, v39;
	v43 =	vadd.s32 v54, v53;
	[hbm4b:s1+s3] =	stream.indirect_vreg.scatter [tilespmem:s12], [sflag:$0x4], $0x80, v42, vm10, $0xb8;
	[tilespmem:$0x18300] =	vst v63  }
0x120: {  	s15 =	simm.s32 $0x6980;
	v59 =	vsel vm11, $0x0, v41;
	v43 =	vadd.s32 v55, v43  }
0x121: {  	vm11 =	vlt.s32 v9, v31;
	v60 =	vadd.s32 s9, v9;
	v43 =	vadd.s32 v56, v43;
	[hbm4b:s4+s3] =	stream.indirect_vreg.scatter [tilespmem:s15], [sflag:$0x4], $0x80, v42, vm10, $0xb8;
	[tilespmem:$0x18300] =	vst v63  }
0x122: {  	s19 =	simm.s32 $0x7180;
	v61 =	vsel vm11, $0x0, v26;
	vm11 =	vlt.s32 v9, v32;
	v43 =	vadd.s32 v57, v43  }
0x123: {  	v62 =	vsel vm11, $0x0, v27;
	vm11 =	vlt.s32 v9, v36;
	v43 =	vadd.s32 v58, v43;
	[hbm4b:s5+s3] =	stream.indirect_vreg.scatter [tilespmem:s19], [sflag:$0x4], $0x80, v42, vm10, $0xb8;
	[tilespmem:$0x18300] =	vst v63  }
0x124: {  	s16 =	simm.s32 $0x7980;
	v49 =	vsel vm11, $0x0, v28;
	vm11 =	vlt.s32 v9, v34;
	s11 =	simm.s32 $0x6;
	v63 =	vadd.s32 v59, v43  }
0x125: {  	v45 =	vadd.s32 v61, v60;
	v52 =	vsel vm11, $0x0, v30;
	v50 =	vshll.u32 v63, $0x3;
	[hbm4b:s6+s3] =	stream.indirect_vreg.scatter [tilespmem:s16], [sflag:$0x4], $0x80, v42, vm10, $0xb8;
	[tilespmem:$0x18300] =	vst v63  }
0x126: {  	vm11 =	vlt.s32 v9, v37;
	v51 =	vand.u32 $0x7, v63;
	v44 =	vand.u32 $0xFFFFFFC0, v50;
	_ =	swait.ge [sflag:s11], $0x8000  }
0x127: {  	v48 =	vadd.s32 v62, v45;
	v53 =	vsel vm11, $0x0, v33;
	v44 =	vor.u32 v51, v44;
	[sflag:s11] =	ssyncset.done $0x0  }
0x128: {  	s22 =	simm.s32 $0x10180;
	vm11 =	vlt.s32 v9, v35;
	v43 =	vadd.s32 v49, v48;
	v54 =	vperm.xlane v44, v16;
	s18 =	rddreg [dreg:$0xe];
	[sflag:s11] =	ssyncadd.s32 $0xFFFF8000  }
0x129: {  	v55 =	vsel vm11, $0x0, v29;
	v43 =	vadd.s32 v52, v43;
	[tilespmem:s22], [sflag:$0x3] =	stream.linear.gather [hbm4b:s18+s3], $0x8000, $0x38;
	[tilespmem:$0x18300] =	vst v63  }
0x12a: {  	vm11 =	vlt.s32 v9, v38;
	v43 =	vadd.s32 v53, v43;
	v46 =	vadd.s32 v17, v54;
	_ =	swait.ge [sflag:s30], $0x8000  }
0x12b: {  	v56 =	vsel vm11, $0x0, v40;
	vm11 =	vlt.s32 v9, v39;
	v43 =	vadd.s32 v55, v43;
	[sflag:s30] =	ssyncset.done $0x0  }
0x12c: {  	v57 =	vsel vm11, $0x0, v41;
	v43 =	vadd.s32 v56, v43;
	[sflag:s30] =	ssyncadd.s32 $0xFFFF8000  }
0x12d: {  	v58 =	vadd.s32 v57, v43;
	[tilespmem:$0x18200] =	vst v63  }
0x12e: {  	[tilespmem:$0x18210] =	vst v58  }
0x12f: {  	[hbm4b:s1+s3] =	stream.indirect_vreg.scatter [tilespmem:s8], [sflag:$0x5], $0x80, v46, vm10, $0xb8;
	[tilespmem:$0x18300] =	vst v63  }
0x130: {  	s19 =	simm.s32 $0x8980;
	v59 =	vperm.xlane v44, v18  }
0x131: {  	[hbm4b:s4+s3] =	stream.indirect_vreg.scatter [tilespmem:s19], [sflag:$0x5], $0x80, v46, vm10, $0xb8;
	[tilespmem:$0x18300] =	vst v63  }
0x132: {  	v42 =	vadd.s32 v17, v59;
	s18 =	simm.s32 $0x9180  }
0x133: {  	[hbm4b:s5+s3] =	stream.indirect_vreg.scatter [tilespmem:s18], [sflag:$0x5], $0x80, v46, vm10, $0xb8;
	[tilespmem:$0x18300] =	vst v63  }
0x134: {  	s19 =	simm.s32 $0x9980  }
0x135: {  	[hbm4b:s6+s3] =	stream.indirect_vreg.scatter [tilespmem:s19], [sflag:$0x5], $0x80, v46, vm10, $0xb8;
	[tilespmem:$0x18300] =	vst v63  }
0x136: {  	s15 =	simm.s32 $0xA180  }
0x137: {  	[hbm4b:s1+s3] =	stream.indirect_vreg.scatter [tilespmem:s15], [sflag:$0x5], $0x80, v42, vm10, $0xb8;
	[tilespmem:$0x18300] =	vst v63  }
0x138: {  	s16 =	simm.s32 $0xA980  }
0x139: {  	[hbm4b:s4+s3] =	stream.indirect_vreg.scatter [tilespmem:s16], [sflag:$0x5], $0x80, v42, vm10, $0xb8;
	[tilespmem:$0x18300] =	vst v63  }
0x13a: {  	s12 =	simm.s32 $0xB180  }
0x13b: {  	[hbm4b:s5+s3] =	stream.indirect_vreg.scatter [tilespmem:s12], [sflag:$0x5], $0x80, v42, vm10, $0xb8;
	[tilespmem:$0x18300] =	vst v63  }
0x13c: {  	s13 =	simm.s32 $0xB980  }
0x13d: {  	[hbm4b:s6+s3] =	stream.indirect_vreg.scatter [tilespmem:s13], [sflag:$0x5], $0x80, v42, vm10, $0xb8;
	[tilespmem:$0x18300] =	vst v63  }
0x13e: {  	v42 =	vld [tilespmem:$0x18210];
	_ =	sdelay $0x4  }
0x13f: {  	v60 =	vshll.u32 v42, $0x3  }
0x140: {  	v42 =	vand.u32 $0x7, v42;
	v43 =	vand.u32 $0xFFFFFFC0, v60  }
0x141: {  	v42 =	vor.u32 v42, v43  }
0x142: {  	v43 =	vperm.xlane v42, v16;
	_ =	sdelay $0x1  }
0x143: {  	v43 =	vadd.s32 v17, v43;
	_ =	sdelay $0x3  }
0x144: {  	s17 =	simm.s32 $0xC180  }
0x145: {  	[hbm4b:s1+s3] =	stream.indirect_vreg.scatter [tilespmem:s17], [sflag:$0x5], $0x80, v43, vm10, $0xb8;
	[tilespmem:$0x18300] =	vst v63  }
0x146: {  	s7 =	simm.s32 $0xC980;
	v42 =	vperm.xlane v42, v18  }
0x147: {  	vm11 =	vlt.s32 v10, v31;
	[hbm4b:s4+s3] =	stream.indirect_vreg.scatter [tilespmem:s7], [sflag:$0x5], $0x80, v43, vm10, $0xb8;
	[tilespmem:$0x18300] =	vst v63  }
0x148: {  	v62 =	vsel vm11, $0x0, v26;
	vm11 =	vlt.s32 v10, v32;
	v42 =	vadd.s32 v17, v42;
	s7 =	simm.s32 $0xD180  }
0x149: {  	v61 =	vadd.s32 s9, v10;
	v63 =	vsel vm11, $0x0, v27;
	vm11 =	vlt.s32 v10, v36;
	[hbm4b:s5+s3] =	stream.indirect_vreg.scatter [tilespmem:s7], [sflag:$0x5], $0x80, v43, vm10, $0xb8;
	[tilespmem:$0x18300] =	vst v63  }
0x14a: {  	v55 =	vadd.s32 s9, v11;
	v49 =	vsel vm11, $0x0, v28;
	vm11 =	vlt.s32 v10, v34;
	s7 =	simm.s32 $0xD980  }
0x14b: {  	v44 =	vadd.s32 v62, v61;
	v50 =	vsel vm11, $0x0, v30;
	vm11 =	vlt.s32 v10, v37;
	[hbm4b:s6+s3] =	stream.indirect_vreg.scatter [tilespmem:s7], [sflag:$0x5], $0x80, v43, vm10, $0xb8;
	[tilespmem:$0x18300] =	vst v63  }
0x14c: {  	v48 =	vadd.s32 v63, v44;
	v51 =	vsel vm11, $0x0, v33;
	vm11 =	vlt.s32 v10, v35;
	s7 =	simm.s32 $0xE180  }
0x14d: {  	v52 =	vsel vm11, $0x0, v29;
	vm11 =	vlt.s32 v10, v38;
	v43 =	vadd.s32 v49, v48;
	[hbm4b:s1+s3] =	stream.indirect_vreg.scatter [tilespmem:s7], [sflag:$0x5], $0x80, v42, vm10, $0xb8;
	[tilespmem:$0x18300] =	vst v63  }
0x14e: {  	v53 =	vsel vm11, $0x0, v40;
	vm11 =	vlt.s32 v10, v39;
	v43 =	vadd.s32 v50, v43;
	s7 =	simm.s32 $0xE980  }
0x14f: {  	v54 =	vsel vm11, $0x0, v41;
	vm11 =	vlt.s32 v11, v31;
	v43 =	vadd.s32 v51, v43;
	[hbm4b:s4+s3] =	stream.indirect_vreg.scatter [tilespmem:s7], [sflag:$0x5], $0x80, v42, vm10, $0xb8;
	[tilespmem:$0x18300] =	vst v63  }
0x150: {  	v56 =	vsel vm11, $0x0, v26;
	vm11 =	vlt.s32 v11, v32;
	v43 =	vadd.s32 v52, v43;
	s7 =	simm.s32 $0xF180  }
0x151: {  	v57 =	vsel vm11, $0x0, v27;
	vm11 =	vlt.s32 v11, v36;
	v43 =	vadd.s32 v53, v43;
	[hbm4b:s5+s3] =	stream.indirect_vreg.scatter [tilespmem:s7], [sflag:$0x5], $0x80, v42, vm10, $0xb8;
	[tilespmem:$0x18300] =	vst v63  }
0x152: {  	v60 =	vsel vm11, $0x0, v28;
	vm11 =	vlt.s32 v11, v34;
	v58 =	vadd.s32 v54, v43;
	s7 =	simm.s32 $0xF980  }
0x153: {  	v45 =	vadd.s32 v56, v55;
	v63 =	vsel vm11, $0x0, v30;
	v61 =	vshll.u32 v58, $0x3;
	[hbm4b:s6+s3] =	stream.indirect_vreg.scatter [tilespmem:s7], [sflag:$0x5], $0x80, v42, vm10, $0xb8;
	[tilespmem:$0x18300] =	vst v63  }
0x154: {  	vm11 =	vlt.s32 v11, v37;
	v62 =	vand.u32 $0x7, v58;
	v44 =	vand.u32 $0xFFFFFFC0, v61;
	_ =	swait.ge [sflag:s20], $0x8000  }
0x155: {  	v59 =	vadd.s32 v57, v45;
	v48 =	vsel vm11, $0x0, v33;
	v44 =	vor.u32 v62, v44;
	[sflag:s20] =	ssyncset.done $0x0  }
0x156: {  	s10 =	simm.s32 $0x180;
	vm11 =	vlt.s32 v11, v35;
	v43 =	vadd.s32 v60, v59;
	v49 =	vperm.xlane v44, v16;
	s7 =	rddreg [dreg:$0xf];
	[sflag:s20] =	ssyncadd.s32 $0xFFFF8000  }
0x157: {  	v50 =	vsel vm11, $0x0, v29;
	v43 =	vadd.s32 v63, v43;
	[tilespmem:s10], [sflag:$0x1] =	stream.linear.gather [hbm4b:s7+s3], $0x8000, $0x38;
	[tilespmem:$0x18300] =	vst v63  }
0x158: {  	vm11 =	vlt.s32 v11, v38;
	v43 =	vadd.s32 v48, v43;
	v46 =	vadd.s32 v17, v49;
	_ =	swait.ge [sflag:s2], $0x8000  }
0x159: {  	v51 =	vsel vm11, $0x0, v40;
	vm11 =	vlt.s32 v11, v39;
	v43 =	vadd.s32 v50, v43;
	[sflag:s2] =	ssyncset.done $0x0  }
0x15a: {  	v52 =	vsel vm11, $0x0, v41;
	v43 =	vadd.s32 v51, v43;
	[sflag:s2] =	ssyncadd.s32 $0xFFFF8000  }
0x15b: {  	v53 =	vadd.s32 v52, v43;
	[tilespmem:$0x18280] =	vst v58  }
0x15c: {  	[tilespmem:$0x18290] =	vst v53  }
0x15d: {  	[hbm4b:s1+s3] =	stream.indirect_vreg.scatter [tilespmem:s22], [sflag:$0x6], $0x80, v46, vm10, $0xb8;
	[tilespmem:$0x18300] =	vst v63  }
0x15e: {  	v54 =	vperm.xlane v44, v18;
	s7 =	simm.s32 $0x10980  }
0x15f: {  	[hbm4b:s4+s3] =	stream.indirect_vreg.scatter [tilespmem:s7], [sflag:$0x6], $0x80, v46, vm10, $0xb8;
	[tilespmem:$0x18300] =	vst v63  }
0x160: {  	v42 =	vadd.s32 v17, v54;
	s7 =	simm.s32 $0x11180  }
0x161: {  	[hbm4b:s5+s3] =	stream.indirect_vreg.scatter [tilespmem:s7], [sflag:$0x6], $0x80, v46, vm10, $0xb8;
	[tilespmem:$0x18300] =	vst v63  }
0x162: {  	s7 =	simm.s32 $0x11980  }
0x163: {  	[hbm4b:s6+s3] =	stream.indirect_vreg.scatter [tilespmem:s7], [sflag:$0x6], $0x80, v46, vm10, $0xb8;
	[tilespmem:$0x18300] =	vst v63  }
0x164: {  	s7 =	simm.s32 $0x12180  }
0x165: {  	[hbm4b:s1+s3] =	stream.indirect_vreg.scatter [tilespmem:s7], [sflag:$0x6], $0x80, v42, vm10, $0xb8;
	[tilespmem:$0x18300] =	vst v63  }
0x166: {  	s7 =	simm.s32 $0x12980  }
0x167: {  	[hbm4b:s4+s3] =	stream.indirect_vreg.scatter [tilespmem:s7], [sflag:$0x6], $0x80, v42, vm10, $0xb8;
	[tilespmem:$0x18300] =	vst v63  }
0x168: {  	s7 =	simm.s32 $0x13180  }
0x169: {  	[hbm4b:s5+s3] =	stream.indirect_vreg.scatter [tilespmem:s7], [sflag:$0x6], $0x80, v42, vm10, $0xb8;
	[tilespmem:$0x18300] =	vst v63  }
0x16a: {  	s7 =	simm.s32 $0x13980  }
0x16b: {  	[hbm4b:s6+s3] =	stream.indirect_vreg.scatter [tilespmem:s7], [sflag:$0x6], $0x80, v42, vm10, $0xb8;
	[tilespmem:$0x18300] =	vst v63  }
0x16c: {  	v42 =	vld [tilespmem:$0x18290];
	_ =	sdelay $0x4  }
0x16d: {  	v55 =	vshll.u32 v42, $0x3  }
0x16e: {  	v42 =	vand.u32 $0x7, v42;
	v43 =	vand.u32 $0xFFFFFFC0, v55  }
0x16f: {  	v42 =	vor.u32 v42, v43  }
0x170: {  	v43 =	vperm.xlane v42, v16;
	_ =	sdelay $0x1  }
0x171: {  	v43 =	vadd.s32 v17, v43;
	_ =	sdelay $0x3  }
0x172: {  	s7 =	simm.s32 $0x14180  }
0x173: {  	[hbm4b:s1+s3] =	stream.indirect_vreg.scatter [tilespmem:s7], [sflag:$0x6], $0x80, v43, vm10, $0xb8;
	[tilespmem:$0x18300] =	vst v63  }
0x174: {  	v42 =	vperm.xlane v42, v18;
	s7 =	simm.s32 $0x14980  }
0x175: {  	vm11 =	vlt.s32 v12, v31;
	[hbm4b:s4+s3] =	stream.indirect_vreg.scatter [tilespmem:s7], [sflag:$0x6], $0x80, v43, vm10, $0xb8;
	[tilespmem:$0x18300] =	vst v63  }
0x176: {  	v57 =	vsel vm11, $0x0, v26;
	vm11 =	vlt.s32 v12, v32;
	v42 =	vadd.s32 v17, v42;
	s7 =	simm.s32 $0x15180  }
0x177: {  	v56 =	vadd.s32 s9, v12;
	v58 =	vsel vm11, $0x0, v27;
	vm11 =	vlt.s32 v12, v36;
	[hbm4b:s5+s3] =	stream.indirect_vreg.scatter [tilespmem:s7], [sflag:$0x6], $0x80, v43, vm10, $0xb8;
	[tilespmem:$0x18300] =	vst v63  }
0x178: {  	v50 =	vadd.s32 s9, v13;
	v60 =	vsel vm11, $0x0, v28;
	vm11 =	vlt.s32 v12, v34;
	s7 =	simm.s32 $0x15980  }
0x179: {  	v44 =	vadd.s32 v57, v56;
	v61 =	vsel vm11, $0x0, v30;
	vm11 =	vlt.s32 v12, v37;
	[hbm4b:s6+s3] =	stream.indirect_vreg.scatter [tilespmem:s7], [sflag:$0x6], $0x80, v43, vm10, $0xb8;
	[tilespmem:$0x18300] =	vst v63  }
0x17a: {  	v59 =	vadd.s32 v58, v44;
	v62 =	vsel vm11, $0x0, v33;
	vm11 =	vlt.s32 v12, v35;
	s7 =	simm.s32 $0x16180  }
0x17b: {  	v63 =	vsel vm11, $0x0, v29;
	vm11 =	vlt.s32 v12, v38;
	v43 =	vadd.s32 v60, v59;
	[hbm4b:s1+s3] =	stream.indirect_vreg.scatter [tilespmem:s7], [sflag:$0x6], $0x80, v42, vm10, $0xb8;
	[tilespmem:$0x18300] =	vst v63  }
0x17c: {  	v48 =	vsel vm11, $0x0, v40;
	vm11 =	vlt.s32 v12, v39;
	v43 =	vadd.s32 v61, v43;
	s7 =	simm.s32 $0x16980  }
0x17d: {  	v49 =	vsel vm11, $0x0, v41;
	vm11 =	vlt.s32 v13, v31;
	v43 =	vadd.s32 v62, v43;
	[hbm4b:s4+s3] =	stream.indirect_vreg.scatter [tilespmem:s7], [sflag:$0x6], $0x80, v42, vm10, $0xb8;
	[tilespmem:$0x18300] =	vst v63  }
0x17e: {  	v51 =	vsel vm11, $0x0, v26;
	vm11 =	vlt.s32 v13, v32;
	v43 =	vadd.s32 v63, v43;
	s7 =	simm.s32 $0x17180  }
0x17f: {  	v52 =	vsel vm11, $0x0, v27;
	vm11 =	vlt.s32 v13, v36;
	v43 =	vadd.s32 v48, v43;
	[hbm4b:s5+s3] =	stream.indirect_vreg.scatter [tilespmem:s7], [sflag:$0x6], $0x80, v42, vm10, $0xb8;
	[tilespmem:$0x18300] =	vst v63  }
0x180: {  	v55 =	vsel vm11, $0x0, v28;
	vm11 =	vlt.s32 v13, v34;
	v53 =	vadd.s32 v49, v43;
	s7 =	simm.s32 $0x17980  }
0x181: {  	v45 =	vadd.s32 v51, v50;
	v58 =	vsel vm11, $0x0, v30;
	v56 =	vshll.u32 v53, $0x3;
	[hbm4b:s6+s3] =	stream.indirect_vreg.scatter [tilespmem:s7], [sflag:$0x6], $0x80, v42, vm10, $0xb8;
	[tilespmem:$0x18300] =	vst v63  }
0x182: {  	vm11 =	vlt.s32 v13, v37;
	v57 =	vand.u32 $0x7, v53;
	v44 =	vand.u32 $0xFFFFFFC0, v56;
	_ =	swait.ge [sflag:s31], $0x8000  }
0x183: {  	v54 =	vadd.s32 v52, v45;
	v59 =	vsel vm11, $0x0, v33;
	v44 =	vor.u32 v57, v44;
	[sflag:s31] =	ssyncset.done $0x0  }
0x184: {  	s8 =	simm.s32 $0x8180;
	vm11 =	vlt.s32 v13, v35;
	v43 =	vadd.s32 v55, v54;
	v60 =	vperm.xlane v44, v16;
	s7 =	rddreg [dreg:$0x10];
	[sflag:s31] =	ssyncadd.s32 $0xFFFF8000  }
0x185: {  	v61 =	vsel vm11, $0x0, v29;
	v43 =	vadd.s32 v58, v43;
	[tilespmem:s8], [sflag:$0x2] =	stream.linear.gather [hbm4b:s7+s3], $0x8000, $0x38;
	[tilespmem:$0x18300] =	vst v63  }
0x186: {  	vm11 =	vlt.s32 v13, v38;
	v43 =	vadd.s32 v59, v43;
	v46 =	vadd.s32 v17, v60;
	_ =	swait.ge [sflag:s14], $0x8000  }
0x187: {  	v62 =	vsel vm11, $0x0, v40;
	vm11 =	vlt.s32 v13, v39;
	v43 =	vadd.s32 v61, v43;
	[sflag:s14] =	ssyncset.done $0x0  }
0x188: {  	v63 =	vsel vm11, $0x0, v41;
	v43 =	vadd.s32 v62, v43;
	[sflag:s14] =	ssyncadd.s32 $0xFFFF8000  }
0x189: {  	v45 =	vadd.s32 v63, v43;
	[tilespmem:$0x18180] =	vst v53  }
0x18a: {  	[tilespmem:$0x18190] =	vst v45  }
0x18b: {  	[hbm4b:s1+s3] =	stream.indirect_vreg.scatter [tilespmem:s10], [sflag:$0x4], $0x80, v46, vm10, $0xb8;
	[tilespmem:$0x18300] =	vst v63  }
0x18c: {  	v47 =	vperm.xlane v44, v18;
	s10 =	simm.s32 $0x980  }
0x18d: {  	[hbm4b:s4+s3] =	stream.indirect_vreg.scatter [tilespmem:s10], [sflag:$0x4], $0x80, v46, vm10, $0xb8;
	[tilespmem:$0x18300] =	vst v63  }
0x18e: {  	v42 =	vadd.s32 v17, v47;
	s10 =	simm.s32 $0x1180  }
0x18f: {  	[hbm4b:s5+s3] =	stream.indirect_vreg.scatter [tilespmem:s10], [sflag:$0x4], $0x80, v46, vm10, $0xb8;
	[tilespmem:$0x18300] =	vst v63  }
0x190: {  	s10 =	simm.s32 $0x1980  }
0x191: {  	[hbm4b:s6+s3] =	stream.indirect_vreg.scatter [tilespmem:s10], [sflag:$0x4], $0x80, v46, vm10, $0xb8;
	[tilespmem:$0x18300] =	vst v63  }
0x192: {  	s10 =	simm.s32 $0x2180  }
0x193: {  	[hbm4b:s1+s3] =	stream.indirect_vreg.scatter [tilespmem:s10], [sflag:$0x4], $0x80, v42, vm10, $0xb8;
	[tilespmem:$0x18300] =	vst v63  }
0x194: {  	s10 =	simm.s32 $0x2980  }
0x195: {  	[hbm4b:s4+s3] =	stream.indirect_vreg.scatter [tilespmem:s10], [sflag:$0x4], $0x80, v42, vm10, $0xb8;
	[tilespmem:$0x18300] =	vst v63  }
0x196: {  	s10 =	simm.s32 $0x3180  }
0x197: {  	[hbm4b:s5+s3] =	stream.indirect_vreg.scatter [tilespmem:s10], [sflag:$0x4], $0x80, v42, vm10, $0xb8;
	[tilespmem:$0x18300] =	vst v63  }
0x198: {  	s10 =	simm.s32 $0x3980  }
0x199: {  	[hbm4b:s6+s3] =	stream.indirect_vreg.scatter [tilespmem:s10], [sflag:$0x4], $0x80, v42, vm10, $0xb8;
	[tilespmem:$0x18300] =	vst v63  }
0x19a: {  	v42 =	vld [tilespmem:$0x18190];
	_ =	sdelay $0x4  }
0x19b: {  	v48 =	vshll.u32 v42, $0x3  }
0x19c: {  	v42 =	vand.u32 $0x7, v42;
	v43 =	vand.u32 $0xFFFFFFC0, v48  }
0x19d: {  	v42 =	vor.u32 v42, v43  }
0x19e: {  	v43 =	vperm.xlane v42, v16;
	_ =	sdelay $0x1  }
0x19f: {  	v43 =	vadd.s32 v17, v43;
	_ =	sdelay $0x3  }
0x1a0: {  	s0 =	simm.s32 $0x4180  }
0x1a1: {  	[hbm4b:s1+s3] =	stream.indirect_vreg.scatter [tilespmem:s0], [sflag:$0x4], $0x80, v43, vm10, $0xb8;
	[tilespmem:$0x18300] =	vst v63  }
0x1a2: {  	s24 =	simm.s32 $0x4980;
	v42 =	vperm.xlane v42, v18  }
0x1a3: {  	vm11 =	vlt.s32 v14, v31;
	[hbm4b:s4+s3] =	stream.indirect_vreg.scatter [tilespmem:s24], [sflag:$0x4], $0x80, v43, vm10, $0xb8;
	[tilespmem:$0x18300] =	vst v63  }
0x1a4: {  	s28 =	simm.s32 $0x5180;
	v50 =	vsel vm11, $0x0, v26;
	vm11 =	vlt.s32 v14, v32;
	v42 =	vadd.s32 v17, v42  }
0x1a5: {  	v49 =	vadd.s32 s9, v14;
	v51 =	vsel vm11, $0x0, v27;
	vm11 =	vlt.s32 v14, v36;
	[hbm4b:s5+s3] =	stream.indirect_vreg.scatter [tilespmem:s28], [sflag:$0x4], $0x80, v43, vm10, $0xb8;
	[tilespmem:$0x18300] =	vst v63  }
0x1a6: {  	v59 =	vadd.s32 s9, v15;
	v53 =	vsel vm11, $0x0, v28;
	vm11 =	vlt.s32 v14, v34;
	s28 =	simm.s32 $0x5980  }
0x1a7: {  	v44 =	vadd.s32 v50, v49;
	v54 =	vsel vm11, $0x0, v30;
	vm11 =	vlt.s32 v14, v37;
	[hbm4b:s6+s3] =	stream.indirect_vreg.scatter [tilespmem:s28], [sflag:$0x4], $0x80, v43, vm10, $0xb8;
	[tilespmem:$0x18300] =	vst v63  }
0x1a8: {  	v52 =	vadd.s32 v51, v44;
	s7 =	simm.s32 $0x6180;
	v55 =	vsel vm11, $0x0, v33;
	vm11 =	vlt.s32 v14, v35  }
0x1a9: {  	v56 =	vsel vm11, $0x0, v29;
	vm11 =	vlt.s32 v14, v38;
	v43 =	vadd.s32 v53, v52;
	[hbm4b:s1+s3] =	stream.indirect_vreg.scatter [tilespmem:s7], [sflag:$0x4], $0x80, v42, vm10, $0xb8;
	[tilespmem:$0x18300] =	vst v63  }
0x1aa: {  	v57 =	vsel vm11, $0x0, v40;
	vm11 =	vlt.s32 v14, v39;
	s10 =	simm.s32 $0x6980;
	v43 =	vadd.s32 v54, v43  }
0x1ab: {  	v58 =	vsel vm11, $0x0, v41;
	vm11 =	vlt.s32 v15, v31;
	v43 =	vadd.s32 v55, v43;
	[hbm4b:s4+s3] =	stream.indirect_vreg.scatter [tilespmem:s10], [sflag:$0x4], $0x80, v42, vm10, $0xb8;
	[tilespmem:$0x18300] =	vst v63  }
0x1ac: {  	v26 =	vsel vm11, $0x0, v26;
	vm11 =	vlt.s32 v15, v32;
	s24 =	simm.s32 $0x7180;
	v43 =	vadd.s32 v56, v43  }
0x1ad: {  	v26 =	vadd.s32 v26, v59;
	v27 =	vsel vm11, $0x0, v27;
	v43 =	vadd.s32 v57, v43;
	[hbm4b:s5+s3] =	stream.indirect_vreg.scatter [tilespmem:s24], [sflag:$0x4], $0x80, v42, vm10, $0xb8;
	[tilespmem:$0x18300] =	vst v63  }
0x1ae: {  	vm11 =	vlt.s32 v15, v36;
	v26 =	vadd.s32 v27, v26;
	s28 =	simm.s32 $0x7980;
	v60 =	vadd.s32 v58, v43  }
0x1af: {  	v61 =	vsel vm11, $0x0, v28;
	vm11 =	vlt.s32 v15, v34;
	v62 =	vshll.u32 v60, $0x3;
	[hbm4b:s6+s3] =	stream.indirect_vreg.scatter [tilespmem:s28], [sflag:$0x4], $0x80, v42, vm10, $0xb8;
	[tilespmem:$0x18300] =	vst v63  }
0x1b0: {  	v26 =	vadd.s32 v61, v26;
	v63 =	vand.u32 $0x7, v60;
	v27 =	vand.u32 $0xFFFFFFC0, v62;
	_ =	swait.ge [sflag:s11], $0x8000  }
0x1b1: {  	v30 =	vsel vm11, $0x0, v30;
	vm11 =	vlt.s32 v15, v37;
	v27 =	vor.u32 v63, v27;
	[sflag:s11] =	ssyncset.done $0x0  }
0x1b2: {  	v26 =	vadd.s32 v30, v26;
	v34 =	vsel vm11, $0x0, v33;
	v36 =	vperm.xlane v27, v16;
	s0 =	rddreg [dreg:$0x11];
	[sflag:s11] =	ssyncadd.s32 $0xFFFF8000  }
0x1b3: {  	vm11 =	vlt.s32 v15, v35;
	v26 =	vadd.s32 v34, v26;
	[tilespmem:s22], [sflag:$0x3] =	stream.linear.gather [hbm4b:s0+s3], $0x8000, $0x38;
	[tilespmem:$0x18300] =	vst v63  }
0x1b4: {  	v37 =	vsel vm11, $0x0, v29;
	vm11 =	vlt.s32 v15, v38;
	v38 =	vadd.s32 v17, v36;
	_ =	swait.ge [sflag:s30], $0x8000  }
0x1b5: {  	v26 =	vadd.s32 v37, v26;
	v42 =	vsel vm11, $0x0, v40;
	vm11 =	vlt.s32 v15, v39;
	[sflag:s30] =	ssyncset.done $0x0  }
0x1b6: {  	v26 =	vadd.s32 v42, v26;
	v43 =	vsel vm11, $0x0, v41;
	[sflag:s30] =	ssyncadd.s32 $0xFFFF8000  }
0x1b7: {  	v26 =	vadd.s32 v43, v26;
	[tilespmem:$0x18200] =	vst v60  }
0x1b8: {  	[tilespmem:$0x18210] =	vst v26  }
0x1b9: {  	[hbm4b:s1+s3] =	stream.indirect_vreg.scatter [tilespmem:s8], [sflag:$0x5], $0x80, v38, vm10, $0xb8;
	[tilespmem:$0x18300] =	vst v63  }
0x1ba: {  	v44 =	vperm.xlane v27, v18;
	s8 =	simm.s32 $0x8980  }
0x1bb: {  	[hbm4b:s4+s3] =	stream.indirect_vreg.scatter [tilespmem:s8], [sflag:$0x5], $0x80, v38, vm10, $0xb8;
	[tilespmem:$0x18300] =	vst v63  }
0x1bc: {  	v26 =	vadd.s32 v17, v44  }
0x1bd: {  	[hbm4b:s5+s3] =	stream.indirect_vreg.scatter [tilespmem:s18], [sflag:$0x5], $0x80, v38, vm10, $0xb8;
	[tilespmem:$0x18300] =	vst v63  }
0x1be: {  	_ = 	snop  }
0x1bf: {  	[hbm4b:s6+s3] =	stream.indirect_vreg.scatter [tilespmem:s19], [sflag:$0x5], $0x80, v38, vm10, $0xb8;
	[tilespmem:$0x18300] =	vst v63  }
0x1c0: {  	_ = 	snop  }
0x1c1: {  	[hbm4b:s1+s3] =	stream.indirect_vreg.scatter [tilespmem:s15], [sflag:$0x5], $0x80, v26, vm10, $0xb8;
	[tilespmem:$0x18300] =	vst v63  }
0x1c2: {  	_ = 	snop  }
0x1c3: {  	[hbm4b:s4+s3] =	stream.indirect_vreg.scatter [tilespmem:s16], [sflag:$0x5], $0x80, v26, vm10, $0xb8;
	[tilespmem:$0x18300] =	vst v63  }
0x1c4: {  	_ = 	snop  }
0x1c5: {  	[hbm4b:s5+s3] =	stream.indirect_vreg.scatter [tilespmem:s12], [sflag:$0x5], $0x80, v26, vm10, $0xb8;
	[tilespmem:$0x18300] =	vst v63  }
0x1c6: {  	_ = 	snop  }
0x1c7: {  	[hbm4b:s6+s3] =	stream.indirect_vreg.scatter [tilespmem:s13], [sflag:$0x5], $0x80, v26, vm10, $0xb8;
	[tilespmem:$0x18300] =	vst v63  }
0x1c8: {  	v26 =	vld [tilespmem:$0x18210];
	_ =	sdelay $0x4  }
0x1c9: {  	v45 =	vshll.u32 v26, $0x3  }
0x1ca: {  	s9 =	rddreg [dreg:$0x1a];
	v26 =	vand.u32 $0x7, v26;
	v27 =	vand.u32 $0xFFFFFFC0, v45  }
0x1cb: {  	s10 =	rddreg [dreg:$0x1c];
	v26 =	vor.u32 v26, v27  }
0x1cc: {  	s28 =	sld [smem:$0x7FA];
	v27 =	vperm.xlane v26, v16  }
0x1cd: {  	s0 =	sld [smem:$0x7FB]  }
0x1ce: {  	s18 =	sld [smem:$0x7F9];
	v46 =	vadd.s32 v17, v27  }
0x1cf: {  	s15 =	rddreg [dreg:$0x1d]  }
0x1d0: {  	s16 =	rddreg [dreg:$0x1f]  }
0x1d1: {  	s12 =	rddreg [dreg:$0x1b]  }
0x1d2: {  	s22 =	simm.s32 $0xC980;
	s13 =	rddreg [dreg:$0x1e]  }
0x1d3: {  	[hbm4b:s1+s3] =	stream.indirect_vreg.scatter [tilespmem:s17], [sflag:$0x5], $0x80, v46, vm10, $0xb8;
	[tilespmem:$0x18300] =	vst v63  }
0x1d4: {  	s9 =	ssub.s32 s10, s9;
	s8 =	ssub.s32 s16, s15;
	s17 =	sld [smem:$0x7F8]  }
0x1d5: {  	v24 =	vbroadcast v24, $0xF;
	s16 =	simm.s32 $0xD180;
	s7 =	ssub.s32 s13, s12;
	s12 =	ssub.s32 s0, s28  }
0x1d6: {  	v19 =	vbroadcast v19, $0xF;
	v27 =	vbroadcast v25, $0xF;
	[hbm4b:s4+s3] =	stream.indirect_vreg.scatter [tilespmem:s22], [sflag:$0x5], $0x80, v46, vm10, $0xb8;
	[tilespmem:$0x18300] =	vst v63  }
0x1d7: {  	v30 =	vbroadcast v20, $0xF;
	s24 =	ssub.s32 s7, s9;
	s7 =	ssub.s32 s8, s7;
	v47 =	vperm.xlane v26, v18;
	s19 =	ssub.s32 s18, s17  }
0x1d8: {  	v29 =	vbroadcast v23, $0xF;
	v28 =	vmov s24;
	vm11 =	vlt.s32 v0, v27;
	[hbm4b:s5+s3] =	stream.indirect_vreg.scatter [tilespmem:s16], [sflag:$0x5], $0x80, v46, vm10, $0xb8;
	[tilespmem:$0x18300] =	vst v63  }
0x1d9: {  	v49 =	vadd.s32 s9, v0;
	v48 =	vadd.s32 v17, v47;
	v50 =	vsel vm11, $0x0, v28;
	s8 =	ssub.s32 s19, s8;
	s18 =	ssub.s32 s12, s19;
	s19 =	sld [smem:$0x7FC]  }
0x1da: {  	s24 =	sld [smem:$0x7FD];
	v26 =	vmov s7;
	vm11 =	vlt.s32 v0, v29;
	v31 =	vadd.s32 v50, v49;
	s22 =	simm.s32 $0xD980  }
0x1db: {  	v51 =	vsel vm11, $0x0, v26;
	vm11 =	vlt.s32 v0, v24;
	v25 =	vmov s8;
	[hbm4b:s6+s3] =	stream.indirect_vreg.scatter [tilespmem:s22], [sflag:$0x5], $0x80, v46, vm10, $0xb8;
	[tilespmem:$0x18300] =	vst v63  }
0x1dc: {  	v20 =	vbroadcast v21, $0xF;
	v31 =	vadd.s32 v51, v31;
	v52 =	vsel vm11, $0x0, v25;
	s8 =	ssub.s32 s29, s19  }
0x1dd: {  	s28 =	simm.s32 $0xE180;
	s7 =	ssub.s32 s25, s24;
	v23 =	vmov s18;
	vm11 =	vlt.s32 v0, v30;
	v31 =	vadd.s32 v52, v31;
	s10 =	ssub.s32 s8, s12  }
0x1de: {  	v53 =	vsel vm11, $0x0, v23;
	vm11 =	vlt.s32 v0, v20;
	[hbm4b:s1+s3] =	stream.indirect_vreg.scatter [tilespmem:s28], [sflag:$0x5], $0x80, v48, vm10, $0xb8;
	v21 =	vmov s10;
	[tilespmem:$0x18300] =	vst v63  }
0x1df: {  	v22 =	vbroadcast v22, $0xF;
	s29 =	sadd.s32 s21, s7;
	s7 =	ssub.s32 s7, s8;
	v32 =	vadd.s32 v53, v31;
	v54 =	vsel vm11, $0x0, v21  }
0x1e0: {  	s0 =	ssub.s32 s26, s29;
	s12 =	simm.s32 $0xE980;
	v31 =	vmov s7;
	vm11 =	vlt.s32 v0, v19;
	v34 =	vadd.s32 v54, v32  }
0x1e1: {  	[hbm4b:s4+s3] =	stream.indirect_vreg.scatter [tilespmem:s12], [sflag:$0x5], $0x80, v48, vm10, $0xb8;
	v55 =	vsel vm11, $0x0, v31;
	vm11 =	vlt.s32 v0, v22;
	v32 =	vmov s0;
	[tilespmem:$0x18300] =	vst v63  }
0x1e2: {  	s10 =	simm.s32 $0xF180;
	v56 =	vsel vm11, $0x0, v32;
	vm11 =	vlt.s32 v1, v27  }
0x1e3: {  	v57 =	vadd.s32 s9, v1;
	[hbm4b:s5+s3] =	stream.indirect_vreg.scatter [tilespmem:s10], [sflag:$0x5], $0x80, v48, vm10, $0xb8;
	v34 =	vadd.s32 v55, v34;
	v58 =	vsel vm11, $0x0, v28;
	[tilespmem:$0x18300] =	vst v63  }
0x1e4: {  	s13 =	simm.s32 $0xF980;
	vm11 =	vlt.s32 v1, v29;
	v59 =	vadd.s32 v56, v34;
	v60 =	vadd.s32 v58, v57  }
0x1e5: {  	[hbm4b:s6+s3] =	stream.indirect_vreg.scatter [tilespmem:s13], [sflag:$0x5], $0x80, v48, vm10, $0xb8;
	v61 =	vsel vm11, $0x0, v26;
	v62 =	vshll.u32 v59, $0x3;
	vm11 =	vlt.s32 v1, v24;
	[tilespmem:$0x18300] =	vst v63  }
0x1e6: {  	v63 =	vand.u32 $0x7, v59;
	_ =	swait.ge [sflag:s20], $0x8000;
	v34 =	vadd.s32 v61, v60;
	v35 =	vand.u32 $0xFFFFFFC0, v62  }
0x1e7: {  	v40 =	vsel vm11, $0x0, v25;
	vm11 =	vlt.s32 v1, v30;
	[sflag:s20] =	ssyncset.done $0x0;
	v35 =	vor.u32 v63, v35  }
0x1e8: {  	s16 =	simm.s32 $0x180;
	s15 =	rddreg [dreg:$0x12];
	v34 =	vadd.s32 v40, v34;
	v41 =	vsel vm11, $0x0, v23;
	[sflag:s20] =	ssyncadd.s32 $0xFFFF8000;
	v42 =	vperm.xlane v35, v16  }
0x1e9: {  	vm11 =	vlt.s32 v1, v20;
	v34 =	vadd.s32 v41, v34;
	[tilespmem:s16], [sflag:$0x1] =	stream.linear.gather [hbm4b:s15+s3], $0x8000, $0x38;
	[tilespmem:$0x18300] =	vst v63  }
0x1ea: {  	v43 =	vsel vm11, $0x0, v21;
	vm11 =	vlt.s32 v1, v19;
	_ =	swait.ge [sflag:s2], $0x8000;
	v37 =	vadd.s32 v17, v42  }
0x1eb: {  	v34 =	vadd.s32 v43, v34;
	v44 =	vsel vm11, $0x0, v31;
	vm11 =	vlt.s32 v1, v22;
	[sflag:s2] =	ssyncset.done $0x0  }
0x1ec: {  	v34 =	vadd.s32 v44, v34;
	v45 =	vsel vm11, $0x0, v32;
	[sflag:s2] =	ssyncadd.s32 $0xFFFF8000  }
0x1ed: {  	v46 =	vadd.s32 v45, v34;
	[tilespmem:$0x18280] =	vst v59  }
0x1ee: {  	s18 =	simm.s32 $0x10180;
	[tilespmem:$0x18290] =	vst v46  }
0x1ef: {  	[hbm4b:s1+s3] =	stream.indirect_vreg.scatter [tilespmem:s18], [sflag:$0x6], $0x80, v37, vm10, $0xb8;
	[tilespmem:$0x18300] =	vst v63  }
0x1f0: {  	s17 =	simm.s32 $0x10980;
	v47 =	vperm.xlane v35, v18  }
0x1f1: {  	[hbm4b:s4+s3] =	stream.indirect_vreg.scatter [tilespmem:s17], [sflag:$0x6], $0x80, v37, vm10, $0xb8;
	[tilespmem:$0x18300] =	vst v63  }
0x1f2: {  	s19 =	simm.s32 $0x11180;
	v33 =	vadd.s32 v17, v47  }
0x1f3: {  	[hbm4b:s5+s3] =	stream.indirect_vreg.scatter [tilespmem:s19], [sflag:$0x6], $0x80, v37, vm10, $0xb8;
	[tilespmem:$0x18300] =	vst v63  }
0x1f4: {  	s21 =	simm.s32 $0x11980  }
0x1f5: {  	[hbm4b:s6+s3] =	stream.indirect_vreg.scatter [tilespmem:s21], [sflag:$0x6], $0x80, v37, vm10, $0xb8;
	[tilespmem:$0x18300] =	vst v63  }
0x1f6: {  	s22 =	simm.s32 $0x12180  }
0x1f7: {  	[hbm4b:s1+s3] =	stream.indirect_vreg.scatter [tilespmem:s22], [sflag:$0x6], $0x80, v33, vm10, $0xb8;
	[tilespmem:$0x18300] =	vst v63  }
0x1f8: {  	s24 =	simm.s32 $0x12980  }
0x1f9: {  	[hbm4b:s4+s3] =	stream.indirect_vreg.scatter [tilespmem:s24], [sflag:$0x6], $0x80, v33, vm10, $0xb8;
	[tilespmem:$0x18300] =	vst v63  }
0x1fa: {  	s25 =	simm.s32 $0x13180  }
0x1fb: {  	[hbm4b:s5+s3] =	stream.indirect_vreg.scatter [tilespmem:s25], [sflag:$0x6], $0x80, v33, vm10, $0xb8;
	[tilespmem:$0x18300] =	vst v63  }
0x1fc: {  	s26 =	simm.s32 $0x13980  }
0x1fd: {  	[hbm4b:s6+s3] =	stream.indirect_vreg.scatter [tilespmem:s26], [sflag:$0x6], $0x80, v33, vm10, $0xb8;
	[tilespmem:$0x18300] =	vst v63  }
0x1fe: {  	v33 =	vld [tilespmem:$0x18290];
	_ =	sdelay $0x4  }
0x1ff: {  	v48 =	vshll.u32 v33, $0x3  }
0x200: {  	v33 =	vand.u32 $0x7, v33;
	v34 =	vand.u32 $0xFFFFFFC0, v48  }
0x201: {  	v33 =	vor.u32 v33, v34  }
0x202: {  	v34 =	vperm.xlane v33, v16;
	_ =	sdelay $0x1  }
0x203: {  	v34 =	vadd.s32 v17, v34;
	_ =	sdelay $0x3  }
0x204: {  	s28 =	simm.s32 $0x14180  }
0x205: {  	[hbm4b:s1+s3] =	stream.indirect_vreg.scatter [tilespmem:s28], [sflag:$0x6], $0x80, v34, vm10, $0xb8;
	[tilespmem:$0x18300] =	vst v63  }
0x206: {  	s29 =	simm.s32 $0x14980;
	v33 =	vperm.xlane v33, v18  }
0x207: {  	[hbm4b:s4+s3] =	stream.indirect_vreg.scatter [tilespmem:s29], [sflag:$0x6], $0x80, v34, vm10, $0xb8;
	[tilespmem:$0x18300] =	vst v63  }
0x208: {  	s0 =	simm.s32 $0x15180;
	v33 =	vadd.s32 v17, v33  }
0x209: {  	vm11 =	vlt.s32 v2, v27;
	[hbm4b:s5+s3] =	stream.indirect_vreg.scatter [tilespmem:s0], [sflag:$0x6], $0x80, v34, vm10, $0xb8;
	[tilespmem:$0x18300] =	vst v63  }
0x20a: {  	v50 =	vsel vm11, $0x0, v28;
	vm11 =	vlt.s32 v2, v29;
	s24 =	simm.s32 $0x15980  }
0x20b: {  	v49 =	vadd.s32 s9, v2;
	v51 =	vsel vm11, $0x0, v26;
	vm11 =	vlt.s32 v2, v24;
	[hbm4b:s6+s3] =	stream.indirect_vreg.scatter [tilespmem:s24], [sflag:$0x6], $0x80, v34, vm10, $0xb8;
	[tilespmem:$0x18300] =	vst v63  }
0x20c: {  	s10 =	simm.s32 $0x16180;
	v52 =	vsel vm11, $0x0, v25;
	vm11 =	vlt.s32 v2, v30;
	v34 =	vadd.s32 v50, v49  }
0x20d: {  	v53 =	vsel vm11, $0x0, v23;
	vm11 =	vlt.s32 v2, v20;
	v34 =	vadd.s32 v51, v34;
	[hbm4b:s1+s3] =	stream.indirect_vreg.scatter [tilespmem:s10], [sflag:$0x6], $0x80, v33, vm10, $0xb8;
	[tilespmem:$0x18300] =	vst v63  }
0x20e: {  	v54 =	vsel vm11, $0x0, v21;
	vm11 =	vlt.s32 v2, v19;
	s28 =	simm.s32 $0x16980;
	v34 =	vadd.s32 v52, v34  }
0x20f: {  	v55 =	vsel vm11, $0x0, v31;
	vm11 =	vlt.s32 v2, v22;
	v34 =	vadd.s32 v53, v34;
	[hbm4b:s4+s3] =	stream.indirect_vreg.scatter [tilespmem:s28], [sflag:$0x6], $0x80, v33, vm10, $0xb8;
	[tilespmem:$0x18300] =	vst v63  }
0x210: {  	v56 =	vsel vm11, $0x0, v32;
	vm11 =	vlt.s32 v3, v27;
	s22 =	simm.s32 $0x17180;
	v34 =	vadd.s32 v54, v34  }
0x211: {  	v58 =	vsel vm11, $0x0, v28;
	vm11 =	vlt.s32 v3, v29;
	v34 =	vadd.s32 v55, v34;
	[hbm4b:s5+s3] =	stream.indirect_vreg.scatter [tilespmem:s22], [sflag:$0x6], $0x80, v33, vm10, $0xb8;
	[tilespmem:$0x18300] =	vst v63  }
0x212: {  	s13 =	simm.s32 $0x17980;
	v61 =	vsel vm11, $0x0, v26;
	vm11 =	vlt.s32 v3, v24;
	v59 =	vadd.s32 v56, v34  }
0x213: {  	v57 =	vadd.s32 s9, v3;
	v40 =	vsel vm11, $0x0, v25;
	v62 =	vshll.u32 v59, $0x3;
	[hbm4b:s6+s3] =	stream.indirect_vreg.scatter [tilespmem:s13], [sflag:$0x6], $0x80, v33, vm10, $0xb8;
	[tilespmem:$0x18300] =	vst v63  }
0x214: {  	vm11 =	vlt.s32 v3, v30;
	v63 =	vand.u32 $0x7, v59;
	v35 =	vand.u32 $0xFFFFFFC0, v62;
	_ =	swait.ge [sflag:s31], $0x8000  }
0x215: {  	v60 =	vadd.s32 v58, v57;
	v41 =	vsel vm11, $0x0, v23;
	v35 =	vor.u32 v63, v35;
	[sflag:s31] =	ssyncset.done $0x0  }
0x216: {  	vm11 =	vlt.s32 v3, v20;
	s10 =	simm.s32 $0x8180;
	v34 =	vadd.s32 v61, v60;
	s15 =	rddreg [dreg:$0x13];
	v42 =	vperm.xlane v35, v16;
	[sflag:s31] =	ssyncadd.s32 $0xFFFF8000  }
0x217: {  	v43 =	vsel vm11, $0x0, v21;
	v34 =	vadd.s32 v40, v34;
	[tilespmem:s10], [sflag:$0x2] =	stream.linear.gather [hbm4b:s15+s3], $0x8000, $0x38;
	[tilespmem:$0x18300] =	vst v63  }
0x218: {  	vm11 =	vlt.s32 v3, v19;
	v34 =	vadd.s32 v41, v34;
	v37 =	vadd.s32 v17, v42;
	_ =	swait.ge [sflag:s14], $0x8000  }
0x219: {  	v44 =	vsel vm11, $0x0, v31;
	vm11 =	vlt.s32 v3, v22;
	v34 =	vadd.s32 v43, v34;
	[sflag:s14] =	ssyncset.done $0x0  }
0x21a: {  	v45 =	vsel vm11, $0x0, v32;
	v34 =	vadd.s32 v44, v34;
	[sflag:s14] =	ssyncadd.s32 $0xFFFF8000  }
0x21b: {  	v46 =	vadd.s32 v45, v34;
	[tilespmem:$0x18180] =	vst v59  }
0x21c: {  	[tilespmem:$0x18190] =	vst v46  }
0x21d: {  	[hbm4b:s1+s3] =	stream.indirect_vreg.scatter [tilespmem:s16], [sflag:$0x4], $0x80, v37, vm10, $0xb8;
	[tilespmem:$0x18300] =	vst v63  }
0x21e: {  	v47 =	vperm.xlane v35, v18;
	s16 =	simm.s32 $0x980  }
0x21f: {  	[hbm4b:s4+s3] =	stream.indirect_vreg.scatter [tilespmem:s16], [sflag:$0x4], $0x80, v37, vm10, $0xb8;
	[tilespmem:$0x18300] =	vst v63  }
0x220: {  	s17 =	simm.s32 $0x1180;
	v33 =	vadd.s32 v17, v47  }
0x221: {  	[hbm4b:s5+s3] =	stream.indirect_vreg.scatter [tilespmem:s17], [sflag:$0x4], $0x80, v37, vm10, $0xb8;
	[tilespmem:$0x18300] =	vst v63  }
0x222: {  	s13 =	simm.s32 $0x1980  }
0x223: {  	[hbm4b:s6+s3] =	stream.indirect_vreg.scatter [tilespmem:s13], [sflag:$0x4], $0x80, v37, vm10, $0xb8;
	[tilespmem:$0x18300] =	vst v63  }
0x224: {  	s15 =	simm.s32 $0x2180  }
0x225: {  	[hbm4b:s1+s3] =	stream.indirect_vreg.scatter [tilespmem:s15], [sflag:$0x4], $0x80, v33, vm10, $0xb8;
	[tilespmem:$0x18300] =	vst v63  }
0x226: {  	s16 =	simm.s32 $0x2980  }
0x227: {  	[hbm4b:s4+s3] =	stream.indirect_vreg.scatter [tilespmem:s16], [sflag:$0x4], $0x80, v33, vm10, $0xb8;
	[tilespmem:$0x18300] =	vst v63  }
0x228: {  	s17 =	simm.s32 $0x3180  }
0x229: {  	[hbm4b:s5+s3] =	stream.indirect_vreg.scatter [tilespmem:s17], [sflag:$0x4], $0x80, v33, vm10, $0xb8;
	[tilespmem:$0x18300] =	vst v63  }
0x22a: {  	s21 =	simm.s32 $0x3980  }
0x22b: {  	[hbm4b:s6+s3] =	stream.indirect_vreg.scatter [tilespmem:s21], [sflag:$0x4], $0x80, v33, vm10, $0xb8;
	[tilespmem:$0x18300] =	vst v63  }
0x22c: {  	v33 =	vld [tilespmem:$0x18190];
	_ =	sdelay $0x4  }
0x22d: {  	v48 =	vshll.u32 v33, $0x3  }
0x22e: {  	v33 =	vand.u32 $0x7, v33;
	v34 =	vand.u32 $0xFFFFFFC0, v48  }
0x22f: {  	v33 =	vor.u32 v33, v34  }
0x230: {  	v34 =	vperm.xlane v33, v16;
	_ =	sdelay $0x1  }
0x231: {  	v34 =	vadd.s32 v17, v34;
	_ =	sdelay $0x3  }
0x232: {  	s25 =	simm.s32 $0x4180  }
0x233: {  	[hbm4b:s1+s3] =	stream.indirect_vreg.scatter [tilespmem:s25], [sflag:$0x4], $0x80, v34, vm10, $0xb8;
	[tilespmem:$0x18300] =	vst v63  }
0x234: {  	s26 =	simm.s32 $0x4980;
	v33 =	vperm.xlane v33, v18  }
0x235: {  	[hbm4b:s4+s3] =	stream.indirect_vreg.scatter [tilespmem:s26], [sflag:$0x4], $0x80, v34, vm10, $0xb8;
	[tilespmem:$0x18300] =	vst v63  }
0x236: {  	s29 =	simm.s32 $0x5180;
	v33 =	vadd.s32 v17, v33  }
0x237: {  	vm11 =	vlt.s32 v4, v27;
	[hbm4b:s5+s3] =	stream.indirect_vreg.scatter [tilespmem:s29], [sflag:$0x4], $0x80, v34, vm10, $0xb8;
	[tilespmem:$0x18300] =	vst v63  }
0x238: {  	s19 =	simm.s32 $0x5980;
	v50 =	vsel vm11, $0x0, v28;
	vm11 =	vlt.s32 v4, v29  }
0x239: {  	v49 =	vadd.s32 s9, v4;
	v51 =	vsel vm11, $0x0, v26;
	vm11 =	vlt.s32 v4, v24;
	[hbm4b:s6+s3] =	stream.indirect_vreg.scatter [tilespmem:s19], [sflag:$0x4], $0x80, v34, vm10, $0xb8;
	[tilespmem:$0x18300] =	vst v63  }
0x23a: {  	s7 =	simm.s32 $0x6180;
	v52 =	vsel vm11, $0x0, v25;
	vm11 =	vlt.s32 v4, v30;
	v34 =	vadd.s32 v50, v49  }
0x23b: {  	v53 =	vsel vm11, $0x0, v23;
	vm11 =	vlt.s32 v4, v20;
	v34 =	vadd.s32 v51, v34;
	[hbm4b:s1+s3] =	stream.indirect_vreg.scatter [tilespmem:s7], [sflag:$0x4], $0x80, v33, vm10, $0xb8;
	[tilespmem:$0x18300] =	vst v63  }
0x23c: {  	s8 =	simm.s32 $0x6980;
	v54 =	vsel vm11, $0x0, v21;
	vm11 =	vlt.s32 v4, v19;
	v34 =	vadd.s32 v52, v34  }
0x23d: {  	v55 =	vsel vm11, $0x0, v31;
	vm11 =	vlt.s32 v4, v22;
	v34 =	vadd.s32 v53, v34;
	[hbm4b:s4+s3] =	stream.indirect_vreg.scatter [tilespmem:s8], [sflag:$0x4], $0x80, v33, vm10, $0xb8;
	[tilespmem:$0x18300] =	vst v63  }
0x23e: {  	v56 =	vsel vm11, $0x0, v32;
	vm11 =	vlt.s32 v5, v27;
	s19 =	simm.s32 $0x7180;
	v34 =	vadd.s32 v54, v34  }
0x23f: {  	v58 =	vsel vm11, $0x0, v28;
	vm11 =	vlt.s32 v5, v29;
	v34 =	vadd.s32 v55, v34;
	[hbm4b:s5+s3] =	stream.indirect_vreg.scatter [tilespmem:s19], [sflag:$0x4], $0x80, v33, vm10, $0xb8;
	[tilespmem:$0x18300] =	vst v63  }
0x240: {  	v61 =	vsel vm11, $0x0, v26;
	vm11 =	vlt.s32 v5, v24;
	s19 =	simm.s32 $0x7980;
	v59 =	vadd.s32 v56, v34  }
0x241: {  	v57 =	vadd.s32 s9, v5;
	v40 =	vsel vm11, $0x0, v25;
	v62 =	vshll.u32 v59, $0x3;
	[hbm4b:s6+s3] =	stream.indirect_vreg.scatter [tilespmem:s19], [sflag:$0x4], $0x80, v33, vm10, $0xb8;
	[tilespmem:$0x18300] =	vst v63  }
0x242: {  	vm11 =	vlt.s32 v5, v30;
	v63 =	vand.u32 $0x7, v59;
	v35 =	vand.u32 $0xFFFFFFC0, v62;
	_ =	swait.ge [sflag:s11], $0x8000  }
0x243: {  	v60 =	vadd.s32 v58, v57;
	v41 =	vsel vm11, $0x0, v23;
	v35 =	vor.u32 v63, v35;
	[sflag:s11] =	ssyncset.done $0x0  }
0x244: {  	vm11 =	vlt.s32 v5, v20;
	v34 =	vadd.s32 v61, v60;
	s0 =	rddreg [dreg:$0x14];
	v42 =	vperm.xlane v35, v16;
	[sflag:s11] =	ssyncadd.s32 $0xFFFF8000  }
0x245: {  	v43 =	vsel vm11, $0x0, v21;
	v34 =	vadd.s32 v40, v34;
	[tilespmem:s18], [sflag:$0x3] =	stream.linear.gather [hbm4b:s0+s3], $0x8000, $0x38;
	[tilespmem:$0x18300] =	vst v63  }
0x246: {  	vm11 =	vlt.s32 v5, v19;
	v34 =	vadd.s32 v41, v34;
	v37 =	vadd.s32 v17, v42;
	_ =	swait.ge [sflag:s30], $0x8000  }
0x247: {  	v44 =	vsel vm11, $0x0, v31;
	vm11 =	vlt.s32 v5, v22;
	v34 =	vadd.s32 v43, v34;
	[sflag:s30] =	ssyncset.done $0x0  }
0x248: {  	v45 =	vsel vm11, $0x0, v32;
	v34 =	vadd.s32 v44, v34;
	[sflag:s30] =	ssyncadd.s32 $0xFFFF8000  }
0x249: {  	v46 =	vadd.s32 v45, v34;
	[tilespmem:$0x18200] =	vst v59  }
0x24a: {  	[tilespmem:$0x18210] =	vst v46  }
0x24b: {  	[hbm4b:s1+s3] =	stream.indirect_vreg.scatter [tilespmem:s10], [sflag:$0x5], $0x80, v37, vm10, $0xb8;
	[tilespmem:$0x18300] =	vst v63  }
0x24c: {  	v47 =	vperm.xlane v35, v18;
	s18 =	simm.s32 $0x8980  }
0x24d: {  	[hbm4b:s4+s3] =	stream.indirect_vreg.scatter [tilespmem:s18], [sflag:$0x5], $0x80, v37, vm10, $0xb8;
	[tilespmem:$0x18300] =	vst v63  }
0x24e: {  	s8 =	simm.s32 $0x9180;
	v33 =	vadd.s32 v17, v47  }
0x24f: {  	[hbm4b:s5+s3] =	stream.indirect_vreg.scatter [tilespmem:s8], [sflag:$0x5], $0x80, v37, vm10, $0xb8;
	[tilespmem:$0x18300] =	vst v63  }
0x250: {  	s8 =	simm.s32 $0x9980  }
0x251: {  	[hbm4b:s6+s3] =	stream.indirect_vreg.scatter [tilespmem:s8], [sflag:$0x5], $0x80, v37, vm10, $0xb8;
	[tilespmem:$0x18300] =	vst v63  }
0x252: {  	s8 =	simm.s32 $0xA180  }
0x253: {  	[hbm4b:s1+s3] =	stream.indirect_vreg.scatter [tilespmem:s8], [sflag:$0x5], $0x80, v33, vm10, $0xb8;
	[tilespmem:$0x18300] =	vst v63  }
0x254: {  	s8 =	simm.s32 $0xA980  }
0x255: {  	[hbm4b:s4+s3] =	stream.indirect_vreg.scatter [tilespmem:s8], [sflag:$0x5], $0x80, v33, vm10, $0xb8;
	[tilespmem:$0x18300] =	vst v63  }
0x256: {  	s8 =	simm.s32 $0xB180  }
0x257: {  	[hbm4b:s5+s3] =	stream.indirect_vreg.scatter [tilespmem:s8], [sflag:$0x5], $0x80, v33, vm10, $0xb8;
	[tilespmem:$0x18300] =	vst v63  }
0x258: {  	s8 =	simm.s32 $0xB980  }
0x259: {  	[hbm4b:s6+s3] =	stream.indirect_vreg.scatter [tilespmem:s8], [sflag:$0x5], $0x80, v33, vm10, $0xb8;
	[tilespmem:$0x18300] =	vst v63  }
0x25a: {  	v33 =	vld [tilespmem:$0x18210];
	_ =	sdelay $0x4  }
0x25b: {  	v48 =	vshll.u32 v33, $0x3  }
0x25c: {  	v33 =	vand.u32 $0x7, v33;
	v34 =	vand.u32 $0xFFFFFFC0, v48  }
0x25d: {  	v33 =	vor.u32 v33, v34  }
0x25e: {  	v34 =	vperm.xlane v33, v16;
	_ =	sdelay $0x1  }
0x25f: {  	v34 =	vadd.s32 v17, v34;
	_ =	sdelay $0x3  }
0x260: {  	s8 =	simm.s32 $0xC180  }
0x261: {  	[hbm4b:s1+s3] =	stream.indirect_vreg.scatter [tilespmem:s8], [sflag:$0x5], $0x80, v34, vm10, $0xb8;
	[tilespmem:$0x18300] =	vst v63  }
0x262: {  	v33 =	vperm.xlane v33, v18;
	s8 =	simm.s32 $0xC980  }
0x263: {  	[hbm4b:s4+s3] =	stream.indirect_vreg.scatter [tilespmem:s8], [sflag:$0x5], $0x80, v34, vm10, $0xb8;
	[tilespmem:$0x18300] =	vst v63  }
0x264: {  	v33 =	vadd.s32 v17, v33;
	s8 =	simm.s32 $0xD180  }
0x265: {  	vm11 =	vlt.s32 v6, v27;
	[hbm4b:s5+s3] =	stream.indirect_vreg.scatter [tilespmem:s8], [sflag:$0x5], $0x80, v34, vm10, $0xb8;
	[tilespmem:$0x18300] =	vst v63  }
0x266: {  	v50 =	vsel vm11, $0x0, v28;
	vm11 =	vlt.s32 v6, v29;
	s8 =	simm.s32 $0xD980  }
0x267: {  	v49 =	vadd.s32 s9, v6;
	v51 =	vsel vm11, $0x0, v26;
	vm11 =	vlt.s32 v6, v24;
	[hbm4b:s6+s3] =	stream.indirect_vreg.scatter [tilespmem:s8], [sflag:$0x5], $0x80, v34, vm10, $0xb8;
	[tilespmem:$0x18300] =	vst v63  }
0x268: {  	v52 =	vsel vm11, $0x0, v25;
	vm11 =	vlt.s32 v6, v30;
	v34 =	vadd.s32 v50, v49;
	s8 =	simm.s32 $0xE180  }
0x269: {  	v53 =	vsel vm11, $0x0, v23;
	vm11 =	vlt.s32 v6, v20;
	v34 =	vadd.s32 v51, v34;
	[hbm4b:s1+s3] =	stream.indirect_vreg.scatter [tilespmem:s8], [sflag:$0x5], $0x80, v33, vm10, $0xb8;
	[tilespmem:$0x18300] =	vst v63  }
0x26a: {  	v54 =	vsel vm11, $0x0, v21;
	vm11 =	vlt.s32 v6, v19;
	v34 =	vadd.s32 v52, v34  }
0x26b: {  	v55 =	vsel vm11, $0x0, v31;
	vm11 =	vlt.s32 v6, v22;
	v34 =	vadd.s32 v53, v34;
	[hbm4b:s4+s3] =	stream.indirect_vreg.scatter [tilespmem:s12], [sflag:$0x5], $0x80, v33, vm10, $0xb8;
	[tilespmem:$0x18300] =	vst v63  }
0x26c: {  	v56 =	vsel vm11, $0x0, v32;
	vm11 =	vlt.s32 v7, v27;
	v34 =	vadd.s32 v54, v34;
	s12 =	simm.s32 $0xF180  }
0x26d: {  	v58 =	vsel vm11, $0x0, v28;
	vm11 =	vlt.s32 v7, v29;
	v34 =	vadd.s32 v55, v34;
	[hbm4b:s5+s3] =	stream.indirect_vreg.scatter [tilespmem:s12], [sflag:$0x5], $0x80, v33, vm10, $0xb8;
	[tilespmem:$0x18300] =	vst v63  }
0x26e: {  	v61 =	vsel vm11, $0x0, v26;
	vm11 =	vlt.s32 v7, v24;
	s8 =	simm.s32 $0xF980;
	v59 =	vadd.s32 v56, v34  }
0x26f: {  	v57 =	vadd.s32 s9, v7;
	v40 =	vsel vm11, $0x0, v25;
	v62 =	vshll.u32 v59, $0x3;
	[hbm4b:s6+s3] =	stream.indirect_vreg.scatter [tilespmem:s8], [sflag:$0x5], $0x80, v33, vm10, $0xb8;
	[tilespmem:$0x18300] =	vst v63  }
0x270: {  	vm11 =	vlt.s32 v7, v30;
	v63 =	vand.u32 $0x7, v59;
	v35 =	vand.u32 $0xFFFFFFC0, v62;
	_ =	swait.ge [sflag:s20], $0x8000  }
0x271: {  	v60 =	vadd.s32 v58, v57;
	v41 =	vsel vm11, $0x0, v23;
	v35 =	vor.u32 v63, v35;
	[sflag:s20] =	ssyncset.done $0x0  }
0x272: {  	vm11 =	vlt.s32 v7, v20;
	v34 =	vadd.s32 v61, v60;
	s8 =	simm.s32 $0x180;
	s12 =	rddreg [dreg:$0x15];
	v42 =	vperm.xlane v35, v16;
	[sflag:s20] =	ssyncadd.s32 $0xFFFF8000  }
0x273: {  	v43 =	vsel vm11, $0x0, v21;
	v34 =	vadd.s32 v40, v34;
	[tilespmem:s8], [sflag:$0x1] =	stream.linear.gather [hbm4b:s12+s3], $0x8000, $0x38;
	[tilespmem:$0x18300] =	vst v63  }
0x274: {  	vm11 =	vlt.s32 v7, v19;
	v34 =	vadd.s32 v41, v34;
	v37 =	vadd.s32 v17, v42;
	_ =	swait.ge [sflag:s2], $0x8000  }
0x275: {  	v44 =	vsel vm11, $0x0, v31;
	vm11 =	vlt.s32 v7, v22;
	v34 =	vadd.s32 v43, v34;
	[sflag:s2] =	ssyncset.done $0x0  }
0x276: {  	v45 =	vsel vm11, $0x0, v32;
	v34 =	vadd.s32 v44, v34;
	[sflag:s2] =	ssyncadd.s32 $0xFFFF8000  }
0x277: {  	v46 =	vadd.s32 v45, v34;
	[tilespmem:$0x18280] =	vst v59  }
0x278: {  	s0 =	simm.s32 $0x10180;
	[tilespmem:$0x18290] =	vst v46  }
0x279: {  	[hbm4b:s1+s3] =	stream.indirect_vreg.scatter [tilespmem:s0], [sflag:$0x6], $0x80, v37, vm10, $0xb8;
	[tilespmem:$0x18300] =	vst v63  }
0x27a: {  	s7 =	simm.s32 $0x10980;
	v47 =	vperm.xlane v35, v18  }
0x27b: {  	[hbm4b:s4+s3] =	stream.indirect_vreg.scatter [tilespmem:s7], [sflag:$0x6], $0x80, v37, vm10, $0xb8;
	[tilespmem:$0x18300] =	vst v63  }
0x27c: {  	v33 =	vadd.s32 v17, v47;
	s7 =	simm.s32 $0x11180  }
0x27d: {  	[hbm4b:s5+s3] =	stream.indirect_vreg.scatter [tilespmem:s7], [sflag:$0x6], $0x80, v37, vm10, $0xb8;
	[tilespmem:$0x18300] =	vst v63  }
0x27e: {  	s7 =	simm.s32 $0x11980  }
0x27f: {  	[hbm4b:s6+s3] =	stream.indirect_vreg.scatter [tilespmem:s7], [sflag:$0x6], $0x80, v37, vm10, $0xb8;
	[tilespmem:$0x18300] =	vst v63  }
0x280: {  	s7 =	simm.s32 $0x12180  }
0x281: {  	[hbm4b:s1+s3] =	stream.indirect_vreg.scatter [tilespmem:s7], [sflag:$0x6], $0x80, v33, vm10, $0xb8;
	[tilespmem:$0x18300] =	vst v63  }
0x282: {  	s7 =	simm.s32 $0x12980  }
0x283: {  	[hbm4b:s4+s3] =	stream.indirect_vreg.scatter [tilespmem:s7], [sflag:$0x6], $0x80, v33, vm10, $0xb8;
	[tilespmem:$0x18300] =	vst v63  }
0x284: {  	s7 =	simm.s32 $0x13180  }
0x285: {  	[hbm4b:s5+s3] =	stream.indirect_vreg.scatter [tilespmem:s7], [sflag:$0x6], $0x80, v33, vm10, $0xb8;
	[tilespmem:$0x18300] =	vst v63  }
0x286: {  	s7 =	simm.s32 $0x13980  }
0x287: {  	[hbm4b:s6+s3] =	stream.indirect_vreg.scatter [tilespmem:s7], [sflag:$0x6], $0x80, v33, vm10, $0xb8;
	[tilespmem:$0x18300] =	vst v63  }
0x288: {  	v33 =	vld [tilespmem:$0x18290];
	_ =	sdelay $0x4  }
0x289: {  	v48 =	vshll.u32 v33, $0x3  }
0x28a: {  	v33 =	vand.u32 $0x7, v33;
	v34 =	vand.u32 $0xFFFFFFC0, v48  }
0x28b: {  	v33 =	vor.u32 v33, v34  }
0x28c: {  	v34 =	vperm.xlane v33, v16;
	_ =	sdelay $0x1  }
0x28d: {  	v34 =	vadd.s32 v17, v34;
	_ =	sdelay $0x3  }
0x28e: {  	s7 =	simm.s32 $0x14180  }
0x28f: {  	[hbm4b:s1+s3] =	stream.indirect_vreg.scatter [tilespmem:s7], [sflag:$0x6], $0x80, v34, vm10, $0xb8;
	[tilespmem:$0x18300] =	vst v63  }
0x290: {  	v33 =	vperm.xlane v33, v18;
	s7 =	simm.s32 $0x14980  }
0x291: {  	[hbm4b:s4+s3] =	stream.indirect_vreg.scatter [tilespmem:s7], [sflag:$0x6], $0x80, v34, vm10, $0xb8;
	[tilespmem:$0x18300] =	vst v63  }
0x292: {  	s0 =	simm.s32 $0x15180;
	v33 =	vadd.s32 v17, v33  }
0x293: {  	vm11 =	vlt.s32 v8, v27;
	[hbm4b:s5+s3] =	stream.indirect_vreg.scatter [tilespmem:s0], [sflag:$0x6], $0x80, v34, vm10, $0xb8;
	[tilespmem:$0x18300] =	vst v63  }
0x294: {  	v50 =	vsel vm11, $0x0, v28;
	vm11 =	vlt.s32 v8, v29  }
0x295: {  	v49 =	vadd.s32 s9, v8;
	v51 =	vsel vm11, $0x0, v26;
	vm11 =	vlt.s32 v8, v24;
	[hbm4b:s6+s3] =	stream.indirect_vreg.scatter [tilespmem:s24], [sflag:$0x6], $0x80, v34, vm10, $0xb8;
	[tilespmem:$0x18300] =	vst v63  }
0x296: {  	v52 =	vsel vm11, $0x0, v25;
	vm11 =	vlt.s32 v8, v30;
	v34 =	vadd.s32 v50, v49;
	s24 =	simm.s32 $0x16180  }
0x297: {  	v53 =	vsel vm11, $0x0, v23;
	vm11 =	vlt.s32 v8, v20;
	v34 =	vadd.s32 v51, v34;
	[hbm4b:s1+s3] =	stream.indirect_vreg.scatter [tilespmem:s24], [sflag:$0x6], $0x80, v33, vm10, $0xb8;
	[tilespmem:$0x18300] =	vst v63  }
0x298: {  	v54 =	vsel vm11, $0x0, v21;
	vm11 =	vlt.s32 v8, v19;
	v34 =	vadd.s32 v52, v34  }
0x299: {  	v55 =	vsel vm11, $0x0, v31;
	vm11 =	vlt.s32 v8, v22;
	v34 =	vadd.s32 v53, v34;
	[hbm4b:s4+s3] =	stream.indirect_vreg.scatter [tilespmem:s28], [sflag:$0x6], $0x80, v33, vm10, $0xb8;
	[tilespmem:$0x18300] =	vst v63  }
0x29a: {  	v56 =	vsel vm11, $0x0, v32;
	vm11 =	vlt.s32 v9, v27;
	v34 =	vadd.s32 v54, v34  }
0x29b: {  	v58 =	vsel vm11, $0x0, v28;
	vm11 =	vlt.s32 v9, v29;
	v34 =	vadd.s32 v55, v34;
	[hbm4b:s5+s3] =	stream.indirect_vreg.scatter [tilespmem:s22], [sflag:$0x6], $0x80, v33, vm10, $0xb8;
	[tilespmem:$0x18300] =	vst v63  }
0x29c: {  	v61 =	vsel vm11, $0x0, v26;
	vm11 =	vlt.s32 v9, v24;
	s0 =	simm.s32 $0x17980;
	v59 =	vadd.s32 v56, v34  }
0x29d: {  	v57 =	vadd.s32 s9, v9;
	v40 =	vsel vm11, $0x0, v25;
	v62 =	vshll.u32 v59, $0x3;
	[hbm4b:s6+s3] =	stream.indirect_vreg.scatter [tilespmem:s0], [sflag:$0x6], $0x80, v33, vm10, $0xb8;
	[tilespmem:$0x18300] =	vst v63  }
0x29e: {  	vm11 =	vlt.s32 v9, v30;
	v63 =	vand.u32 $0x7, v59;
	v35 =	vand.u32 $0xFFFFFFC0, v62;
	_ =	swait.ge [sflag:s31], $0x8000  }
0x29f: {  	v60 =	vadd.s32 v58, v57;
	v41 =	vsel vm11, $0x0, v23;
	v35 =	vor.u32 v63, v35;
	[sflag:s31] =	ssyncset.done $0x0  }
0x2a0: {  	s10 =	simm.s32 $0x8180;
	vm11 =	vlt.s32 v9, v20;
	v34 =	vadd.s32 v61, v60;
	s22 =	rddreg [dreg:$0x16];
	v42 =	vperm.xlane v35, v16;
	[sflag:s31] =	ssyncadd.s32 $0xFFFF8000  }
0x2a1: {  	v43 =	vsel vm11, $0x0, v21;
	v34 =	vadd.s32 v40, v34;
	[tilespmem:s10], [sflag:$0x2] =	stream.linear.gather [hbm4b:s22+s3], $0x8000, $0x38;
	[tilespmem:$0x18300] =	vst v63  }
0x2a2: {  	vm11 =	vlt.s32 v9, v19;
	v34 =	vadd.s32 v41, v34;
	v37 =	vadd.s32 v17, v42;
	_ =	swait.ge [sflag:s14], $0x8000  }
0x2a3: {  	v44 =	vsel vm11, $0x0, v31;
	vm11 =	vlt.s32 v9, v22;
	v34 =	vadd.s32 v43, v34;
	[sflag:s14] =	ssyncset.done $0x0  }
0x2a4: {  	v45 =	vsel vm11, $0x0, v32;
	v34 =	vadd.s32 v44, v34;
	[sflag:s14] =	ssyncadd.s32 $0xFFFF8000  }
0x2a5: {  	v46 =	vadd.s32 v45, v34;
	[tilespmem:$0x18180] =	vst v59  }
0x2a6: {  	[tilespmem:$0x18190] =	vst v46  }
0x2a7: {  	[hbm4b:s1+s3] =	stream.indirect_vreg.scatter [tilespmem:s8], [sflag:$0x4], $0x80, v37, vm10, $0xb8;
	[tilespmem:$0x18300] =	vst v63  }
0x2a8: {  	s24 =	simm.s32 $0x980;
	v47 =	vperm.xlane v35, v18  }
0x2a9: {  	[hbm4b:s4+s3] =	stream.indirect_vreg.scatter [tilespmem:s24], [sflag:$0x4], $0x80, v37, vm10, $0xb8;
	[tilespmem:$0x18300] =	vst v63  }
0x2aa: {  	s28 =	simm.s32 $0x1180;
	v33 =	vadd.s32 v17, v47  }
0x2ab: {  	[hbm4b:s5+s3] =	stream.indirect_vreg.scatter [tilespmem:s28], [sflag:$0x4], $0x80, v37, vm10, $0xb8;
	[tilespmem:$0x18300] =	vst v63  }
0x2ac: {  	_ = 	snop  }
0x2ad: {  	[hbm4b:s6+s3] =	stream.indirect_vreg.scatter [tilespmem:s13], [sflag:$0x4], $0x80, v37, vm10, $0xb8;
	[tilespmem:$0x18300] =	vst v63  }
0x2ae: {  	_ = 	snop  }
0x2af: {  	[hbm4b:s1+s3] =	stream.indirect_vreg.scatter [tilespmem:s15], [sflag:$0x4], $0x80, v33, vm10, $0xb8;
	[tilespmem:$0x18300] =	vst v63  }
0x2b0: {  	_ = 	snop  }
0x2b1: {  	[hbm4b:s4+s3] =	stream.indirect_vreg.scatter [tilespmem:s16], [sflag:$0x4], $0x80, v33, vm10, $0xb8;
	[tilespmem:$0x18300] =	vst v63  }
0x2b2: {  	_ = 	snop  }
0x2b3: {  	[hbm4b:s5+s3] =	stream.indirect_vreg.scatter [tilespmem:s17], [sflag:$0x4], $0x80, v33, vm10, $0xb8;
	[tilespmem:$0x18300] =	vst v63  }
0x2b4: {  	_ = 	snop  }
0x2b5: {  	[hbm4b:s6+s3] =	stream.indirect_vreg.scatter [tilespmem:s21], [sflag:$0x4], $0x80, v33, vm10, $0xb8;
	[tilespmem:$0x18300] =	vst v63  }
0x2b6: {  	v33 =	vld [tilespmem:$0x18190];
	_ =	sdelay $0x4  }
0x2b7: {  	v48 =	vshll.u32 v33, $0x3  }
0x2b8: {  	v33 =	vand.u32 $0x7, v33;
	v34 =	vand.u32 $0xFFFFFFC0, v48  }
0x2b9: {  	v33 =	vor.u32 v33, v34  }
0x2ba: {  	v34 =	vperm.xlane v33, v16;
	_ =	sdelay $0x1  }
0x2bb: {  	v34 =	vadd.s32 v17, v34;
	_ =	sdelay $0x4  }
0x2bc: {  	[hbm4b:s1+s3] =	stream.indirect_vreg.scatter [tilespmem:s25], [sflag:$0x4], $0x80, v34, vm10, $0xb8;
	[tilespmem:$0x18300] =	vst v63  }
0x2bd: {  	v33 =	vperm.xlane v33, v18  }
0x2be: {  	[hbm4b:s4+s3] =	stream.indirect_vreg.scatter [tilespmem:s26], [sflag:$0x4], $0x80, v34, vm10, $0xb8;
	[tilespmem:$0x18300] =	vst v63  }
0x2bf: {  	v33 =	vadd.s32 v17, v33  }
0x2c0: {  	vm11 =	vlt.s32 v10, v27;
	[hbm4b:s5+s3] =	stream.indirect_vreg.scatter [tilespmem:s29], [sflag:$0x4], $0x80, v34, vm10, $0xb8;
	[tilespmem:$0x18300] =	vst v63  }
0x2c1: {  	s7 =	simm.s32 $0x5980;
	v50 =	vsel vm11, $0x0, v28;
	vm11 =	vlt.s32 v10, v29  }
0x2c2: {  	v49 =	vadd.s32 s9, v10;
	v51 =	vsel vm11, $0x0, v26;
	vm11 =	vlt.s32 v10, v24;
	[hbm4b:s6+s3] =	stream.indirect_vreg.scatter [tilespmem:s7], [sflag:$0x4], $0x80, v34, vm10, $0xb8;
	[tilespmem:$0x18300] =	vst v63  }
0x2c3: {  	v52 =	vsel vm11, $0x0, v25;
	vm11 =	vlt.s32 v10, v30;
	s13 =	simm.s32 $0x6180;
	v34 =	vadd.s32 v50, v49  }
0x2c4: {  	v53 =	vsel vm11, $0x0, v23;
	vm11 =	vlt.s32 v10, v20;
	v34 =	vadd.s32 v51, v34;
	[hbm4b:s1+s3] =	stream.indirect_vreg.scatter [tilespmem:s13], [sflag:$0x4], $0x80, v33, vm10, $0xb8;
	[tilespmem:$0x18300] =	vst v63  }
0x2c5: {  	v54 =	vsel vm11, $0x0, v21;
	vm11 =	vlt.s32 v10, v19;
	s15 =	simm.s32 $0x6980;
	v34 =	vadd.s32 v52, v34  }
0x2c6: {  	v55 =	vsel vm11, $0x0, v31;
	vm11 =	vlt.s32 v10, v22;
	v34 =	vadd.s32 v53, v34;
	[hbm4b:s4+s3] =	stream.indirect_vreg.scatter [tilespmem:s15], [sflag:$0x4], $0x80, v33, vm10, $0xb8;
	[tilespmem:$0x18300] =	vst v63  }
0x2c7: {  	v56 =	vsel vm11, $0x0, v32;
	vm11 =	vlt.s32 v11, v27;
	s13 =	simm.s32 $0x7180;
	v34 =	vadd.s32 v54, v34  }
0x2c8: {  	v58 =	vsel vm11, $0x0, v28;
	vm11 =	vlt.s32 v11, v29;
	v34 =	vadd.s32 v55, v34;
	[hbm4b:s5+s3] =	stream.indirect_vreg.scatter [tilespmem:s13], [sflag:$0x4], $0x80, v33, vm10, $0xb8;
	[tilespmem:$0x18300] =	vst v63  }
0x2c9: {  	v61 =	vsel vm11, $0x0, v26;
	vm11 =	vlt.s32 v11, v24;
	v59 =	vadd.s32 v56, v34  }
0x2ca: {  	v57 =	vadd.s32 s9, v11;
	v40 =	vsel vm11, $0x0, v25;
	v62 =	vshll.u32 v59, $0x3;
	[hbm4b:s6+s3] =	stream.indirect_vreg.scatter [tilespmem:s19], [sflag:$0x4], $0x80, v33, vm10, $0xb8;
	[tilespmem:$0x18300] =	vst v63  }
0x2cb: {  	vm11 =	vlt.s32 v11, v30;
	v63 =	vand.u32 $0x7, v59;
	v35 =	vand.u32 $0xFFFFFFC0, v62;
	_ =	swait.ge [sflag:s11], $0x8000  }
0x2cc: {  	v60 =	vadd.s32 v58, v57;
	v41 =	vsel vm11, $0x0, v23;
	v35 =	vor.u32 v63, v35;
	[sflag:s11] =	ssyncset.done $0x0  }
0x2cd: {  	s12 =	simm.s32 $0x10180;
	vm11 =	vlt.s32 v11, v20;
	v34 =	vadd.s32 v61, v60;
	s7 =	rddreg [dreg:$0x17];
	v42 =	vperm.xlane v35, v16;
	[sflag:s11] =	ssyncadd.s32 $0xFFFF8000  }
0x2ce: {  	v43 =	vsel vm11, $0x0, v21;
	v34 =	vadd.s32 v40, v34;
	[tilespmem:s12], [sflag:$0x3] =	stream.linear.gather [hbm4b:s7+s3], $0x8000, $0x38;
	[tilespmem:$0x18300] =	vst v63  }
0x2cf: {  	vm11 =	vlt.s32 v11, v19;
	v34 =	vadd.s32 v41, v34;
	v37 =	vadd.s32 v17, v42;
	_ =	swait.ge [sflag:s30], $0x8000  }
0x2d0: {  	v44 =	vsel vm11, $0x0, v31;
	vm11 =	vlt.s32 v11, v22;
	v34 =	vadd.s32 v43, v34;
	[sflag:s30] =	ssyncset.done $0x0  }
0x2d1: {  	v45 =	vsel vm11, $0x0, v32;
	v34 =	vadd.s32 v44, v34;
	[sflag:s30] =	ssyncadd.s32 $0xFFFF8000  }
0x2d2: {  	v46 =	vadd.s32 v45, v34;
	[tilespmem:$0x18200] =	vst v59  }
0x2d3: {  	[tilespmem:$0x18210] =	vst v46  }
0x2d4: {  	[hbm4b:s1+s3] =	stream.indirect_vreg.scatter [tilespmem:s10], [sflag:$0x5], $0x80, v37, vm10, $0xb8;
	[tilespmem:$0x18300] =	vst v63  }
0x2d5: {  	v47 =	vperm.xlane v35, v18  }
0x2d6: {  	[hbm4b:s4+s3] =	stream.indirect_vreg.scatter [tilespmem:s18], [sflag:$0x5], $0x80, v37, vm10, $0xb8;
	[tilespmem:$0x18300] =	vst v63  }
0x2d7: {  	v33 =	vadd.s32 v17, v47;
	s10 =	simm.s32 $0x9180  }
0x2d8: {  	[hbm4b:s5+s3] =	stream.indirect_vreg.scatter [tilespmem:s10], [sflag:$0x5], $0x80, v37, vm10, $0xb8;
	[tilespmem:$0x18300] =	vst v63  }
0x2d9: {  	s18 =	simm.s32 $0x9980  }
0x2da: {  	[hbm4b:s6+s3] =	stream.indirect_vreg.scatter [tilespmem:s18], [sflag:$0x5], $0x80, v37, vm10, $0xb8;
	[tilespmem:$0x18300] =	vst v63  }
0x2db: {  	s10 =	simm.s32 $0xA180  }
0x2dc: {  	[hbm4b:s1+s3] =	stream.indirect_vreg.scatter [tilespmem:s10], [sflag:$0x5], $0x80, v33, vm10, $0xb8;
	[tilespmem:$0x18300] =	vst v63  }
0x2dd: {  	s18 =	simm.s32 $0xA980  }
0x2de: {  	[hbm4b:s4+s3] =	stream.indirect_vreg.scatter [tilespmem:s18], [sflag:$0x5], $0x80, v33, vm10, $0xb8;
	[tilespmem:$0x18300] =	vst v63  }
0x2df: {  	s10 =	simm.s32 $0xB180  }
0x2e0: {  	[hbm4b:s5+s3] =	stream.indirect_vreg.scatter [tilespmem:s10], [sflag:$0x5], $0x80, v33, vm10, $0xb8;
	[tilespmem:$0x18300] =	vst v63  }
0x2e1: {  	s18 =	simm.s32 $0xB980  }
0x2e2: {  	[hbm4b:s6+s3] =	stream.indirect_vreg.scatter [tilespmem:s18], [sflag:$0x5], $0x80, v33, vm10, $0xb8;
	[tilespmem:$0x18300] =	vst v63  }
0x2e3: {  	v33 =	vld [tilespmem:$0x18210];
	_ =	sdelay $0x4  }
0x2e4: {  	v48 =	vshll.u32 v33, $0x3  }
0x2e5: {  	v33 =	vand.u32 $0x7, v33;
	v34 =	vand.u32 $0xFFFFFFC0, v48  }
0x2e6: {  	v33 =	vor.u32 v33, v34  }
0x2e7: {  	v34 =	vperm.xlane v33, v16;
	_ =	sdelay $0x1  }
0x2e8: {  	v34 =	vadd.s32 v17, v34;
	_ =	sdelay $0x3  }
0x2e9: {  	s10 =	simm.s32 $0xC180  }
0x2ea: {  	[hbm4b:s1+s3] =	stream.indirect_vreg.scatter [tilespmem:s10], [sflag:$0x5], $0x80, v34, vm10, $0xb8;
	[tilespmem:$0x18300] =	vst v63  }
0x2eb: {  	s18 =	simm.s32 $0xC980;
	v33 =	vperm.xlane v33, v18  }
0x2ec: {  	[hbm4b:s4+s3] =	stream.indirect_vreg.scatter [tilespmem:s18], [sflag:$0x5], $0x80, v34, vm10, $0xb8;
	[tilespmem:$0x18300] =	vst v63  }
0x2ed: {  	v33 =	vadd.s32 v17, v33;
	s10 =	simm.s32 $0xD180  }
0x2ee: {  	vm11 =	vlt.s32 v12, v27;
	[hbm4b:s5+s3] =	stream.indirect_vreg.scatter [tilespmem:s10], [sflag:$0x5], $0x80, v34, vm10, $0xb8;
	[tilespmem:$0x18300] =	vst v63  }
0x2ef: {  	v50 =	vsel vm11, $0x0, v28;
	vm11 =	vlt.s32 v12, v29;
	s18 =	simm.s32 $0xD980  }
0x2f0: {  	v49 =	vadd.s32 s9, v12;
	v51 =	vsel vm11, $0x0, v26;
	vm11 =	vlt.s32 v12, v24;
	[hbm4b:s6+s3] =	stream.indirect_vreg.scatter [tilespmem:s18], [sflag:$0x5], $0x80, v34, vm10, $0xb8;
	[tilespmem:$0x18300] =	vst v63  }
0x2f1: {  	v52 =	vsel vm11, $0x0, v25;
	vm11 =	vlt.s32 v12, v30;
	s10 =	simm.s32 $0xE180;
	v34 =	vadd.s32 v50, v49  }
0x2f2: {  	v53 =	vsel vm11, $0x0, v23;
	vm11 =	vlt.s32 v12, v20;
	v34 =	vadd.s32 v51, v34;
	[hbm4b:s1+s3] =	stream.indirect_vreg.scatter [tilespmem:s10], [sflag:$0x5], $0x80, v33, vm10, $0xb8;
	[tilespmem:$0x18300] =	vst v63  }
0x2f3: {  	v54 =	vsel vm11, $0x0, v21;
	vm11 =	vlt.s32 v12, v19;
	s18 =	simm.s32 $0xE980;
	v34 =	vadd.s32 v52, v34  }
0x2f4: {  	v55 =	vsel vm11, $0x0, v31;
	vm11 =	vlt.s32 v12, v22;
	v34 =	vadd.s32 v53, v34;
	[hbm4b:s4+s3] =	stream.indirect_vreg.scatter [tilespmem:s18], [sflag:$0x5], $0x80, v33, vm10, $0xb8;
	[tilespmem:$0x18300] =	vst v63  }
0x2f5: {  	v56 =	vsel vm11, $0x0, v32;
	vm11 =	vlt.s32 v13, v27;
	s10 =	simm.s32 $0xF180;
	v34 =	vadd.s32 v54, v34  }
0x2f6: {  	v58 =	vsel vm11, $0x0, v28;
	vm11 =	vlt.s32 v13, v29;
	v34 =	vadd.s32 v55, v34;
	[hbm4b:s5+s3] =	stream.indirect_vreg.scatter [tilespmem:s10], [sflag:$0x5], $0x80, v33, vm10, $0xb8;
	[tilespmem:$0x18300] =	vst v63  }
0x2f7: {  	v61 =	vsel vm11, $0x0, v26;
	vm11 =	vlt.s32 v13, v24;
	s18 =	simm.s32 $0xF980;
	v59 =	vadd.s32 v56, v34  }
0x2f8: {  	v57 =	vadd.s32 s9, v13;
	v40 =	vsel vm11, $0x0, v25;
	v62 =	vshll.u32 v59, $0x3;
	[hbm4b:s6+s3] =	stream.indirect_vreg.scatter [tilespmem:s18], [sflag:$0x5], $0x80, v33, vm10, $0xb8;
	[tilespmem:$0x18300] =	vst v63  }
0x2f9: {  	vm11 =	vlt.s32 v13, v30;
	v63 =	vand.u32 $0x7, v59;
	v35 =	vand.u32 $0xFFFFFFC0, v62;
	_ =	swait.ge [sflag:s20], $0x8000  }
0x2fa: {  	v60 =	vadd.s32 v58, v57;
	v41 =	vsel vm11, $0x0, v23;
	v35 =	vor.u32 v63, v35;
	[sflag:s20] =	ssyncset.done $0x0  }
0x2fb: {  	s8 =	simm.s32 $0x180;
	vm11 =	vlt.s32 v13, v20;
	v34 =	vadd.s32 v61, v60;
	s10 =	rddreg [dreg:$0x18];
	v42 =	vperm.xlane v35, v16;
	[sflag:s20] =	ssyncadd.s32 $0xFFFF8000  }
0x2fc: {  	v43 =	vsel vm11, $0x0, v21;
	v34 =	vadd.s32 v40, v34;
	[tilespmem:s8], [sflag:$0x1] =	stream.linear.gather [hbm4b:s10+s3], $0x8000, $0x38;
	[tilespmem:$0x18300] =	vst v63  }
0x2fd: {  	vm11 =	vlt.s32 v13, v19;
	v34 =	vadd.s32 v41, v34;
	v37 =	vadd.s32 v17, v42;
	_ =	swait.ge [sflag:s2], $0x8000  }
0x2fe: {  	v44 =	vsel vm11, $0x0, v31;
	vm11 =	vlt.s32 v13, v22;
	v34 =	vadd.s32 v43, v34;
	[sflag:s2] =	ssyncset.done $0x0  }
0x2ff: {  	v45 =	vsel vm11, $0x0, v32;
	v34 =	vadd.s32 v44, v34;
	[sflag:s2] =	ssyncadd.s32 $0xFFFF8000  }
0x300: {  	v46 =	vadd.s32 v45, v34;
	[tilespmem:$0x18280] =	vst v59  }
0x301: {  	[tilespmem:$0x18290] =	vst v46  }
0x302: {  	[hbm4b:s1+s3] =	stream.indirect_vreg.scatter [tilespmem:s12], [sflag:$0x6], $0x80, v37, vm10, $0xb8;
	[tilespmem:$0x18300] =	vst v63  }
0x303: {  	v47 =	vperm.xlane v35, v18;
	s12 =	simm.s32 $0x10980  }
0x304: {  	[hbm4b:s4+s3] =	stream.indirect_vreg.scatter [tilespmem:s12], [sflag:$0x6], $0x80, v37, vm10, $0xb8;
	[tilespmem:$0x18300] =	vst v63  }
0x305: {  	s18 =	simm.s32 $0x11180;
	v33 =	vadd.s32 v17, v47  }
0x306: {  	[hbm4b:s5+s3] =	stream.indirect_vreg.scatter [tilespmem:s18], [sflag:$0x6], $0x80, v37, vm10, $0xb8;
	[tilespmem:$0x18300] =	vst v63  }
0x307: {  	s7 =	simm.s32 $0x11980  }
0x308: {  	[hbm4b:s6+s3] =	stream.indirect_vreg.scatter [tilespmem:s7], [sflag:$0x6], $0x80, v37, vm10, $0xb8;
	[tilespmem:$0x18300] =	vst v63  }
0x309: {  	s10 =	simm.s32 $0x12180  }
0x30a: {  	[hbm4b:s1+s3] =	stream.indirect_vreg.scatter [tilespmem:s10], [sflag:$0x6], $0x80, v33, vm10, $0xb8;
	[tilespmem:$0x18300] =	vst v63  }
0x30b: {  	s12 =	simm.s32 $0x12980  }
0x30c: {  	[hbm4b:s4+s3] =	stream.indirect_vreg.scatter [tilespmem:s12], [sflag:$0x6], $0x80, v33, vm10, $0xb8;
	[tilespmem:$0x18300] =	vst v63  }
0x30d: {  	s18 =	simm.s32 $0x13180  }
0x30e: {  	[hbm4b:s5+s3] =	stream.indirect_vreg.scatter [tilespmem:s18], [sflag:$0x6], $0x80, v33, vm10, $0xb8;
	[tilespmem:$0x18300] =	vst v63  }
0x30f: {  	s7 =	simm.s32 $0x13980  }
0x310: {  	[hbm4b:s6+s3] =	stream.indirect_vreg.scatter [tilespmem:s7], [sflag:$0x6], $0x80, v33, vm10, $0xb8;
	[tilespmem:$0x18300] =	vst v63  }
0x311: {  	v33 =	vld [tilespmem:$0x18290];
	_ =	sdelay $0x4  }
0x312: {  	v48 =	vshll.u32 v33, $0x3  }
0x313: {  	v33 =	vand.u32 $0x7, v33;
	v34 =	vand.u32 $0xFFFFFFC0, v48  }
0x314: {  	v33 =	vor.u32 v33, v34  }
0x315: {  	v34 =	vperm.xlane v33, v16;
	_ =	sdelay $0x1  }
0x316: {  	v34 =	vadd.s32 v17, v34;
	_ =	sdelay $0x3  }
0x317: {  	vm11 =	vlt.s32 v14, v27;
	s10 =	simm.s32 $0x14180  }
0x318: {  	v51 =	vsel vm11, $0x0, v28;
	vm11 =	vlt.s32 v14, v29;
	[hbm4b:s1+s3] =	stream.indirect_vreg.scatter [tilespmem:s10], [sflag:$0x6], $0x80, v34, vm10, $0xb8;
	[tilespmem:$0x18300] =	vst v63  }
0x319: {  	v52 =	vsel vm11, $0x0, v26;
	vm11 =	vlt.s32 v14, v24;
	s12 =	simm.s32 $0x14980;
	v33 =	vperm.xlane v33, v18  }
0x31a: {  	v49 =	vadd.s32 s9, v14;
	v50 =	vadd.s32 s9, v15;
	v53 =	vsel vm11, $0x0, v25;
	[hbm4b:s4+s3] =	stream.indirect_vreg.scatter [tilespmem:s12], [sflag:$0x6], $0x80, v34, vm10, $0xb8;
	[tilespmem:$0x18300] =	vst v63  }
0x31b: {  	vm11 =	vlt.s32 v14, v30;
	v35 =	vadd.s32 v51, v49;
	s18 =	simm.s32 $0x15180;
	v33 =	vadd.s32 v17, v33  }
0x31c: {  	v54 =	vsel vm11, $0x0, v23;
	vm11 =	vlt.s32 v14, v20;
	v35 =	vadd.s32 v52, v35;
	[hbm4b:s5+s3] =	stream.indirect_vreg.scatter [tilespmem:s18], [sflag:$0x6], $0x80, v34, vm10, $0xb8;
	[tilespmem:$0x18300] =	vst v63  }
0x31d: {  	v55 =	vsel vm11, $0x0, v21;
	vm11 =	vlt.s32 v14, v19;
	v35 =	vadd.s32 v53, v35;
	s7 =	simm.s32 $0x15980  }
0x31e: {  	v57 =	vsel vm11, $0x0, v31;
	vm11 =	vlt.s32 v14, v22;
	v56 =	vadd.s32 v54, v35;
	[hbm4b:s6+s3] =	stream.indirect_vreg.scatter [tilespmem:s7], [sflag:$0x6], $0x80, v34, vm10, $0xb8;
	[tilespmem:$0x18300] =	vst v63  }
0x31f: {  	s9 =	simm.s32 $0x16180;
	v58 =	vsel vm11, $0x0, v32;
	vm11 =	vlt.s32 v15, v27;
	v34 =	vadd.s32 v55, v56  }
0x320: {  	v28 =	vsel vm11, $0x0, v28;
	v59 =	vadd.s32 v57, v34;
	[hbm4b:s1+s3] =	stream.indirect_vreg.scatter [tilespmem:s9], [sflag:$0x6], $0x80, v33, vm10, $0xb8;
	[tilespmem:$0x18300] =	vst v63  }
0x321: {  	vm11 =	vlt.s32 v15, v29;
	v28 =	vadd.s32 v28, v50;
	s10 =	simm.s32 $0x16980;
	v27 =	vadd.s32 v58, v59  }
0x322: {  	v26 =	vsel vm11, $0x0, v26;
	vm11 =	vlt.s32 v15, v24;
	v60 =	vshll.u32 v27, $0x3;
	[hbm4b:s4+s3] =	stream.indirect_vreg.scatter [tilespmem:s10], [sflag:$0x6], $0x80, v33, vm10, $0xb8;
	[tilespmem:$0x18300] =	vst v63  }
0x323: {  	v26 =	vadd.s32 v26, v28;
	s12 =	simm.s32 $0x17180;
	v61 =	vand.u32 $0x7, v27;
	v28 =	vand.u32 $0xFFFFFFC0, v60  }
0x324: {  	v25 =	vsel vm11, $0x0, v25;
	vm11 =	vlt.s32 v15, v30;
	v24 =	vor.u32 v61, v28;
	[hbm4b:s5+s3] =	stream.indirect_vreg.scatter [tilespmem:s12], [sflag:$0x6], $0x80, v33, vm10, $0xb8;
	[tilespmem:$0x18300] =	vst v63  }
0x325: {  	v25 =	vadd.s32 v25, v26;
	v23 =	vsel vm11, $0x0, v23;
	s18 =	simm.s32 $0x17980;
	v62 =	vperm.xlane v24, v16  }
0x326: {  	vm11 =	vlt.s32 v15, v20;
	v23 =	vadd.s32 v23, v25;
	[hbm4b:s6+s3] =	stream.indirect_vreg.scatter [tilespmem:s18], [sflag:$0x6], $0x80, v33, vm10, $0xb8;
	[tilespmem:$0x18300] =	vst v63  }
0x327: {  	v20 =	vsel vm11, $0x0, v21;
	vm11 =	vlt.s32 v15, v19;
	v19 =	vadd.s32 v17, v62;
	_ =	swait.ge [sflag:s14], $0x8000  }
0x328: {  	v20 =	vadd.s32 v20, v23;
	v63 =	vsel vm11, $0x0, v31;
	vm11 =	vlt.s32 v15, v22;
	[sflag:s14] =	ssyncset.done $0x0  }
0x329: {  	v22 =	vsel vm11, $0x0, v32;
	v20 =	vadd.s32 v63, v20;
	[sflag:s14] =	ssyncadd.s32 $0xFFFF8000  }
0x32a: {  	v20 =	vadd.s32 v22, v20;
	[tilespmem:$0x18180] =	vst v27  }
0x32b: {  	[tilespmem:$0x18190] =	vst v20  }
0x32c: {  	[hbm4b:s1+s3] =	stream.indirect_vreg.scatter [tilespmem:s8], [sflag:$0x4], $0x80, v19, vm10, $0xb8;
	[tilespmem:$0x18300] =	vst v63  }
0x32d: {  	s22 =	simm.s32 $0x980;
	v20 =	vperm.xlane v24, v18  }
0x32e: {  	[hbm4b:s4+s3] =	stream.indirect_vreg.scatter [tilespmem:s22], [sflag:$0x4], $0x80, v19, vm10, $0xb8;
	[tilespmem:$0x18300] =	vst v63  }
0x32f: {  	s24 =	simm.s32 $0x1180;
	v20 =	vadd.s32 v17, v20  }
0x330: {  	[hbm4b:s5+s3] =	stream.indirect_vreg.scatter [tilespmem:s24], [sflag:$0x4], $0x80, v19, vm10, $0xb8;
	[tilespmem:$0x18300] =	vst v63  }
0x331: {  	s28 =	simm.s32 $0x1980  }
0x332: {  	[hbm4b:s6+s3] =	stream.indirect_vreg.scatter [tilespmem:s28], [sflag:$0x4], $0x80, v19, vm10, $0xb8;
	[tilespmem:$0x18300] =	vst v63  }
0x333: {  	s24 =	simm.s32 $0x2180  }
0x334: {  	[hbm4b:s1+s3] =	stream.indirect_vreg.scatter [tilespmem:s24], [sflag:$0x4], $0x80, v20, vm10, $0xb8;
	[tilespmem:$0x18300] =	vst v63  }
0x335: {  	s28 =	simm.s32 $0x2980  }
0x336: {  	[hbm4b:s4+s3] =	stream.indirect_vreg.scatter [tilespmem:s28], [sflag:$0x4], $0x80, v20, vm10, $0xb8;
	[tilespmem:$0x18300] =	vst v63  }
0x337: {  	s17 =	simm.s32 $0x3180  }
0x338: {  	[hbm4b:s5+s3] =	stream.indirect_vreg.scatter [tilespmem:s17], [sflag:$0x4], $0x80, v20, vm10, $0xb8;
	[tilespmem:$0x18300] =	vst v63  }
0x339: {  	s21 =	simm.s32 $0x3980  }
0x33a: {  	[hbm4b:s6+s3] =	stream.indirect_vreg.scatter [tilespmem:s21], [sflag:$0x4], $0x80, v20, vm10, $0xb8;
	[tilespmem:$0x18300] =	vst v63  }
0x33b: {  	v19 =	vld [tilespmem:$0x18190];
	_ =	sdelay $0x4  }
0x33c: {  	v20 =	vshll.u32 v19, $0x3  }
0x33d: {  	v19 =	vand.u32 $0x7, v19;
	v20 =	vand.u32 $0xFFFFFFC0, v20  }
0x33e: {  	v19 =	vor.u32 v19, v20  }
0x33f: {  	v20 =	vperm.xlane v19, v16;
	_ =	sdelay $0x1  }
0x340: {  	v20 =	vadd.s32 v17, v20;
	_ =	sdelay $0x3  }
0x341: {  	s25 =	simm.s32 $0x4180  }
0x342: {  	[hbm4b:s1+s3] =	stream.indirect_vreg.scatter [tilespmem:s25], [sflag:$0x4], $0x80, v20, vm10, $0xb8;
	[tilespmem:$0x18300] =	vst v63  }
0x343: {  	s26 =	simm.s32 $0x4980;
	v19 =	vperm.xlane v19, v18  }
0x344: {  	[hbm4b:s4+s3] =	stream.indirect_vreg.scatter [tilespmem:s26], [sflag:$0x4], $0x80, v20, vm10, $0xb8;
	[tilespmem:$0x18300] =	vst v63  }
0x345: {  	s29 =	simm.s32 $0x5180;
	v19 =	vadd.s32 v17, v19  }
0x346: {  	[hbm4b:s5+s3] =	stream.indirect_vreg.scatter [tilespmem:s29], [sflag:$0x4], $0x80, v20, vm10, $0xb8;
	[tilespmem:$0x18300] =	vst v63  }
0x347: {  	s16 =	simm.s32 $0x5980  }
0x348: {  	[hbm4b:s6+s3] =	stream.indirect_vreg.scatter [tilespmem:s16], [sflag:$0x4], $0x80, v20, vm10, $0xb8;
	[tilespmem:$0x18300] =	vst v63  }
0x349: {  	s0 =	simm.s32 $0x6180  }
0x34a: {  	[hbm4b:s1+s3] =	stream.indirect_vreg.scatter [tilespmem:s0], [sflag:$0x4], $0x80, v19, vm10, $0xb8;
	[tilespmem:$0x18300] =	vst v63  }
0x34b: {  	s15 =	simm.s32 $0x6980  }
0x34c: {  	[hbm4b:s4+s3] =	stream.indirect_vreg.scatter [tilespmem:s15], [sflag:$0x4], $0x80, v19, vm10, $0xb8;
	[tilespmem:$0x18300] =	vst v63  }
0x34d: {  	s13 =	simm.s32 $0x7180  }
0x34e: {  	[hbm4b:s5+s3] =	stream.indirect_vreg.scatter [tilespmem:s13], [sflag:$0x4], $0x80, v19, vm10, $0xb8;
	[tilespmem:$0x18300] =	vst v63  }
0x34f: {  	s19 =	simm.s32 $0x7980  }
0x350: {  	[hbm4b:s6+s3] =	stream.indirect_vreg.scatter [tilespmem:s19], [sflag:$0x4], $0x80, v19, vm10, $0xb8;
	[tilespmem:$0x18300] =	vst v63  }
0x351: {  	_ =	swait.ge [sflag:s31], $0x8000  }
0x352: {  	[sflag:s31] =	ssyncset.done $0x0  }
0x353: {  	s23 =	sadd.s32 $0xFFFFFFFF, s23;
	[sflag:s31] =	ssyncadd.s32 $0xFFFF8000  }
0x354: {  	p1 =	sne.s32 s23, $0x0;
	_ =	swait.ge [sflag:s11], $0x8000  }
.Ltmp0:
0x355: {  	[sflag:s11] =	ssyncset.done $0x0;
	(pc) =	sbr.rel @p1 .LBB2_1-.Ltmp0, $4  }
0x356: {  	[sflag:s11] =	ssyncadd.s32 $0xFFFF8000  }
0x357: {  	_ =	swait.ge [sflag:s20], $0x8000  }
0x358: {  	[sflag:s20] =	ssyncset.done $0x0  }
0x359: {  	[sflag:s20] =	ssyncadd.s32 $0xFFFF8000  }
0x35a: {  	_ =	sfence.sel $0x180000  }
0x35b: {  	[bflag:$0x0] =	sbarrier.arrive $0xFFFF  }
0x35c: {  	_ =	strace $0x90000047  }
0x35d: {  	s0 =	stileid.u32;
	[bflag:$0x2] =	sbarrier.arrive $0xFFFF  }
0x35e: {  	p0 =	sne.s32 s0, $0x0;
	s0 =	rddreg [dreg:$0x5]  }
0x35f: {  	s0 =	sadd.s32 @!p0 $0x100000, s0  }
0x360: {  	[sflag:s0] =	ssyncadd.tile.s32 @!p0 $0x1;
	_ =	shalt  }
.Lfunc_end2:
_tile_overlayer_lowered:
.L_overlay_start_2:
0x361: {  	(tag) =	ssettag $0x2  }
0x362: {  	s0 =	rddreg [dreg:$0x0];
	s2 =	stileid.u32  }
0x363: {  	s1 =	rddreg [dreg:$0x1];
	p0 =	sne.s32 s2, $0x0  }
0x364: {  	s3 =	rddreg [dreg:$0x2];
	[bflag:$0x3] =	sbarrier.arrive $0xFFFF;
	s2 =	simm.s32 @!p0 $0x1C07  }
0x365: {  	[timem:s3], [sflag:s2] =	dma.local @!p0 [hbm:s0], s1  }
0x366: {  	s0 =	simm.s32 @!p0 $0x7  }
0x367: {  	_ =	swait.ge @!p0 [sflag:s0], s1  }
0x368: {  	s1 =	ssub.s32 @!p0 $0x0, s1;
	[sflag:s0] =	ssyncset.done @!p0 $0x0  }
0x369: {  	[sflag:s0] =	ssyncadd.s32 @!p0 s1  }
0x36a: {  	[bflag:$0x3] =	sbarrier.arrive $0xFFFF  }
0x36b: {  	_ =	shalt  }

</sc_bundles>
